<compile_context>
chip_gen: v7x
topology: tpu7x:2x2x1
jax: 0.10.2.dev20260603
libtpu: 0.0.44.dev20260713+nightly
codegen_flags: <defaults>
</compile_context>

<pallas_src>
import functools

import jax
import jax.numpy as jnp
from jax import lax
from jax.experimental import pallas as pl
from jax.experimental.pallas import tpu as pltpu
from jax.experimental.pallas import tpu_sc as plsc

N = 10000
E = 320000
D_IN = 128
D_H = 128
D_OUT = 64
EPS = 1e-5

NC = 2
NS = 16
NW = NC * NS

SCHUNK = 128
S_NCH = E // SCHUNK
S_BASE = S_NCH // NW
S_TAIL_W = S_NCH % NW
S_ITERS = S_BASE // 6
S_NCH_PAD = S_NCH + 12

ROWS_PER_S = 624
TAIL0 = ROWS_PER_S * NS
TAIL = N - TAIL0

DEG_W = 128

_MESH = dict(core_axis_name="c", subcore_axis_name="s",
             num_cores=NC, num_subcores=NS)


def _zero_acc(zeros_hbm, acc, sid):
  pltpu.sync_copy(zeros_hbm, acc.at[pl.ds(sid * ROWS_PER_S, ROWS_PER_S)])
  @pl.when(sid == 0)
  def _():
    pltpu.sync_copy(zeros_hbm.at[pl.ds(0, TAIL)], acc.at[pl.ds(TAIL0, TAIL)])


def _write_out(acc, out_hbm, cid, sid):
  row0 = sid * ROWS_PER_S
  pltpu.sync_copy(acc.at[pl.ds(row0, ROWS_PER_S)],
                  out_hbm.at[cid, pl.ds(row0, ROWS_PER_S)])
  @pl.when(sid == 0)
  def _():
    pltpu.sync_copy(acc.at[pl.ds(TAIL0, TAIL)],
                    out_hbm.at[cid, pl.ds(TAIL0, TAIL)])


@functools.lru_cache(maxsize=None)
def _make_seg_sum(D, with_deg=False):

  out_type = jax.ShapeDtypeStruct((NC, N, D), jnp.float32)
  if with_deg:
    out_type = [out_type, jax.ShapeDtypeStruct((NC, N, DEG_W), jnp.float32)]

  @functools.partial(
      pl.kernel,
      mesh=plsc.VectorSubcoreMesh(**_MESH),
      out_type=out_type,
      scratch_types=[
          pltpu.VMEM((3, 2, SCHUNK), jnp.int32),
          pltpu.VMEM((3, 2, SCHUNK), jnp.int32),
          pltpu.VMEM((SCHUNK, D), jnp.float32),
          pltpu.VMEM((SCHUNK, D), jnp.float32),
          pltpu.VMEM((SCHUNK, D), jnp.float32),
          pltpu.VMEM_SHARED((N, D), jnp.float32),
          pltpu.SemaphoreType.DMA,
          pltpu.SemaphoreType.DMA,
          pltpu.SemaphoreType.DMA,
          pltpu.SemaphoreType.DMA,
          pltpu.SemaphoreType.DMA,
          pltpu.SemaphoreType.DMA,
          pltpu.SemaphoreType.DMA,
          pltpu.SemaphoreType.DMA,
          pltpu.SemaphoreType.DMA,
      ],
  )
  def seg_sum(table_hbm, eidx_hbm, zeros_hbm, *refs):
    if with_deg:
      (ones_hbm, out_hbm, dg_hbm,
       ib0, ib1, rows_a, rows_b, rows_c, acc,
       ga, gb, gc, sa, sb, sc, ta, tb, tc) = refs
    else:
      (out_hbm,
       ib0, ib1, rows_a, rows_b, rows_c, acc,
       ga, gb, gc, sa, sb, sc, ta, tb, tc) = refs
    cid = lax.axis_index("c")
    sid = lax.axis_index("s")
    wid = cid * NS + sid
    cb = S_BASE * wid + jnp.minimum(wid, S_TAIL_W)

    _zero_acc(zeros_hbm, acc, sid)
    plsc.subcore_barrier()

    def wait_scat(rows, sem):
      pltpu.make_async_copy(rows, acc.at[ib0.at[0, 1]], sem).wait()

    def phase_a(c0, first):
      if not first:
        wait_scat(rows_a, ta)
      da = pltpu.async_copy(table_hbm.at[ib0.at[0, 0]], rows_a, ga)
      if not first:
        wait_scat(rows_b, tb)
      db = pltpu.async_copy(table_hbm.at[ib0.at[1, 0]], rows_b, gb)
      if not first:
        wait_scat(rows_c, tc)
      dc = pltpu.async_copy(table_hbm.at[ib0.at[2, 0]], rows_c, gc)
      pltpu.sync_copy(eidx_hbm.at[pl.ds(c0 + 3, 3)], ib1)
      da.wait()
      ea = pltpu.async_copy(rows_a, acc.at[ib0.at[0, 1]], sa, add=True)
      db.wait()
      eb = pltpu.async_copy(rows_b, acc.at[ib0.at[1, 1]], sb, add=True)
      dc.wait()
      ec = pltpu.async_copy(rows_c, acc.at[ib0.at[2, 1]], sc, add=True)
      return ea, eb, ec

    def phase_b(c0, ea, eb, ec):
      ea.wait()
      da = pltpu.async_copy(table_hbm.at[ib1.at[0, 0]], rows_a, ga)
      eb.wait()
      db = pltpu.async_copy(table_hbm.at[ib1.at[1, 0]], rows_b, gb)
      ec.wait()
      dc = pltpu.async_copy(table_hbm.at[ib1.at[2, 0]], rows_c, gc)
      pltpu.sync_copy(eidx_hbm.at[pl.ds(c0 + 6, 3)], ib0)
      da.wait()
      pltpu.async_copy(rows_a, acc.at[ib1.at[0, 1]], ta, add=True)
      db.wait()
      pltpu.async_copy(rows_b, acc.at[ib1.at[1, 1]], tb, add=True)
      dc.wait()
      pltpu.async_copy(rows_c, acc.at[ib1.at[2, 1]], tc, add=True)

    pltpu.sync_copy(eidx_hbm.at[pl.ds(cb, 3)], ib0)
    phase_b(cb, *phase_a(cb, True))

    def iteration(i, carry):
      c0 = cb + 6 * i
      phase_b(c0, *phase_a(c0, False))
      return carry

    lax.fori_loop(1, S_ITERS, iteration, 0)

    wait_scat(rows_a, ta)
    wait_scat(rows_b, tb)
    wait_scat(rows_c, tc)

    @pl.when(wid < S_TAIL_W)
    def _():
      pltpu.async_copy(table_hbm.at[ib0.at[0, 0]], rows_a, ga).wait()
      pltpu.sync_copy(rows_a, acc.at[ib0.at[0, 1]], add=True)

    plsc.subcore_barrier()
    _write_out(acc, out_hbm, cid, sid)

    if with_deg:
      _zero_acc(zeros_hbm, acc, sid)
      pltpu.sync_copy(ones_hbm, rows_a)
      plsc.subcore_barrier()

      def dscat(ib, j, sem):
        pltpu.async_copy(rows_a, acc.at[ib.at[j, 1]], sem, add=True)

      pltpu.sync_copy(eidx_hbm.at[pl.ds(cb, 3)], ib0)
      dscat(ib0, 0, sa)
      dscat(ib0, 1, sb)
      dscat(ib0, 2, sc)
      pltpu.sync_copy(eidx_hbm.at[pl.ds(cb + 3, 3)], ib1)

      def dphase(ib, cnext, ibnext):
        wait_scat(rows_a, sa)
        dscat(ib, 0, sa)
        wait_scat(rows_a, sb)
        dscat(ib, 1, sb)
        wait_scat(rows_a, sc)
        dscat(ib, 2, sc)
        pltpu.sync_copy(eidx_hbm.at[pl.ds(cnext, 3)], ibnext)

      def diter(i, carry):
        c0 = cb + 6 * i
        dphase(ib1, c0 + 6, ib0)
        dphase(ib0, c0 + 9, ib1)
        return carry

      lax.fori_loop(0, S_ITERS - 1, diter, 0)
      dphase(ib1, cb + S_BASE, ib0)
      wait_scat(rows_a, sa)
      wait_scat(rows_a, sb)
      wait_scat(rows_a, sc)
      @pl.when(wid < S_TAIL_W)
      def _():
        pltpu.sync_copy(rows_a, acc.at[ib0.at[0, 1]], add=True)

      plsc.subcore_barrier()
      _write_out(acc, dg_hbm, cid, sid)

  return seg_sum


def _bn_relu(h, g, b):
  m = jnp.mean(h, axis=0)
  d = h - m[None, :]
  v = jnp.mean(d * d, axis=0)
  return jnp.maximum(d * lax.rsqrt(v + EPS)[None, :] * g[None, :] + b[None, :],
                     0.0)


def _matT(a, w):
  return lax.dot_general(a, w, (((1,), (1,)), ((), ())),
                         preferred_element_type=jnp.float32)


def _dense1_body(s_ref, dg_ref, x_ref, wl_ref, bl_ref, wr_ref, g_ref, be_ref,
                 h_out, inv_out):
  deg = dg_ref[0, :, 0:16] + dg_ref[1, :, 0:16]
  inv = 1.0 / jnp.maximum(deg, 1.0)
  inv_out[...] = inv
  agg = (s_ref[0] + s_ref[1]) * inv[:, 0:1]
  h = _matT(agg, wl_ref[...]) + bl_ref[...][None, :] + _matT(x_ref[...], wr_ref[...])
  h_out[...] = _bn_relu(h, g_ref[...], be_ref[...])


def _dense2_body(s_ref, h1_ref, inv_ref, wl_ref, bl_ref, wr_ref, g_ref, be_ref,
                 w3r_ref, h2_out, r_out):
  agg = (s_ref[0] + s_ref[1]) * inv_ref[...][:, 0:1]
  h = _matT(agg, wl_ref[...]) + bl_ref[...][None, :] + _matT(h1_ref[...], wr_ref[...])
  h2 = _bn_relu(h, g_ref[...], be_ref[...])
  h2_out[...] = h2
  r_out[...] = _matT(h2, w3r_ref[...])


def _dense3_body(s_ref, r_ref, inv_ref, w3l_ref, bl_ref, p_out):
  agg = (s_ref[0] + s_ref[1]) * inv_ref[...][:, 0:1]
  logits = _matT(agg, w3l_ref[...]) + bl_ref[...][None, :] + r_ref[...]
  mx = jnp.max(logits, axis=-1, keepdims=True)
  e = jnp.exp(logits - mx)
  p_out[...] = e / jnp.sum(e, axis=-1, keepdims=True)


_dense1 = pl.pallas_call(
    _dense1_body,
    out_shape=[jax.ShapeDtypeStruct((N, D_H), jnp.float32),
               jax.ShapeDtypeStruct((N, 16), jnp.float32)],
)

_dense2 = pl.pallas_call(
    _dense2_body,
    out_shape=[jax.ShapeDtypeStruct((N, D_H), jnp.float32),
               jax.ShapeDtypeStruct((N, D_OUT), jnp.float32)],
)

_dense3 = pl.pallas_call(
    _dense3_body,
    out_shape=jax.ShapeDtypeStruct((N, D_OUT), jnp.float32),
)


def kernel(x, edge_index, W1l, b1l, W1r, g1, be1, W2l, b2l, W2r, g2, be2,
           W3l, b3l, W3r):
  eidx = jnp.pad(
      edge_index.reshape(2, S_NCH, SCHUNK).transpose(1, 0, 2),
      ((0, S_NCH_PAD - S_NCH), (0, 0), (0, 0)))

  z128 = jnp.zeros((ROWS_PER_S, D_H), jnp.float32)
  ones = jnp.ones((SCHUNK, DEG_W), jnp.float32)
  seg = _make_seg_sum(D_H)

  s1, dg = _make_seg_sum(D_H, True)(x, eidx, z128, ones)
  h1, inv = _dense1(s1, dg, x, W1l, b1l, W1r, g1, be1)

  s2 = seg(h1, eidx, z128)
  h2, r = _dense2(s2, h1, inv, W2l, b2l, W2r, g2, be2, W3r)

  s3 = seg(h2, eidx, z128)
  return _dense3(s3, r, inv, W3l, b3l)

# --- scband reference (transcript-rebuilt; emitter-appended) ---
"""Pipeline reference for scband-rrgnn-90941637525590 (READ-ONLY COPY).

The authoritative reference and input builder live on the scoring server;
editing this copy changes nothing except your own understanding.
"""

import jax, jax.numpy as jnp
import numpy as np

N = 10000
E = 320000
D_IN = 128
D_H = 128
D_OUT = 64
EPS = 1e-5


def setup_inputs(seed: int = 0) -> dict:
    key = jax.random.key(seed)
    ks = jax.random.split(key, 10)

    def w(k, o, i):
        return jax.random.normal(k, (o, i), dtype=jnp.float32) * (1.0 / np.sqrt(i))

    return {
        "x": jax.random.normal(ks[0], (N, D_IN), dtype=jnp.float32),
        "edge_index": jax.random.randint(ks[1], (2, E), 0, N, dtype=jnp.int32),
        "W1l": w(ks[2], D_H, D_IN), "b1l": jnp.zeros((D_H,), jnp.float32), "W1r": w(ks[3], D_H, D_IN),
        "g1": jnp.ones((D_H,), jnp.float32), "be1": jnp.zeros((D_H,), jnp.float32),
        "W2l": w(ks[4], D_H, D_H), "b2l": jnp.zeros((D_H,), jnp.float32), "W2r": w(ks[5], D_H, D_H),
        "g2": jnp.ones((D_H,), jnp.float32), "be2": jnp.zeros((D_H,), jnp.float32),
        "W3l": w(ks[6], D_OUT, D_H), "b3l": jnp.zeros((D_OUT,), jnp.float32), "W3r": w(ks[7], D_OUT, D_H),
    }


def _sage(x, src, dst, Wl, bl, Wr):
    # PyG SAGEConv: out = lin_l(mean_{j in N(i)} x_j) + lin_r(x_i)
    msgs = jnp.take(x, src, axis=0)
    s = jax.ops.segment_sum(msgs, dst, num_segments=N)
    deg = jax.ops.segment_sum(jnp.ones((E,), jnp.float32), dst, num_segments=N)
    agg = s / jnp.clip(deg, 1.0)[:, None]
    return agg @ Wl.T + bl + x @ Wr.T


def _bn(h, g, b):
    m = jnp.mean(h, axis=0)
    v = jnp.var(h, axis=0)
    return (h - m) / jnp.sqrt(v + EPS) * g + b


def reference(x, edge_index, W1l, b1l, W1r, g1, be1, W2l, b2l, W2r, g2, be2, W3l, b3l, W3r):
    src = edge_index[0]
    dst = edge_index[1]
    h = _sage(x, src, dst, W1l, b1l, W1r)
    h = jax.nn.relu(_bn(h, g1, be1))
    # dropout is identity in eval/reference mode
    h = _sage(h, src, dst, W2l, b2l, W2r)
    h = jax.nn.relu(_bn(h, g2, be2))
    logits = _sage(h, src, dst, W3l, b3l, W3r)
    return jax.nn.softmax(logits, axis=-1)

if __name__ == "__main__":
    import jax
    _d = setup_inputs()
    print(jax.jit(kernel)(*tuple(_d.values())))

</pallas_src>

<mosaic_0001>
#map = affine_map<(d0, d1) -> (0, 0)>
#map1 = affine_map<(d0, d1) -> (0, 0, 0)>
module attributes {stable_mosaic.version = 14 : i64} {
  func.func @seg_sum(%arg0: i32, %arg1: i32, %arg2: memref<10000x128xf32, #tpu.memory_space<hbm>>, %arg3: memref<2512x2x128xi32, #tpu.memory_space<hbm>>, %arg4: memref<624x128xf32, #tpu.memory_space<hbm>>, %arg5: memref<2x10000x128xf32, #tpu.memory_space<hbm>>, %arg6: memref<3x2x128xi32, #tpu.memory_space<vmem>>, %arg7: memref<3x2x128xi32, #tpu.memory_space<vmem>>, %arg8: memref<128x128xf32, #tpu.memory_space<vmem>>, %arg9: memref<128x128xf32, #tpu.memory_space<vmem>>, %arg10: memref<128x128xf32, #tpu.memory_space<vmem>>, %arg11: memref<10000x128xf32, #tpu.memory_space<vmem_shared>>, %arg12: memref<!tpu.dma_semaphore, #tpu.memory_space<semaphore_mem>>, %arg13: memref<!tpu.dma_semaphore, #tpu.memory_space<semaphore_mem>>, %arg14: memref<!tpu.dma_semaphore, #tpu.memory_space<semaphore_mem>>, %arg15: memref<!tpu.dma_semaphore, #tpu.memory_space<semaphore_mem>>, %arg16: memref<!tpu.dma_semaphore, #tpu.memory_space<semaphore_mem>>, %arg17: memref<!tpu.dma_semaphore, #tpu.memory_space<semaphore_mem>>, %arg18: memref<!tpu.dma_semaphore, #tpu.memory_space<semaphore_mem>>, %arg19: memref<!tpu.dma_semaphore, #tpu.memory_space<semaphore_mem>>, %arg20: memref<!tpu.dma_semaphore, #tpu.memory_space<semaphore_mem>>) attributes {dimension_semantics = [#tpu.dimension_semantics<core_parallel>, #tpu.dimension_semantics<subcore_parallel>], iteration_bounds = array<i64: 2, 16>, scalar_prefetch = 0 : i64, scratch_operands = 15 : i64, tpu.core_type = #tpu.core_type<sc_vector_subcore>, window_params = [{transform_indices = #map}, {transform_indices = #map1}, {transform_indices = #map}, {transform_indices = #map1}]} {
    %mul3A = arith.constant 16 : i32
    %mul3A_0 = arith.muli %arg0, %mul3A : i32
    %add3A = arith.addi %mul3A_0, %arg1 : i32
    %mul3A_1 = arith.constant 78 : i32
    %mul3A_2 = arith.muli %mul3A_1, %add3A : i32
    %min3A = arith.constant 4 : i32
    %min3A_3 = arith.minsi %add3A, %min3A : i32
    %add3A_4 = arith.addi %mul3A_2, %min3A_3 : i32
    %mul3A_5 = arith.constant 624 : i32
    %mul3A_6 = arith.muli %arg1, %mul3A_5 : i32
    "tpu.region"() ({
      %run_scoped3A = tpu.sem_alloc : memref<!tpu.dma_semaphore, #tpu.memory_space<semaphore_mem>>
      %dma_start3A_220 = arith.constant 0 : i32
      %dma_start3A_221 = tpu.memref_slice %arg11[%mul3A_6, %dma_start3A_220] : memref<10000x128xf32, #tpu.memory_space<vmem_shared>> -> memref<624x128xf32, #tpu.memory_space<vmem_shared>>
      tpu.enqueue_dma source(%arg4 : memref<624x128xf32, #tpu.memory_space<hbm>>) target(%dma_start3A_221 : memref<624x128xf32, #tpu.memory_space<vmem_shared>>) target_semaphore(%run_scoped3A : memref<!tpu.dma_semaphore, #tpu.memory_space<semaphore_mem>>)
      %dma_wait3A_222 = arith.constant 0 : i32
      %dma_wait3A_223 = tpu.memref_slice %arg11[%mul3A_6, %dma_wait3A_222] : memref<10000x128xf32, #tpu.memory_space<vmem_shared>> -> memref<624x128xf32, #tpu.memory_space<vmem_shared>>
      tpu.wait_dma2 semaphore(%run_scoped3A : memref<!tpu.dma_semaphore, #tpu.memory_space<semaphore_mem>>) src(%arg4 : memref<624x128xf32, #tpu.memory_space<hbm>>) dst(%dma_wait3A_223 : memref<624x128xf32, #tpu.memory_space<vmem_shared>>)
      tpu.yield
    }) : () -> ()
    %eq3A = arith.constant 0 : i32
    %eq3A_7 = arith.cmpi eq, %arg1, %eq3A : i32
    %convert_element_type3A = arith.extui %eq3A_7 : i1 to i32
    %cond3A = arith.constant 0 : i32
    %cond3A_8 = arith.cmpi ne, %convert_element_type3A, %cond3A : i32
    scf.if %cond3A_8 {
      "tpu.region"() ({
        %run_scoped3A = tpu.sem_alloc : memref<!tpu.dma_semaphore, #tpu.memory_space<semaphore_mem>>
        %dma_start3A_220 = arith.constant 9984 : i32
        %dma_start3A_221 = arith.constant 0 : i32
        %dma_start3A_222 = tpu.memref_slice %arg11[%dma_start3A_220, %dma_start3A_221] : memref<10000x128xf32, #tpu.memory_space<vmem_shared>> -> memref<16x128xf32, #tpu.memory_space<vmem_shared>>
        %dma_start3A_223 = arith.constant 0 : i32
        %dma_start3A_224 = arith.constant 0 : i32
        %dma_start3A_225 = tpu.memref_slice %arg4[%dma_start3A_223, %dma_start3A_224] : memref<624x128xf32, #tpu.memory_space<hbm>> -> memref<16x128xf32, #tpu.memory_space<hbm>>
        tpu.enqueue_dma source(%dma_start3A_225 : memref<16x128xf32, #tpu.memory_space<hbm>>) target(%dma_start3A_222 : memref<16x128xf32, #tpu.memory_space<vmem_shared>>) target_semaphore(%run_scoped3A : memref<!tpu.dma_semaphore, #tpu.memory_space<semaphore_mem>>)
        %dma_wait3A_226 = arith.constant 9984 : i32
        %dma_wait3A_227 = arith.constant 0 : i32
        %dma_wait3A_228 = tpu.memref_slice %arg11[%dma_wait3A_226, %dma_wait3A_227] : memref<10000x128xf32, #tpu.memory_space<vmem_shared>> -> memref<16x128xf32, #tpu.memory_space<vmem_shared>>
        %dma_wait3A_229 = arith.constant 0 : i32
        %dma_wait3A_230 = arith.constant 0 : i32
        %dma_wait3A_231 = tpu.memref_slice %arg4[%dma_wait3A_229, %dma_wait3A_230] : memref<624x128xf32, #tpu.memory_space<hbm>> -> memref<16x128xf32, #tpu.memory_space<hbm>>
        tpu.wait_dma2 semaphore(%run_scoped3A : memref<!tpu.dma_semaphore, #tpu.memory_space<semaphore_mem>>) src(%dma_wait3A_231 : memref<16x128xf32, #tpu.memory_space<hbm>>) dst(%dma_wait3A_228 : memref<16x128xf32, #tpu.memory_space<vmem_shared>>)
        tpu.yield
      }) : () -> ()
    } else {
    }
    %barrier3A = arith.constant 0 : index
    tpu.barrier barrier_id(%barrier3A)
    "tpu.region"() ({
      %run_scoped3A = tpu.sem_alloc : memref<!tpu.dma_semaphore, #tpu.memory_space<semaphore_mem>>
      %dma_start3A_220 = arith.constant 0 : i32
      %dma_start3A_221 = arith.constant 0 : i32
      %dma_start3A_222 = tpu.memref_slice %arg3[%add3A_4, %dma_start3A_220, %dma_start3A_221] : memref<2512x2x128xi32, #tpu.memory_space<hbm>> -> memref<3x2x128xi32, #tpu.memory_space<hbm>>
      %dma_start3A_223 = arith.constant 0 : i32
      %dma_start3A_224 = arith.constant 0 : i32
      %dma_start3A_225 = tpu.memref_slice %arg3[%add3A_4, %dma_start3A_223, %dma_start3A_224] : memref<2512x2x128xi32, #tpu.memory_space<hbm>> -> memref<3x2x128xi32, #tpu.memory_space<hbm>>
      tpu.enqueue_dma source(%dma_start3A_225 : memref<3x2x128xi32, #tpu.memory_space<hbm>>) target(%arg6 : memref<3x2x128xi32, #tpu.memory_space<vmem>>) target_semaphore(%run_scoped3A : memref<!tpu.dma_semaphore, #tpu.memory_space<semaphore_mem>>)
      %dma_wait3A_226 = arith.constant 0 : i32
      %dma_wait3A_227 = arith.constant 0 : i32
      %dma_wait3A_228 = tpu.memref_slice %arg3[%add3A_4, %dma_wait3A_226, %dma_wait3A_227] : memref<2512x2x128xi32, #tpu.memory_space<hbm>> -> memref<3x2x128xi32, #tpu.memory_space<hbm>>
      %dma_wait3A_229 = arith.constant 0 : i32
      %dma_wait3A_230 = arith.constant 0 : i32
      %dma_wait3A_231 = tpu.memref_slice %arg3[%add3A_4, %dma_wait3A_229, %dma_wait3A_230] : memref<2512x2x128xi32, #tpu.memory_space<hbm>> -> memref<3x2x128xi32, #tpu.memory_space<hbm>>
      tpu.wait_dma2 semaphore(%run_scoped3A : memref<!tpu.dma_semaphore, #tpu.memory_space<semaphore_mem>>) src(%dma_wait3A_231 : memref<3x2x128xi32, #tpu.memory_space<hbm>>) dst(%arg6 : memref<3x2x128xi32, #tpu.memory_space<vmem>>)
      tpu.yield
    }) : () -> ()
    %dma_start3A = arith.constant 0 : i32
    %dma_start3A_9 = arith.constant 0 : i32
    %dma_start3A_10 = arith.constant 0 : i32
    %dma_start3A_11 = tpu.memref_slice %arg6[%dma_start3A, %dma_start3A_9, %dma_start3A_10] : memref<3x2x128xi32, #tpu.memory_space<vmem>> -> memref<1x1x128xi32, #tpu.memory_space<vmem>>
    %dma_start3A_12 = tpu.memref_squeeze %dma_start3A_11 : memref<1x1x128xi32, #tpu.memory_space<vmem>> -> memref<128xi32, #tpu.memory_space<vmem>>
    %dma_start3A_13 = arith.constant 0 : i32
    %dma_start3A_14 = arith.constant 0 : i32
    %dma_start3A_15 = tpu.memref_slice %arg2[%dma_start3A_13, %dma_start3A_14] : memref<10000x128xf32, #tpu.memory_space<hbm>> -> memref<10000x128xf32, #tpu.memory_space<hbm>>
    tpu.enqueue_indirect_dma source(%dma_start3A_15 : memref<10000x128xf32, #tpu.memory_space<hbm>>) target(%arg8 : memref<128x128xf32, #tpu.memory_space<vmem>>) offsets(%dma_start3A_12 : memref<128xi32, #tpu.memory_space<vmem>>) semaphore(%arg12 : memref<!tpu.dma_semaphore, #tpu.memory_space<semaphore_mem>>)
    %dma_start3A_16 = arith.constant 1 : i32
    %dma_start3A_17 = arith.constant 0 : i32
    %dma_start3A_18 = arith.constant 0 : i32
    %dma_start3A_19 = tpu.memref_slice %arg6[%dma_start3A_16, %dma_start3A_17, %dma_start3A_18] : memref<3x2x128xi32, #tpu.memory_space<vmem>> -> memref<1x1x128xi32, #tpu.memory_space<vmem>>
    %dma_start3A_20 = tpu.memref_squeeze %dma_start3A_19 : memref<1x1x128xi32, #tpu.memory_space<vmem>> -> memref<128xi32, #tpu.memory_space<vmem>>
    %dma_start3A_21 = arith.constant 0 : i32
    %dma_start3A_22 = arith.constant 0 : i32
    %dma_start3A_23 = tpu.memref_slice %arg2[%dma_start3A_21, %dma_start3A_22] : memref<10000x128xf32, #tpu.memory_space<hbm>> -> memref<10000x128xf32, #tpu.memory_space<hbm>>
    tpu.enqueue_indirect_dma source(%dma_start3A_23 : memref<10000x128xf32, #tpu.memory_space<hbm>>) target(%arg9 : memref<128x128xf32, #tpu.memory_space<vmem>>) offsets(%dma_start3A_20 : memref<128xi32, #tpu.memory_space<vmem>>) semaphore(%arg13 : memref<!tpu.dma_semaphore, #tpu.memory_space<semaphore_mem>>)
    %dma_start3A_24 = arith.constant 2 : i32
    %dma_start3A_25 = arith.constant 0 : i32
    %dma_start3A_26 = arith.constant 0 : i32
    %dma_start3A_27 = tpu.memref_slice %arg6[%dma_start3A_24, %dma_start3A_25, %dma_start3A_26] : memref<3x2x128xi32, #tpu.memory_space<vmem>> -> memref<1x1x128xi32, #tpu.memory_space<vmem>>
    %dma_start3A_28 = tpu.memref_squeeze %dma_start3A_27 : memref<1x1x128xi32, #tpu.memory_space<vmem>> -> memref<128xi32, #tpu.memory_space<vmem>>
    %dma_start3A_29 = arith.constant 0 : i32
    %dma_start3A_30 = arith.constant 0 : i32
    %dma_start3A_31 = tpu.memref_slice %arg2[%dma_start3A_29, %dma_start3A_30] : memref<10000x128xf32, #tpu.memory_space<hbm>> -> memref<10000x128xf32, #tpu.memory_space<hbm>>
    tpu.enqueue_indirect_dma source(%dma_start3A_31 : memref<10000x128xf32, #tpu.memory_space<hbm>>) target(%arg10 : memref<128x128xf32, #tpu.memory_space<vmem>>) offsets(%dma_start3A_28 : memref<128xi32, #tpu.memory_space<vmem>>) semaphore(%arg14 : memref<!tpu.dma_semaphore, #tpu.memory_space<semaphore_mem>>)
    %add3A_32 = arith.constant 3 : i32
    %add3A_33 = arith.addi %add3A_4, %add3A_32 : i32
    "tpu.region"() ({
      %run_scoped3A = tpu.sem_alloc : memref<!tpu.dma_semaphore, #tpu.memory_space<semaphore_mem>>
      %dma_start3A_220 = arith.constant 0 : i32
      %dma_start3A_221 = arith.constant 0 : i32
      %dma_start3A_222 = tpu.memref_slice %arg3[%add3A_33, %dma_start3A_220, %dma_start3A_221] : memref<2512x2x128xi32, #tpu.memory_space<hbm>> -> memref<3x2x128xi32, #tpu.memory_space<hbm>>
      %dma_start3A_223 = arith.constant 0 : i32
      %dma_start3A_224 = arith.constant 0 : i32
      %dma_start3A_225 = tpu.memref_slice %arg3[%add3A_33, %dma_start3A_223, %dma_start3A_224] : memref<2512x2x128xi32, #tpu.memory_space<hbm>> -> memref<3x2x128xi32, #tpu.memory_space<hbm>>
      tpu.enqueue_dma source(%dma_start3A_225 : memref<3x2x128xi32, #tpu.memory_space<hbm>>) target(%arg7 : memref<3x2x128xi32, #tpu.memory_space<vmem>>) target_semaphore(%run_scoped3A : memref<!tpu.dma_semaphore, #tpu.memory_space<semaphore_mem>>)
      %dma_wait3A_226 = arith.constant 0 : i32
      %dma_wait3A_227 = arith.constant 0 : i32
      %dma_wait3A_228 = tpu.memref_slice %arg3[%add3A_33, %dma_wait3A_226, %dma_wait3A_227] : memref<2512x2x128xi32, #tpu.memory_space<hbm>> -> memref<3x2x128xi32, #tpu.memory_space<hbm>>
      %dma_wait3A_229 = arith.constant 0 : i32
      %dma_wait3A_230 = arith.constant 0 : i32
      %dma_wait3A_231 = tpu.memref_slice %arg3[%add3A_33, %dma_wait3A_229, %dma_wait3A_230] : memref<2512x2x128xi32, #tpu.memory_space<hbm>> -> memref<3x2x128xi32, #tpu.memory_space<hbm>>
      tpu.wait_dma2 semaphore(%run_scoped3A : memref<!tpu.dma_semaphore, #tpu.memory_space<semaphore_mem>>) src(%dma_wait3A_231 : memref<3x2x128xi32, #tpu.memory_space<hbm>>) dst(%arg7 : memref<3x2x128xi32, #tpu.memory_space<vmem>>)
      tpu.yield
    }) : () -> ()
    %dma_wait3A = arith.constant 0 : i32
    %dma_wait3A_34 = arith.constant 0 : i32
    %dma_wait3A_35 = arith.constant 0 : i32
    %dma_wait3A_36 = tpu.memref_slice %arg6[%dma_wait3A, %dma_wait3A_34, %dma_wait3A_35] : memref<3x2x128xi32, #tpu.memory_space<vmem>> -> memref<1x1x128xi32, #tpu.memory_space<vmem>>
    %dma_wait3A_37 = tpu.memref_squeeze %dma_wait3A_36 : memref<1x1x128xi32, #tpu.memory_space<vmem>> -> memref<128xi32, #tpu.memory_space<vmem>>
    %dma_wait3A_38 = arith.constant 0 : i32
    %dma_wait3A_39 = arith.constant 0 : i32
    %dma_wait3A_40 = tpu.memref_slice %arg2[%dma_wait3A_38, %dma_wait3A_39] : memref<10000x128xf32, #tpu.memory_space<hbm>> -> memref<10000x128xf32, #tpu.memory_space<hbm>>
    tpu.wait_indirect_dma semaphore(%arg12 : memref<!tpu.dma_semaphore, #tpu.memory_space<semaphore_mem>>) src(%dma_wait3A_40 : memref<10000x128xf32, #tpu.memory_space<hbm>>) dst(%arg8 : memref<128x128xf32, #tpu.memory_space<vmem>>)
    %dma_start3A_41 = arith.constant 0 : i32
    %dma_start3A_42 = arith.constant 1 : i32
    %dma_start3A_43 = arith.constant 0 : i32
    %dma_start3A_44 = tpu.memref_slice %arg6[%dma_start3A_41, %dma_start3A_42, %dma_start3A_43] : memref<3x2x128xi32, #tpu.memory_space<vmem>> -> memref<1x1x128xi32, #tpu.memory_space<vmem>>
    %dma_start3A_45 = tpu.memref_squeeze %dma_start3A_44 : memref<1x1x128xi32, #tpu.memory_space<vmem>> -> memref<128xi32, #tpu.memory_space<vmem>>
    %dma_start3A_46 = arith.constant 0 : i32
    %dma_start3A_47 = arith.constant 0 : i32
    %dma_start3A_48 = tpu.memref_slice %arg11[%dma_start3A_46, %dma_start3A_47] : memref<10000x128xf32, #tpu.memory_space<vmem_shared>> -> memref<10000x128xf32, #tpu.memory_space<vmem_shared>>
    tpu.enqueue_indirect_dma source(%arg8 : memref<128x128xf32, #tpu.memory_space<vmem>>) target(%dma_start3A_48 : memref<10000x128xf32, #tpu.memory_space<vmem_shared>>) offsets(%dma_start3A_45 : memref<128xi32, #tpu.memory_space<vmem>>) semaphore(%arg15 : memref<!tpu.dma_semaphore, #tpu.memory_space<semaphore_mem>>) {add = true}
    %dma_wait3A_49 = arith.constant 1 : i32
    %dma_wait3A_50 = arith.constant 0 : i32
    %dma_wait3A_51 = arith.constant 0 : i32
    %dma_wait3A_52 = tpu.memref_slice %arg6[%dma_wait3A_49, %dma_wait3A_50, %dma_wait3A_51] : memref<3x2x128xi32, #tpu.memory_space<vmem>> -> memref<1x1x128xi32, #tpu.memory_space<vmem>>
    %dma_wait3A_53 = tpu.memref_squeeze %dma_wait3A_52 : memref<1x1x128xi32, #tpu.memory_space<vmem>> -> memref<128xi32, #tpu.memory_space<vmem>>
    %dma_wait3A_54 = arith.constant 0 : i32
    %dma_wait3A_55 = arith.constant 0 : i32
    %dma_wait3A_56 = tpu.memref_slice %arg2[%dma_wait3A_54, %dma_wait3A_55] : memref<10000x128xf32, #tpu.memory_space<hbm>> -> memref<10000x128xf32, #tpu.memory_space<hbm>>
    tpu.wait_indirect_dma semaphore(%arg13 : memref<!tpu.dma_semaphore, #tpu.memory_space<semaphore_mem>>) src(%dma_wait3A_56 : memref<10000x128xf32, #tpu.memory_space<hbm>>) dst(%arg9 : memref<128x128xf32, #tpu.memory_space<vmem>>)
    %dma_start3A_57 = arith.constant 1 : i32
    %dma_start3A_58 = arith.constant 1 : i32
    %dma_start3A_59 = arith.constant 0 : i32
    %dma_start3A_60 = tpu.memref_slice %arg6[%dma_start3A_57, %dma_start3A_58, %dma_start3A_59] : memref<3x2x128xi32, #tpu.memory_space<vmem>> -> memref<1x1x128xi32, #tpu.memory_space<vmem>>
    %dma_start3A_61 = tpu.memref_squeeze %dma_start3A_60 : memref<1x1x128xi32, #tpu.memory_space<vmem>> -> memref<128xi32, #tpu.memory_space<vmem>>
    %dma_start3A_62 = arith.constant 0 : i32
    %dma_start3A_63 = arith.constant 0 : i32
    %dma_start3A_64 = tpu.memref_slice %arg11[%dma_start3A_62, %dma_start3A_63] : memref<10000x128xf32, #tpu.memory_space<vmem_shared>> -> memref<10000x128xf32, #tpu.memory_space<vmem_shared>>
    tpu.enqueue_indirect_dma source(%arg9 : memref<128x128xf32, #tpu.memory_space<vmem>>) target(%dma_start3A_64 : memref<10000x128xf32, #tpu.memory_space<vmem_shared>>) offsets(%dma_start3A_61 : memref<128xi32, #tpu.memory_space<vmem>>) semaphore(%arg16 : memref<!tpu.dma_semaphore, #tpu.memory_space<semaphore_mem>>) {add = true}
    %dma_wait3A_65 = arith.constant 2 : i32
    %dma_wait3A_66 = arith.constant 0 : i32
    %dma_wait3A_67 = arith.constant 0 : i32
    %dma_wait3A_68 = tpu.memref_slice %arg6[%dma_wait3A_65, %dma_wait3A_66, %dma_wait3A_67] : memref<3x2x128xi32, #tpu.memory_space<vmem>> -> memref<1x1x128xi32, #tpu.memory_space<vmem>>
    %dma_wait3A_69 = tpu.memref_squeeze %dma_wait3A_68 : memref<1x1x128xi32, #tpu.memory_space<vmem>> -> memref<128xi32, #tpu.memory_space<vmem>>
    %dma_wait3A_70 = arith.constant 0 : i32
    %dma_wait3A_71 = arith.constant 0 : i32
    %dma_wait3A_72 = tpu.memref_slice %arg2[%dma_wait3A_70, %dma_wait3A_71] : memref<10000x128xf32, #tpu.memory_space<hbm>> -> memref<10000x128xf32, #tpu.memory_space<hbm>>
    tpu.wait_indirect_dma semaphore(%arg14 : memref<!tpu.dma_semaphore, #tpu.memory_space<semaphore_mem>>) src(%dma_wait3A_72 : memref<10000x128xf32, #tpu.memory_space<hbm>>) dst(%arg10 : memref<128x128xf32, #tpu.memory_space<vmem>>)
    %dma_start3A_73 = arith.constant 2 : i32
    %dma_start3A_74 = arith.constant 1 : i32
    %dma_start3A_75 = arith.constant 0 : i32
    %dma_start3A_76 = tpu.memref_slice %arg6[%dma_start3A_73, %dma_start3A_74, %dma_start3A_75] : memref<3x2x128xi32, #tpu.memory_space<vmem>> -> memref<1x1x128xi32, #tpu.memory_space<vmem>>
    %dma_start3A_77 = tpu.memref_squeeze %dma_start3A_76 : memref<1x1x128xi32, #tpu.memory_space<vmem>> -> memref<128xi32, #tpu.memory_space<vmem>>
    %dma_start3A_78 = arith.constant 0 : i32
    %dma_start3A_79 = arith.constant 0 : i32
    %dma_start3A_80 = tpu.memref_slice %arg11[%dma_start3A_78, %dma_start3A_79] : memref<10000x128xf32, #tpu.memory_space<vmem_shared>> -> memref<10000x128xf32, #tpu.memory_space<vmem_shared>>
    tpu.enqueue_indirect_dma source(%arg10 : memref<128x128xf32, #tpu.memory_space<vmem>>) target(%dma_start3A_80 : memref<10000x128xf32, #tpu.memory_space<vmem_shared>>) offsets(%dma_start3A_77 : memref<128xi32, #tpu.memory_space<vmem>>) semaphore(%arg17 : memref<!tpu.dma_semaphore, #tpu.memory_space<semaphore_mem>>) {add = true}
    %dma_wait3A_81 = arith.constant 0 : i32
    %dma_wait3A_82 = arith.constant 1 : i32
    %dma_wait3A_83 = arith.constant 0 : i32
    %dma_wait3A_84 = tpu.memref_slice %arg6[%dma_wait3A_81, %dma_wait3A_82, %dma_wait3A_83] : memref<3x2x128xi32, #tpu.memory_space<vmem>> -> memref<1x1x128xi32, #tpu.memory_space<vmem>>
    %dma_wait3A_85 = tpu.memref_squeeze %dma_wait3A_84 : memref<1x1x128xi32, #tpu.memory_space<vmem>> -> memref<128xi32, #tpu.memory_space<vmem>>
    %dma_wait3A_86 = arith.constant 0 : i32
    %dma_wait3A_87 = arith.constant 0 : i32
    %dma_wait3A_88 = tpu.memref_slice %arg11[%dma_wait3A_86, %dma_wait3A_87] : memref<10000x128xf32, #tpu.memory_space<vmem_shared>> -> memref<10000x128xf32, #tpu.memory_space<vmem_shared>>
    tpu.wait_indirect_dma semaphore(%arg15 : memref<!tpu.dma_semaphore, #tpu.memory_space<semaphore_mem>>) src(%arg8 : memref<128x128xf32, #tpu.memory_space<vmem>>) dst(%dma_wait3A_88 : memref<10000x128xf32, #tpu.memory_space<vmem_shared>>)
    %dma_start3A_89 = arith.constant 0 : i32
    %dma_start3A_90 = arith.constant 0 : i32
    %dma_start3A_91 = arith.constant 0 : i32
    %dma_start3A_92 = tpu.memref_slice %arg7[%dma_start3A_89, %dma_start3A_90, %dma_start3A_91] : memref<3x2x128xi32, #tpu.memory_space<vmem>> -> memref<1x1x128xi32, #tpu.memory_space<vmem>>
    %dma_start3A_93 = tpu.memref_squeeze %dma_start3A_92 : memref<1x1x128xi32, #tpu.memory_space<vmem>> -> memref<128xi32, #tpu.memory_space<vmem>>
    %dma_start3A_94 = arith.constant 0 : i32
    %dma_start3A_95 = arith.constant 0 : i32
    %dma_start3A_96 = tpu.memref_slice %arg2[%dma_start3A_94, %dma_start3A_95] : memref<10000x128xf32, #tpu.memory_space<hbm>> -> memref<10000x128xf32, #tpu.memory_space<hbm>>
    tpu.enqueue_indirect_dma source(%dma_start3A_96 : memref<10000x128xf32, #tpu.memory_space<hbm>>) target(%arg8 : memref<128x128xf32, #tpu.memory_space<vmem>>) offsets(%dma_start3A_93 : memref<128xi32, #tpu.memory_space<vmem>>) semaphore(%arg12 : memref<!tpu.dma_semaphore, #tpu.memory_space<semaphore_mem>>)
    %dma_wait3A_97 = arith.constant 1 : i32
    %dma_wait3A_98 = arith.constant 1 : i32
    %dma_wait3A_99 = arith.constant 0 : i32
    %dma_wait3A_100 = tpu.memref_slice %arg6[%dma_wait3A_97, %dma_wait3A_98, %dma_wait3A_99] : memref<3x2x128xi32, #tpu.memory_space<vmem>> -> memref<1x1x128xi32, #tpu.memory_space<vmem>>
    %dma_wait3A_101 = tpu.memref_squeeze %dma_wait3A_100 : memref<1x1x128xi32, #tpu.memory_space<vmem>> -> memref<128xi32, #tpu.memory_space<vmem>>
    %dma_wait3A_102 = arith.constant 0 : i32
    %dma_wait3A_103 = arith.constant 0 : i32
    %dma_wait3A_104 = tpu.memref_slice %arg11[%dma_wait3A_102, %dma_wait3A_103] : memref<10000x128xf32, #tpu.memory_space<vmem_shared>> -> memref<10000x128xf32, #tpu.memory_space<vmem_shared>>
    tpu.wait_indirect_dma semaphore(%arg16 : memref<!tpu.dma_semaphore, #tpu.memory_space<semaphore_mem>>) src(%arg9 : memref<128x128xf32, #tpu.memory_space<vmem>>) dst(%dma_wait3A_104 : memref<10000x128xf32, #tpu.memory_space<vmem_shared>>)
    %dma_start3A_105 = arith.constant 1 : i32
    %dma_start3A_106 = arith.constant 0 : i32
    %dma_start3A_107 = arith.constant 0 : i32
    %dma_start3A_108 = tpu.memref_slice %arg7[%dma_start3A_105, %dma_start3A_106, %dma_start3A_107] : memref<3x2x128xi32, #tpu.memory_space<vmem>> -> memref<1x1x128xi32, #tpu.memory_space<vmem>>
    %dma_start3A_109 = tpu.memref_squeeze %dma_start3A_108 : memref<1x1x128xi32, #tpu.memory_space<vmem>> -> memref<128xi32, #tpu.memory_space<vmem>>
    %dma_start3A_110 = arith.constant 0 : i32
    %dma_start3A_111 = arith.constant 0 : i32
    %dma_start3A_112 = tpu.memref_slice %arg2[%dma_start3A_110, %dma_start3A_111] : memref<10000x128xf32, #tpu.memory_space<hbm>> -> memref<10000x128xf32, #tpu.memory_space<hbm>>
    tpu.enqueue_indirect_dma source(%dma_start3A_112 : memref<10000x128xf32, #tpu.memory_space<hbm>>) target(%arg9 : memref<128x128xf32, #tpu.memory_space<vmem>>) offsets(%dma_start3A_109 : memref<128xi32, #tpu.memory_space<vmem>>) semaphore(%arg13 : memref<!tpu.dma_semaphore, #tpu.memory_space<semaphore_mem>>)
    %dma_wait3A_113 = arith.constant 2 : i32
    %dma_wait3A_114 = arith.constant 1 : i32
    %dma_wait3A_115 = arith.constant 0 : i32
    %dma_wait3A_116 = tpu.memref_slice %arg6[%dma_wait3A_113, %dma_wait3A_114, %dma_wait3A_115] : memref<3x2x128xi32, #tpu.memory_space<vmem>> -> memref<1x1x128xi32, #tpu.memory_space<vmem>>
    %dma_wait3A_117 = tpu.memref_squeeze %dma_wait3A_116 : memref<1x1x128xi32, #tpu.memory_space<vmem>> -> memref<128xi32, #tpu.memory_space<vmem>>
    %dma_wait3A_118 = arith.constant 0 : i32
    %dma_wait3A_119 = arith.constant 0 : i32
    %dma_wait3A_120 = tpu.memref_slice %arg11[%dma_wait3A_118, %dma_wait3A_119] : memref<10000x128xf32, #tpu.memory_space<vmem_shared>> -> memref<10000x128xf32, #tpu.memory_space<vmem_shared>>
    tpu.wait_indirect_dma semaphore(%arg17 : memref<!tpu.dma_semaphore, #tpu.memory_space<semaphore_mem>>) src(%arg10 : memref<128x128xf32, #tpu.memory_space<vmem>>) dst(%dma_wait3A_120 : memref<10000x128xf32, #tpu.memory_space<vmem_shared>>)
    %dma_start3A_121 = arith.constant 2 : i32
    %dma_start3A_122 = arith.constant 0 : i32
    %dma_start3A_123 = arith.constant 0 : i32
    %dma_start3A_124 = tpu.memref_slice %arg7[%dma_start3A_121, %dma_start3A_122, %dma_start3A_123] : memref<3x2x128xi32, #tpu.memory_space<vmem>> -> memref<1x1x128xi32, #tpu.memory_space<vmem>>
    %dma_start3A_125 = tpu.memref_squeeze %dma_start3A_124 : memref<1x1x128xi32, #tpu.memory_space<vmem>> -> memref<128xi32, #tpu.memory_space<vmem>>
    %dma_start3A_126 = arith.constant 0 : i32
    %dma_start3A_127 = arith.constant 0 : i32
    %dma_start3A_128 = tpu.memref_slice %arg2[%dma_start3A_126, %dma_start3A_127] : memref<10000x128xf32, #tpu.memory_space<hbm>> -> memref<10000x128xf32, #tpu.memory_space<hbm>>
    tpu.enqueue_indirect_dma source(%dma_start3A_128 : memref<10000x128xf32, #tpu.memory_space<hbm>>) target(%arg10 : memref<128x128xf32, #tpu.memory_space<vmem>>) offsets(%dma_start3A_125 : memref<128xi32, #tpu.memory_space<vmem>>) semaphore(%arg14 : memref<!tpu.dma_semaphore, #tpu.memory_space<semaphore_mem>>)
    %add3A_129 = arith.constant 6 : i32
    %add3A_130 = arith.addi %add3A_4, %add3A_129 : i32
    "tpu.region"() ({
      %run_scoped3A = tpu.sem_alloc : memref<!tpu.dma_semaphore, #tpu.memory_space<semaphore_mem>>
      %dma_start3A_220 = arith.constant 0 : i32
      %dma_start3A_221 = arith.constant 0 : i32
      %dma_start3A_222 = tpu.memref_slice %arg3[%add3A_130, %dma_start3A_220, %dma_start3A_221] : memref<2512x2x128xi32, #tpu.memory_space<hbm>> -> memref<3x2x128xi32, #tpu.memory_space<hbm>>
      %dma_start3A_223 = arith.constant 0 : i32
      %dma_start3A_224 = arith.constant 0 : i32
      %dma_start3A_225 = tpu.memref_slice %arg3[%add3A_130, %dma_start3A_223, %dma_start3A_224] : memref<2512x2x128xi32, #tpu.memory_space<hbm>> -> memref<3x2x128xi32, #tpu.memory_space<hbm>>
      tpu.enqueue_dma source(%dma_start3A_225 : memref<3x2x128xi32, #tpu.memory_space<hbm>>) target(%arg6 : memref<3x2x128xi32, #tpu.memory_space<vmem>>) target_semaphore(%run_scoped3A : memref<!tpu.dma_semaphore, #tpu.memory_space<semaphore_mem>>)
      %dma_wait3A_226 = arith.constant 0 : i32
      %dma_wait3A_227 = arith.constant 0 : i32
      %dma_wait3A_228 = tpu.memref_slice %arg3[%add3A_130, %dma_wait3A_226, %dma_wait3A_227] : memref<2512x2x128xi32, #tpu.memory_space<hbm>> -> memref<3x2x128xi32, #tpu.memory_space<hbm>>
      %dma_wait3A_229 = arith.constant 0 : i32
      %dma_wait3A_230 = arith.constant 0 : i32
      %dma_wait3A_231 = tpu.memref_slice %arg3[%add3A_130, %dma_wait3A_229, %dma_wait3A_230] : memref<2512x2x128xi32, #tpu.memory_space<hbm>> -> memref<3x2x128xi32, #tpu.memory_space<hbm>>
      tpu.wait_dma2 semaphore(%run_scoped3A : memref<!tpu.dma_semaphore, #tpu.memory_space<semaphore_mem>>) src(%dma_wait3A_231 : memref<3x2x128xi32, #tpu.memory_space<hbm>>) dst(%arg6 : memref<3x2x128xi32, #tpu.memory_space<vmem>>)
      tpu.yield
    }) : () -> ()
    %dma_wait3A_131 = arith.constant 0 : i32
    %dma_wait3A_132 = arith.constant 0 : i32
    %dma_wait3A_133 = arith.constant 0 : i32
    %dma_wait3A_134 = tpu.memref_slice %arg7[%dma_wait3A_131, %dma_wait3A_132, %dma_wait3A_133] : memref<3x2x128xi32, #tpu.memory_space<vmem>> -> memref<1x1x128xi32, #tpu.memory_space<vmem>>
    %dma_wait3A_135 = tpu.memref_squeeze %dma_wait3A_134 : memref<1x1x128xi32, #tpu.memory_space<vmem>> -> memref<128xi32, #tpu.memory_space<vmem>>
    %dma_wait3A_136 = arith.constant 0 : i32
    %dma_wait3A_137 = arith.constant 0 : i32
    %dma_wait3A_138 = tpu.memref_slice %arg2[%dma_wait3A_136, %dma_wait3A_137] : memref<10000x128xf32, #tpu.memory_space<hbm>> -> memref<10000x128xf32, #tpu.memory_space<hbm>>
    tpu.wait_indirect_dma semaphore(%arg12 : memref<!tpu.dma_semaphore, #tpu.memory_space<semaphore_mem>>) src(%dma_wait3A_138 : memref<10000x128xf32, #tpu.memory_space<hbm>>) dst(%arg8 : memref<128x128xf32, #tpu.memory_space<vmem>>)
    %dma_start3A_139 = arith.constant 0 : i32
    %dma_start3A_140 = arith.constant 1 : i32
    %dma_start3A_141 = arith.constant 0 : i32
    %dma_start3A_142 = tpu.memref_slice %arg7[%dma_start3A_139, %dma_start3A_140, %dma_start3A_141] : memref<3x2x128xi32, #tpu.memory_space<vmem>> -> memref<1x1x128xi32, #tpu.memory_space<vmem>>
    %dma_start3A_143 = tpu.memref_squeeze %dma_start3A_142 : memref<1x1x128xi32, #tpu.memory_space<vmem>> -> memref<128xi32, #tpu.memory_space<vmem>>
    %dma_start3A_144 = arith.constant 0 : i32
    %dma_start3A_145 = arith.constant 0 : i32
    %dma_start3A_146 = tpu.memref_slice %arg11[%dma_start3A_144, %dma_start3A_145] : memref<10000x128xf32, #tpu.memory_space<vmem_shared>> -> memref<10000x128xf32, #tpu.memory_space<vmem_shared>>
    tpu.enqueue_indirect_dma source(%arg8 : memref<128x128xf32, #tpu.memory_space<vmem>>) target(%dma_start3A_146 : memref<10000x128xf32, #tpu.memory_space<vmem_shared>>) offsets(%dma_start3A_143 : memref<128xi32, #tpu.memory_space<vmem>>) semaphore(%arg18 : memref<!tpu.dma_semaphore, #tpu.memory_space<semaphore_mem>>) {add = true}
    %dma_wait3A_147 = arith.constant 1 : i32
    %dma_wait3A_148 = arith.constant 0 : i32
    %dma_wait3A_149 = arith.constant 0 : i32
    %dma_wait3A_150 = tpu.memref_slice %arg7[%dma_wait3A_147, %dma_wait3A_148, %dma_wait3A_149] : memref<3x2x128xi32, #tpu.memory_space<vmem>> -> memref<1x1x128xi32, #tpu.memory_space<vmem>>
    %dma_wait3A_151 = tpu.memref_squeeze %dma_wait3A_150 : memref<1x1x128xi32, #tpu.memory_space<vmem>> -> memref<128xi32, #tpu.memory_space<vmem>>
    %dma_wait3A_152 = arith.constant 0 : i32
    %dma_wait3A_153 = arith.constant 0 : i32
    %dma_wait3A_154 = tpu.memref_slice %arg2[%dma_wait3A_152, %dma_wait3A_153] : memref<10000x128xf32, #tpu.memory_space<hbm>> -> memref<10000x128xf32, #tpu.memory_space<hbm>>
    tpu.wait_indirect_dma semaphore(%arg13 : memref<!tpu.dma_semaphore, #tpu.memory_space<semaphore_mem>>) src(%dma_wait3A_154 : memref<10000x128xf32, #tpu.memory_space<hbm>>) dst(%arg9 : memref<128x128xf32, #tpu.memory_space<vmem>>)
    %dma_start3A_155 = arith.constant 1 : i32
    %dma_start3A_156 = arith.constant 1 : i32
    %dma_start3A_157 = arith.constant 0 : i32
    %dma_start3A_158 = tpu.memref_slice %arg7[%dma_start3A_155, %dma_start3A_156, %dma_start3A_157] : memref<3x2x128xi32, #tpu.memory_space<vmem>> -> memref<1x1x128xi32, #tpu.memory_space<vmem>>
    %dma_start3A_159 = tpu.memref_squeeze %dma_start3A_158 : memref<1x1x128xi32, #tpu.memory_space<vmem>> -> memref<128xi32, #tpu.memory_space<vmem>>
    %dma_start3A_160 = arith.constant 0 : i32
    %dma_start3A_161 = arith.constant 0 : i32
    %dma_start3A_162 = tpu.memref_slice %arg11[%dma_start3A_160, %dma_start3A_161] : memref<10000x128xf32, #tpu.memory_space<vmem_shared>> -> memref<10000x128xf32, #tpu.memory_space<vmem_shared>>
    tpu.enqueue_indirect_dma source(%arg9 : memref<128x128xf32, #tpu.memory_space<vmem>>) target(%dma_start3A_162 : memref<10000x128xf32, #tpu.memory_space<vmem_shared>>) offsets(%dma_start3A_159 : memref<128xi32, #tpu.memory_space<vmem>>) semaphore(%arg19 : memref<!tpu.dma_semaphore, #tpu.memory_space<semaphore_mem>>) {add = true}
    %dma_wait3A_163 = arith.constant 2 : i32
    %dma_wait3A_164 = arith.constant 0 : i32
    %dma_wait3A_165 = arith.constant 0 : i32
    %dma_wait3A_166 = tpu.memref_slice %arg7[%dma_wait3A_163, %dma_wait3A_164, %dma_wait3A_165] : memref<3x2x128xi32, #tpu.memory_space<vmem>> -> memref<1x1x128xi32, #tpu.memory_space<vmem>>
    %dma_wait3A_167 = tpu.memref_squeeze %dma_wait3A_166 : memref<1x1x128xi32, #tpu.memory_space<vmem>> -> memref<128xi32, #tpu.memory_space<vmem>>
    %dma_wait3A_168 = arith.constant 0 : i32
    %dma_wait3A_169 = arith.constant 0 : i32
    %dma_wait3A_170 = tpu.memref_slice %arg2[%dma_wait3A_168, %dma_wait3A_169] : memref<10000x128xf32, #tpu.memory_space<hbm>> -> memref<10000x128xf32, #tpu.memory_space<hbm>>
    tpu.wait_indirect_dma semaphore(%arg14 : memref<!tpu.dma_semaphore, #tpu.memory_space<semaphore_mem>>) src(%dma_wait3A_170 : memref<10000x128xf32, #tpu.memory_space<hbm>>) dst(%arg10 : memref<128x128xf32, #tpu.memory_space<vmem>>)
    %dma_start3A_171 = arith.constant 2 : i32
    %dma_start3A_172 = arith.constant 1 : i32
    %dma_start3A_173 = arith.constant 0 : i32
    %dma_start3A_174 = tpu.memref_slice %arg7[%dma_start3A_171, %dma_start3A_172, %dma_start3A_173] : memref<3x2x128xi32, #tpu.memory_space<vmem>> -> memref<1x1x128xi32, #tpu.memory_space<vmem>>
    %dma_start3A_175 = tpu.memref_squeeze %dma_start3A_174 : memref<1x1x128xi32, #tpu.memory_space<vmem>> -> memref<128xi32, #tpu.memory_space<vmem>>
    %dma_start3A_176 = arith.constant 0 : i32
    %dma_start3A_177 = arith.constant 0 : i32
    %dma_start3A_178 = tpu.memref_slice %arg11[%dma_start3A_176, %dma_start3A_177] : memref<10000x128xf32, #tpu.memory_space<vmem_shared>> -> memref<10000x128xf32, #tpu.memory_space<vmem_shared>>
    tpu.enqueue_indirect_dma source(%arg10 : memref<128x128xf32, #tpu.memory_space<vmem>>) target(%dma_start3A_178 : memref<10000x128xf32, #tpu.memory_space<vmem_shared>>) offsets(%dma_start3A_175 : memref<128xi32, #tpu.memory_space<vmem>>) semaphore(%arg20 : memref<!tpu.dma_semaphore, #tpu.memory_space<semaphore_mem>>) {add = true}
    %scan3A = arith.constant 0 : i32
    %scan3A_179 = arith.constant 1 : i32
    %scan3A_180 = arith.constant 12 : i32
    %scan3A_181 = arith.addi %scan3A_179, %scan3A_180 : i32
    %scan3A_182 = arith.constant 1 : i32
    scf.for %scan3A_220 = %scan3A_179 to %scan3A_181 step %scan3A_182  : i32 {
      %mul3A_221 = arith.constant 6 : i32
      %mul3A_222 = arith.muli %mul3A_221, %scan3A_220 : i32
      %add3A_223 = arith.addi %add3A_4, %mul3A_222 : i32
      %dma_wait3A_224 = arith.constant 0 : i32
      %dma_wait3A_225 = arith.constant 1 : i32
      %dma_wait3A_226 = arith.constant 0 : i32
      %dma_wait3A_227 = tpu.memref_slice %arg6[%dma_wait3A_224, %dma_wait3A_225, %dma_wait3A_226] : memref<3x2x128xi32, #tpu.memory_space<vmem>> -> memref<1x1x128xi32, #tpu.memory_space<vmem>>
      %dma_wait3A_228 = tpu.memref_squeeze %dma_wait3A_227 : memref<1x1x128xi32, #tpu.memory_space<vmem>> -> memref<128xi32, #tpu.memory_space<vmem>>
      %dma_wait3A_229 = arith.constant 0 : i32
      %dma_wait3A_230 = arith.constant 0 : i32
      %dma_wait3A_231 = tpu.memref_slice %arg11[%dma_wait3A_229, %dma_wait3A_230] : memref<10000x128xf32, #tpu.memory_space<vmem_shared>> -> memref<10000x128xf32, #tpu.memory_space<vmem_shared>>
      tpu.wait_indirect_dma semaphore(%arg18 : memref<!tpu.dma_semaphore, #tpu.memory_space<semaphore_mem>>) src(%arg8 : memref<128x128xf32, #tpu.memory_space<vmem>>) dst(%dma_wait3A_231 : memref<10000x128xf32, #tpu.memory_space<vmem_shared>>)
      %dma_start3A_232 = arith.constant 0 : i32
      %dma_start3A_233 = arith.constant 0 : i32
      %dma_start3A_234 = arith.constant 0 : i32
      %dma_start3A_235 = tpu.memref_slice %arg6[%dma_start3A_232, %dma_start3A_233, %dma_start3A_234] : memref<3x2x128xi32, #tpu.memory_space<vmem>> -> memref<1x1x128xi32, #tpu.memory_space<vmem>>
      %dma_start3A_236 = tpu.memref_squeeze %dma_start3A_235 : memref<1x1x128xi32, #tpu.memory_space<vmem>> -> memref<128xi32, #tpu.memory_space<vmem>>
      %dma_start3A_237 = arith.constant 0 : i32
      %dma_start3A_238 = arith.constant 0 : i32
      %dma_start3A_239 = tpu.memref_slice %arg2[%dma_start3A_237, %dma_start3A_238] : memref<10000x128xf32, #tpu.memory_space<hbm>> -> memref<10000x128xf32, #tpu.memory_space<hbm>>
      tpu.enqueue_indirect_dma source(%dma_start3A_239 : memref<10000x128xf32, #tpu.memory_space<hbm>>) target(%arg8 : memref<128x128xf32, #tpu.memory_space<vmem>>) offsets(%dma_start3A_236 : memref<128xi32, #tpu.memory_space<vmem>>) semaphore(%arg12 : memref<!tpu.dma_semaphore, #tpu.memory_space<semaphore_mem>>)
      %dma_wait3A_240 = arith.constant 0 : i32
      %dma_wait3A_241 = arith.constant 1 : i32
      %dma_wait3A_242 = arith.constant 0 : i32
      %dma_wait3A_243 = tpu.memref_slice %arg6[%dma_wait3A_240, %dma_wait3A_241, %dma_wait3A_242] : memref<3x2x128xi32, #tpu.memory_space<vmem>> -> memref<1x1x128xi32, #tpu.memory_space<vmem>>
      %dma_wait3A_244 = tpu.memref_squeeze %dma_wait3A_243 : memref<1x1x128xi32, #tpu.memory_space<vmem>> -> memref<128xi32, #tpu.memory_space<vmem>>
      %dma_wait3A_245 = arith.constant 0 : i32
      %dma_wait3A_246 = arith.constant 0 : i32
      %dma_wait3A_247 = tpu.memref_slice %arg11[%dma_wait3A_245, %dma_wait3A_246] : memref<10000x128xf32, #tpu.memory_space<vmem_shared>> -> memref<10000x128xf32, #tpu.memory_space<vmem_shared>>
      tpu.wait_indirect_dma semaphore(%arg19 : memref<!tpu.dma_semaphore, #tpu.memory_space<semaphore_mem>>) src(%arg9 : memref<128x128xf32, #tpu.memory_space<vmem>>) dst(%dma_wait3A_247 : memref<10000x128xf32, #tpu.memory_space<vmem_shared>>)
      %dma_start3A_248 = arith.constant 1 : i32
      %dma_start3A_249 = arith.constant 0 : i32
      %dma_start3A_250 = arith.constant 0 : i32
      %dma_start3A_251 = tpu.memref_slice %arg6[%dma_start3A_248, %dma_start3A_249, %dma_start3A_250] : memref<3x2x128xi32, #tpu.memory_space<vmem>> -> memref<1x1x128xi32, #tpu.memory_space<vmem>>
      %dma_start3A_252 = tpu.memref_squeeze %dma_start3A_251 : memref<1x1x128xi32, #tpu.memory_space<vmem>> -> memref<128xi32, #tpu.memory_space<vmem>>
      %dma_start3A_253 = arith.constant 0 : i32
      %dma_start3A_254 = arith.constant 0 : i32
      %dma_start3A_255 = tpu.memref_slice %arg2[%dma_start3A_253, %dma_start3A_254] : memref<10000x128xf32, #tpu.memory_space<hbm>> -> memref<10000x128xf32, #tpu.memory_space<hbm>>
      tpu.enqueue_indirect_dma source(%dma_start3A_255 : memref<10000x128xf32, #tpu.memory_space<hbm>>) target(%arg9 : memref<128x128xf32, #tpu.memory_space<vmem>>) offsets(%dma_start3A_252 : memref<128xi32, #tpu.memory_space<vmem>>) semaphore(%arg13 : memref<!tpu.dma_semaphore, #tpu.memory_space<semaphore_mem>>)
      %dma_wait3A_256 = arith.constant 0 : i32
      %dma_wait3A_257 = arith.constant 1 : i32
      %dma_wait3A_258 = arith.constant 0 : i32
      %dma_wait3A_259 = tpu.memref_slice %arg6[%dma_wait3A_256, %dma_wait3A_257, %dma_wait3A_258] : memref<3x2x128xi32, #tpu.memory_space<vmem>> -> memref<1x1x128xi32, #tpu.memory_space<vmem>>
      %dma_wait3A_260 = tpu.memref_squeeze %dma_wait3A_259 : memref<1x1x128xi32, #tpu.memory_space<vmem>> -> memref<128xi32, #tpu.memory_space<vmem>>
      %dma_wait3A_261 = arith.constant 0 : i32
      %dma_wait3A_262 = arith.constant 0 : i32
      %dma_wait3A_263 = tpu.memref_slice %arg11[%dma_wait3A_261, %dma_wait3A_262] : memref<10000x128xf32, #tpu.memory_space<vmem_shared>> -> memref<10000x128xf32, #tpu.memory_space<vmem_shared>>
      tpu.wait_indirect_dma semaphore(%arg20 : memref<!tpu.dma_semaphore, #tpu.memory_space<semaphore_mem>>) src(%arg10 : memref<128x128xf32, #tpu.memory_space<vmem>>) dst(%dma_wait3A_263 : memref<10000x128xf32, #tpu.memory_space<vmem_shared>>)
      %dma_start3A_264 = arith.constant 2 : i32
      %dma_start3A_265 = arith.constant 0 : i32
      %dma_start3A_266 = arith.constant 0 : i32
      %dma_start3A_267 = tpu.memref_slice %arg6[%dma_start3A_264, %dma_start3A_265, %dma_start3A_266] : memref<3x2x128xi32, #tpu.memory_space<vmem>> -> memref<1x1x128xi32, #tpu.memory_space<vmem>>
      %dma_start3A_268 = tpu.memref_squeeze %dma_start3A_267 : memref<1x1x128xi32, #tpu.memory_space<vmem>> -> memref<128xi32, #tpu.memory_space<vmem>>
      %dma_start3A_269 = arith.constant 0 : i32
      %dma_start3A_270 = arith.constant 0 : i32
      %dma_start3A_271 = tpu.memref_slice %arg2[%dma_start3A_269, %dma_start3A_270] : memref<10000x128xf32, #tpu.memory_space<hbm>> -> memref<10000x128xf32, #tpu.memory_space<hbm>>
      tpu.enqueue_indirect_dma source(%dma_start3A_271 : memref<10000x128xf32, #tpu.memory_space<hbm>>) target(%arg10 : memref<128x128xf32, #tpu.memory_space<vmem>>) offsets(%dma_start3A_268 : memref<128xi32, #tpu.memory_space<vmem>>) semaphore(%arg14 : memref<!tpu.dma_semaphore, #tpu.memory_space<semaphore_mem>>)
      %add3A_272 = arith.constant 3 : i32
      %add3A_273 = arith.addi %add3A_223, %add3A_272 : i32
      "tpu.region"() ({
        %run_scoped3A = tpu.sem_alloc : memref<!tpu.dma_semaphore, #tpu.memory_space<semaphore_mem>>
        %dma_start3A_420 = arith.constant 0 : i32
        %dma_start3A_421 = arith.constant 0 : i32
        %dma_start3A_422 = tpu.memref_slice %arg3[%add3A_273, %dma_start3A_420, %dma_start3A_421] : memref<2512x2x128xi32, #tpu.memory_space<hbm>> -> memref<3x2x128xi32, #tpu.memory_space<hbm>>
        %dma_start3A_423 = arith.constant 0 : i32
        %dma_start3A_424 = arith.constant 0 : i32
        %dma_start3A_425 = tpu.memref_slice %arg3[%add3A_273, %dma_start3A_423, %dma_start3A_424] : memref<2512x2x128xi32, #tpu.memory_space<hbm>> -> memref<3x2x128xi32, #tpu.memory_space<hbm>>
        tpu.enqueue_dma source(%dma_start3A_425 : memref<3x2x128xi32, #tpu.memory_space<hbm>>) target(%arg7 : memref<3x2x128xi32, #tpu.memory_space<vmem>>) target_semaphore(%run_scoped3A : memref<!tpu.dma_semaphore, #tpu.memory_space<semaphore_mem>>)
        %dma_wait3A_426 = arith.constant 0 : i32
        %dma_wait3A_427 = arith.constant 0 : i32
        %dma_wait3A_428 = tpu.memref_slice %arg3[%add3A_273, %dma_wait3A_426, %dma_wait3A_427] : memref<2512x2x128xi32, #tpu.memory_space<hbm>> -> memref<3x2x128xi32, #tpu.memory_space<hbm>>
        %dma_wait3A_429 = arith.constant 0 : i32
        %dma_wait3A_430 = arith.constant 0 : i32
        %dma_wait3A_431 = tpu.memref_slice %arg3[%add3A_273, %dma_wait3A_429, %dma_wait3A_430] : memref<2512x2x128xi32, #tpu.memory_space<hbm>> -> memref<3x2x128xi32, #tpu.memory_space<hbm>>
        tpu.wait_dma2 semaphore(%run_scoped3A : memref<!tpu.dma_semaphore, #tpu.memory_space<semaphore_mem>>) src(%dma_wait3A_431 : memref<3x2x128xi32, #tpu.memory_space<hbm>>) dst(%arg7 : memref<3x2x128xi32, #tpu.memory_space<vmem>>)
        tpu.yield
      }) : () -> ()
      %dma_wait3A_274 = arith.constant 0 : i32
      %dma_wait3A_275 = arith.constant 0 : i32
      %dma_wait3A_276 = arith.constant 0 : i32
      %dma_wait3A_277 = tpu.memref_slice %arg6[%dma_wait3A_274, %dma_wait3A_275, %dma_wait3A_276] : memref<3x2x128xi32, #tpu.memory_space<vmem>> -> memref<1x1x128xi32, #tpu.memory_space<vmem>>
      %dma_wait3A_278 = tpu.memref_squeeze %dma_wait3A_277 : memref<1x1x128xi32, #tpu.memory_space<vmem>> -> memref<128xi32, #tpu.memory_space<vmem>>
      %dma_wait3A_279 = arith.constant 0 : i32
      %dma_wait3A_280 = arith.constant 0 : i32
      %dma_wait3A_281 = tpu.memref_slice %arg2[%dma_wait3A_279, %dma_wait3A_280] : memref<10000x128xf32, #tpu.memory_space<hbm>> -> memref<10000x128xf32, #tpu.memory_space<hbm>>
      tpu.wait_indirect_dma semaphore(%arg12 : memref<!tpu.dma_semaphore, #tpu.memory_space<semaphore_mem>>) src(%dma_wait3A_281 : memref<10000x128xf32, #tpu.memory_space<hbm>>) dst(%arg8 : memref<128x128xf32, #tpu.memory_space<vmem>>)
      %dma_start3A_282 = arith.constant 0 : i32
      %dma_start3A_283 = arith.constant 1 : i32
      %dma_start3A_284 = arith.constant 0 : i32
      %dma_start3A_285 = tpu.memref_slice %arg6[%dma_start3A_282, %dma_start3A_283, %dma_start3A_284] : memref<3x2x128xi32, #tpu.memory_space<vmem>> -> memref<1x1x128xi32, #tpu.memory_space<vmem>>
      %dma_start3A_286 = tpu.memref_squeeze %dma_start3A_285 : memref<1x1x128xi32, #tpu.memory_space<vmem>> -> memref<128xi32, #tpu.memory_space<vmem>>
      %dma_start3A_287 = arith.constant 0 : i32
      %dma_start3A_288 = arith.constant 0 : i32
      %dma_start3A_289 = tpu.memref_slice %arg11[%dma_start3A_287, %dma_start3A_288] : memref<10000x128xf32, #tpu.memory_space<vmem_shared>> -> memref<10000x128xf32, #tpu.memory_space<vmem_shared>>
      tpu.enqueue_indirect_dma source(%arg8 : memref<128x128xf32, #tpu.memory_space<vmem>>) target(%dma_start3A_289 : memref<10000x128xf32, #tpu.memory_space<vmem_shared>>) offsets(%dma_start3A_286 : memref<128xi32, #tpu.memory_space<vmem>>) semaphore(%arg15 : memref<!tpu.dma_semaphore, #tpu.memory_space<semaphore_mem>>) {add = true}
      %dma_wait3A_290 = arith.constant 1 : i32
      %dma_wait3A_291 = arith.constant 0 : i32
      %dma_wait3A_292 = arith.constant 0 : i32
      %dma_wait3A_293 = tpu.memref_slice %arg6[%dma_wait3A_290, %dma_wait3A_291, %dma_wait3A_292] : memref<3x2x128xi32, #tpu.memory_space<vmem>> -> memref<1x1x128xi32, #tpu.memory_space<vmem>>
      %dma_wait3A_294 = tpu.memref_squeeze %dma_wait3A_293 : memref<1x1x128xi32, #tpu.memory_space<vmem>> -> memref<128xi32, #tpu.memory_space<vmem>>
      %dma_wait3A_295 = arith.constant 0 : i32
      %dma_wait3A_296 = arith.constant 0 : i32
      %dma_wait3A_297 = tpu.memref_slice %arg2[%dma_wait3A_295, %dma_wait3A_296] : memref<10000x128xf32, #tpu.memory_space<hbm>> -> memref<10000x128xf32, #tpu.memory_space<hbm>>
      tpu.wait_indirect_dma semaphore(%arg13 : memref<!tpu.dma_semaphore, #tpu.memory_space<semaphore_mem>>) src(%dma_wait3A_297 : memref<10000x128xf32, #tpu.memory_space<hbm>>) dst(%arg9 : memref<128x128xf32, #tpu.memory_space<vmem>>)
      %dma_start3A_298 = arith.constant 1 : i32
      %dma_start3A_299 = arith.constant 1 : i32
      %dma_start3A_300 = arith.constant 0 : i32
      %dma_start3A_301 = tpu.memref_slice %arg6[%dma_start3A_298, %dma_start3A_299, %dma_start3A_300] : memref<3x2x128xi32, #tpu.memory_space<vmem>> -> memref<1x1x128xi32, #tpu.memory_space<vmem>>
      %dma_start3A_302 = tpu.memref_squeeze %dma_start3A_301 : memref<1x1x128xi32, #tpu.memory_space<vmem>> -> memref<128xi32, #tpu.memory_space<vmem>>
      %dma_start3A_303 = arith.constant 0 : i32
      %dma_start3A_304 = arith.constant 0 : i32
      %dma_start3A_305 = tpu.memref_slice %arg11[%dma_start3A_303, %dma_start3A_304] : memref<10000x128xf32, #tpu.memory_space<vmem_shared>> -> memref<10000x128xf32, #tpu.memory_space<vmem_shared>>
      tpu.enqueue_indirect_dma source(%arg9 : memref<128x128xf32, #tpu.memory_space<vmem>>) target(%dma_start3A_305 : memref<10000x128xf32, #tpu.memory_space<vmem_shared>>) offsets(%dma_start3A_302 : memref<128xi32, #tpu.memory_space<vmem>>) semaphore(%arg16 : memref<!tpu.dma_semaphore, #tpu.memory_space<semaphore_mem>>) {add = true}
      %dma_wait3A_306 = arith.constant 2 : i32
      %dma_wait3A_307 = arith.constant 0 : i32
      %dma_wait3A_308 = arith.constant 0 : i32
      %dma_wait3A_309 = tpu.memref_slice %arg6[%dma_wait3A_306, %dma_wait3A_307, %dma_wait3A_308] : memref<3x2x128xi32, #tpu.memory_space<vmem>> -> memref<1x1x128xi32, #tpu.memory_space<vmem>>
      %dma_wait3A_310 = tpu.memref_squeeze %dma_wait3A_309 : memref<1x1x128xi32, #tpu.memory_space<vmem>> -> memref<128xi32, #tpu.memory_space<vmem>>
      %dma_wait3A_311 = arith.constant 0 : i32
      %dma_wait3A_312 = arith.constant 0 : i32
      %dma_wait3A_313 = tpu.memref_slice %arg2[%dma_wait3A_311, %dma_wait3A_312] : memref<10000x128xf32, #tpu.memory_space<hbm>> -> memref<10000x128xf32, #tpu.memory_space<hbm>>
      tpu.wait_indirect_dma semaphore(%arg14 : memref<!tpu.dma_semaphore, #tpu.memory_space<semaphore_mem>>) src(%dma_wait3A_313 : memref<10000x128xf32, #tpu.memory_space<hbm>>) dst(%arg10 : memref<128x128xf32, #tpu.memory_space<vmem>>)
      %dma_start3A_314 = arith.constant 2 : i32
      %dma_start3A_315 = arith.constant 1 : i32
      %dma_start3A_316 = arith.constant 0 : i32
      %dma_start3A_317 = tpu.memref_slice %arg6[%dma_start3A_314, %dma_start3A_315, %dma_start3A_316] : memref<3x2x128xi32, #tpu.memory_space<vmem>> -> memref<1x1x128xi32, #tpu.memory_space<vmem>>
      %dma_start3A_318 = tpu.memref_squeeze %dma_start3A_317 : memref<1x1x128xi32, #tpu.memory_space<vmem>> -> memref<128xi32, #tpu.memory_space<vmem>>
      %dma_start3A_319 = arith.constant 0 : i32
      %dma_start3A_320 = arith.constant 0 : i32
      %dma_start3A_321 = tpu.memref_slice %arg11[%dma_start3A_319, %dma_start3A_320] : memref<10000x128xf32, #tpu.memory_space<vmem_shared>> -> memref<10000x128xf32, #tpu.memory_space<vmem_shared>>
      tpu.enqueue_indirect_dma source(%arg10 : memref<128x128xf32, #tpu.memory_space<vmem>>) target(%dma_start3A_321 : memref<10000x128xf32, #tpu.memory_space<vmem_shared>>) offsets(%dma_start3A_318 : memref<128xi32, #tpu.memory_space<vmem>>) semaphore(%arg17 : memref<!tpu.dma_semaphore, #tpu.memory_space<semaphore_mem>>) {add = true}
      %dma_wait3A_322 = arith.constant 0 : i32
      %dma_wait3A_323 = arith.constant 1 : i32
      %dma_wait3A_324 = arith.constant 0 : i32
      %dma_wait3A_325 = tpu.memref_slice %arg6[%dma_wait3A_322, %dma_wait3A_323, %dma_wait3A_324] : memref<3x2x128xi32, #tpu.memory_space<vmem>> -> memref<1x1x128xi32, #tpu.memory_space<vmem>>
      %dma_wait3A_326 = tpu.memref_squeeze %dma_wait3A_325 : memref<1x1x128xi32, #tpu.memory_space<vmem>> -> memref<128xi32, #tpu.memory_space<vmem>>
      %dma_wait3A_327 = arith.constant 0 : i32
      %dma_wait3A_328 = arith.constant 0 : i32
      %dma_wait3A_329 = tpu.memref_slice %arg11[%dma_wait3A_327, %dma_wait3A_328] : memref<10000x128xf32, #tpu.memory_space<vmem_shared>> -> memref<10000x128xf32, #tpu.memory_space<vmem_shared>>
      tpu.wait_indirect_dma semaphore(%arg15 : memref<!tpu.dma_semaphore, #tpu.memory_space<semaphore_mem>>) src(%arg8 : memref<128x128xf32, #tpu.memory_space<vmem>>) dst(%dma_wait3A_329 : memref<10000x128xf32, #tpu.memory_space<vmem_shared>>)
      %dma_start3A_330 = arith.constant 0 : i32
      %dma_start3A_331 = arith.constant 0 : i32
      %dma_start3A_332 = arith.constant 0 : i32
      %dma_start3A_333 = tpu.memref_slice %arg7[%dma_start3A_330, %dma_start3A_331, %dma_start3A_332] : memref<3x2x128xi32, #tpu.memory_space<vmem>> -> memref<1x1x128xi32, #tpu.memory_space<vmem>>
      %dma_start3A_334 = tpu.memref_squeeze %dma_start3A_333 : memref<1x1x128xi32, #tpu.memory_space<vmem>> -> memref<128xi32, #tpu.memory_space<vmem>>
      %dma_start3A_335 = arith.constant 0 : i32
      %dma_start3A_336 = arith.constant 0 : i32
      %dma_start3A_337 = tpu.memref_slice %arg2[%dma_start3A_335, %dma_start3A_336] : memref<10000x128xf32, #tpu.memory_space<hbm>> -> memref<10000x128xf32, #tpu.memory_space<hbm>>
      tpu.enqueue_indirect_dma source(%dma_start3A_337 : memref<10000x128xf32, #tpu.memory_space<hbm>>) target(%arg8 : memref<128x128xf32, #tpu.memory_space<vmem>>) offsets(%dma_start3A_334 : memref<128xi32, #tpu.memory_space<vmem>>) semaphore(%arg12 : memref<!tpu.dma_semaphore, #tpu.memory_space<semaphore_mem>>)
      %dma_wait3A_338 = arith.constant 1 : i32
      %dma_wait3A_339 = arith.constant 1 : i32
      %dma_wait3A_340 = arith.constant 0 : i32
      %dma_wait3A_341 = tpu.memref_slice %arg6[%dma_wait3A_338, %dma_wait3A_339, %dma_wait3A_340] : memref<3x2x128xi32, #tpu.memory_space<vmem>> -> memref<1x1x128xi32, #tpu.memory_space<vmem>>
      %dma_wait3A_342 = tpu.memref_squeeze %dma_wait3A_341 : memref<1x1x128xi32, #tpu.memory_space<vmem>> -> memref<128xi32, #tpu.memory_space<vmem>>
      %dma_wait3A_343 = arith.constant 0 : i32
      %dma_wait3A_344 = arith.constant 0 : i32
      %dma_wait3A_345 = tpu.memref_slice %arg11[%dma_wait3A_343, %dma_wait3A_344] : memref<10000x128xf32, #tpu.memory_space<vmem_shared>> -> memref<10000x128xf32, #tpu.memory_space<vmem_shared>>
      tpu.wait_indirect_dma semaphore(%arg16 : memref<!tpu.dma_semaphore, #tpu.memory_space<semaphore_mem>>) src(%arg9 : memref<128x128xf32, #tpu.memory_space<vmem>>) dst(%dma_wait3A_345 : memref<10000x128xf32, #tpu.memory_space<vmem_shared>>)
      %dma_start3A_346 = arith.constant 1 : i32
      %dma_start3A_347 = arith.constant 0 : i32
      %dma_start3A_348 = arith.constant 0 : i32
      %dma_start3A_349 = tpu.memref_slice %arg7[%dma_start3A_346, %dma_start3A_347, %dma_start3A_348] : memref<3x2x128xi32, #tpu.memory_space<vmem>> -> memref<1x1x128xi32, #tpu.memory_space<vmem>>
      %dma_start3A_350 = tpu.memref_squeeze %dma_start3A_349 : memref<1x1x128xi32, #tpu.memory_space<vmem>> -> memref<128xi32, #tpu.memory_space<vmem>>
      %dma_start3A_351 = arith.constant 0 : i32
      %dma_start3A_352 = arith.constant 0 : i32
      %dma_start3A_353 = tpu.memref_slice %arg2[%dma_start3A_351, %dma_start3A_352] : memref<10000x128xf32, #tpu.memory_space<hbm>> -> memref<10000x128xf32, #tpu.memory_space<hbm>>
      tpu.enqueue_indirect_dma source(%dma_start3A_353 : memref<10000x128xf32, #tpu.memory_space<hbm>>) target(%arg9 : memref<128x128xf32, #tpu.memory_space<vmem>>) offsets(%dma_start3A_350 : memref<128xi32, #tpu.memory_space<vmem>>) semaphore(%arg13 : memref<!tpu.dma_semaphore, #tpu.memory_space<semaphore_mem>>)
      %dma_wait3A_354 = arith.constant 2 : i32
      %dma_wait3A_355 = arith.constant 1 : i32
      %dma_wait3A_356 = arith.constant 0 : i32
      %dma_wait3A_357 = tpu.memref_slice %arg6[%dma_wait3A_354, %dma_wait3A_355, %dma_wait3A_356] : memref<3x2x128xi32, #tpu.memory_space<vmem>> -> memref<1x1x128xi32, #tpu.memory_space<vmem>>
      %dma_wait3A_358 = tpu.memref_squeeze %dma_wait3A_357 : memref<1x1x128xi32, #tpu.memory_space<vmem>> -> memref<128xi32, #tpu.memory_space<vmem>>
      %dma_wait3A_359 = arith.constant 0 : i32
      %dma_wait3A_360 = arith.constant 0 : i32
      %dma_wait3A_361 = tpu.memref_slice %arg11[%dma_wait3A_359, %dma_wait3A_360] : memref<10000x128xf32, #tpu.memory_space<vmem_shared>> -> memref<10000x128xf32, #tpu.memory_space<vmem_shared>>
      tpu.wait_indirect_dma semaphore(%arg17 : memref<!tpu.dma_semaphore, #tpu.memory_space<semaphore_mem>>) src(%arg10 : memref<128x128xf32, #tpu.memory_space<vmem>>) dst(%dma_wait3A_361 : memref<10000x128xf32, #tpu.memory_space<vmem_shared>>)
      %dma_start3A_362 = arith.constant 2 : i32
      %dma_start3A_363 = arith.constant 0 : i32
      %dma_start3A_364 = arith.constant 0 : i32
      %dma_start3A_365 = tpu.memref_slice %arg7[%dma_start3A_362, %dma_start3A_363, %dma_start3A_364] : memref<3x2x128xi32, #tpu.memory_space<vmem>> -> memref<1x1x128xi32, #tpu.memory_space<vmem>>
      %dma_start3A_366 = tpu.memref_squeeze %dma_start3A_365 : memref<1x1x128xi32, #tpu.memory_space<vmem>> -> memref<128xi32, #tpu.memory_space<vmem>>
      %dma_start3A_367 = arith.constant 0 : i32
      %dma_start3A_368 = arith.constant 0 : i32
      %dma_start3A_369 = tpu.memref_slice %arg2[%dma_start3A_367, %dma_start3A_368] : memref<10000x128xf32, #tpu.memory_space<hbm>> -> memref<10000x128xf32, #tpu.memory_space<hbm>>
      tpu.enqueue_indirect_dma source(%dma_start3A_369 : memref<10000x128xf32, #tpu.memory_space<hbm>>) target(%arg10 : memref<128x128xf32, #tpu.memory_space<vmem>>) offsets(%dma_start3A_366 : memref<128xi32, #tpu.memory_space<vmem>>) semaphore(%arg14 : memref<!tpu.dma_semaphore, #tpu.memory_space<semaphore_mem>>)
      %add3A_370 = arith.constant 6 : i32
      %add3A_371 = arith.addi %add3A_223, %add3A_370 : i32
      "tpu.region"() ({
        %run_scoped3A = tpu.sem_alloc : memref<!tpu.dma_semaphore, #tpu.memory_space<semaphore_mem>>
        %dma_start3A_420 = arith.constant 0 : i32
        %dma_start3A_421 = arith.constant 0 : i32
        %dma_start3A_422 = tpu.memref_slice %arg3[%add3A_371, %dma_start3A_420, %dma_start3A_421] : memref<2512x2x128xi32, #tpu.memory_space<hbm>> -> memref<3x2x128xi32, #tpu.memory_space<hbm>>
        %dma_start3A_423 = arith.constant 0 : i32
        %dma_start3A_424 = arith.constant 0 : i32
        %dma_start3A_425 = tpu.memref_slice %arg3[%add3A_371, %dma_start3A_423, %dma_start3A_424] : memref<2512x2x128xi32, #tpu.memory_space<hbm>> -> memref<3x2x128xi32, #tpu.memory_space<hbm>>
        tpu.enqueue_dma source(%dma_start3A_425 : memref<3x2x128xi32, #tpu.memory_space<hbm>>) target(%arg6 : memref<3x2x128xi32, #tpu.memory_space<vmem>>) target_semaphore(%run_scoped3A : memref<!tpu.dma_semaphore, #tpu.memory_space<semaphore_mem>>)
        %dma_wait3A_426 = arith.constant 0 : i32
        %dma_wait3A_427 = arith.constant 0 : i32
        %dma_wait3A_428 = tpu.memref_slice %arg3[%add3A_371, %dma_wait3A_426, %dma_wait3A_427] : memref<2512x2x128xi32, #tpu.memory_space<hbm>> -> memref<3x2x128xi32, #tpu.memory_space<hbm>>
        %dma_wait3A_429 = arith.constant 0 : i32
        %dma_wait3A_430 = arith.constant 0 : i32
        %dma_wait3A_431 = tpu.memref_slice %arg3[%add3A_371, %dma_wait3A_429, %dma_wait3A_430] : memref<2512x2x128xi32, #tpu.memory_space<hbm>> -> memref<3x2x128xi32, #tpu.memory_space<hbm>>
        tpu.wait_dma2 semaphore(%run_scoped3A : memref<!tpu.dma_semaphore, #tpu.memory_space<semaphore_mem>>) src(%dma_wait3A_431 : memref<3x2x128xi32, #tpu.memory_space<hbm>>) dst(%arg6 : memref<3x2x128xi32, #tpu.memory_space<vmem>>)
        tpu.yield
      }) : () -> ()
      %dma_wait3A_372 = arith.constant 0 : i32
      %dma_wait3A_373 = arith.constant 0 : i32
      %dma_wait3A_374 = arith.constant 0 : i32
      %dma_wait3A_375 = tpu.memref_slice %arg7[%dma_wait3A_372, %dma_wait3A_373, %dma_wait3A_374] : memref<3x2x128xi32, #tpu.memory_space<vmem>> -> memref<1x1x128xi32, #tpu.memory_space<vmem>>
      %dma_wait3A_376 = tpu.memref_squeeze %dma_wait3A_375 : memref<1x1x128xi32, #tpu.memory_space<vmem>> -> memref<128xi32, #tpu.memory_space<vmem>>
      %dma_wait3A_377 = arith.constant 0 : i32
      %dma_wait3A_378 = arith.constant 0 : i32
      %dma_wait3A_379 = tpu.memref_slice %arg2[%dma_wait3A_377, %dma_wait3A_378] : memref<10000x128xf32, #tpu.memory_space<hbm>> -> memref<10000x128xf32, #tpu.memory_space<hbm>>
      tpu.wait_indirect_dma semaphore(%arg12 : memref<!tpu.dma_semaphore, #tpu.memory_space<semaphore_mem>>) src(%dma_wait3A_379 : memref<10000x128xf32, #tpu.memory_space<hbm>>) dst(%arg8 : memref<128x128xf32, #tpu.memory_space<vmem>>)
      %dma_start3A_380 = arith.constant 0 : i32
      %dma_start3A_381 = arith.constant 1 : i32
      %dma_start3A_382 = arith.constant 0 : i32
      %dma_start3A_383 = tpu.memref_slice %arg7[%dma_start3A_380, %dma_start3A_381, %dma_start3A_382] : memref<3x2x128xi32, #tpu.memory_space<vmem>> -> memref<1x1x128xi32, #tpu.memory_space<vmem>>
      %dma_start3A_384 = tpu.memref_squeeze %dma_start3A_383 : memref<1x1x128xi32, #tpu.memory_space<vmem>> -> memref<128xi32, #tpu.memory_space<vmem>>
      %dma_start3A_385 = arith.constant 0 : i32
      %dma_start3A_386 = arith.constant 0 : i32
      %dma_start3A_387 = tpu.memref_slice %arg11[%dma_start3A_385, %dma_start3A_386] : memref<10000x128xf32, #tpu.memory_space<vmem_shared>> -> memref<10000x128xf32, #tpu.memory_space<vmem_shared>>
      tpu.enqueue_indirect_dma source(%arg8 : memref<128x128xf32, #tpu.memory_space<vmem>>) target(%dma_start3A_387 : memref<10000x128xf32, #tpu.memory_space<vmem_shared>>) offsets(%dma_start3A_384 : memref<128xi32, #tpu.memory_space<vmem>>) semaphore(%arg18 : memref<!tpu.dma_semaphore, #tpu.memory_space<semaphore_mem>>) {add = true}
      %dma_wait3A_388 = arith.constant 1 : i32
      %dma_wait3A_389 = arith.constant 0 : i32
      %dma_wait3A_390 = arith.constant 0 : i32
      %dma_wait3A_391 = tpu.memref_slice %arg7[%dma_wait3A_388, %dma_wait3A_389, %dma_wait3A_390] : memref<3x2x128xi32, #tpu.memory_space<vmem>> -> memref<1x1x128xi32, #tpu.memory_space<vmem>>
      %dma_wait3A_392 = tpu.memref_squeeze %dma_wait3A_391 : memref<1x1x128xi32, #tpu.memory_space<vmem>> -> memref<128xi32, #tpu.memory_space<vmem>>
      %dma_wait3A_393 = arith.constant 0 : i32
      %dma_wait3A_394 = arith.constant 0 : i32
      %dma_wait3A_395 = tpu.memref_slice %arg2[%dma_wait3A_393, %dma_wait3A_394] : memref<10000x128xf32, #tpu.memory_space<hbm>> -> memref<10000x128xf32, #tpu.memory_space<hbm>>
      tpu.wait_indirect_dma semaphore(%arg13 : memref<!tpu.dma_semaphore, #tpu.memory_space<semaphore_mem>>) src(%dma_wait3A_395 : memref<10000x128xf32, #tpu.memory_space<hbm>>) dst(%arg9 : memref<128x128xf32, #tpu.memory_space<vmem>>)
      %dma_start3A_396 = arith.constant 1 : i32
      %dma_start3A_397 = arith.constant 1 : i32
      %dma_start3A_398 = arith.constant 0 : i32
      %dma_start3A_399 = tpu.memref_slice %arg7[%dma_start3A_396, %dma_start3A_397, %dma_start3A_398] : memref<3x2x128xi32, #tpu.memory_space<vmem>> -> memref<1x1x128xi32, #tpu.memory_space<vmem>>
      %dma_start3A_400 = tpu.memref_squeeze %dma_start3A_399 : memref<1x1x128xi32, #tpu.memory_space<vmem>> -> memref<128xi32, #tpu.memory_space<vmem>>
      %dma_start3A_401 = arith.constant 0 : i32
      %dma_start3A_402 = arith.constant 0 : i32
      %dma_start3A_403 = tpu.memref_slice %arg11[%dma_start3A_401, %dma_start3A_402] : memref<10000x128xf32, #tpu.memory_space<vmem_shared>> -> memref<10000x128xf32, #tpu.memory_space<vmem_shared>>
      tpu.enqueue_indirect_dma source(%arg9 : memref<128x128xf32, #tpu.memory_space<vmem>>) target(%dma_start3A_403 : memref<10000x128xf32, #tpu.memory_space<vmem_shared>>) offsets(%dma_start3A_400 : memref<128xi32, #tpu.memory_space<vmem>>) semaphore(%arg19 : memref<!tpu.dma_semaphore, #tpu.memory_space<semaphore_mem>>) {add = true}
      %dma_wait3A_404 = arith.constant 2 : i32
      %dma_wait3A_405 = arith.constant 0 : i32
      %dma_wait3A_406 = arith.constant 0 : i32
      %dma_wait3A_407 = tpu.memref_slice %arg7[%dma_wait3A_404, %dma_wait3A_405, %dma_wait3A_406] : memref<3x2x128xi32, #tpu.memory_space<vmem>> -> memref<1x1x128xi32, #tpu.memory_space<vmem>>
      %dma_wait3A_408 = tpu.memref_squeeze %dma_wait3A_407 : memref<1x1x128xi32, #tpu.memory_space<vmem>> -> memref<128xi32, #tpu.memory_space<vmem>>
      %dma_wait3A_409 = arith.constant 0 : i32
      %dma_wait3A_410 = arith.constant 0 : i32
      %dma_wait3A_411 = tpu.memref_slice %arg2[%dma_wait3A_409, %dma_wait3A_410] : memref<10000x128xf32, #tpu.memory_space<hbm>> -> memref<10000x128xf32, #tpu.memory_space<hbm>>
      tpu.wait_indirect_dma semaphore(%arg14 : memref<!tpu.dma_semaphore, #tpu.memory_space<semaphore_mem>>) src(%dma_wait3A_411 : memref<10000x128xf32, #tpu.memory_space<hbm>>) dst(%arg10 : memref<128x128xf32, #tpu.memory_space<vmem>>)
      %dma_start3A_412 = arith.constant 2 : i32
      %dma_start3A_413 = arith.constant 1 : i32
      %dma_start3A_414 = arith.constant 0 : i32
      %dma_start3A_415 = tpu.memref_slice %arg7[%dma_start3A_412, %dma_start3A_413, %dma_start3A_414] : memref<3x2x128xi32, #tpu.memory_space<vmem>> -> memref<1x1x128xi32, #tpu.memory_space<vmem>>
      %dma_start3A_416 = tpu.memref_squeeze %dma_start3A_415 : memref<1x1x128xi32, #tpu.memory_space<vmem>> -> memref<128xi32, #tpu.memory_space<vmem>>
      %dma_start3A_417 = arith.constant 0 : i32
      %dma_start3A_418 = arith.constant 0 : i32
      %dma_start3A_419 = tpu.memref_slice %arg11[%dma_start3A_417, %dma_start3A_418] : memref<10000x128xf32, #tpu.memory_space<vmem_shared>> -> memref<10000x128xf32, #tpu.memory_space<vmem_shared>>
      tpu.enqueue_indirect_dma source(%arg10 : memref<128x128xf32, #tpu.memory_space<vmem>>) target(%dma_start3A_419 : memref<10000x128xf32, #tpu.memory_space<vmem_shared>>) offsets(%dma_start3A_416 : memref<128xi32, #tpu.memory_space<vmem>>) semaphore(%arg20 : memref<!tpu.dma_semaphore, #tpu.memory_space<semaphore_mem>>) {add = true}
    }
    %scan3A_183 = arith.constant 12 : i32
    %dma_wait3A_184 = arith.constant 0 : i32
    %dma_wait3A_185 = arith.constant 1 : i32
    %dma_wait3A_186 = arith.constant 0 : i32
    %dma_wait3A_187 = tpu.memref_slice %arg6[%dma_wait3A_184, %dma_wait3A_185, %dma_wait3A_186] : memref<3x2x128xi32, #tpu.memory_space<vmem>> -> memref<1x1x128xi32, #tpu.memory_space<vmem>>
    %dma_wait3A_188 = tpu.memref_squeeze %dma_wait3A_187 : memref<1x1x128xi32, #tpu.memory_space<vmem>> -> memref<128xi32, #tpu.memory_space<vmem>>
    %dma_wait3A_189 = arith.constant 0 : i32
    %dma_wait3A_190 = arith.constant 0 : i32
    %dma_wait3A_191 = tpu.memref_slice %arg11[%dma_wait3A_189, %dma_wait3A_190] : memref<10000x128xf32, #tpu.memory_space<vmem_shared>> -> memref<10000x128xf32, #tpu.memory_space<vmem_shared>>
    tpu.wait_indirect_dma semaphore(%arg18 : memref<!tpu.dma_semaphore, #tpu.memory_space<semaphore_mem>>) src(%arg8 : memref<128x128xf32, #tpu.memory_space<vmem>>) dst(%dma_wait3A_191 : memref<10000x128xf32, #tpu.memory_space<vmem_shared>>)
    %dma_wait3A_192 = arith.constant 0 : i32
    %dma_wait3A_193 = arith.constant 1 : i32
    %dma_wait3A_194 = arith.constant 0 : i32
    %dma_wait3A_195 = tpu.memref_slice %arg6[%dma_wait3A_192, %dma_wait3A_193, %dma_wait3A_194] : memref<3x2x128xi32, #tpu.memory_space<vmem>> -> memref<1x1x128xi32, #tpu.memory_space<vmem>>
    %dma_wait3A_196 = tpu.memref_squeeze %dma_wait3A_195 : memref<1x1x128xi32, #tpu.memory_space<vmem>> -> memref<128xi32, #tpu.memory_space<vmem>>
    %dma_wait3A_197 = arith.constant 0 : i32
    %dma_wait3A_198 = arith.constant 0 : i32
    %dma_wait3A_199 = tpu.memref_slice %arg11[%dma_wait3A_197, %dma_wait3A_198] : memref<10000x128xf32, #tpu.memory_space<vmem_shared>> -> memref<10000x128xf32, #tpu.memory_space<vmem_shared>>
    tpu.wait_indirect_dma semaphore(%arg19 : memref<!tpu.dma_semaphore, #tpu.memory_space<semaphore_mem>>) src(%arg9 : memref<128x128xf32, #tpu.memory_space<vmem>>) dst(%dma_wait3A_199 : memref<10000x128xf32, #tpu.memory_space<vmem_shared>>)
    %dma_wait3A_200 = arith.constant 0 : i32
    %dma_wait3A_201 = arith.constant 1 : i32
    %dma_wait3A_202 = arith.constant 0 : i32
    %dma_wait3A_203 = tpu.memref_slice %arg6[%dma_wait3A_200, %dma_wait3A_201, %dma_wait3A_202] : memref<3x2x128xi32, #tpu.memory_space<vmem>> -> memref<1x1x128xi32, #tpu.memory_space<vmem>>
    %dma_wait3A_204 = tpu.memref_squeeze %dma_wait3A_203 : memref<1x1x128xi32, #tpu.memory_space<vmem>> -> memref<128xi32, #tpu.memory_space<vmem>>
    %dma_wait3A_205 = arith.constant 0 : i32
    %dma_wait3A_206 = arith.constant 0 : i32
    %dma_wait3A_207 = tpu.memref_slice %arg11[%dma_wait3A_205, %dma_wait3A_206] : memref<10000x128xf32, #tpu.memory_space<vmem_shared>> -> memref<10000x128xf32, #tpu.memory_space<vmem_shared>>
    tpu.wait_indirect_dma semaphore(%arg20 : memref<!tpu.dma_semaphore, #tpu.memory_space<semaphore_mem>>) src(%arg10 : memref<128x128xf32, #tpu.memory_space<vmem>>) dst(%dma_wait3A_207 : memref<10000x128xf32, #tpu.memory_space<vmem_shared>>)
    %lt3A = arith.constant 4 : i32
    %lt3A_208 = arith.cmpi slt, %add3A, %lt3A : i32
    %convert_element_type3A_209 = arith.extui %lt3A_208 : i1 to i32
    %cond3A_210 = arith.constant 0 : i32
    %cond3A_211 = arith.cmpi ne, %convert_element_type3A_209, %cond3A_210 : i32
    scf.if %cond3A_211 {
      %dma_start3A_220 = arith.constant 0 : i32
      %dma_start3A_221 = arith.constant 0 : i32
      %dma_start3A_222 = arith.constant 0 : i32
      %dma_start3A_223 = tpu.memref_slice %arg6[%dma_start3A_220, %dma_start3A_221, %dma_start3A_222] : memref<3x2x128xi32, #tpu.memory_space<vmem>> -> memref<1x1x128xi32, #tpu.memory_space<vmem>>
      %dma_start3A_224 = tpu.memref_squeeze %dma_start3A_223 : memref<1x1x128xi32, #tpu.memory_space<vmem>> -> memref<128xi32, #tpu.memory_space<vmem>>
      %dma_start3A_225 = arith.constant 0 : i32
      %dma_start3A_226 = arith.constant 0 : i32
      %dma_start3A_227 = tpu.memref_slice %arg2[%dma_start3A_225, %dma_start3A_226] : memref<10000x128xf32, #tpu.memory_space<hbm>> -> memref<10000x128xf32, #tpu.memory_space<hbm>>
      tpu.enqueue_indirect_dma source(%dma_start3A_227 : memref<10000x128xf32, #tpu.memory_space<hbm>>) target(%arg8 : memref<128x128xf32, #tpu.memory_space<vmem>>) offsets(%dma_start3A_224 : memref<128xi32, #tpu.memory_space<vmem>>) semaphore(%arg12 : memref<!tpu.dma_semaphore, #tpu.memory_space<semaphore_mem>>)
      %dma_wait3A_228 = arith.constant 0 : i32
      %dma_wait3A_229 = arith.constant 0 : i32
      %dma_wait3A_230 = arith.constant 0 : i32
      %dma_wait3A_231 = tpu.memref_slice %arg6[%dma_wait3A_228, %dma_wait3A_229, %dma_wait3A_230] : memref<3x2x128xi32, #tpu.memory_space<vmem>> -> memref<1x1x128xi32, #tpu.memory_space<vmem>>
      %dma_wait3A_232 = tpu.memref_squeeze %dma_wait3A_231 : memref<1x1x128xi32, #tpu.memory_space<vmem>> -> memref<128xi32, #tpu.memory_space<vmem>>
      %dma_wait3A_233 = arith.constant 0 : i32
      %dma_wait3A_234 = arith.constant 0 : i32
      %dma_wait3A_235 = tpu.memref_slice %arg2[%dma_wait3A_233, %dma_wait3A_234] : memref<10000x128xf32, #tpu.memory_space<hbm>> -> memref<10000x128xf32, #tpu.memory_space<hbm>>
      tpu.wait_indirect_dma semaphore(%arg12 : memref<!tpu.dma_semaphore, #tpu.memory_space<semaphore_mem>>) src(%dma_wait3A_235 : memref<10000x128xf32, #tpu.memory_space<hbm>>) dst(%arg8 : memref<128x128xf32, #tpu.memory_space<vmem>>)
      %run_scoped3A = arith.constant 0 : i32
      %run_scoped3A_236 = arith.constant 1 : i32
      "tpu.region"() ({
        %run_scoped3A_237 = tpu.sem_alloc : memref<!tpu.dma_semaphore, #tpu.memory_space<semaphore_mem>>
        %dma_start3A_238 = arith.constant 0 : i32
        %dma_start3A_239 = tpu.memref_slice %arg6[%run_scoped3A, %run_scoped3A_236, %dma_start3A_238] : memref<3x2x128xi32, #tpu.memory_space<vmem>> -> memref<1x1x128xi32, #tpu.memory_space<vmem>>
        %dma_start3A_240 = tpu.memref_squeeze %dma_start3A_239 : memref<1x1x128xi32, #tpu.memory_space<vmem>> -> memref<128xi32, #tpu.memory_space<vmem>>
        %dma_start3A_241 = arith.constant 0 : i32
        %dma_start3A_242 = arith.constant 0 : i32
        %dma_start3A_243 = tpu.memref_slice %arg11[%dma_start3A_241, %dma_start3A_242] : memref<10000x128xf32, #tpu.memory_space<vmem_shared>> -> memref<10000x128xf32, #tpu.memory_space<vmem_shared>>
        tpu.enqueue_indirect_dma source(%arg8 : memref<128x128xf32, #tpu.memory_space<vmem>>) target(%dma_start3A_243 : memref<10000x128xf32, #tpu.memory_space<vmem_shared>>) offsets(%dma_start3A_240 : memref<128xi32, #tpu.memory_space<vmem>>) semaphore(%run_scoped3A_237 : memref<!tpu.dma_semaphore, #tpu.memory_space<semaphore_mem>>) {add = true}
        %dma_wait3A_244 = arith.constant 0 : i32
        %dma_wait3A_245 = tpu.memref_slice %arg6[%run_scoped3A, %run_scoped3A_236, %dma_wait3A_244] : memref<3x2x128xi32, #tpu.memory_space<vmem>> -> memref<1x1x128xi32, #tpu.memory_space<vmem>>
        %dma_wait3A_246 = tpu.memref_squeeze %dma_wait3A_245 : memref<1x1x128xi32, #tpu.memory_space<vmem>> -> memref<128xi32, #tpu.memory_space<vmem>>
        %dma_wait3A_247 = arith.constant 0 : i32
        %dma_wait3A_248 = arith.constant 0 : i32
        %dma_wait3A_249 = tpu.memref_slice %arg11[%dma_wait3A_247, %dma_wait3A_248] : memref<10000x128xf32, #tpu.memory_space<vmem_shared>> -> memref<10000x128xf32, #tpu.memory_space<vmem_shared>>
        tpu.wait_indirect_dma semaphore(%run_scoped3A_237 : memref<!tpu.dma_semaphore, #tpu.memory_space<semaphore_mem>>) src(%arg8 : memref<128x128xf32, #tpu.memory_space<vmem>>) dst(%dma_wait3A_249 : memref<10000x128xf32, #tpu.memory_space<vmem_shared>>)
        tpu.yield
      }) : () -> ()
    } else {
    }
    %barrier3A_212 = arith.constant 0 : index
    tpu.barrier barrier_id(%barrier3A_212)
    %mul3A_213 = arith.constant 624 : i32
    %mul3A_214 = arith.muli %arg1, %mul3A_213 : i32
    "tpu.region"() ({
      %run_scoped3A = tpu.sem_alloc : memref<!tpu.dma_semaphore, #tpu.memory_space<semaphore_mem>>
      %dma_start3A_220 = arith.constant 0 : i32
      %dma_start3A_221 = tpu.memref_slice %arg5[%arg0, %mul3A_214, %dma_start3A_220] : memref<2x10000x128xf32, #tpu.memory_space<hbm>> -> memref<1x624x128xf32, #tpu.memory_space<hbm>>
      %dma_start3A_222 = tpu.memref_squeeze %dma_start3A_221 : memref<1x624x128xf32, #tpu.memory_space<hbm>> -> memref<624x128xf32, #tpu.memory_space<hbm>>
      %dma_start3A_223 = arith.constant 0 : i32
      %dma_start3A_224 = tpu.memref_slice %arg11[%mul3A_214, %dma_start3A_223] : memref<10000x128xf32, #tpu.memory_space<vmem_shared>> -> memref<624x128xf32, #tpu.memory_space<vmem_shared>>
      tpu.enqueue_dma source(%dma_start3A_224 : memref<624x128xf32, #tpu.memory_space<vmem_shared>>) target(%dma_start3A_222 : memref<624x128xf32, #tpu.memory_space<hbm>>) target_semaphore(%run_scoped3A : memref<!tpu.dma_semaphore, #tpu.memory_space<semaphore_mem>>)
      %dma_wait3A_225 = arith.constant 0 : i32
      %dma_wait3A_226 = tpu.memref_slice %arg5[%arg0, %mul3A_214, %dma_wait3A_225] : memref<2x10000x128xf32, #tpu.memory_space<hbm>> -> memref<1x624x128xf32, #tpu.memory_space<hbm>>
      %dma_wait3A_227 = tpu.memref_squeeze %dma_wait3A_226 : memref<1x624x128xf32, #tpu.memory_space<hbm>> -> memref<624x128xf32, #tpu.memory_space<hbm>>
      %dma_wait3A_228 = arith.constant 0 : i32
      %dma_wait3A_229 = tpu.memref_slice %arg11[%mul3A_214, %dma_wait3A_228] : memref<10000x128xf32, #tpu.memory_space<vmem_shared>> -> memref<624x128xf32, #tpu.memory_space<vmem_shared>>
      tpu.wait_dma2 semaphore(%run_scoped3A : memref<!tpu.dma_semaphore, #tpu.memory_space<semaphore_mem>>) src(%dma_wait3A_229 : memref<624x128xf32, #tpu.memory_space<vmem_shared>>) dst(%dma_wait3A_227 : memref<624x128xf32, #tpu.memory_space<hbm>>)
      tpu.yield
    }) : () -> ()
    %eq3A_215 = arith.constant 0 : i32
    %eq3A_216 = arith.cmpi eq, %arg1, %eq3A_215 : i32
    %convert_element_type3A_217 = arith.extui %eq3A_216 : i1 to i32
    %cond3A_218 = arith.constant 0 : i32
    %cond3A_219 = arith.cmpi ne, %convert_element_type3A_217, %cond3A_218 : i32
    scf.if %cond3A_219 {
      "tpu.region"() ({
        %run_scoped3A = tpu.sem_alloc : memref<!tpu.dma_semaphore, #tpu.memory_space<semaphore_mem>>
        %dma_start3A_220 = arith.constant 9984 : i32
        %dma_start3A_221 = arith.constant 0 : i32
        %dma_start3A_222 = tpu.memref_slice %arg5[%arg0, %dma_start3A_220, %dma_start3A_221] : memref<2x10000x128xf32, #tpu.memory_space<hbm>> -> memref<1x16x128xf32, #tpu.memory_space<hbm>>
        %dma_start3A_223 = tpu.memref_squeeze %dma_start3A_222 : memref<1x16x128xf32, #tpu.memory_space<hbm>> -> memref<16x128xf32, #tpu.memory_space<hbm>>
        %dma_start3A_224 = arith.constant 9984 : i32
        %dma_start3A_225 = arith.constant 0 : i32
        %dma_start3A_226 = tpu.memref_slice %arg11[%dma_start3A_224, %dma_start3A_225] : memref<10000x128xf32, #tpu.memory_space<vmem_shared>> -> memref<16x128xf32, #tpu.memory_space<vmem_shared>>
        tpu.enqueue_dma source(%dma_start3A_226 : memref<16x128xf32, #tpu.memory_space<vmem_shared>>) target(%dma_start3A_223 : memref<16x128xf32, #tpu.memory_space<hbm>>) target_semaphore(%run_scoped3A : memref<!tpu.dma_semaphore, #tpu.memory_space<semaphore_mem>>)
        %dma_wait3A_227 = arith.constant 9984 : i32
        %dma_wait3A_228 = arith.constant 0 : i32
        %dma_wait3A_229 = tpu.memref_slice %arg5[%arg0, %dma_wait3A_227, %dma_wait3A_228] : memref<2x10000x128xf32, #tpu.memory_space<hbm>> -> memref<1x16x128xf32, #tpu.memory_space<hbm>>
        %dma_wait3A_230 = tpu.memref_squeeze %dma_wait3A_229 : memref<1x16x128xf32, #tpu.memory_space<hbm>> -> memref<16x128xf32, #tpu.memory_space<hbm>>
        %dma_wait3A_231 = arith.constant 9984 : i32
        %dma_wait3A_232 = arith.constant 0 : i32
        %dma_wait3A_233 = tpu.memref_slice %arg11[%dma_wait3A_231, %dma_wait3A_232] : memref<10000x128xf32, #tpu.memory_space<vmem_shared>> -> memref<16x128xf32, #tpu.memory_space<vmem_shared>>
        tpu.wait_dma2 semaphore(%run_scoped3A : memref<!tpu.dma_semaphore, #tpu.memory_space<semaphore_mem>>) src(%dma_wait3A_233 : memref<16x128xf32, #tpu.memory_space<vmem_shared>>) dst(%dma_wait3A_230 : memref<16x128xf32, #tpu.memory_space<hbm>>)
        tpu.yield
      }) : () -> ()
    } else {
    }
    return
  }
}

#map = affine_map<(d0, d1) -> (0, 0)>
#map1 = affine_map<(d0, d1) -> (0, 0, 0)>
module attributes {stable_mosaic.version = 14 : i64} {
  func.func @seg_sum(%arg0: i32, %arg1: i32, %arg2: memref<10000x128xf32, #tpu.memory_space<hbm>>, %arg3: memref<2512x2x128xi32, #tpu.memory_space<hbm>>, %arg4: memref<624x128xf32, #tpu.memory_space<hbm>>, %arg5: memref<128x128xf32, #tpu.memory_space<hbm>>, %arg6: memref<2x10000x128xf32, #tpu.memory_space<hbm>>, %arg7: memref<2x10000x128xf32, #tpu.memory_space<hbm>>, %arg8: memref<3x2x128xi32, #tpu.memory_space<vmem>>, %arg9: memref<3x2x128xi32, #tpu.memory_space<vmem>>, %arg10: memref<128x128xf32, #tpu.memory_space<vmem>>, %arg11: memref<128x128xf32, #tpu.memory_space<vmem>>, %arg12: memref<128x128xf32, #tpu.memory_space<vmem>>, %arg13: memref<10000x128xf32, #tpu.memory_space<vmem_shared>>, %arg14: memref<!tpu.dma_semaphore, #tpu.memory_space<semaphore_mem>>, %arg15: memref<!tpu.dma_semaphore, #tpu.memory_space<semaphore_mem>>, %arg16: memref<!tpu.dma_semaphore, #tpu.memory_space<semaphore_mem>>, %arg17: memref<!tpu.dma_semaphore, #tpu.memory_space<semaphore_mem>>, %arg18: memref<!tpu.dma_semaphore, #tpu.memory_space<semaphore_mem>>, %arg19: memref<!tpu.dma_semaphore, #tpu.memory_space<semaphore_mem>>, %arg20: memref<!tpu.dma_semaphore, #tpu.memory_space<semaphore_mem>>, %arg21: memref<!tpu.dma_semaphore, #tpu.memory_space<semaphore_mem>>, %arg22: memref<!tpu.dma_semaphore, #tpu.memory_space<semaphore_mem>>) attributes {dimension_semantics = [#tpu.dimension_semantics<core_parallel>, #tpu.dimension_semantics<subcore_parallel>], iteration_bounds = array<i64: 2, 16>, scalar_prefetch = 0 : i64, scratch_operands = 15 : i64, tpu.core_type = #tpu.core_type<sc_vector_subcore>, window_params = [{transform_indices = #map}, {transform_indices = #map1}, {transform_indices = #map}, {transform_indices = #map}, {transform_indices = #map1}, {transform_indices = #map1}]} {
    %mul3A = arith.constant 16 : i32
    %mul3A_0 = arith.muli %arg0, %mul3A : i32
    %add3A = arith.addi %mul3A_0, %arg1 : i32
    %mul3A_1 = arith.constant 78 : i32
    %mul3A_2 = arith.muli %mul3A_1, %add3A : i32
    %min3A = arith.constant 4 : i32
    %min3A_3 = arith.minsi %add3A, %min3A : i32
    %add3A_4 = arith.addi %mul3A_2, %min3A_3 : i32
    %mul3A_5 = arith.constant 624 : i32
    %mul3A_6 = arith.muli %arg1, %mul3A_5 : i32
    "tpu.region"() ({
      %run_scoped3A = tpu.sem_alloc : memref<!tpu.dma_semaphore, #tpu.memory_space<semaphore_mem>>
      %dma_start3A_347 = arith.constant 0 : i32
      %dma_start3A_348 = tpu.memref_slice %arg13[%mul3A_6, %dma_start3A_347] : memref<10000x128xf32, #tpu.memory_space<vmem_shared>> -> memref<624x128xf32, #tpu.memory_space<vmem_shared>>
      tpu.enqueue_dma source(%arg4 : memref<624x128xf32, #tpu.memory_space<hbm>>) target(%dma_start3A_348 : memref<624x128xf32, #tpu.memory_space<vmem_shared>>) target_semaphore(%run_scoped3A : memref<!tpu.dma_semaphore, #tpu.memory_space<semaphore_mem>>)
      %dma_wait3A_349 = arith.constant 0 : i32
      %dma_wait3A_350 = tpu.memref_slice %arg13[%mul3A_6, %dma_wait3A_349] : memref<10000x128xf32, #tpu.memory_space<vmem_shared>> -> memref<624x128xf32, #tpu.memory_space<vmem_shared>>
      tpu.wait_dma2 semaphore(%run_scoped3A : memref<!tpu.dma_semaphore, #tpu.memory_space<semaphore_mem>>) src(%arg4 : memref<624x128xf32, #tpu.memory_space<hbm>>) dst(%dma_wait3A_350 : memref<624x128xf32, #tpu.memory_space<vmem_shared>>)
      tpu.yield
    }) : () -> ()
    %eq3A = arith.constant 0 : i32
    %eq3A_7 = arith.cmpi eq, %arg1, %eq3A : i32
    %convert_element_type3A = arith.extui %eq3A_7 : i1 to i32
    %cond3A = arith.constant 0 : i32
    %cond3A_8 = arith.cmpi ne, %convert_element_type3A, %cond3A : i32
    scf.if %cond3A_8 {
      "tpu.region"() ({
        %run_scoped3A = tpu.sem_alloc : memref<!tpu.dma_semaphore, #tpu.memory_space<semaphore_mem>>
        %dma_start3A_347 = arith.constant 9984 : i32
        %dma_start3A_348 = arith.constant 0 : i32
        %dma_start3A_349 = tpu.memref_slice %arg13[%dma_start3A_347, %dma_start3A_348] : memref<10000x128xf32, #tpu.memory_space<vmem_shared>> -> memref<16x128xf32, #tpu.memory_space<vmem_shared>>
        %dma_start3A_350 = arith.constant 0 : i32
        %dma_start3A_351 = arith.constant 0 : i32
        %dma_start3A_352 = tpu.memref_slice %arg4[%dma_start3A_350, %dma_start3A_351] : memref<624x128xf32, #tpu.memory_space<hbm>> -> memref<16x128xf32, #tpu.memory_space<hbm>>
        tpu.enqueue_dma source(%dma_start3A_352 : memref<16x128xf32, #tpu.memory_space<hbm>>) target(%dma_start3A_349 : memref<16x128xf32, #tpu.memory_space<vmem_shared>>) target_semaphore(%run_scoped3A : memref<!tpu.dma_semaphore, #tpu.memory_space<semaphore_mem>>)
        %dma_wait3A_353 = arith.constant 9984 : i32
        %dma_wait3A_354 = arith.constant 0 : i32
        %dma_wait3A_355 = tpu.memref_slice %arg13[%dma_wait3A_353, %dma_wait3A_354] : memref<10000x128xf32, #tpu.memory_space<vmem_shared>> -> memref<16x128xf32, #tpu.memory_space<vmem_shared>>
        %dma_wait3A_356 = arith.constant 0 : i32
        %dma_wait3A_357 = arith.constant 0 : i32
        %dma_wait3A_358 = tpu.memref_slice %arg4[%dma_wait3A_356, %dma_wait3A_357] : memref<624x128xf32, #tpu.memory_space<hbm>> -> memref<16x128xf32, #tpu.memory_space<hbm>>
        tpu.wait_dma2 semaphore(%run_scoped3A : memref<!tpu.dma_semaphore, #tpu.memory_space<semaphore_mem>>) src(%dma_wait3A_358 : memref<16x128xf32, #tpu.memory_space<hbm>>) dst(%dma_wait3A_355 : memref<16x128xf32, #tpu.memory_space<vmem_shared>>)
        tpu.yield
      }) : () -> ()
    } else {
    }
    %barrier3A = arith.constant 0 : index
    tpu.barrier barrier_id(%barrier3A)
    "tpu.region"() ({
      %run_scoped3A = tpu.sem_alloc : memref<!tpu.dma_semaphore, #tpu.memory_space<semaphore_mem>>
      %dma_start3A_347 = arith.constant 0 : i32
      %dma_start3A_348 = arith.constant 0 : i32
      %dma_start3A_349 = tpu.memref_slice %arg3[%add3A_4, %dma_start3A_347, %dma_start3A_348] : memref<2512x2x128xi32, #tpu.memory_space<hbm>> -> memref<3x2x128xi32, #tpu.memory_space<hbm>>
      %dma_start3A_350 = arith.constant 0 : i32
      %dma_start3A_351 = arith.constant 0 : i32
      %dma_start3A_352 = tpu.memref_slice %arg3[%add3A_4, %dma_start3A_350, %dma_start3A_351] : memref<2512x2x128xi32, #tpu.memory_space<hbm>> -> memref<3x2x128xi32, #tpu.memory_space<hbm>>
      tpu.enqueue_dma source(%dma_start3A_352 : memref<3x2x128xi32, #tpu.memory_space<hbm>>) target(%arg8 : memref<3x2x128xi32, #tpu.memory_space<vmem>>) target_semaphore(%run_scoped3A : memref<!tpu.dma_semaphore, #tpu.memory_space<semaphore_mem>>)
      %dma_wait3A_353 = arith.constant 0 : i32
      %dma_wait3A_354 = arith.constant 0 : i32
      %dma_wait3A_355 = tpu.memref_slice %arg3[%add3A_4, %dma_wait3A_353, %dma_wait3A_354] : memref<2512x2x128xi32, #tpu.memory_space<hbm>> -> memref<3x2x128xi32, #tpu.memory_space<hbm>>
      %dma_wait3A_356 = arith.constant 0 : i32
      %dma_wait3A_357 = arith.constant 0 : i32
      %dma_wait3A_358 = tpu.memref_slice %arg3[%add3A_4, %dma_wait3A_356, %dma_wait3A_357] : memref<2512x2x128xi32, #tpu.memory_space<hbm>> -> memref<3x2x128xi32, #tpu.memory_space<hbm>>
      tpu.wait_dma2 semaphore(%run_scoped3A : memref<!tpu.dma_semaphore, #tpu.memory_space<semaphore_mem>>) src(%dma_wait3A_358 : memref<3x2x128xi32, #tpu.memory_space<hbm>>) dst(%arg8 : memref<3x2x128xi32, #tpu.memory_space<vmem>>)
      tpu.yield
    }) : () -> ()
    %dma_start3A = arith.constant 0 : i32
    %dma_start3A_9 = arith.constant 0 : i32
    %dma_start3A_10 = arith.constant 0 : i32
    %dma_start3A_11 = tpu.memref_slice %arg8[%dma_start3A, %dma_start3A_9, %dma_start3A_10] : memref<3x2x128xi32, #tpu.memory_space<vmem>> -> memref<1x1x128xi32, #tpu.memory_space<vmem>>
    %dma_start3A_12 = tpu.memref_squeeze %dma_start3A_11 : memref<1x1x128xi32, #tpu.memory_space<vmem>> -> memref<128xi32, #tpu.memory_space<vmem>>
    %dma_start3A_13 = arith.constant 0 : i32
    %dma_start3A_14 = arith.constant 0 : i32
    %dma_start3A_15 = tpu.memref_slice %arg2[%dma_start3A_13, %dma_start3A_14] : memref<10000x128xf32, #tpu.memory_space<hbm>> -> memref<10000x128xf32, #tpu.memory_space<hbm>>
    tpu.enqueue_indirect_dma source(%dma_start3A_15 : memref<10000x128xf32, #tpu.memory_space<hbm>>) target(%arg10 : memref<128x128xf32, #tpu.memory_space<vmem>>) offsets(%dma_start3A_12 : memref<128xi32, #tpu.memory_space<vmem>>) semaphore(%arg14 : memref<!tpu.dma_semaphore, #tpu.memory_space<semaphore_mem>>)
    %dma_start3A_16 = arith.constant 1 : i32
    %dma_start3A_17 = arith.constant 0 : i32
    %dma_start3A_18 = arith.constant 0 : i32
    %dma_start3A_19 = tpu.memref_slice %arg8[%dma_start3A_16, %dma_start3A_17, %dma_start3A_18] : memref<3x2x128xi32, #tpu.memory_space<vmem>> -> memref<1x1x128xi32, #tpu.memory_space<vmem>>
    %dma_start3A_20 = tpu.memref_squeeze %dma_start3A_19 : memref<1x1x128xi32, #tpu.memory_space<vmem>> -> memref<128xi32, #tpu.memory_space<vmem>>
    %dma_start3A_21 = arith.constant 0 : i32
    %dma_start3A_22 = arith.constant 0 : i32
    %dma_start3A_23 = tpu.memref_slice %arg2[%dma_start3A_21, %dma_start3A_22] : memref<10000x128xf32, #tpu.memory_space<hbm>> -> memref<10000x128xf32, #tpu.memory_space<hbm>>
    tpu.enqueue_indirect_dma source(%dma_start3A_23 : memref<10000x128xf32, #tpu.memory_space<hbm>>) target(%arg11 : memref<128x128xf32, #tpu.memory_space<vmem>>) offsets(%dma_start3A_20 : memref<128xi32, #tpu.memory_space<vmem>>) semaphore(%arg15 : memref<!tpu.dma_semaphore, #tpu.memory_space<semaphore_mem>>)
    %dma_start3A_24 = arith.constant 2 : i32
    %dma_start3A_25 = arith.constant 0 : i32
    %dma_start3A_26 = arith.constant 0 : i32
    %dma_start3A_27 = tpu.memref_slice %arg8[%dma_start3A_24, %dma_start3A_25, %dma_start3A_26] : memref<3x2x128xi32, #tpu.memory_space<vmem>> -> memref<1x1x128xi32, #tpu.memory_space<vmem>>
    %dma_start3A_28 = tpu.memref_squeeze %dma_start3A_27 : memref<1x1x128xi32, #tpu.memory_space<vmem>> -> memref<128xi32, #tpu.memory_space<vmem>>
    %dma_start3A_29 = arith.constant 0 : i32
    %dma_start3A_30 = arith.constant 0 : i32
    %dma_start3A_31 = tpu.memref_slice %arg2[%dma_start3A_29, %dma_start3A_30] : memref<10000x128xf32, #tpu.memory_space<hbm>> -> memref<10000x128xf32, #tpu.memory_space<hbm>>
    tpu.enqueue_indirect_dma source(%dma_start3A_31 : memref<10000x128xf32, #tpu.memory_space<hbm>>) target(%arg12 : memref<128x128xf32, #tpu.memory_space<vmem>>) offsets(%dma_start3A_28 : memref<128xi32, #tpu.memory_space<vmem>>) semaphore(%arg16 : memref<!tpu.dma_semaphore, #tpu.memory_space<semaphore_mem>>)
    %add3A_32 = arith.constant 3 : i32
    %add3A_33 = arith.addi %add3A_4, %add3A_32 : i32
    "tpu.region"() ({
      %run_scoped3A = tpu.sem_alloc : memref<!tpu.dma_semaphore, #tpu.memory_space<semaphore_mem>>
      %dma_start3A_347 = arith.constant 0 : i32
      %dma_start3A_348 = arith.constant 0 : i32
      %dma_start3A_349 = tpu.memref_slice %arg3[%add3A_33, %dma_start3A_347, %dma_start3A_348] : memref<2512x2x128xi32, #tpu.memory_space<hbm>> -> memref<3x2x128xi32, #tpu.memory_space<hbm>>
      %dma_start3A_350 = arith.constant 0 : i32
      %dma_start3A_351 = arith.constant 0 : i32
      %dma_start3A_352 = tpu.memref_slice %arg3[%add3A_33, %dma_start3A_350, %dma_start3A_351] : memref<2512x2x128xi32, #tpu.memory_space<hbm>> -> memref<3x2x128xi32, #tpu.memory_space<hbm>>
      tpu.enqueue_dma source(%dma_start3A_352 : memref<3x2x128xi32, #tpu.memory_space<hbm>>) target(%arg9 : memref<3x2x128xi32, #tpu.memory_space<vmem>>) target_semaphore(%run_scoped3A : memref<!tpu.dma_semaphore, #tpu.memory_space<semaphore_mem>>)
      %dma_wait3A_353 = arith.constant 0 : i32
      %dma_wait3A_354 = arith.constant 0 : i32
      %dma_wait3A_355 = tpu.memref_slice %arg3[%add3A_33, %dma_wait3A_353, %dma_wait3A_354] : memref<2512x2x128xi32, #tpu.memory_space<hbm>> -> memref<3x2x128xi32, #tpu.memory_space<hbm>>
      %dma_wait3A_356 = arith.constant 0 : i32
      %dma_wait3A_357 = arith.constant 0 : i32
      %dma_wait3A_358 = tpu.memref_slice %arg3[%add3A_33, %dma_wait3A_356, %dma_wait3A_357] : memref<2512x2x128xi32, #tpu.memory_space<hbm>> -> memref<3x2x128xi32, #tpu.memory_space<hbm>>
      tpu.wait_dma2 semaphore(%run_scoped3A : memref<!tpu.dma_semaphore, #tpu.memory_space<semaphore_mem>>) src(%dma_wait3A_358 : memref<3x2x128xi32, #tpu.memory_space<hbm>>) dst(%arg9 : memref<3x2x128xi32, #tpu.memory_space<vmem>>)
      tpu.yield
    }) : () -> ()
    %dma_wait3A = arith.constant 0 : i32
    %dma_wait3A_34 = arith.constant 0 : i32
    %dma_wait3A_35 = arith.constant 0 : i32
    %dma_wait3A_36 = tpu.memref_slice %arg8[%dma_wait3A, %dma_wait3A_34, %dma_wait3A_35] : memref<3x2x128xi32, #tpu.memory_space<vmem>> -> memref<1x1x128xi32, #tpu.memory_space<vmem>>
    %dma_wait3A_37 = tpu.memref_squeeze %dma_wait3A_36 : memref<1x1x128xi32, #tpu.memory_space<vmem>> -> memref<128xi32, #tpu.memory_space<vmem>>
    %dma_wait3A_38 = arith.constant 0 : i32
    %dma_wait3A_39 = arith.constant 0 : i32
    %dma_wait3A_40 = tpu.memref_slice %arg2[%dma_wait3A_38, %dma_wait3A_39] : memref<10000x128xf32, #tpu.memory_space<hbm>> -> memref<10000x128xf32, #tpu.memory_space<hbm>>
    tpu.wait_indirect_dma semaphore(%arg14 : memref<!tpu.dma_semaphore, #tpu.memory_space<semaphore_mem>>) src(%dma_wait3A_40 : memref<10000x128xf32, #tpu.memory_space<hbm>>) dst(%arg10 : memref<128x128xf32, #tpu.memory_space<vmem>>)
    %dma_start3A_41 = arith.constant 0 : i32
    %dma_start3A_42 = arith.constant 1 : i32
    %dma_start3A_43 = arith.constant 0 : i32
    %dma_start3A_44 = tpu.memref_slice %arg8[%dma_start3A_41, %dma_start3A_42, %dma_start3A_43] : memref<3x2x128xi32, #tpu.memory_space<vmem>> -> memref<1x1x128xi32, #tpu.memory_space<vmem>>
    %dma_start3A_45 = tpu.memref_squeeze %dma_start3A_44 : memref<1x1x128xi32, #tpu.memory_space<vmem>> -> memref<128xi32, #tpu.memory_space<vmem>>
    %dma_start3A_46 = arith.constant 0 : i32
    %dma_start3A_47 = arith.constant 0 : i32
    %dma_start3A_48 = tpu.memref_slice %arg13[%dma_start3A_46, %dma_start3A_47] : memref<10000x128xf32, #tpu.memory_space<vmem_shared>> -> memref<10000x128xf32, #tpu.memory_space<vmem_shared>>
    tpu.enqueue_indirect_dma source(%arg10 : memref<128x128xf32, #tpu.memory_space<vmem>>) target(%dma_start3A_48 : memref<10000x128xf32, #tpu.memory_space<vmem_shared>>) offsets(%dma_start3A_45 : memref<128xi32, #tpu.memory_space<vmem>>) semaphore(%arg17 : memref<!tpu.dma_semaphore, #tpu.memory_space<semaphore_mem>>) {add = true}
    %dma_wait3A_49 = arith.constant 1 : i32
    %dma_wait3A_50 = arith.constant 0 : i32
    %dma_wait3A_51 = arith.constant 0 : i32
    %dma_wait3A_52 = tpu.memref_slice %arg8[%dma_wait3A_49, %dma_wait3A_50, %dma_wait3A_51] : memref<3x2x128xi32, #tpu.memory_space<vmem>> -> memref<1x1x128xi32, #tpu.memory_space<vmem>>
    %dma_wait3A_53 = tpu.memref_squeeze %dma_wait3A_52 : memref<1x1x128xi32, #tpu.memory_space<vmem>> -> memref<128xi32, #tpu.memory_space<vmem>>
    %dma_wait3A_54 = arith.constant 0 : i32
    %dma_wait3A_55 = arith.constant 0 : i32
    %dma_wait3A_56 = tpu.memref_slice %arg2[%dma_wait3A_54, %dma_wait3A_55] : memref<10000x128xf32, #tpu.memory_space<hbm>> -> memref<10000x128xf32, #tpu.memory_space<hbm>>
    tpu.wait_indirect_dma semaphore(%arg15 : memref<!tpu.dma_semaphore, #tpu.memory_space<semaphore_mem>>) src(%dma_wait3A_56 : memref<10000x128xf32, #tpu.memory_space<hbm>>) dst(%arg11 : memref<128x128xf32, #tpu.memory_space<vmem>>)
    %dma_start3A_57 = arith.constant 1 : i32
    %dma_start3A_58 = arith.constant 1 : i32
    %dma_start3A_59 = arith.constant 0 : i32
    %dma_start3A_60 = tpu.memref_slice %arg8[%dma_start3A_57, %dma_start3A_58, %dma_start3A_59] : memref<3x2x128xi32, #tpu.memory_space<vmem>> -> memref<1x1x128xi32, #tpu.memory_space<vmem>>
    %dma_start3A_61 = tpu.memref_squeeze %dma_start3A_60 : memref<1x1x128xi32, #tpu.memory_space<vmem>> -> memref<128xi32, #tpu.memory_space<vmem>>
    %dma_start3A_62 = arith.constant 0 : i32
    %dma_start3A_63 = arith.constant 0 : i32
    %dma_start3A_64 = tpu.memref_slice %arg13[%dma_start3A_62, %dma_start3A_63] : memref<10000x128xf32, #tpu.memory_space<vmem_shared>> -> memref<10000x128xf32, #tpu.memory_space<vmem_shared>>
    tpu.enqueue_indirect_dma source(%arg11 : memref<128x128xf32, #tpu.memory_space<vmem>>) target(%dma_start3A_64 : memref<10000x128xf32, #tpu.memory_space<vmem_shared>>) offsets(%dma_start3A_61 : memref<128xi32, #tpu.memory_space<vmem>>) semaphore(%arg18 : memref<!tpu.dma_semaphore, #tpu.memory_space<semaphore_mem>>) {add = true}
    %dma_wait3A_65 = arith.constant 2 : i32
    %dma_wait3A_66 = arith.constant 0 : i32
    %dma_wait3A_67 = arith.constant 0 : i32
    %dma_wait3A_68 = tpu.memref_slice %arg8[%dma_wait3A_65, %dma_wait3A_66, %dma_wait3A_67] : memref<3x2x128xi32, #tpu.memory_space<vmem>> -> memref<1x1x128xi32, #tpu.memory_space<vmem>>
    %dma_wait3A_69 = tpu.memref_squeeze %dma_wait3A_68 : memref<1x1x128xi32, #tpu.memory_space<vmem>> -> memref<128xi32, #tpu.memory_space<vmem>>
    %dma_wait3A_70 = arith.constant 0 : i32
    %dma_wait3A_71 = arith.constant 0 : i32
    %dma_wait3A_72 = tpu.memref_slice %arg2[%dma_wait3A_70, %dma_wait3A_71] : memref<10000x128xf32, #tpu.memory_space<hbm>> -> memref<10000x128xf32, #tpu.memory_space<hbm>>
    tpu.wait_indirect_dma semaphore(%arg16 : memref<!tpu.dma_semaphore, #tpu.memory_space<semaphore_mem>>) src(%dma_wait3A_72 : memref<10000x128xf32, #tpu.memory_space<hbm>>) dst(%arg12 : memref<128x128xf32, #tpu.memory_space<vmem>>)
    %dma_start3A_73 = arith.constant 2 : i32
    %dma_start3A_74 = arith.constant 1 : i32
    %dma_start3A_75 = arith.constant 0 : i32
    %dma_start3A_76 = tpu.memref_slice %arg8[%dma_start3A_73, %dma_start3A_74, %dma_start3A_75] : memref<3x2x128xi32, #tpu.memory_space<vmem>> -> memref<1x1x128xi32, #tpu.memory_space<vmem>>
    %dma_start3A_77 = tpu.memref_squeeze %dma_start3A_76 : memref<1x1x128xi32, #tpu.memory_space<vmem>> -> memref<128xi32, #tpu.memory_space<vmem>>
    %dma_start3A_78 = arith.constant 0 : i32
    %dma_start3A_79 = arith.constant 0 : i32
    %dma_start3A_80 = tpu.memref_slice %arg13[%dma_start3A_78, %dma_start3A_79] : memref<10000x128xf32, #tpu.memory_space<vmem_shared>> -> memref<10000x128xf32, #tpu.memory_space<vmem_shared>>
    tpu.enqueue_indirect_dma source(%arg12 : memref<128x128xf32, #tpu.memory_space<vmem>>) target(%dma_start3A_80 : memref<10000x128xf32, #tpu.memory_space<vmem_shared>>) offsets(%dma_start3A_77 : memref<128xi32, #tpu.memory_space<vmem>>) semaphore(%arg19 : memref<!tpu.dma_semaphore, #tpu.memory_space<semaphore_mem>>) {add = true}
    %dma_wait3A_81 = arith.constant 0 : i32
    %dma_wait3A_82 = arith.constant 1 : i32
    %dma_wait3A_83 = arith.constant 0 : i32
    %dma_wait3A_84 = tpu.memref_slice %arg8[%dma_wait3A_81, %dma_wait3A_82, %dma_wait3A_83] : memref<3x2x128xi32, #tpu.memory_space<vmem>> -> memref<1x1x128xi32, #tpu.memory_space<vmem>>
    %dma_wait3A_85 = tpu.memref_squeeze %dma_wait3A_84 : memref<1x1x128xi32, #tpu.memory_space<vmem>> -> memref<128xi32, #tpu.memory_space<vmem>>
    %dma_wait3A_86 = arith.constant 0 : i32
    %dma_wait3A_87 = arith.constant 0 : i32
    %dma_wait3A_88 = tpu.memref_slice %arg13[%dma_wait3A_86, %dma_wait3A_87] : memref<10000x128xf32, #tpu.memory_space<vmem_shared>> -> memref<10000x128xf32, #tpu.memory_space<vmem_shared>>
    tpu.wait_indirect_dma semaphore(%arg17 : memref<!tpu.dma_semaphore, #tpu.memory_space<semaphore_mem>>) src(%arg10 : memref<128x128xf32, #tpu.memory_space<vmem>>) dst(%dma_wait3A_88 : memref<10000x128xf32, #tpu.memory_space<vmem_shared>>)
    %dma_start3A_89 = arith.constant 0 : i32
    %dma_start3A_90 = arith.constant 0 : i32
    %dma_start3A_91 = arith.constant 0 : i32
    %dma_start3A_92 = tpu.memref_slice %arg9[%dma_start3A_89, %dma_start3A_90, %dma_start3A_91] : memref<3x2x128xi32, #tpu.memory_space<vmem>> -> memref<1x1x128xi32, #tpu.memory_space<vmem>>
    %dma_start3A_93 = tpu.memref_squeeze %dma_start3A_92 : memref<1x1x128xi32, #tpu.memory_space<vmem>> -> memref<128xi32, #tpu.memory_space<vmem>>
    %dma_start3A_94 = arith.constant 0 : i32
    %dma_start3A_95 = arith.constant 0 : i32
    %dma_start3A_96 = tpu.memref_slice %arg2[%dma_start3A_94, %dma_start3A_95] : memref<10000x128xf32, #tpu.memory_space<hbm>> -> memref<10000x128xf32, #tpu.memory_space<hbm>>
    tpu.enqueue_indirect_dma source(%dma_start3A_96 : memref<10000x128xf32, #tpu.memory_space<hbm>>) target(%arg10 : memref<128x128xf32, #tpu.memory_space<vmem>>) offsets(%dma_start3A_93 : memref<128xi32, #tpu.memory_space<vmem>>) semaphore(%arg14 : memref<!tpu.dma_semaphore, #tpu.memory_space<semaphore_mem>>)
    %dma_wait3A_97 = arith.constant 1 : i32
    %dma_wait3A_98 = arith.constant 1 : i32
    %dma_wait3A_99 = arith.constant 0 : i32
    %dma_wait3A_100 = tpu.memref_slice %arg8[%dma_wait3A_97, %dma_wait3A_98, %dma_wait3A_99] : memref<3x2x128xi32, #tpu.memory_space<vmem>> -> memref<1x1x128xi32, #tpu.memory_space<vmem>>
    %dma_wait3A_101 = tpu.memref_squeeze %dma_wait3A_100 : memref<1x1x128xi32, #tpu.memory_space<vmem>> -> memref<128xi32, #tpu.memory_space<vmem>>
    %dma_wait3A_102 = arith.constant 0 : i32
    %dma_wait3A_103 = arith.constant 0 : i32
    %dma_wait3A_104 = tpu.memref_slice %arg13[%dma_wait3A_102, %dma_wait3A_103] : memref<10000x128xf32, #tpu.memory_space<vmem_shared>> -> memref<10000x128xf32, #tpu.memory_space<vmem_shared>>
    tpu.wait_indirect_dma semaphore(%arg18 : memref<!tpu.dma_semaphore, #tpu.memory_space<semaphore_mem>>) src(%arg11 : memref<128x128xf32, #tpu.memory_space<vmem>>) dst(%dma_wait3A_104 : memref<10000x128xf32, #tpu.memory_space<vmem_shared>>)
    %dma_start3A_105 = arith.constant 1 : i32
    %dma_start3A_106 = arith.constant 0 : i32
    %dma_start3A_107 = arith.constant 0 : i32
    %dma_start3A_108 = tpu.memref_slice %arg9[%dma_start3A_105, %dma_start3A_106, %dma_start3A_107] : memref<3x2x128xi32, #tpu.memory_space<vmem>> -> memref<1x1x128xi32, #tpu.memory_space<vmem>>
    %dma_start3A_109 = tpu.memref_squeeze %dma_start3A_108 : memref<1x1x128xi32, #tpu.memory_space<vmem>> -> memref<128xi32, #tpu.memory_space<vmem>>
    %dma_start3A_110 = arith.constant 0 : i32
    %dma_start3A_111 = arith.constant 0 : i32
    %dma_start3A_112 = tpu.memref_slice %arg2[%dma_start3A_110, %dma_start3A_111] : memref<10000x128xf32, #tpu.memory_space<hbm>> -> memref<10000x128xf32, #tpu.memory_space<hbm>>
    tpu.enqueue_indirect_dma source(%dma_start3A_112 : memref<10000x128xf32, #tpu.memory_space<hbm>>) target(%arg11 : memref<128x128xf32, #tpu.memory_space<vmem>>) offsets(%dma_start3A_109 : memref<128xi32, #tpu.memory_space<vmem>>) semaphore(%arg15 : memref<!tpu.dma_semaphore, #tpu.memory_space<semaphore_mem>>)
    %dma_wait3A_113 = arith.constant 2 : i32
    %dma_wait3A_114 = arith.constant 1 : i32
    %dma_wait3A_115 = arith.constant 0 : i32
    %dma_wait3A_116 = tpu.memref_slice %arg8[%dma_wait3A_113, %dma_wait3A_114, %dma_wait3A_115] : memref<3x2x128xi32, #tpu.memory_space<vmem>> -> memref<1x1x128xi32, #tpu.memory_space<vmem>>
    %dma_wait3A_117 = tpu.memref_squeeze %dma_wait3A_116 : memref<1x1x128xi32, #tpu.memory_space<vmem>> -> memref<128xi32, #tpu.memory_space<vmem>>
    %dma_wait3A_118 = arith.constant 0 : i32
    %dma_wait3A_119 = arith.constant 0 : i32
    %dma_wait3A_120 = tpu.memref_slice %arg13[%dma_wait3A_118, %dma_wait3A_119] : memref<10000x128xf32, #tpu.memory_space<vmem_shared>> -> memref<10000x128xf32, #tpu.memory_space<vmem_shared>>
    tpu.wait_indirect_dma semaphore(%arg19 : memref<!tpu.dma_semaphore, #tpu.memory_space<semaphore_mem>>) src(%arg12 : memref<128x128xf32, #tpu.memory_space<vmem>>) dst(%dma_wait3A_120 : memref<10000x128xf32, #tpu.memory_space<vmem_shared>>)
    %dma_start3A_121 = arith.constant 2 : i32
    %dma_start3A_122 = arith.constant 0 : i32
    %dma_start3A_123 = arith.constant 0 : i32
    %dma_start3A_124 = tpu.memref_slice %arg9[%dma_start3A_121, %dma_start3A_122, %dma_start3A_123] : memref<3x2x128xi32, #tpu.memory_space<vmem>> -> memref<1x1x128xi32, #tpu.memory_space<vmem>>
    %dma_start3A_125 = tpu.memref_squeeze %dma_start3A_124 : memref<1x1x128xi32, #tpu.memory_space<vmem>> -> memref<128xi32, #tpu.memory_space<vmem>>
    %dma_start3A_126 = arith.constant 0 : i32
    %dma_start3A_127 = arith.constant 0 : i32
    %dma_start3A_128 = tpu.memref_slice %arg2[%dma_start3A_126, %dma_start3A_127] : memref<10000x128xf32, #tpu.memory_space<hbm>> -> memref<10000x128xf32, #tpu.memory_space<hbm>>
    tpu.enqueue_indirect_dma source(%dma_start3A_128 : memref<10000x128xf32, #tpu.memory_space<hbm>>) target(%arg12 : memref<128x128xf32, #tpu.memory_space<vmem>>) offsets(%dma_start3A_125 : memref<128xi32, #tpu.memory_space<vmem>>) semaphore(%arg16 : memref<!tpu.dma_semaphore, #tpu.memory_space<semaphore_mem>>)
    %add3A_129 = arith.constant 6 : i32
    %add3A_130 = arith.addi %add3A_4, %add3A_129 : i32
    "tpu.region"() ({
      %run_scoped3A = tpu.sem_alloc : memref<!tpu.dma_semaphore, #tpu.memory_space<semaphore_mem>>
      %dma_start3A_347 = arith.constant 0 : i32
      %dma_start3A_348 = arith.constant 0 : i32
      %dma_start3A_349 = tpu.memref_slice %arg3[%add3A_130, %dma_start3A_347, %dma_start3A_348] : memref<2512x2x128xi32, #tpu.memory_space<hbm>> -> memref<3x2x128xi32, #tpu.memory_space<hbm>>
      %dma_start3A_350 = arith.constant 0 : i32
      %dma_start3A_351 = arith.constant 0 : i32
      %dma_start3A_352 = tpu.memref_slice %arg3[%add3A_130, %dma_start3A_350, %dma_start3A_351] : memref<2512x2x128xi32, #tpu.memory_space<hbm>> -> memref<3x2x128xi32, #tpu.memory_space<hbm>>
      tpu.enqueue_dma source(%dma_start3A_352 : memref<3x2x128xi32, #tpu.memory_space<hbm>>) target(%arg8 : memref<3x2x128xi32, #tpu.memory_space<vmem>>) target_semaphore(%run_scoped3A : memref<!tpu.dma_semaphore, #tpu.memory_space<semaphore_mem>>)
      %dma_wait3A_353 = arith.constant 0 : i32
      %dma_wait3A_354 = arith.constant 0 : i32
      %dma_wait3A_355 = tpu.memref_slice %arg3[%add3A_130, %dma_wait3A_353, %dma_wait3A_354] : memref<2512x2x128xi32, #tpu.memory_space<hbm>> -> memref<3x2x128xi32, #tpu.memory_space<hbm>>
      %dma_wait3A_356 = arith.constant 0 : i32
      %dma_wait3A_357 = arith.constant 0 : i32
      %dma_wait3A_358 = tpu.memref_slice %arg3[%add3A_130, %dma_wait3A_356, %dma_wait3A_357] : memref<2512x2x128xi32, #tpu.memory_space<hbm>> -> memref<3x2x128xi32, #tpu.memory_space<hbm>>
      tpu.wait_dma2 semaphore(%run_scoped3A : memref<!tpu.dma_semaphore, #tpu.memory_space<semaphore_mem>>) src(%dma_wait3A_358 : memref<3x2x128xi32, #tpu.memory_space<hbm>>) dst(%arg8 : memref<3x2x128xi32, #tpu.memory_space<vmem>>)
      tpu.yield
    }) : () -> ()
    %dma_wait3A_131 = arith.constant 0 : i32
    %dma_wait3A_132 = arith.constant 0 : i32
    %dma_wait3A_133 = arith.constant 0 : i32
    %dma_wait3A_134 = tpu.memref_slice %arg9[%dma_wait3A_131, %dma_wait3A_132, %dma_wait3A_133] : memref<3x2x128xi32, #tpu.memory_space<vmem>> -> memref<1x1x128xi32, #tpu.memory_space<vmem>>
    %dma_wait3A_135 = tpu.memref_squeeze %dma_wait3A_134 : memref<1x1x128xi32, #tpu.memory_space<vmem>> -> memref<128xi32, #tpu.memory_space<vmem>>
    %dma_wait3A_136 = arith.constant 0 : i32
    %dma_wait3A_137 = arith.constant 0 : i32
    %dma_wait3A_138 = tpu.memref_slice %arg2[%dma_wait3A_136, %dma_wait3A_137] : memref<10000x128xf32, #tpu.memory_space<hbm>> -> memref<10000x128xf32, #tpu.memory_space<hbm>>
    tpu.wait_indirect_dma semaphore(%arg14 : memref<!tpu.dma_semaphore, #tpu.memory_space<semaphore_mem>>) src(%dma_wait3A_138 : memref<10000x128xf32, #tpu.memory_space<hbm>>) dst(%arg10 : memref<128x128xf32, #tpu.memory_space<vmem>>)
    %dma_start3A_139 = arith.constant 0 : i32
    %dma_start3A_140 = arith.constant 1 : i32
    %dma_start3A_141 = arith.constant 0 : i32
    %dma_start3A_142 = tpu.memref_slice %arg9[%dma_start3A_139, %dma_start3A_140, %dma_start3A_141] : memref<3x2x128xi32, #tpu.memory_space<vmem>> -> memref<1x1x128xi32, #tpu.memory_space<vmem>>
    %dma_start3A_143 = tpu.memref_squeeze %dma_start3A_142 : memref<1x1x128xi32, #tpu.memory_space<vmem>> -> memref<128xi32, #tpu.memory_space<vmem>>
    %dma_start3A_144 = arith.constant 0 : i32
    %dma_start3A_145 = arith.constant 0 : i32
    %dma_start3A_146 = tpu.memref_slice %arg13[%dma_start3A_144, %dma_start3A_145] : memref<10000x128xf32, #tpu.memory_space<vmem_shared>> -> memref<10000x128xf32, #tpu.memory_space<vmem_shared>>
    tpu.enqueue_indirect_dma source(%arg10 : memref<128x128xf32, #tpu.memory_space<vmem>>) target(%dma_start3A_146 : memref<10000x128xf32, #tpu.memory_space<vmem_shared>>) offsets(%dma_start3A_143 : memref<128xi32, #tpu.memory_space<vmem>>) semaphore(%arg20 : memref<!tpu.dma_semaphore, #tpu.memory_space<semaphore_mem>>) {add = true}
    %dma_wait3A_147 = arith.constant 1 : i32
    %dma_wait3A_148 = arith.constant 0 : i32
    %dma_wait3A_149 = arith.constant 0 : i32
    %dma_wait3A_150 = tpu.memref_slice %arg9[%dma_wait3A_147, %dma_wait3A_148, %dma_wait3A_149] : memref<3x2x128xi32, #tpu.memory_space<vmem>> -> memref<1x1x128xi32, #tpu.memory_space<vmem>>
    %dma_wait3A_151 = tpu.memref_squeeze %dma_wait3A_150 : memref<1x1x128xi32, #tpu.memory_space<vmem>> -> memref<128xi32, #tpu.memory_space<vmem>>
    %dma_wait3A_152 = arith.constant 0 : i32
    %dma_wait3A_153 = arith.constant 0 : i32
    %dma_wait3A_154 = tpu.memref_slice %arg2[%dma_wait3A_152, %dma_wait3A_153] : memref<10000x128xf32, #tpu.memory_space<hbm>> -> memref<10000x128xf32, #tpu.memory_space<hbm>>
    tpu.wait_indirect_dma semaphore(%arg15 : memref<!tpu.dma_semaphore, #tpu.memory_space<semaphore_mem>>) src(%dma_wait3A_154 : memref<10000x128xf32, #tpu.memory_space<hbm>>) dst(%arg11 : memref<128x128xf32, #tpu.memory_space<vmem>>)
    %dma_start3A_155 = arith.constant 1 : i32
    %dma_start3A_156 = arith.constant 1 : i32
    %dma_start3A_157 = arith.constant 0 : i32
    %dma_start3A_158 = tpu.memref_slice %arg9[%dma_start3A_155, %dma_start3A_156, %dma_start3A_157] : memref<3x2x128xi32, #tpu.memory_space<vmem>> -> memref<1x1x128xi32, #tpu.memory_space<vmem>>
    %dma_start3A_159 = tpu.memref_squeeze %dma_start3A_158 : memref<1x1x128xi32, #tpu.memory_space<vmem>> -> memref<128xi32, #tpu.memory_space<vmem>>
    %dma_start3A_160 = arith.constant 0 : i32
    %dma_start3A_161 = arith.constant 0 : i32
    %dma_start3A_162 = tpu.memref_slice %arg13[%dma_start3A_160, %dma_start3A_161] : memref<10000x128xf32, #tpu.memory_space<vmem_shared>> -> memref<10000x128xf32, #tpu.memory_space<vmem_shared>>
    tpu.enqueue_indirect_dma source(%arg11 : memref<128x128xf32, #tpu.memory_space<vmem>>) target(%dma_start3A_162 : memref<10000x128xf32, #tpu.memory_space<vmem_shared>>) offsets(%dma_start3A_159 : memref<128xi32, #tpu.memory_space<vmem>>) semaphore(%arg21 : memref<!tpu.dma_semaphore, #tpu.memory_space<semaphore_mem>>) {add = true}
    %dma_wait3A_163 = arith.constant 2 : i32
    %dma_wait3A_164 = arith.constant 0 : i32
    %dma_wait3A_165 = arith.constant 0 : i32
    %dma_wait3A_166 = tpu.memref_slice %arg9[%dma_wait3A_163, %dma_wait3A_164, %dma_wait3A_165] : memref<3x2x128xi32, #tpu.memory_space<vmem>> -> memref<1x1x128xi32, #tpu.memory_space<vmem>>
    %dma_wait3A_167 = tpu.memref_squeeze %dma_wait3A_166 : memref<1x1x128xi32, #tpu.memory_space<vmem>> -> memref<128xi32, #tpu.memory_space<vmem>>
    %dma_wait3A_168 = arith.constant 0 : i32
    %dma_wait3A_169 = arith.constant 0 : i32
    %dma_wait3A_170 = tpu.memref_slice %arg2[%dma_wait3A_168, %dma_wait3A_169] : memref<10000x128xf32, #tpu.memory_space<hbm>> -> memref<10000x128xf32, #tpu.memory_space<hbm>>
    tpu.wait_indirect_dma semaphore(%arg16 : memref<!tpu.dma_semaphore, #tpu.memory_space<semaphore_mem>>) src(%dma_wait3A_170 : memref<10000x128xf32, #tpu.memory_space<hbm>>) dst(%arg12 : memref<128x128xf32, #tpu.memory_space<vmem>>)
    %dma_start3A_171 = arith.constant 2 : i32
    %dma_start3A_172 = arith.constant 1 : i32
    %dma_start3A_173 = arith.constant 0 : i32
    %dma_start3A_174 = tpu.memref_slice %arg9[%dma_start3A_171, %dma_start3A_172, %dma_start3A_173] : memref<3x2x128xi32, #tpu.memory_space<vmem>> -> memref<1x1x128xi32, #tpu.memory_space<vmem>>
    %dma_start3A_175 = tpu.memref_squeeze %dma_start3A_174 : memref<1x1x128xi32, #tpu.memory_space<vmem>> -> memref<128xi32, #tpu.memory_space<vmem>>
    %dma_start3A_176 = arith.constant 0 : i32
    %dma_start3A_177 = arith.constant 0 : i32
    %dma_start3A_178 = tpu.memref_slice %arg13[%dma_start3A_176, %dma_start3A_177] : memref<10000x128xf32, #tpu.memory_space<vmem_shared>> -> memref<10000x128xf32, #tpu.memory_space<vmem_shared>>
    tpu.enqueue_indirect_dma source(%arg12 : memref<128x128xf32, #tpu.memory_space<vmem>>) target(%dma_start3A_178 : memref<10000x128xf32, #tpu.memory_space<vmem_shared>>) offsets(%dma_start3A_175 : memref<128xi32, #tpu.memory_space<vmem>>) semaphore(%arg22 : memref<!tpu.dma_semaphore, #tpu.memory_space<semaphore_mem>>) {add = true}
    %scan3A = arith.constant 0 : i32
    %scan3A_179 = arith.constant 1 : i32
    %scan3A_180 = arith.constant 12 : i32
    %scan3A_181 = arith.addi %scan3A_179, %scan3A_180 : i32
    %scan3A_182 = arith.constant 1 : i32
    scf.for %scan3A_347 = %scan3A_179 to %scan3A_181 step %scan3A_182  : i32 {
      %mul3A_348 = arith.constant 6 : i32
      %mul3A_349 = arith.muli %mul3A_348, %scan3A_347 : i32
      %add3A_350 = arith.addi %add3A_4, %mul3A_349 : i32
      %dma_wait3A_351 = arith.constant 0 : i32
      %dma_wait3A_352 = arith.constant 1 : i32
      %dma_wait3A_353 = arith.constant 0 : i32
      %dma_wait3A_354 = tpu.memref_slice %arg8[%dma_wait3A_351, %dma_wait3A_352, %dma_wait3A_353] : memref<3x2x128xi32, #tpu.memory_space<vmem>> -> memref<1x1x128xi32, #tpu.memory_space<vmem>>
      %dma_wait3A_355 = tpu.memref_squeeze %dma_wait3A_354 : memref<1x1x128xi32, #tpu.memory_space<vmem>> -> memref<128xi32, #tpu.memory_space<vmem>>
      %dma_wait3A_356 = arith.constant 0 : i32
      %dma_wait3A_357 = arith.constant 0 : i32
      %dma_wait3A_358 = tpu.memref_slice %arg13[%dma_wait3A_356, %dma_wait3A_357] : memref<10000x128xf32, #tpu.memory_space<vmem_shared>> -> memref<10000x128xf32, #tpu.memory_space<vmem_shared>>
      tpu.wait_indirect_dma semaphore(%arg20 : memref<!tpu.dma_semaphore, #tpu.memory_space<semaphore_mem>>) src(%arg10 : memref<128x128xf32, #tpu.memory_space<vmem>>) dst(%dma_wait3A_358 : memref<10000x128xf32, #tpu.memory_space<vmem_shared>>)
      %dma_start3A_359 = arith.constant 0 : i32
      %dma_start3A_360 = arith.constant 0 : i32
      %dma_start3A_361 = arith.constant 0 : i32
      %dma_start3A_362 = tpu.memref_slice %arg8[%dma_start3A_359, %dma_start3A_360, %dma_start3A_361] : memref<3x2x128xi32, #tpu.memory_space<vmem>> -> memref<1x1x128xi32, #tpu.memory_space<vmem>>
      %dma_start3A_363 = tpu.memref_squeeze %dma_start3A_362 : memref<1x1x128xi32, #tpu.memory_space<vmem>> -> memref<128xi32, #tpu.memory_space<vmem>>
      %dma_start3A_364 = arith.constant 0 : i32
      %dma_start3A_365 = arith.constant 0 : i32
      %dma_start3A_366 = tpu.memref_slice %arg2[%dma_start3A_364, %dma_start3A_365] : memref<10000x128xf32, #tpu.memory_space<hbm>> -> memref<10000x128xf32, #tpu.memory_space<hbm>>
      tpu.enqueue_indirect_dma source(%dma_start3A_366 : memref<10000x128xf32, #tpu.memory_space<hbm>>) target(%arg10 : memref<128x128xf32, #tpu.memory_space<vmem>>) offsets(%dma_start3A_363 : memref<128xi32, #tpu.memory_space<vmem>>) semaphore(%arg14 : memref<!tpu.dma_semaphore, #tpu.memory_space<semaphore_mem>>)
      %dma_wait3A_367 = arith.constant 0 : i32
      %dma_wait3A_368 = arith.constant 1 : i32
      %dma_wait3A_369 = arith.constant 0 : i32
      %dma_wait3A_370 = tpu.memref_slice %arg8[%dma_wait3A_367, %dma_wait3A_368, %dma_wait3A_369] : memref<3x2x128xi32, #tpu.memory_space<vmem>> -> memref<1x1x128xi32, #tpu.memory_space<vmem>>
      %dma_wait3A_371 = tpu.memref_squeeze %dma_wait3A_370 : memref<1x1x128xi32, #tpu.memory_space<vmem>> -> memref<128xi32, #tpu.memory_space<vmem>>
      %dma_wait3A_372 = arith.constant 0 : i32
      %dma_wait3A_373 = arith.constant 0 : i32
      %dma_wait3A_374 = tpu.memref_slice %arg13[%dma_wait3A_372, %dma_wait3A_373] : memref<10000x128xf32, #tpu.memory_space<vmem_shared>> -> memref<10000x128xf32, #tpu.memory_space<vmem_shared>>
      tpu.wait_indirect_dma semaphore(%arg21 : memref<!tpu.dma_semaphore, #tpu.memory_space<semaphore_mem>>) src(%arg11 : memref<128x128xf32, #tpu.memory_space<vmem>>) dst(%dma_wait3A_374 : memref<10000x128xf32, #tpu.memory_space<vmem_shared>>)
      %dma_start3A_375 = arith.constant 1 : i32
      %dma_start3A_376 = arith.constant 0 : i32
      %dma_start3A_377 = arith.constant 0 : i32
      %dma_start3A_378 = tpu.memref_slice %arg8[%dma_start3A_375, %dma_start3A_376, %dma_start3A_377] : memref<3x2x128xi32, #tpu.memory_space<vmem>> -> memref<1x1x128xi32, #tpu.memory_space<vmem>>
      %dma_start3A_379 = tpu.memref_squeeze %dma_start3A_378 : memref<1x1x128xi32, #tpu.memory_space<vmem>> -> memref<128xi32, #tpu.memory_space<vmem>>
      %dma_start3A_380 = arith.constant 0 : i32
      %dma_start3A_381 = arith.constant 0 : i32
      %dma_start3A_382 = tpu.memref_slice %arg2[%dma_start3A_380, %dma_start3A_381] : memref<10000x128xf32, #tpu.memory_space<hbm>> -> memref<10000x128xf32, #tpu.memory_space<hbm>>
      tpu.enqueue_indirect_dma source(%dma_start3A_382 : memref<10000x128xf32, #tpu.memory_space<hbm>>) target(%arg11 : memref<128x128xf32, #tpu.memory_space<vmem>>) offsets(%dma_start3A_379 : memref<128xi32, #tpu.memory_space<vmem>>) semaphore(%arg15 : memref<!tpu.dma_semaphore, #tpu.memory_space<semaphore_mem>>)
      %dma_wait3A_383 = arith.constant 0 : i32
      %dma_wait3A_384 = arith.constant 1 : i32
      %dma_wait3A_385 = arith.constant 0 : i32
      %dma_wait3A_386 = tpu.memref_slice %arg8[%dma_wait3A_383, %dma_wait3A_384, %dma_wait3A_385] : memref<3x2x128xi32, #tpu.memory_space<vmem>> -> memref<1x1x128xi32, #tpu.memory_space<vmem>>
      %dma_wait3A_387 = tpu.memref_squeeze %dma_wait3A_386 : memref<1x1x128xi32, #tpu.memory_space<vmem>> -> memref<128xi32, #tpu.memory_space<vmem>>
      %dma_wait3A_388 = arith.constant 0 : i32
      %dma_wait3A_389 = arith.constant 0 : i32
      %dma_wait3A_390 = tpu.memref_slice %arg13[%dma_wait3A_388, %dma_wait3A_389] : memref<10000x128xf32, #tpu.memory_space<vmem_shared>> -> memref<10000x128xf32, #tpu.memory_space<vmem_shared>>
      tpu.wait_indirect_dma semaphore(%arg22 : memref<!tpu.dma_semaphore, #tpu.memory_space<semaphore_mem>>) src(%arg12 : memref<128x128xf32, #tpu.memory_space<vmem>>) dst(%dma_wait3A_390 : memref<10000x128xf32, #tpu.memory_space<vmem_shared>>)
      %dma_start3A_391 = arith.constant 2 : i32
      %dma_start3A_392 = arith.constant 0 : i32
      %dma_start3A_393 = arith.constant 0 : i32
      %dma_start3A_394 = tpu.memref_slice %arg8[%dma_start3A_391, %dma_start3A_392, %dma_start3A_393] : memref<3x2x128xi32, #tpu.memory_space<vmem>> -> memref<1x1x128xi32, #tpu.memory_space<vmem>>
      %dma_start3A_395 = tpu.memref_squeeze %dma_start3A_394 : memref<1x1x128xi32, #tpu.memory_space<vmem>> -> memref<128xi32, #tpu.memory_space<vmem>>
      %dma_start3A_396 = arith.constant 0 : i32
      %dma_start3A_397 = arith.constant 0 : i32
      %dma_start3A_398 = tpu.memref_slice %arg2[%dma_start3A_396, %dma_start3A_397] : memref<10000x128xf32, #tpu.memory_space<hbm>> -> memref<10000x128xf32, #tpu.memory_space<hbm>>
      tpu.enqueue_indirect_dma source(%dma_start3A_398 : memref<10000x128xf32, #tpu.memory_space<hbm>>) target(%arg12 : memref<128x128xf32, #tpu.memory_space<vmem>>) offsets(%dma_start3A_395 : memref<128xi32, #tpu.memory_space<vmem>>) semaphore(%arg16 : memref<!tpu.dma_semaphore, #tpu.memory_space<semaphore_mem>>)
      %add3A_399 = arith.constant 3 : i32
      %add3A_400 = arith.addi %add3A_350, %add3A_399 : i32
      "tpu.region"() ({
        %run_scoped3A = tpu.sem_alloc : memref<!tpu.dma_semaphore, #tpu.memory_space<semaphore_mem>>
        %dma_start3A_547 = arith.constant 0 : i32
        %dma_start3A_548 = arith.constant 0 : i32
        %dma_start3A_549 = tpu.memref_slice %arg3[%add3A_400, %dma_start3A_547, %dma_start3A_548] : memref<2512x2x128xi32, #tpu.memory_space<hbm>> -> memref<3x2x128xi32, #tpu.memory_space<hbm>>
        %dma_start3A_550 = arith.constant 0 : i32
        %dma_start3A_551 = arith.constant 0 : i32
        %dma_start3A_552 = tpu.memref_slice %arg3[%add3A_400, %dma_start3A_550, %dma_start3A_551] : memref<2512x2x128xi32, #tpu.memory_space<hbm>> -> memref<3x2x128xi32, #tpu.memory_space<hbm>>
        tpu.enqueue_dma source(%dma_start3A_552 : memref<3x2x128xi32, #tpu.memory_space<hbm>>) target(%arg9 : memref<3x2x128xi32, #tpu.memory_space<vmem>>) target_semaphore(%run_scoped3A : memref<!tpu.dma_semaphore, #tpu.memory_space<semaphore_mem>>)
        %dma_wait3A_553 = arith.constant 0 : i32
        %dma_wait3A_554 = arith.constant 0 : i32
        %dma_wait3A_555 = tpu.memref_slice %arg3[%add3A_400, %dma_wait3A_553, %dma_wait3A_554] : memref<2512x2x128xi32, #tpu.memory_space<hbm>> -> memref<3x2x128xi32, #tpu.memory_space<hbm>>
        %dma_wait3A_556 = arith.constant 0 : i32
        %dma_wait3A_557 = arith.constant 0 : i32
        %dma_wait3A_558 = tpu.memref_slice %arg3[%add3A_400, %dma_wait3A_556, %dma_wait3A_557] : memref<2512x2x128xi32, #tpu.memory_space<hbm>> -> memref<3x2x128xi32, #tpu.memory_space<hbm>>
        tpu.wait_dma2 semaphore(%run_scoped3A : memref<!tpu.dma_semaphore, #tpu.memory_space<semaphore_mem>>) src(%dma_wait3A_558 : memref<3x2x128xi32, #tpu.memory_space<hbm>>) dst(%arg9 : memref<3x2x128xi32, #tpu.memory_space<vmem>>)
        tpu.yield
      }) : () -> ()
      %dma_wait3A_401 = arith.constant 0 : i32
      %dma_wait3A_402 = arith.constant 0 : i32
      %dma_wait3A_403 = arith.constant 0 : i32
      %dma_wait3A_404 = tpu.memref_slice %arg8[%dma_wait3A_401, %dma_wait3A_402, %dma_wait3A_403] : memref<3x2x128xi32, #tpu.memory_space<vmem>> -> memref<1x1x128xi32, #tpu.memory_space<vmem>>
      %dma_wait3A_405 = tpu.memref_squeeze %dma_wait3A_404 : memref<1x1x128xi32, #tpu.memory_space<vmem>> -> memref<128xi32, #tpu.memory_space<vmem>>
      %dma_wait3A_406 = arith.constant 0 : i32
      %dma_wait3A_407 = arith.constant 0 : i32
      %dma_wait3A_408 = tpu.memref_slice %arg2[%dma_wait3A_406, %dma_wait3A_407] : memref<10000x128xf32, #tpu.memory_space<hbm>> -> memref<10000x128xf32, #tpu.memory_space<hbm>>
      tpu.wait_indirect_dma semaphore(%arg14 : memref<!tpu.dma_semaphore, #tpu.memory_space<semaphore_mem>>) src(%dma_wait3A_408 : memref<10000x128xf32, #tpu.memory_space<hbm>>) dst(%arg10 : memref<128x128xf32, #tpu.memory_space<vmem>>)
      %dma_start3A_409 = arith.constant 0 : i32
      %dma_start3A_410 = arith.constant 1 : i32
      %dma_start3A_411 = arith.constant 0 : i32
      %dma_start3A_412 = tpu.memref_slice %arg8[%dma_start3A_409, %dma_start3A_410, %dma_start3A_411] : memref<3x2x128xi32, #tpu.memory_space<vmem>> -> memref<1x1x128xi32, #tpu.memory_space<vmem>>
      %dma_start3A_413 = tpu.memref_squeeze %dma_start3A_412 : memref<1x1x128xi32, #tpu.memory_space<vmem>> -> memref<128xi32, #tpu.memory_space<vmem>>
      %dma_start3A_414 = arith.constant 0 : i32
      %dma_start3A_415 = arith.constant 0 : i32
      %dma_start3A_416 = tpu.memref_slice %arg13[%dma_start3A_414, %dma_start3A_415] : memref<10000x128xf32, #tpu.memory_space<vmem_shared>> -> memref<10000x128xf32, #tpu.memory_space<vmem_shared>>
      tpu.enqueue_indirect_dma source(%arg10 : memref<128x128xf32, #tpu.memory_space<vmem>>) target(%dma_start3A_416 : memref<10000x128xf32, #tpu.memory_space<vmem_shared>>) offsets(%dma_start3A_413 : memref<128xi32, #tpu.memory_space<vmem>>) semaphore(%arg17 : memref<!tpu.dma_semaphore, #tpu.memory_space<semaphore_mem>>) {add = true}
      %dma_wait3A_417 = arith.constant 1 : i32
      %dma_wait3A_418 = arith.constant 0 : i32
      %dma_wait3A_419 = arith.constant 0 : i32
      %dma_wait3A_420 = tpu.memref_slice %arg8[%dma_wait3A_417, %dma_wait3A_418, %dma_wait3A_419] : memref<3x2x128xi32, #tpu.memory_space<vmem>> -> memref<1x1x128xi32, #tpu.memory_space<vmem>>
      %dma_wait3A_421 = tpu.memref_squeeze %dma_wait3A_420 : memref<1x1x128xi32, #tpu.memory_space<vmem>> -> memref<128xi32, #tpu.memory_space<vmem>>
      %dma_wait3A_422 = arith.constant 0 : i32
      %dma_wait3A_423 = arith.constant 0 : i32
      %dma_wait3A_424 = tpu.memref_slice %arg2[%dma_wait3A_422, %dma_wait3A_423] : memref<10000x128xf32, #tpu.memory_space<hbm>> -> memref<10000x128xf32, #tpu.memory_space<hbm>>
      tpu.wait_indirect_dma semaphore(%arg15 : memref<!tpu.dma_semaphore, #tpu.memory_space<semaphore_mem>>) src(%dma_wait3A_424 : memref<10000x128xf32, #tpu.memory_space<hbm>>) dst(%arg11 : memref<128x128xf32, #tpu.memory_space<vmem>>)
      %dma_start3A_425 = arith.constant 1 : i32
      %dma_start3A_426 = arith.constant 1 : i32
      %dma_start3A_427 = arith.constant 0 : i32
      %dma_start3A_428 = tpu.memref_slice %arg8[%dma_start3A_425, %dma_start3A_426, %dma_start3A_427] : memref<3x2x128xi32, #tpu.memory_space<vmem>> -> memref<1x1x128xi32, #tpu.memory_space<vmem>>
      %dma_start3A_429 = tpu.memref_squeeze %dma_start3A_428 : memref<1x1x128xi32, #tpu.memory_space<vmem>> -> memref<128xi32, #tpu.memory_space<vmem>>
      %dma_start3A_430 = arith.constant 0 : i32
      %dma_start3A_431 = arith.constant 0 : i32
      %dma_start3A_432 = tpu.memref_slice %arg13[%dma_start3A_430, %dma_start3A_431] : memref<10000x128xf32, #tpu.memory_space<vmem_shared>> -> memref<10000x128xf32, #tpu.memory_space<vmem_shared>>
      tpu.enqueue_indirect_dma source(%arg11 : memref<128x128xf32, #tpu.memory_space<vmem>>) target(%dma_start3A_432 : memref<10000x128xf32, #tpu.memory_space<vmem_shared>>) offsets(%dma_start3A_429 : memref<128xi32, #tpu.memory_space<vmem>>) semaphore(%arg18 : memref<!tpu.dma_semaphore, #tpu.memory_space<semaphore_mem>>) {add = true}
      %dma_wait3A_433 = arith.constant 2 : i32
      %dma_wait3A_434 = arith.constant 0 : i32
      %dma_wait3A_435 = arith.constant 0 : i32
      %dma_wait3A_436 = tpu.memref_slice %arg8[%dma_wait3A_433, %dma_wait3A_434, %dma_wait3A_435] : memref<3x2x128xi32, #tpu.memory_space<vmem>> -> memref<1x1x128xi32, #tpu.memory_space<vmem>>
      %dma_wait3A_437 = tpu.memref_squeeze %dma_wait3A_436 : memref<1x1x128xi32, #tpu.memory_space<vmem>> -> memref<128xi32, #tpu.memory_space<vmem>>
      %dma_wait3A_438 = arith.constant 0 : i32
      %dma_wait3A_439 = arith.constant 0 : i32
      %dma_wait3A_440 = tpu.memref_slice %arg2[%dma_wait3A_438, %dma_wait3A_439] : memref<10000x128xf32, #tpu.memory_space<hbm>> -> memref<10000x128xf32, #tpu.memory_space<hbm>>
      tpu.wait_indirect_dma semaphore(%arg16 : memref<!tpu.dma_semaphore, #tpu.memory_space<semaphore_mem>>) src(%dma_wait3A_440 : memref<10000x128xf32, #tpu.memory_space<hbm>>) dst(%arg12 : memref<128x128xf32, #tpu.memory_space<vmem>>)
      %dma_start3A_441 = arith.constant 2 : i32
      %dma_start3A_442 = arith.constant 1 : i32
      %dma_start3A_443 = arith.constant 0 : i32
      %dma_start3A_444 = tpu.memref_slice %arg8[%dma_start3A_441, %dma_start3A_442, %dma_start3A_443] : memref<3x2x128xi32, #tpu.memory_space<vmem>> -> memref<1x1x128xi32, #tpu.memory_space<vmem>>
      %dma_start3A_445 = tpu.memref_squeeze %dma_start3A_444 : memref<1x1x128xi32, #tpu.memory_space<vmem>> -> memref<128xi32, #tpu.memory_space<vmem>>
      %dma_start3A_446 = arith.constant 0 : i32
      %dma_start3A_447 = arith.constant 0 : i32
      %dma_start3A_448 = tpu.memref_slice %arg13[%dma_start3A_446, %dma_start3A_447] : memref<10000x128xf32, #tpu.memory_space<vmem_shared>> -> memref<10000x128xf32, #tpu.memory_space<vmem_shared>>
      tpu.enqueue_indirect_dma source(%arg12 : memref<128x128xf32, #tpu.memory_space<vmem>>) target(%dma_start3A_448 : memref<10000x128xf32, #tpu.memory_space<vmem_shared>>) offsets(%dma_start3A_445 : memref<128xi32, #tpu.memory_space<vmem>>) semaphore(%arg19 : memref<!tpu.dma_semaphore, #tpu.memory_space<semaphore_mem>>) {add = true}
      %dma_wait3A_449 = arith.constant 0 : i32
      %dma_wait3A_450 = arith.constant 1 : i32
      %dma_wait3A_451 = arith.constant 0 : i32
      %dma_wait3A_452 = tpu.memref_slice %arg8[%dma_wait3A_449, %dma_wait3A_450, %dma_wait3A_451] : memref<3x2x128xi32, #tpu.memory_space<vmem>> -> memref<1x1x128xi32, #tpu.memory_space<vmem>>
      %dma_wait3A_453 = tpu.memref_squeeze %dma_wait3A_452 : memref<1x1x128xi32, #tpu.memory_space<vmem>> -> memref<128xi32, #tpu.memory_space<vmem>>
      %dma_wait3A_454 = arith.constant 0 : i32
      %dma_wait3A_455 = arith.constant 0 : i32
      %dma_wait3A_456 = tpu.memref_slice %arg13[%dma_wait3A_454, %dma_wait3A_455] : memref<10000x128xf32, #tpu.memory_space<vmem_shared>> -> memref<10000x128xf32, #tpu.memory_space<vmem_shared>>
      tpu.wait_indirect_dma semaphore(%arg17 : memref<!tpu.dma_semaphore, #tpu.memory_space<semaphore_mem>>) src(%arg10 : memref<128x128xf32, #tpu.memory_space<vmem>>) dst(%dma_wait3A_456 : memref<10000x128xf32, #tpu.memory_space<vmem_shared>>)
      %dma_start3A_457 = arith.constant 0 : i32
      %dma_start3A_458 = arith.constant 0 : i32
      %dma_start3A_459 = arith.constant 0 : i32
      %dma_start3A_460 = tpu.memref_slice %arg9[%dma_start3A_457, %dma_start3A_458, %dma_start3A_459] : memref<3x2x128xi32, #tpu.memory_space<vmem>> -> memref<1x1x128xi32, #tpu.memory_space<vmem>>
      %dma_start3A_461 = tpu.memref_squeeze %dma_start3A_460 : memref<1x1x128xi32, #tpu.memory_space<vmem>> -> memref<128xi32, #tpu.memory_space<vmem>>
      %dma_start3A_462 = arith.constant 0 : i32
      %dma_start3A_463 = arith.constant 0 : i32
      %dma_start3A_464 = tpu.memref_slice %arg2[%dma_start3A_462, %dma_start3A_463] : memref<10000x128xf32, #tpu.memory_space<hbm>> -> memref<10000x128xf32, #tpu.memory_space<hbm>>
      tpu.enqueue_indirect_dma source(%dma_start3A_464 : memref<10000x128xf32, #tpu.memory_space<hbm>>) target(%arg10 : memref<128x128xf32, #tpu.memory_space<vmem>>) offsets(%dma_start3A_461 : memref<128xi32, #tpu.memory_space<vmem>>) semaphore(%arg14 : memref<!tpu.dma_semaphore, #tpu.memory_space<semaphore_mem>>)
      %dma_wait3A_465 = arith.constant 1 : i32
      %dma_wait3A_466 = arith.constant 1 : i32
      %dma_wait3A_467 = arith.constant 0 : i32
      %dma_wait3A_468 = tpu.memref_slice %arg8[%dma_wait3A_465, %dma_wait3A_466, %dma_wait3A_467] : memref<3x2x128xi32, #tpu.memory_space<vmem>> -> memref<1x1x128xi32, #tpu.memory_space<vmem>>
      %dma_wait3A_469 = tpu.memref_squeeze %dma_wait3A_468 : memref<1x1x128xi32, #tpu.memory_space<vmem>> -> memref<128xi32, #tpu.memory_space<vmem>>
      %dma_wait3A_470 = arith.constant 0 : i32
      %dma_wait3A_471 = arith.constant 0 : i32
      %dma_wait3A_472 = tpu.memref_slice %arg13[%dma_wait3A_470, %dma_wait3A_471] : memref<10000x128xf32, #tpu.memory_space<vmem_shared>> -> memref<10000x128xf32, #tpu.memory_space<vmem_shared>>
      tpu.wait_indirect_dma semaphore(%arg18 : memref<!tpu.dma_semaphore, #tpu.memory_space<semaphore_mem>>) src(%arg11 : memref<128x128xf32, #tpu.memory_space<vmem>>) dst(%dma_wait3A_472 : memref<10000x128xf32, #tpu.memory_space<vmem_shared>>)
      %dma_start3A_473 = arith.constant 1 : i32
      %dma_start3A_474 = arith.constant 0 : i32
      %dma_start3A_475 = arith.constant 0 : i32
      %dma_start3A_476 = tpu.memref_slice %arg9[%dma_start3A_473, %dma_start3A_474, %dma_start3A_475] : memref<3x2x128xi32, #tpu.memory_space<vmem>> -> memref<1x1x128xi32, #tpu.memory_space<vmem>>
      %dma_start3A_477 = tpu.memref_squeeze %dma_start3A_476 : memref<1x1x128xi32, #tpu.memory_space<vmem>> -> memref<128xi32, #tpu.memory_space<vmem>>
      %dma_start3A_478 = arith.constant 0 : i32
      %dma_start3A_479 = arith.constant 0 : i32
      %dma_start3A_480 = tpu.memref_slice %arg2[%dma_start3A_478, %dma_start3A_479] : memref<10000x128xf32, #tpu.memory_space<hbm>> -> memref<10000x128xf32, #tpu.memory_space<hbm>>
      tpu.enqueue_indirect_dma source(%dma_start3A_480 : memref<10000x128xf32, #tpu.memory_space<hbm>>) target(%arg11 : memref<128x128xf32, #tpu.memory_space<vmem>>) offsets(%dma_start3A_477 : memref<128xi32, #tpu.memory_space<vmem>>) semaphore(%arg15 : memref<!tpu.dma_semaphore, #tpu.memory_space<semaphore_mem>>)
      %dma_wait3A_481 = arith.constant 2 : i32
      %dma_wait3A_482 = arith.constant 1 : i32
      %dma_wait3A_483 = arith.constant 0 : i32
      %dma_wait3A_484 = tpu.memref_slice %arg8[%dma_wait3A_481, %dma_wait3A_482, %dma_wait3A_483] : memref<3x2x128xi32, #tpu.memory_space<vmem>> -> memref<1x1x128xi32, #tpu.memory_space<vmem>>
      %dma_wait3A_485 = tpu.memref_squeeze %dma_wait3A_484 : memref<1x1x128xi32, #tpu.memory_space<vmem>> -> memref<128xi32, #tpu.memory_space<vmem>>
      %dma_wait3A_486 = arith.constant 0 : i32
      %dma_wait3A_487 = arith.constant 0 : i32
      %dma_wait3A_488 = tpu.memref_slice %arg13[%dma_wait3A_486, %dma_wait3A_487] : memref<10000x128xf32, #tpu.memory_space<vmem_shared>> -> memref<10000x128xf32, #tpu.memory_space<vmem_shared>>
      tpu.wait_indirect_dma semaphore(%arg19 : memref<!tpu.dma_semaphore, #tpu.memory_space<semaphore_mem>>) src(%arg12 : memref<128x128xf32, #tpu.memory_space<vmem>>) dst(%dma_wait3A_488 : memref<10000x128xf32, #tpu.memory_space<vmem_shared>>)
      %dma_start3A_489 = arith.constant 2 : i32
      %dma_start3A_490 = arith.constant 0 : i32
      %dma_start3A_491 = arith.constant 0 : i32
      %dma_start3A_492 = tpu.memref_slice %arg9[%dma_start3A_489, %dma_start3A_490, %dma_start3A_491] : memref<3x2x128xi32, #tpu.memory_space<vmem>> -> memref<1x1x128xi32, #tpu.memory_space<vmem>>
      %dma_start3A_493 = tpu.memref_squeeze %dma_start3A_492 : memref<1x1x128xi32, #tpu.memory_space<vmem>> -> memref<128xi32, #tpu.memory_space<vmem>>
      %dma_start3A_494 = arith.constant 0 : i32
      %dma_start3A_495 = arith.constant 0 : i32
      %dma_start3A_496 = tpu.memref_slice %arg2[%dma_start3A_494, %dma_start3A_495] : memref<10000x128xf32, #tpu.memory_space<hbm>> -> memref<10000x128xf32, #tpu.memory_space<hbm>>
      tpu.enqueue_indirect_dma source(%dma_start3A_496 : memref<10000x128xf32, #tpu.memory_space<hbm>>) target(%arg12 : memref<128x128xf32, #tpu.memory_space<vmem>>) offsets(%dma_start3A_493 : memref<128xi32, #tpu.memory_space<vmem>>) semaphore(%arg16 : memref<!tpu.dma_semaphore, #tpu.memory_space<semaphore_mem>>)
      %add3A_497 = arith.constant 6 : i32
      %add3A_498 = arith.addi %add3A_350, %add3A_497 : i32
      "tpu.region"() ({
        %run_scoped3A = tpu.sem_alloc : memref<!tpu.dma_semaphore, #tpu.memory_space<semaphore_mem>>
        %dma_start3A_547 = arith.constant 0 : i32
        %dma_start3A_548 = arith.constant 0 : i32
        %dma_start3A_549 = tpu.memref_slice %arg3[%add3A_498, %dma_start3A_547, %dma_start3A_548] : memref<2512x2x128xi32, #tpu.memory_space<hbm>> -> memref<3x2x128xi32, #tpu.memory_space<hbm>>
        %dma_start3A_550 = arith.constant 0 : i32
        %dma_start3A_551 = arith.constant 0 : i32
        %dma_start3A_552 = tpu.memref_slice %arg3[%add3A_498, %dma_start3A_550, %dma_start3A_551] : memref<2512x2x128xi32, #tpu.memory_space<hbm>> -> memref<3x2x128xi32, #tpu.memory_space<hbm>>
        tpu.enqueue_dma source(%dma_start3A_552 : memref<3x2x128xi32, #tpu.memory_space<hbm>>) target(%arg8 : memref<3x2x128xi32, #tpu.memory_space<vmem>>) target_semaphore(%run_scoped3A : memref<!tpu.dma_semaphore, #tpu.memory_space<semaphore_mem>>)
        %dma_wait3A_553 = arith.constant 0 : i32
        %dma_wait3A_554 = arith.constant 0 : i32
        %dma_wait3A_555 = tpu.memref_slice %arg3[%add3A_498, %dma_wait3A_553, %dma_wait3A_554] : memref<2512x2x128xi32, #tpu.memory_space<hbm>> -> memref<3x2x128xi32, #tpu.memory_space<hbm>>
        %dma_wait3A_556 = arith.constant 0 : i32
        %dma_wait3A_557 = arith.constant 0 : i32
        %dma_wait3A_558 = tpu.memref_slice %arg3[%add3A_498, %dma_wait3A_556, %dma_wait3A_557] : memref<2512x2x128xi32, #tpu.memory_space<hbm>> -> memref<3x2x128xi32, #tpu.memory_space<hbm>>
        tpu.wait_dma2 semaphore(%run_scoped3A : memref<!tpu.dma_semaphore, #tpu.memory_space<semaphore_mem>>) src(%dma_wait3A_558 : memref<3x2x128xi32, #tpu.memory_space<hbm>>) dst(%arg8 : memref<3x2x128xi32, #tpu.memory_space<vmem>>)
        tpu.yield
      }) : () -> ()
      %dma_wait3A_499 = arith.constant 0 : i32
      %dma_wait3A_500 = arith.constant 0 : i32
      %dma_wait3A_501 = arith.constant 0 : i32
      %dma_wait3A_502 = tpu.memref_slice %arg9[%dma_wait3A_499, %dma_wait3A_500, %dma_wait3A_501] : memref<3x2x128xi32, #tpu.memory_space<vmem>> -> memref<1x1x128xi32, #tpu.memory_space<vmem>>
      %dma_wait3A_503 = tpu.memref_squeeze %dma_wait3A_502 : memref<1x1x128xi32, #tpu.memory_space<vmem>> -> memref<128xi32, #tpu.memory_space<vmem>>
      %dma_wait3A_504 = arith.constant 0 : i32
      %dma_wait3A_505 = arith.constant 0 : i32
      %dma_wait3A_506 = tpu.memref_slice %arg2[%dma_wait3A_504, %dma_wait3A_505] : memref<10000x128xf32, #tpu.memory_space<hbm>> -> memref<10000x128xf32, #tpu.memory_space<hbm>>
      tpu.wait_indirect_dma semaphore(%arg14 : memref<!tpu.dma_semaphore, #tpu.memory_space<semaphore_mem>>) src(%dma_wait3A_506 : memref<10000x128xf32, #tpu.memory_space<hbm>>) dst(%arg10 : memref<128x128xf32, #tpu.memory_space<vmem>>)
      %dma_start3A_507 = arith.constant 0 : i32
      %dma_start3A_508 = arith.constant 1 : i32
      %dma_start3A_509 = arith.constant 0 : i32
      %dma_start3A_510 = tpu.memref_slice %arg9[%dma_start3A_507, %dma_start3A_508, %dma_start3A_509] : memref<3x2x128xi32, #tpu.memory_space<vmem>> -> memref<1x1x128xi32, #tpu.memory_space<vmem>>
      %dma_start3A_511 = tpu.memref_squeeze %dma_start3A_510 : memref<1x1x128xi32, #tpu.memory_space<vmem>> -> memref<128xi32, #tpu.memory_space<vmem>>
      %dma_start3A_512 = arith.constant 0 : i32
      %dma_start3A_513 = arith.constant 0 : i32
      %dma_start3A_514 = tpu.memref_slice %arg13[%dma_start3A_512, %dma_start3A_513] : memref<10000x128xf32, #tpu.memory_space<vmem_shared>> -> memref<10000x128xf32, #tpu.memory_space<vmem_shared>>
      tpu.enqueue_indirect_dma source(%arg10 : memref<128x128xf32, #tpu.memory_space<vmem>>) target(%dma_start3A_514 : memref<10000x128xf32, #tpu.memory_space<vmem_shared>>) offsets(%dma_start3A_511 : memref<128xi32, #tpu.memory_space<vmem>>) semaphore(%arg20 : memref<!tpu.dma_semaphore, #tpu.memory_space<semaphore_mem>>) {add = true}
      %dma_wait3A_515 = arith.constant 1 : i32
      %dma_wait3A_516 = arith.constant 0 : i32
      %dma_wait3A_517 = arith.constant 0 : i32
      %dma_wait3A_518 = tpu.memref_slice %arg9[%dma_wait3A_515, %dma_wait3A_516, %dma_wait3A_517] : memref<3x2x128xi32, #tpu.memory_space<vmem>> -> memref<1x1x128xi32, #tpu.memory_space<vmem>>
      %dma_wait3A_519 = tpu.memref_squeeze %dma_wait3A_518 : memref<1x1x128xi32, #tpu.memory_space<vmem>> -> memref<128xi32, #tpu.memory_space<vmem>>
      %dma_wait3A_520 = arith.constant 0 : i32
      %dma_wait3A_521 = arith.constant 0 : i32
      %dma_wait3A_522 = tpu.memref_slice %arg2[%dma_wait3A_520, %dma_wait3A_521] : memref<10000x128xf32, #tpu.memory_space<hbm>> -> memref<10000x128xf32, #tpu.memory_space<hbm>>
      tpu.wait_indirect_dma semaphore(%arg15 : memref<!tpu.dma_semaphore, #tpu.memory_space<semaphore_mem>>) src(%dma_wait3A_522 : memref<10000x128xf32, #tpu.memory_space<hbm>>) dst(%arg11 : memref<128x128xf32, #tpu.memory_space<vmem>>)
      %dma_start3A_523 = arith.constant 1 : i32
      %dma_start3A_524 = arith.constant 1 : i32
      %dma_start3A_525 = arith.constant 0 : i32
      %dma_start3A_526 = tpu.memref_slice %arg9[%dma_start3A_523, %dma_start3A_524, %dma_start3A_525] : memref<3x2x128xi32, #tpu.memory_space<vmem>> -> memref<1x1x128xi32, #tpu.memory_space<vmem>>
      %dma_start3A_527 = tpu.memref_squeeze %dma_start3A_526 : memref<1x1x128xi32, #tpu.memory_space<vmem>> -> memref<128xi32, #tpu.memory_space<vmem>>
      %dma_start3A_528 = arith.constant 0 : i32
      %dma_start3A_529 = arith.constant 0 : i32
      %dma_start3A_530 = tpu.memref_slice %arg13[%dma_start3A_528, %dma_start3A_529] : memref<10000x128xf32, #tpu.memory_space<vmem_shared>> -> memref<10000x128xf32, #tpu.memory_space<vmem_shared>>
      tpu.enqueue_indirect_dma source(%arg11 : memref<128x128xf32, #tpu.memory_space<vmem>>) target(%dma_start3A_530 : memref<10000x128xf32, #tpu.memory_space<vmem_shared>>) offsets(%dma_start3A_527 : memref<128xi32, #tpu.memory_space<vmem>>) semaphore(%arg21 : memref<!tpu.dma_semaphore, #tpu.memory_space<semaphore_mem>>) {add = true}
      %dma_wait3A_531 = arith.constant 2 : i32
      %dma_wait3A_532 = arith.constant 0 : i32
      %dma_wait3A_533 = arith.constant 0 : i32
      %dma_wait3A_534 = tpu.memref_slice %arg9[%dma_wait3A_531, %dma_wait3A_532, %dma_wait3A_533] : memref<3x2x128xi32, #tpu.memory_space<vmem>> -> memref<1x1x128xi32, #tpu.memory_space<vmem>>
      %dma_wait3A_535 = tpu.memref_squeeze %dma_wait3A_534 : memref<1x1x128xi32, #tpu.memory_space<vmem>> -> memref<128xi32, #tpu.memory_space<vmem>>
      %dma_wait3A_536 = arith.constant 0 : i32
      %dma_wait3A_537 = arith.constant 0 : i32
      %dma_wait3A_538 = tpu.memref_slice %arg2[%dma_wait3A_536, %dma_wait3A_537] : memref<10000x128xf32, #tpu.memory_space<hbm>> -> memref<10000x128xf32, #tpu.memory_space<hbm>>
      tpu.wait_indirect_dma semaphore(%arg16 : memref<!tpu.dma_semaphore, #tpu.memory_space<semaphore_mem>>) src(%dma_wait3A_538 : memref<10000x128xf32, #tpu.memory_space<hbm>>) dst(%arg12 : memref<128x128xf32, #tpu.memory_space<vmem>>)
      %dma_start3A_539 = arith.constant 2 : i32
      %dma_start3A_540 = arith.constant 1 : i32
      %dma_start3A_541 = arith.constant 0 : i32
      %dma_start3A_542 = tpu.memref_slice %arg9[%dma_start3A_539, %dma_start3A_540, %dma_start3A_541] : memref<3x2x128xi32, #tpu.memory_space<vmem>> -> memref<1x1x128xi32, #tpu.memory_space<vmem>>
      %dma_start3A_543 = tpu.memref_squeeze %dma_start3A_542 : memref<1x1x128xi32, #tpu.memory_space<vmem>> -> memref<128xi32, #tpu.memory_space<vmem>>
      %dma_start3A_544 = arith.constant 0 : i32
      %dma_start3A_545 = arith.constant 0 : i32
      %dma_start3A_546 = tpu.memref_slice %arg13[%dma_start3A_544, %dma_start3A_545] : memref<10000x128xf32, #tpu.memory_space<vmem_shared>> -> memref<10000x128xf32, #tpu.memory_space<vmem_shared>>
      tpu.enqueue_indirect_dma source(%arg12 : memref<128x128xf32, #tpu.memory_space<vmem>>) target(%dma_start3A_546 : memref<10000x128xf32, #tpu.memory_space<vmem_shared>>) offsets(%dma_start3A_543 : memref<128xi32, #tpu.memory_space<vmem>>) semaphore(%arg22 : memref<!tpu.dma_semaphore, #tpu.memory_space<semaphore_mem>>) {add = true}
    }
    %scan3A_183 = arith.constant 12 : i32
    %dma_wait3A_184 = arith.constant 0 : i32
    %dma_wait3A_185 = arith.constant 1 : i32
    %dma_wait3A_186 = arith.constant 0 : i32
    %dma_wait3A_187 = tpu.memref_slice %arg8[%dma_wait3A_184, %dma_wait3A_185, %dma_wait3A_186] : memref<3x2x128xi32, #tpu.memory_space<vmem>> -> memref<1x1x128xi32, #tpu.memory_space<vmem>>
    %dma_wait3A_188 = tpu.memref_squeeze %dma_wait3A_187 : memref<1x1x128xi32, #tpu.memory_space<vmem>> -> memref<128xi32, #tpu.memory_space<vmem>>
    %dma_wait3A_189 = arith.constant 0 : i32
    %dma_wait3A_190 = arith.constant 0 : i32
    %dma_wait3A_191 = tpu.memref_slice %arg13[%dma_wait3A_189, %dma_wait3A_190] : memref<10000x128xf32, #tpu.memory_space<vmem_shared>> -> memref<10000x128xf32, #tpu.memory_space<vmem_shared>>
    tpu.wait_indirect_dma semaphore(%arg20 : memref<!tpu.dma_semaphore, #tpu.memory_space<semaphore_mem>>) src(%arg10 : memref<128x128xf32, #tpu.memory_space<vmem>>) dst(%dma_wait3A_191 : memref<10000x128xf32, #tpu.memory_space<vmem_shared>>)
    %dma_wait3A_192 = arith.constant 0 : i32
    %dma_wait3A_193 = arith.constant 1 : i32
    %dma_wait3A_194 = arith.constant 0 : i32
    %dma_wait3A_195 = tpu.memref_slice %arg8[%dma_wait3A_192, %dma_wait3A_193, %dma_wait3A_194] : memref<3x2x128xi32, #tpu.memory_space<vmem>> -> memref<1x1x128xi32, #tpu.memory_space<vmem>>
    %dma_wait3A_196 = tpu.memref_squeeze %dma_wait3A_195 : memref<1x1x128xi32, #tpu.memory_space<vmem>> -> memref<128xi32, #tpu.memory_space<vmem>>
    %dma_wait3A_197 = arith.constant 0 : i32
    %dma_wait3A_198 = arith.constant 0 : i32
    %dma_wait3A_199 = tpu.memref_slice %arg13[%dma_wait3A_197, %dma_wait3A_198] : memref<10000x128xf32, #tpu.memory_space<vmem_shared>> -> memref<10000x128xf32, #tpu.memory_space<vmem_shared>>
    tpu.wait_indirect_dma semaphore(%arg21 : memref<!tpu.dma_semaphore, #tpu.memory_space<semaphore_mem>>) src(%arg11 : memref<128x128xf32, #tpu.memory_space<vmem>>) dst(%dma_wait3A_199 : memref<10000x128xf32, #tpu.memory_space<vmem_shared>>)
    %dma_wait3A_200 = arith.constant 0 : i32
    %dma_wait3A_201 = arith.constant 1 : i32
    %dma_wait3A_202 = arith.constant 0 : i32
    %dma_wait3A_203 = tpu.memref_slice %arg8[%dma_wait3A_200, %dma_wait3A_201, %dma_wait3A_202] : memref<3x2x128xi32, #tpu.memory_space<vmem>> -> memref<1x1x128xi32, #tpu.memory_space<vmem>>
    %dma_wait3A_204 = tpu.memref_squeeze %dma_wait3A_203 : memref<1x1x128xi32, #tpu.memory_space<vmem>> -> memref<128xi32, #tpu.memory_space<vmem>>
    %dma_wait3A_205 = arith.constant 0 : i32
    %dma_wait3A_206 = arith.constant 0 : i32
    %dma_wait3A_207 = tpu.memref_slice %arg13[%dma_wait3A_205, %dma_wait3A_206] : memref<10000x128xf32, #tpu.memory_space<vmem_shared>> -> memref<10000x128xf32, #tpu.memory_space<vmem_shared>>
    tpu.wait_indirect_dma semaphore(%arg22 : memref<!tpu.dma_semaphore, #tpu.memory_space<semaphore_mem>>) src(%arg12 : memref<128x128xf32, #tpu.memory_space<vmem>>) dst(%dma_wait3A_207 : memref<10000x128xf32, #tpu.memory_space<vmem_shared>>)
    %lt3A = arith.constant 4 : i32
    %lt3A_208 = arith.cmpi slt, %add3A, %lt3A : i32
    %convert_element_type3A_209 = arith.extui %lt3A_208 : i1 to i32
    %cond3A_210 = arith.constant 0 : i32
    %cond3A_211 = arith.cmpi ne, %convert_element_type3A_209, %cond3A_210 : i32
    scf.if %cond3A_211 {
      %dma_start3A_347 = arith.constant 0 : i32
      %dma_start3A_348 = arith.constant 0 : i32
      %dma_start3A_349 = arith.constant 0 : i32
      %dma_start3A_350 = tpu.memref_slice %arg8[%dma_start3A_347, %dma_start3A_348, %dma_start3A_349] : memref<3x2x128xi32, #tpu.memory_space<vmem>> -> memref<1x1x128xi32, #tpu.memory_space<vmem>>
      %dma_start3A_351 = tpu.memref_squeeze %dma_start3A_350 : memref<1x1x128xi32, #tpu.memory_space<vmem>> -> memref<128xi32, #tpu.memory_space<vmem>>
      %dma_start3A_352 = arith.constant 0 : i32
      %dma_start3A_353 = arith.constant 0 : i32
      %dma_start3A_354 = tpu.memref_slice %arg2[%dma_start3A_352, %dma_start3A_353] : memref<10000x128xf32, #tpu.memory_space<hbm>> -> memref<10000x128xf32, #tpu.memory_space<hbm>>
      tpu.enqueue_indirect_dma source(%dma_start3A_354 : memref<10000x128xf32, #tpu.memory_space<hbm>>) target(%arg10 : memref<128x128xf32, #tpu.memory_space<vmem>>) offsets(%dma_start3A_351 : memref<128xi32, #tpu.memory_space<vmem>>) semaphore(%arg14 : memref<!tpu.dma_semaphore, #tpu.memory_space<semaphore_mem>>)
      %dma_wait3A_355 = arith.constant 0 : i32
      %dma_wait3A_356 = arith.constant 0 : i32
      %dma_wait3A_357 = arith.constant 0 : i32
      %dma_wait3A_358 = tpu.memref_slice %arg8[%dma_wait3A_355, %dma_wait3A_356, %dma_wait3A_357] : memref<3x2x128xi32, #tpu.memory_space<vmem>> -> memref<1x1x128xi32, #tpu.memory_space<vmem>>
      %dma_wait3A_359 = tpu.memref_squeeze %dma_wait3A_358 : memref<1x1x128xi32, #tpu.memory_space<vmem>> -> memref<128xi32, #tpu.memory_space<vmem>>
      %dma_wait3A_360 = arith.constant 0 : i32
      %dma_wait3A_361 = arith.constant 0 : i32
      %dma_wait3A_362 = tpu.memref_slice %arg2[%dma_wait3A_360, %dma_wait3A_361] : memref<10000x128xf32, #tpu.memory_space<hbm>> -> memref<10000x128xf32, #tpu.memory_space<hbm>>
      tpu.wait_indirect_dma semaphore(%arg14 : memref<!tpu.dma_semaphore, #tpu.memory_space<semaphore_mem>>) src(%dma_wait3A_362 : memref<10000x128xf32, #tpu.memory_space<hbm>>) dst(%arg10 : memref<128x128xf32, #tpu.memory_space<vmem>>)
      %run_scoped3A = arith.constant 0 : i32
      %run_scoped3A_363 = arith.constant 1 : i32
      "tpu.region"() ({
        %run_scoped3A_364 = tpu.sem_alloc : memref<!tpu.dma_semaphore, #tpu.memory_space<semaphore_mem>>
        %dma_start3A_365 = arith.constant 0 : i32
        %dma_start3A_366 = tpu.memref_slice %arg8[%run_scoped3A, %run_scoped3A_363, %dma_start3A_365] : memref<3x2x128xi32, #tpu.memory_space<vmem>> -> memref<1x1x128xi32, #tpu.memory_space<vmem>>
        %dma_start3A_367 = tpu.memref_squeeze %dma_start3A_366 : memref<1x1x128xi32, #tpu.memory_space<vmem>> -> memref<128xi32, #tpu.memory_space<vmem>>
        %dma_start3A_368 = arith.constant 0 : i32
        %dma_start3A_369 = arith.constant 0 : i32
        %dma_start3A_370 = tpu.memref_slice %arg13[%dma_start3A_368, %dma_start3A_369] : memref<10000x128xf32, #tpu.memory_space<vmem_shared>> -> memref<10000x128xf32, #tpu.memory_space<vmem_shared>>
        tpu.enqueue_indirect_dma source(%arg10 : memref<128x128xf32, #tpu.memory_space<vmem>>) target(%dma_start3A_370 : memref<10000x128xf32, #tpu.memory_space<vmem_shared>>) offsets(%dma_start3A_367 : memref<128xi32, #tpu.memory_space<vmem>>) semaphore(%run_scoped3A_364 : memref<!tpu.dma_semaphore, #tpu.memory_space<semaphore_mem>>) {add = true}
        %dma_wait3A_371 = arith.constant 0 : i32
        %dma_wait3A_372 = tpu.memref_slice %arg8[%run_scoped3A, %run_scoped3A_363, %dma_wait3A_371] : memref<3x2x128xi32, #tpu.memory_space<vmem>> -> memref<1x1x128xi32, #tpu.memory_space<vmem>>
        %dma_wait3A_373 = tpu.memref_squeeze %dma_wait3A_372 : memref<1x1x128xi32, #tpu.memory_space<vmem>> -> memref<128xi32, #tpu.memory_space<vmem>>
        %dma_wait3A_374 = arith.constant 0 : i32
        %dma_wait3A_375 = arith.constant 0 : i32
        %dma_wait3A_376 = tpu.memref_slice %arg13[%dma_wait3A_374, %dma_wait3A_375] : memref<10000x128xf32, #tpu.memory_space<vmem_shared>> -> memref<10000x128xf32, #tpu.memory_space<vmem_shared>>
        tpu.wait_indirect_dma semaphore(%run_scoped3A_364 : memref<!tpu.dma_semaphore, #tpu.memory_space<semaphore_mem>>) src(%arg10 : memref<128x128xf32, #tpu.memory_space<vmem>>) dst(%dma_wait3A_376 : memref<10000x128xf32, #tpu.memory_space<vmem_shared>>)
        tpu.yield
      }) : () -> ()
    } else {
    }
    %barrier3A_212 = arith.constant 0 : index
    tpu.barrier barrier_id(%barrier3A_212)
    %mul3A_213 = arith.constant 624 : i32
    %mul3A_214 = arith.muli %arg1, %mul3A_213 : i32
    "tpu.region"() ({
      %run_scoped3A = tpu.sem_alloc : memref<!tpu.dma_semaphore, #tpu.memory_space<semaphore_mem>>
      %dma_start3A_347 = arith.constant 0 : i32
      %dma_start3A_348 = tpu.memref_slice %arg6[%arg0, %mul3A_214, %dma_start3A_347] : memref<2x10000x128xf32, #tpu.memory_space<hbm>> -> memref<1x624x128xf32, #tpu.memory_space<hbm>>
      %dma_start3A_349 = tpu.memref_squeeze %dma_start3A_348 : memref<1x624x128xf32, #tpu.memory_space<hbm>> -> memref<624x128xf32, #tpu.memory_space<hbm>>
      %dma_start3A_350 = arith.constant 0 : i32
      %dma_start3A_351 = tpu.memref_slice %arg13[%mul3A_214, %dma_start3A_350] : memref<10000x128xf32, #tpu.memory_space<vmem_shared>> -> memref<624x128xf32, #tpu.memory_space<vmem_shared>>
      tpu.enqueue_dma source(%dma_start3A_351 : memref<624x128xf32, #tpu.memory_space<vmem_shared>>) target(%dma_start3A_349 : memref<624x128xf32, #tpu.memory_space<hbm>>) target_semaphore(%run_scoped3A : memref<!tpu.dma_semaphore, #tpu.memory_space<semaphore_mem>>)
      %dma_wait3A_352 = arith.constant 0 : i32
      %dma_wait3A_353 = tpu.memref_slice %arg6[%arg0, %mul3A_214, %dma_wait3A_352] : memref<2x10000x128xf32, #tpu.memory_space<hbm>> -> memref<1x624x128xf32, #tpu.memory_space<hbm>>
      %dma_wait3A_354 = tpu.memref_squeeze %dma_wait3A_353 : memref<1x624x128xf32, #tpu.memory_space<hbm>> -> memref<624x128xf32, #tpu.memory_space<hbm>>
      %dma_wait3A_355 = arith.constant 0 : i32
      %dma_wait3A_356 = tpu.memref_slice %arg13[%mul3A_214, %dma_wait3A_355] : memref<10000x128xf32, #tpu.memory_space<vmem_shared>> -> memref<624x128xf32, #tpu.memory_space<vmem_shared>>
      tpu.wait_dma2 semaphore(%run_scoped3A : memref<!tpu.dma_semaphore, #tpu.memory_space<semaphore_mem>>) src(%dma_wait3A_356 : memref<624x128xf32, #tpu.memory_space<vmem_shared>>) dst(%dma_wait3A_354 : memref<624x128xf32, #tpu.memory_space<hbm>>)
      tpu.yield
    }) : () -> ()
    %eq3A_215 = arith.constant 0 : i32
    %eq3A_216 = arith.cmpi eq, %arg1, %eq3A_215 : i32
    %convert_element_type3A_217 = arith.extui %eq3A_216 : i1 to i32
    %cond3A_218 = arith.constant 0 : i32
    %cond3A_219 = arith.cmpi ne, %convert_element_type3A_217, %cond3A_218 : i32
    scf.if %cond3A_219 {
      "tpu.region"() ({
        %run_scoped3A = tpu.sem_alloc : memref<!tpu.dma_semaphore, #tpu.memory_space<semaphore_mem>>
        %dma_start3A_347 = arith.constant 9984 : i32
        %dma_start3A_348 = arith.constant 0 : i32
        %dma_start3A_349 = tpu.memref_slice %arg6[%arg0, %dma_start3A_347, %dma_start3A_348] : memref<2x10000x128xf32, #tpu.memory_space<hbm>> -> memref<1x16x128xf32, #tpu.memory_space<hbm>>
        %dma_start3A_350 = tpu.memref_squeeze %dma_start3A_349 : memref<1x16x128xf32, #tpu.memory_space<hbm>> -> memref<16x128xf32, #tpu.memory_space<hbm>>
        %dma_start3A_351 = arith.constant 9984 : i32
        %dma_start3A_352 = arith.constant 0 : i32
        %dma_start3A_353 = tpu.memref_slice %arg13[%dma_start3A_351, %dma_start3A_352] : memref<10000x128xf32, #tpu.memory_space<vmem_shared>> -> memref<16x128xf32, #tpu.memory_space<vmem_shared>>
        tpu.enqueue_dma source(%dma_start3A_353 : memref<16x128xf32, #tpu.memory_space<vmem_shared>>) target(%dma_start3A_350 : memref<16x128xf32, #tpu.memory_space<hbm>>) target_semaphore(%run_scoped3A : memref<!tpu.dma_semaphore, #tpu.memory_space<semaphore_mem>>)
        %dma_wait3A_354 = arith.constant 9984 : i32
        %dma_wait3A_355 = arith.constant 0 : i32
        %dma_wait3A_356 = tpu.memref_slice %arg6[%arg0, %dma_wait3A_354, %dma_wait3A_355] : memref<2x10000x128xf32, #tpu.memory_space<hbm>> -> memref<1x16x128xf32, #tpu.memory_space<hbm>>
        %dma_wait3A_357 = tpu.memref_squeeze %dma_wait3A_356 : memref<1x16x128xf32, #tpu.memory_space<hbm>> -> memref<16x128xf32, #tpu.memory_space<hbm>>
        %dma_wait3A_358 = arith.constant 9984 : i32
        %dma_wait3A_359 = arith.constant 0 : i32
        %dma_wait3A_360 = tpu.memref_slice %arg13[%dma_wait3A_358, %dma_wait3A_359] : memref<10000x128xf32, #tpu.memory_space<vmem_shared>> -> memref<16x128xf32, #tpu.memory_space<vmem_shared>>
        tpu.wait_dma2 semaphore(%run_scoped3A : memref<!tpu.dma_semaphore, #tpu.memory_space<semaphore_mem>>) src(%dma_wait3A_360 : memref<16x128xf32, #tpu.memory_space<vmem_shared>>) dst(%dma_wait3A_357 : memref<16x128xf32, #tpu.memory_space<hbm>>)
        tpu.yield
      }) : () -> ()
    } else {
    }
    %mul3A_220 = arith.constant 624 : i32
    %mul3A_221 = arith.muli %arg1, %mul3A_220 : i32
    "tpu.region"() ({
      %run_scoped3A = tpu.sem_alloc : memref<!tpu.dma_semaphore, #tpu.memory_space<semaphore_mem>>
      %dma_start3A_347 = arith.constant 0 : i32
      %dma_start3A_348 = tpu.memref_slice %arg13[%mul3A_221, %dma_start3A_347] : memref<10000x128xf32, #tpu.memory_space<vmem_shared>> -> memref<624x128xf32, #tpu.memory_space<vmem_shared>>
      tpu.enqueue_dma source(%arg4 : memref<624x128xf32, #tpu.memory_space<hbm>>) target(%dma_start3A_348 : memref<624x128xf32, #tpu.memory_space<vmem_shared>>) target_semaphore(%run_scoped3A : memref<!tpu.dma_semaphore, #tpu.memory_space<semaphore_mem>>)
      %dma_wait3A_349 = arith.constant 0 : i32
      %dma_wait3A_350 = tpu.memref_slice %arg13[%mul3A_221, %dma_wait3A_349] : memref<10000x128xf32, #tpu.memory_space<vmem_shared>> -> memref<624x128xf32, #tpu.memory_space<vmem_shared>>
      tpu.wait_dma2 semaphore(%run_scoped3A : memref<!tpu.dma_semaphore, #tpu.memory_space<semaphore_mem>>) src(%arg4 : memref<624x128xf32, #tpu.memory_space<hbm>>) dst(%dma_wait3A_350 : memref<624x128xf32, #tpu.memory_space<vmem_shared>>)
      tpu.yield
    }) : () -> ()
    %eq3A_222 = arith.constant 0 : i32
    %eq3A_223 = arith.cmpi eq, %arg1, %eq3A_222 : i32
    %convert_element_type3A_224 = arith.extui %eq3A_223 : i1 to i32
    %cond3A_225 = arith.constant 0 : i32
    %cond3A_226 = arith.cmpi ne, %convert_element_type3A_224, %cond3A_225 : i32
    scf.if %cond3A_226 {
      "tpu.region"() ({
        %run_scoped3A = tpu.sem_alloc : memref<!tpu.dma_semaphore, #tpu.memory_space<semaphore_mem>>
        %dma_start3A_347 = arith.constant 9984 : i32
        %dma_start3A_348 = arith.constant 0 : i32
        %dma_start3A_349 = tpu.memref_slice %arg13[%dma_start3A_347, %dma_start3A_348] : memref<10000x128xf32, #tpu.memory_space<vmem_shared>> -> memref<16x128xf32, #tpu.memory_space<vmem_shared>>
        %dma_start3A_350 = arith.constant 0 : i32
        %dma_start3A_351 = arith.constant 0 : i32
        %dma_start3A_352 = tpu.memref_slice %arg4[%dma_start3A_350, %dma_start3A_351] : memref<624x128xf32, #tpu.memory_space<hbm>> -> memref<16x128xf32, #tpu.memory_space<hbm>>
        tpu.enqueue_dma source(%dma_start3A_352 : memref<16x128xf32, #tpu.memory_space<hbm>>) target(%dma_start3A_349 : memref<16x128xf32, #tpu.memory_space<vmem_shared>>) target_semaphore(%run_scoped3A : memref<!tpu.dma_semaphore, #tpu.memory_space<semaphore_mem>>)
        %dma_wait3A_353 = arith.constant 9984 : i32
        %dma_wait3A_354 = arith.constant 0 : i32
        %dma_wait3A_355 = tpu.memref_slice %arg13[%dma_wait3A_353, %dma_wait3A_354] : memref<10000x128xf32, #tpu.memory_space<vmem_shared>> -> memref<16x128xf32, #tpu.memory_space<vmem_shared>>
        %dma_wait3A_356 = arith.constant 0 : i32
        %dma_wait3A_357 = arith.constant 0 : i32
        %dma_wait3A_358 = tpu.memref_slice %arg4[%dma_wait3A_356, %dma_wait3A_357] : memref<624x128xf32, #tpu.memory_space<hbm>> -> memref<16x128xf32, #tpu.memory_space<hbm>>
        tpu.wait_dma2 semaphore(%run_scoped3A : memref<!tpu.dma_semaphore, #tpu.memory_space<semaphore_mem>>) src(%dma_wait3A_358 : memref<16x128xf32, #tpu.memory_space<hbm>>) dst(%dma_wait3A_355 : memref<16x128xf32, #tpu.memory_space<vmem_shared>>)
        tpu.yield
      }) : () -> ()
    } else {
    }
    "tpu.region"() ({
      %run_scoped3A = tpu.sem_alloc : memref<!tpu.dma_semaphore, #tpu.memory_space<semaphore_mem>>
      tpu.enqueue_dma source(%arg5 : memref<128x128xf32, #tpu.memory_space<hbm>>) target(%arg10 : memref<128x128xf32, #tpu.memory_space<vmem>>) target_semaphore(%run_scoped3A : memref<!tpu.dma_semaphore, #tpu.memory_space<semaphore_mem>>)
      tpu.wait_dma2 semaphore(%run_scoped3A : memref<!tpu.dma_semaphore, #tpu.memory_space<semaphore_mem>>) src(%arg5 : memref<128x128xf32, #tpu.memory_space<hbm>>) dst(%arg10 : memref<128x128xf32, #tpu.memory_space<vmem>>)
      tpu.yield
    }) : () -> ()
    %barrier3A_227 = arith.constant 0 : index
    tpu.barrier barrier_id(%barrier3A_227)
    "tpu.region"() ({
      %run_scoped3A = tpu.sem_alloc : memref<!tpu.dma_semaphore, #tpu.memory_space<semaphore_mem>>
      %dma_start3A_347 = arith.constant 0 : i32
      %dma_start3A_348 = arith.constant 0 : i32
      %dma_start3A_349 = tpu.memref_slice %arg3[%add3A_4, %dma_start3A_347, %dma_start3A_348] : memref<2512x2x128xi32, #tpu.memory_space<hbm>> -> memref<3x2x128xi32, #tpu.memory_space<hbm>>
      %dma_start3A_350 = arith.constant 0 : i32
      %dma_start3A_351 = arith.constant 0 : i32
      %dma_start3A_352 = tpu.memref_slice %arg3[%add3A_4, %dma_start3A_350, %dma_start3A_351] : memref<2512x2x128xi32, #tpu.memory_space<hbm>> -> memref<3x2x128xi32, #tpu.memory_space<hbm>>
      tpu.enqueue_dma source(%dma_start3A_352 : memref<3x2x128xi32, #tpu.memory_space<hbm>>) target(%arg8 : memref<3x2x128xi32, #tpu.memory_space<vmem>>) target_semaphore(%run_scoped3A : memref<!tpu.dma_semaphore, #tpu.memory_space<semaphore_mem>>)
      %dma_wait3A_353 = arith.constant 0 : i32
      %dma_wait3A_354 = arith.constant 0 : i32
      %dma_wait3A_355 = tpu.memref_slice %arg3[%add3A_4, %dma_wait3A_353, %dma_wait3A_354] : memref<2512x2x128xi32, #tpu.memory_space<hbm>> -> memref<3x2x128xi32, #tpu.memory_space<hbm>>
      %dma_wait3A_356 = arith.constant 0 : i32
      %dma_wait3A_357 = arith.constant 0 : i32
      %dma_wait3A_358 = tpu.memref_slice %arg3[%add3A_4, %dma_wait3A_356, %dma_wait3A_357] : memref<2512x2x128xi32, #tpu.memory_space<hbm>> -> memref<3x2x128xi32, #tpu.memory_space<hbm>>
      tpu.wait_dma2 semaphore(%run_scoped3A : memref<!tpu.dma_semaphore, #tpu.memory_space<semaphore_mem>>) src(%dma_wait3A_358 : memref<3x2x128xi32, #tpu.memory_space<hbm>>) dst(%arg8 : memref<3x2x128xi32, #tpu.memory_space<vmem>>)
      tpu.yield
    }) : () -> ()
    %dma_start3A_228 = arith.constant 0 : i32
    %dma_start3A_229 = arith.constant 1 : i32
    %dma_start3A_230 = arith.constant 0 : i32
    %dma_start3A_231 = tpu.memref_slice %arg8[%dma_start3A_228, %dma_start3A_229, %dma_start3A_230] : memref<3x2x128xi32, #tpu.memory_space<vmem>> -> memref<1x1x128xi32, #tpu.memory_space<vmem>>
    %dma_start3A_232 = tpu.memref_squeeze %dma_start3A_231 : memref<1x1x128xi32, #tpu.memory_space<vmem>> -> memref<128xi32, #tpu.memory_space<vmem>>
    %dma_start3A_233 = arith.constant 0 : i32
    %dma_start3A_234 = arith.constant 0 : i32
    %dma_start3A_235 = tpu.memref_slice %arg13[%dma_start3A_233, %dma_start3A_234] : memref<10000x128xf32, #tpu.memory_space<vmem_shared>> -> memref<10000x128xf32, #tpu.memory_space<vmem_shared>>
    tpu.enqueue_indirect_dma source(%arg10 : memref<128x128xf32, #tpu.memory_space<vmem>>) target(%dma_start3A_235 : memref<10000x128xf32, #tpu.memory_space<vmem_shared>>) offsets(%dma_start3A_232 : memref<128xi32, #tpu.memory_space<vmem>>) semaphore(%arg17 : memref<!tpu.dma_semaphore, #tpu.memory_space<semaphore_mem>>) {add = true}
    %dma_start3A_236 = arith.constant 1 : i32
    %dma_start3A_237 = arith.constant 1 : i32
    %dma_start3A_238 = arith.constant 0 : i32
    %dma_start3A_239 = tpu.memref_slice %arg8[%dma_start3A_236, %dma_start3A_237, %dma_start3A_238] : memref<3x2x128xi32, #tpu.memory_space<vmem>> -> memref<1x1x128xi32, #tpu.memory_space<vmem>>
    %dma_start3A_240 = tpu.memref_squeeze %dma_start3A_239 : memref<1x1x128xi32, #tpu.memory_space<vmem>> -> memref<128xi32, #tpu.memory_space<vmem>>
    %dma_start3A_241 = arith.constant 0 : i32
    %dma_start3A_242 = arith.constant 0 : i32
    %dma_start3A_243 = tpu.memref_slice %arg13[%dma_start3A_241, %dma_start3A_242] : memref<10000x128xf32, #tpu.memory_space<vmem_shared>> -> memref<10000x128xf32, #tpu.memory_space<vmem_shared>>
    tpu.enqueue_indirect_dma source(%arg10 : memref<128x128xf32, #tpu.memory_space<vmem>>) target(%dma_start3A_243 : memref<10000x128xf32, #tpu.memory_space<vmem_shared>>) offsets(%dma_start3A_240 : memref<128xi32, #tpu.memory_space<vmem>>) semaphore(%arg18 : memref<!tpu.dma_semaphore, #tpu.memory_space<semaphore_mem>>) {add = true}
    %dma_start3A_244 = arith.constant 2 : i32
    %dma_start3A_245 = arith.constant 1 : i32
    %dma_start3A_246 = arith.constant 0 : i32
    %dma_start3A_247 = tpu.memref_slice %arg8[%dma_start3A_244, %dma_start3A_245, %dma_start3A_246] : memref<3x2x128xi32, #tpu.memory_space<vmem>> -> memref<1x1x128xi32, #tpu.memory_space<vmem>>
    %dma_start3A_248 = tpu.memref_squeeze %dma_start3A_247 : memref<1x1x128xi32, #tpu.memory_space<vmem>> -> memref<128xi32, #tpu.memory_space<vmem>>
    %dma_start3A_249 = arith.constant 0 : i32
    %dma_start3A_250 = arith.constant 0 : i32
    %dma_start3A_251 = tpu.memref_slice %arg13[%dma_start3A_249, %dma_start3A_250] : memref<10000x128xf32, #tpu.memory_space<vmem_shared>> -> memref<10000x128xf32, #tpu.memory_space<vmem_shared>>
    tpu.enqueue_indirect_dma source(%arg10 : memref<128x128xf32, #tpu.memory_space<vmem>>) target(%dma_start3A_251 : memref<10000x128xf32, #tpu.memory_space<vmem_shared>>) offsets(%dma_start3A_248 : memref<128xi32, #tpu.memory_space<vmem>>) semaphore(%arg19 : memref<!tpu.dma_semaphore, #tpu.memory_space<semaphore_mem>>) {add = true}
    %add3A_252 = arith.constant 3 : i32
    %add3A_253 = arith.addi %add3A_4, %add3A_252 : i32
    "tpu.region"() ({
      %run_scoped3A = tpu.sem_alloc : memref<!tpu.dma_semaphore, #tpu.memory_space<semaphore_mem>>
      %dma_start3A_347 = arith.constant 0 : i32
      %dma_start3A_348 = arith.constant 0 : i32
      %dma_start3A_349 = tpu.memref_slice %arg3[%add3A_253, %dma_start3A_347, %dma_start3A_348] : memref<2512x2x128xi32, #tpu.memory_space<hbm>> -> memref<3x2x128xi32, #tpu.memory_space<hbm>>
      %dma_start3A_350 = arith.constant 0 : i32
      %dma_start3A_351 = arith.constant 0 : i32
      %dma_start3A_352 = tpu.memref_slice %arg3[%add3A_253, %dma_start3A_350, %dma_start3A_351] : memref<2512x2x128xi32, #tpu.memory_space<hbm>> -> memref<3x2x128xi32, #tpu.memory_space<hbm>>
      tpu.enqueue_dma source(%dma_start3A_352 : memref<3x2x128xi32, #tpu.memory_space<hbm>>) target(%arg9 : memref<3x2x128xi32, #tpu.memory_space<vmem>>) target_semaphore(%run_scoped3A : memref<!tpu.dma_semaphore, #tpu.memory_space<semaphore_mem>>)
      %dma_wait3A_353 = arith.constant 0 : i32
      %dma_wait3A_354 = arith.constant 0 : i32
      %dma_wait3A_355 = tpu.memref_slice %arg3[%add3A_253, %dma_wait3A_353, %dma_wait3A_354] : memref<2512x2x128xi32, #tpu.memory_space<hbm>> -> memref<3x2x128xi32, #tpu.memory_space<hbm>>
      %dma_wait3A_356 = arith.constant 0 : i32
      %dma_wait3A_357 = arith.constant 0 : i32
      %dma_wait3A_358 = tpu.memref_slice %arg3[%add3A_253, %dma_wait3A_356, %dma_wait3A_357] : memref<2512x2x128xi32, #tpu.memory_space<hbm>> -> memref<3x2x128xi32, #tpu.memory_space<hbm>>
      tpu.wait_dma2 semaphore(%run_scoped3A : memref<!tpu.dma_semaphore, #tpu.memory_space<semaphore_mem>>) src(%dma_wait3A_358 : memref<3x2x128xi32, #tpu.memory_space<hbm>>) dst(%arg9 : memref<3x2x128xi32, #tpu.memory_space<vmem>>)
      tpu.yield
    }) : () -> ()
    %scan3A_254 = arith.constant 0 : i32
    %scan3A_255 = arith.constant 0 : i32
    %scan3A_256 = arith.constant 12 : i32
    %scan3A_257 = arith.addi %scan3A_255, %scan3A_256 : i32
    %scan3A_258 = arith.constant 1 : i32
    scf.for %scan3A_347 = %scan3A_255 to %scan3A_257 step %scan3A_258  : i32 {
      %mul3A_348 = arith.constant 6 : i32
      %mul3A_349 = arith.muli %mul3A_348, %scan3A_347 : i32
      %add3A_350 = arith.addi %add3A_4, %mul3A_349 : i32
      %add3A_351 = arith.constant 6 : i32
      %add3A_352 = arith.addi %add3A_350, %add3A_351 : i32
      %dma_wait3A_353 = arith.constant 0 : i32
      %dma_wait3A_354 = arith.constant 1 : i32
      %dma_wait3A_355 = arith.constant 0 : i32
      %dma_wait3A_356 = tpu.memref_slice %arg8[%dma_wait3A_353, %dma_wait3A_354, %dma_wait3A_355] : memref<3x2x128xi32, #tpu.memory_space<vmem>> -> memref<1x1x128xi32, #tpu.memory_space<vmem>>
      %dma_wait3A_357 = tpu.memref_squeeze %dma_wait3A_356 : memref<1x1x128xi32, #tpu.memory_space<vmem>> -> memref<128xi32, #tpu.memory_space<vmem>>
      %dma_wait3A_358 = arith.constant 0 : i32
      %dma_wait3A_359 = arith.constant 0 : i32
      %dma_wait3A_360 = tpu.memref_slice %arg13[%dma_wait3A_358, %dma_wait3A_359] : memref<10000x128xf32, #tpu.memory_space<vmem_shared>> -> memref<10000x128xf32, #tpu.memory_space<vmem_shared>>
      tpu.wait_indirect_dma semaphore(%arg17 : memref<!tpu.dma_semaphore, #tpu.memory_space<semaphore_mem>>) src(%arg10 : memref<128x128xf32, #tpu.memory_space<vmem>>) dst(%dma_wait3A_360 : memref<10000x128xf32, #tpu.memory_space<vmem_shared>>)
      %dma_start3A_361 = arith.constant 0 : i32
      %dma_start3A_362 = arith.constant 1 : i32
      %dma_start3A_363 = arith.constant 0 : i32
      %dma_start3A_364 = tpu.memref_slice %arg9[%dma_start3A_361, %dma_start3A_362, %dma_start3A_363] : memref<3x2x128xi32, #tpu.memory_space<vmem>> -> memref<1x1x128xi32, #tpu.memory_space<vmem>>
      %dma_start3A_365 = tpu.memref_squeeze %dma_start3A_364 : memref<1x1x128xi32, #tpu.memory_space<vmem>> -> memref<128xi32, #tpu.memory_space<vmem>>
      %dma_start3A_366 = arith.constant 0 : i32
      %dma_start3A_367 = arith.constant 0 : i32
      %dma_start3A_368 = tpu.memref_slice %arg13[%dma_start3A_366, %dma_start3A_367] : memref<10000x128xf32, #tpu.memory_space<vmem_shared>> -> memref<10000x128xf32, #tpu.memory_space<vmem_shared>>
      tpu.enqueue_indirect_dma source(%arg10 : memref<128x128xf32, #tpu.memory_space<vmem>>) target(%dma_start3A_368 : memref<10000x128xf32, #tpu.memory_space<vmem_shared>>) offsets(%dma_start3A_365 : memref<128xi32, #tpu.memory_space<vmem>>) semaphore(%arg17 : memref<!tpu.dma_semaphore, #tpu.memory_space<semaphore_mem>>) {add = true}
      %dma_wait3A_369 = arith.constant 0 : i32
      %dma_wait3A_370 = arith.constant 1 : i32
      %dma_wait3A_371 = arith.constant 0 : i32
      %dma_wait3A_372 = tpu.memref_slice %arg8[%dma_wait3A_369, %dma_wait3A_370, %dma_wait3A_371] : memref<3x2x128xi32, #tpu.memory_space<vmem>> -> memref<1x1x128xi32, #tpu.memory_space<vmem>>
      %dma_wait3A_373 = tpu.memref_squeeze %dma_wait3A_372 : memref<1x1x128xi32, #tpu.memory_space<vmem>> -> memref<128xi32, #tpu.memory_space<vmem>>
      %dma_wait3A_374 = arith.constant 0 : i32
      %dma_wait3A_375 = arith.constant 0 : i32
      %dma_wait3A_376 = tpu.memref_slice %arg13[%dma_wait3A_374, %dma_wait3A_375] : memref<10000x128xf32, #tpu.memory_space<vmem_shared>> -> memref<10000x128xf32, #tpu.memory_space<vmem_shared>>
      tpu.wait_indirect_dma semaphore(%arg18 : memref<!tpu.dma_semaphore, #tpu.memory_space<semaphore_mem>>) src(%arg10 : memref<128x128xf32, #tpu.memory_space<vmem>>) dst(%dma_wait3A_376 : memref<10000x128xf32, #tpu.memory_space<vmem_shared>>)
      %dma_start3A_377 = arith.constant 1 : i32
      %dma_start3A_378 = arith.constant 1 : i32
      %dma_start3A_379 = arith.constant 0 : i32
      %dma_start3A_380 = tpu.memref_slice %arg9[%dma_start3A_377, %dma_start3A_378, %dma_start3A_379] : memref<3x2x128xi32, #tpu.memory_space<vmem>> -> memref<1x1x128xi32, #tpu.memory_space<vmem>>
      %dma_start3A_381 = tpu.memref_squeeze %dma_start3A_380 : memref<1x1x128xi32, #tpu.memory_space<vmem>> -> memref<128xi32, #tpu.memory_space<vmem>>
      %dma_start3A_382 = arith.constant 0 : i32
      %dma_start3A_383 = arith.constant 0 : i32
      %dma_start3A_384 = tpu.memref_slice %arg13[%dma_start3A_382, %dma_start3A_383] : memref<10000x128xf32, #tpu.memory_space<vmem_shared>> -> memref<10000x128xf32, #tpu.memory_space<vmem_shared>>
      tpu.enqueue_indirect_dma source(%arg10 : memref<128x128xf32, #tpu.memory_space<vmem>>) target(%dma_start3A_384 : memref<10000x128xf32, #tpu.memory_space<vmem_shared>>) offsets(%dma_start3A_381 : memref<128xi32, #tpu.memory_space<vmem>>) semaphore(%arg18 : memref<!tpu.dma_semaphore, #tpu.memory_space<semaphore_mem>>) {add = true}
      %dma_wait3A_385 = arith.constant 0 : i32
      %dma_wait3A_386 = arith.constant 1 : i32
      %dma_wait3A_387 = arith.constant 0 : i32
      %dma_wait3A_388 = tpu.memref_slice %arg8[%dma_wait3A_385, %dma_wait3A_386, %dma_wait3A_387] : memref<3x2x128xi32, #tpu.memory_space<vmem>> -> memref<1x1x128xi32, #tpu.memory_space<vmem>>
      %dma_wait3A_389 = tpu.memref_squeeze %dma_wait3A_388 : memref<1x1x128xi32, #tpu.memory_space<vmem>> -> memref<128xi32, #tpu.memory_space<vmem>>
      %dma_wait3A_390 = arith.constant 0 : i32
      %dma_wait3A_391 = arith.constant 0 : i32
      %dma_wait3A_392 = tpu.memref_slice %arg13[%dma_wait3A_390, %dma_wait3A_391] : memref<10000x128xf32, #tpu.memory_space<vmem_shared>> -> memref<10000x128xf32, #tpu.memory_space<vmem_shared>>
      tpu.wait_indirect_dma semaphore(%arg19 : memref<!tpu.dma_semaphore, #tpu.memory_space<semaphore_mem>>) src(%arg10 : memref<128x128xf32, #tpu.memory_space<vmem>>) dst(%dma_wait3A_392 : memref<10000x128xf32, #tpu.memory_space<vmem_shared>>)
      %dma_start3A_393 = arith.constant 2 : i32
      %dma_start3A_394 = arith.constant 1 : i32
      %dma_start3A_395 = arith.constant 0 : i32
      %dma_start3A_396 = tpu.memref_slice %arg9[%dma_start3A_393, %dma_start3A_394, %dma_start3A_395] : memref<3x2x128xi32, #tpu.memory_space<vmem>> -> memref<1x1x128xi32, #tpu.memory_space<vmem>>
      %dma_start3A_397 = tpu.memref_squeeze %dma_start3A_396 : memref<1x1x128xi32, #tpu.memory_space<vmem>> -> memref<128xi32, #tpu.memory_space<vmem>>
      %dma_start3A_398 = arith.constant 0 : i32
      %dma_start3A_399 = arith.constant 0 : i32
      %dma_start3A_400 = tpu.memref_slice %arg13[%dma_start3A_398, %dma_start3A_399] : memref<10000x128xf32, #tpu.memory_space<vmem_shared>> -> memref<10000x128xf32, #tpu.memory_space<vmem_shared>>
      tpu.enqueue_indirect_dma source(%arg10 : memref<128x128xf32, #tpu.memory_space<vmem>>) target(%dma_start3A_400 : memref<10000x128xf32, #tpu.memory_space<vmem_shared>>) offsets(%dma_start3A_397 : memref<128xi32, #tpu.memory_space<vmem>>) semaphore(%arg19 : memref<!tpu.dma_semaphore, #tpu.memory_space<semaphore_mem>>) {add = true}
      "tpu.region"() ({
        %run_scoped3A = tpu.sem_alloc : memref<!tpu.dma_semaphore, #tpu.memory_space<semaphore_mem>>
        %dma_start3A_451 = arith.constant 0 : i32
        %dma_start3A_452 = arith.constant 0 : i32
        %dma_start3A_453 = tpu.memref_slice %arg3[%add3A_352, %dma_start3A_451, %dma_start3A_452] : memref<2512x2x128xi32, #tpu.memory_space<hbm>> -> memref<3x2x128xi32, #tpu.memory_space<hbm>>
        %dma_start3A_454 = arith.constant 0 : i32
        %dma_start3A_455 = arith.constant 0 : i32
        %dma_start3A_456 = tpu.memref_slice %arg3[%add3A_352, %dma_start3A_454, %dma_start3A_455] : memref<2512x2x128xi32, #tpu.memory_space<hbm>> -> memref<3x2x128xi32, #tpu.memory_space<hbm>>
        tpu.enqueue_dma source(%dma_start3A_456 : memref<3x2x128xi32, #tpu.memory_space<hbm>>) target(%arg8 : memref<3x2x128xi32, #tpu.memory_space<vmem>>) target_semaphore(%run_scoped3A : memref<!tpu.dma_semaphore, #tpu.memory_space<semaphore_mem>>)
        %dma_wait3A_457 = arith.constant 0 : i32
        %dma_wait3A_458 = arith.constant 0 : i32
        %dma_wait3A_459 = tpu.memref_slice %arg3[%add3A_352, %dma_wait3A_457, %dma_wait3A_458] : memref<2512x2x128xi32, #tpu.memory_space<hbm>> -> memref<3x2x128xi32, #tpu.memory_space<hbm>>
        %dma_wait3A_460 = arith.constant 0 : i32
        %dma_wait3A_461 = arith.constant 0 : i32
        %dma_wait3A_462 = tpu.memref_slice %arg3[%add3A_352, %dma_wait3A_460, %dma_wait3A_461] : memref<2512x2x128xi32, #tpu.memory_space<hbm>> -> memref<3x2x128xi32, #tpu.memory_space<hbm>>
        tpu.wait_dma2 semaphore(%run_scoped3A : memref<!tpu.dma_semaphore, #tpu.memory_space<semaphore_mem>>) src(%dma_wait3A_462 : memref<3x2x128xi32, #tpu.memory_space<hbm>>) dst(%arg8 : memref<3x2x128xi32, #tpu.memory_space<vmem>>)
        tpu.yield
      }) : () -> ()
      %add3A_401 = arith.constant 9 : i32
      %add3A_402 = arith.addi %add3A_350, %add3A_401 : i32
      %dma_wait3A_403 = arith.constant 0 : i32
      %dma_wait3A_404 = arith.constant 1 : i32
      %dma_wait3A_405 = arith.constant 0 : i32
      %dma_wait3A_406 = tpu.memref_slice %arg8[%dma_wait3A_403, %dma_wait3A_404, %dma_wait3A_405] : memref<3x2x128xi32, #tpu.memory_space<vmem>> -> memref<1x1x128xi32, #tpu.memory_space<vmem>>
      %dma_wait3A_407 = tpu.memref_squeeze %dma_wait3A_406 : memref<1x1x128xi32, #tpu.memory_space<vmem>> -> memref<128xi32, #tpu.memory_space<vmem>>
      %dma_wait3A_408 = arith.constant 0 : i32
      %dma_wait3A_409 = arith.constant 0 : i32
      %dma_wait3A_410 = tpu.memref_slice %arg13[%dma_wait3A_408, %dma_wait3A_409] : memref<10000x128xf32, #tpu.memory_space<vmem_shared>> -> memref<10000x128xf32, #tpu.memory_space<vmem_shared>>
      tpu.wait_indirect_dma semaphore(%arg17 : memref<!tpu.dma_semaphore, #tpu.memory_space<semaphore_mem>>) src(%arg10 : memref<128x128xf32, #tpu.memory_space<vmem>>) dst(%dma_wait3A_410 : memref<10000x128xf32, #tpu.memory_space<vmem_shared>>)
      %dma_start3A_411 = arith.constant 0 : i32
      %dma_start3A_412 = arith.constant 1 : i32
      %dma_start3A_413 = arith.constant 0 : i32
      %dma_start3A_414 = tpu.memref_slice %arg8[%dma_start3A_411, %dma_start3A_412, %dma_start3A_413] : memref<3x2x128xi32, #tpu.memory_space<vmem>> -> memref<1x1x128xi32, #tpu.memory_space<vmem>>
      %dma_start3A_415 = tpu.memref_squeeze %dma_start3A_414 : memref<1x1x128xi32, #tpu.memory_space<vmem>> -> memref<128xi32, #tpu.memory_space<vmem>>
      %dma_start3A_416 = arith.constant 0 : i32
      %dma_start3A_417 = arith.constant 0 : i32
      %dma_start3A_418 = tpu.memref_slice %arg13[%dma_start3A_416, %dma_start3A_417] : memref<10000x128xf32, #tpu.memory_space<vmem_shared>> -> memref<10000x128xf32, #tpu.memory_space<vmem_shared>>
      tpu.enqueue_indirect_dma source(%arg10 : memref<128x128xf32, #tpu.memory_space<vmem>>) target(%dma_start3A_418 : memref<10000x128xf32, #tpu.memory_space<vmem_shared>>) offsets(%dma_start3A_415 : memref<128xi32, #tpu.memory_space<vmem>>) semaphore(%arg17 : memref<!tpu.dma_semaphore, #tpu.memory_space<semaphore_mem>>) {add = true}
      %dma_wait3A_419 = arith.constant 0 : i32
      %dma_wait3A_420 = arith.constant 1 : i32
      %dma_wait3A_421 = arith.constant 0 : i32
      %dma_wait3A_422 = tpu.memref_slice %arg8[%dma_wait3A_419, %dma_wait3A_420, %dma_wait3A_421] : memref<3x2x128xi32, #tpu.memory_space<vmem>> -> memref<1x1x128xi32, #tpu.memory_space<vmem>>
      %dma_wait3A_423 = tpu.memref_squeeze %dma_wait3A_422 : memref<1x1x128xi32, #tpu.memory_space<vmem>> -> memref<128xi32, #tpu.memory_space<vmem>>
      %dma_wait3A_424 = arith.constant 0 : i32
      %dma_wait3A_425 = arith.constant 0 : i32
      %dma_wait3A_426 = tpu.memref_slice %arg13[%dma_wait3A_424, %dma_wait3A_425] : memref<10000x128xf32, #tpu.memory_space<vmem_shared>> -> memref<10000x128xf32, #tpu.memory_space<vmem_shared>>
      tpu.wait_indirect_dma semaphore(%arg18 : memref<!tpu.dma_semaphore, #tpu.memory_space<semaphore_mem>>) src(%arg10 : memref<128x128xf32, #tpu.memory_space<vmem>>) dst(%dma_wait3A_426 : memref<10000x128xf32, #tpu.memory_space<vmem_shared>>)
      %dma_start3A_427 = arith.constant 1 : i32
      %dma_start3A_428 = arith.constant 1 : i32
      %dma_start3A_429 = arith.constant 0 : i32
      %dma_start3A_430 = tpu.memref_slice %arg8[%dma_start3A_427, %dma_start3A_428, %dma_start3A_429] : memref<3x2x128xi32, #tpu.memory_space<vmem>> -> memref<1x1x128xi32, #tpu.memory_space<vmem>>
      %dma_start3A_431 = tpu.memref_squeeze %dma_start3A_430 : memref<1x1x128xi32, #tpu.memory_space<vmem>> -> memref<128xi32, #tpu.memory_space<vmem>>
      %dma_start3A_432 = arith.constant 0 : i32
      %dma_start3A_433 = arith.constant 0 : i32
      %dma_start3A_434 = tpu.memref_slice %arg13[%dma_start3A_432, %dma_start3A_433] : memref<10000x128xf32, #tpu.memory_space<vmem_shared>> -> memref<10000x128xf32, #tpu.memory_space<vmem_shared>>
      tpu.enqueue_indirect_dma source(%arg10 : memref<128x128xf32, #tpu.memory_space<vmem>>) target(%dma_start3A_434 : memref<10000x128xf32, #tpu.memory_space<vmem_shared>>) offsets(%dma_start3A_431 : memref<128xi32, #tpu.memory_space<vmem>>) semaphore(%arg18 : memref<!tpu.dma_semaphore, #tpu.memory_space<semaphore_mem>>) {add = true}
      %dma_wait3A_435 = arith.constant 0 : i32
      %dma_wait3A_436 = arith.constant 1 : i32
      %dma_wait3A_437 = arith.constant 0 : i32
      %dma_wait3A_438 = tpu.memref_slice %arg8[%dma_wait3A_435, %dma_wait3A_436, %dma_wait3A_437] : memref<3x2x128xi32, #tpu.memory_space<vmem>> -> memref<1x1x128xi32, #tpu.memory_space<vmem>>
      %dma_wait3A_439 = tpu.memref_squeeze %dma_wait3A_438 : memref<1x1x128xi32, #tpu.memory_space<vmem>> -> memref<128xi32, #tpu.memory_space<vmem>>
      %dma_wait3A_440 = arith.constant 0 : i32
      %dma_wait3A_441 = arith.constant 0 : i32
      %dma_wait3A_442 = tpu.memref_slice %arg13[%dma_wait3A_440, %dma_wait3A_441] : memref<10000x128xf32, #tpu.memory_space<vmem_shared>> -> memref<10000x128xf32, #tpu.memory_space<vmem_shared>>
      tpu.wait_indirect_dma semaphore(%arg19 : memref<!tpu.dma_semaphore, #tpu.memory_space<semaphore_mem>>) src(%arg10 : memref<128x128xf32, #tpu.memory_space<vmem>>) dst(%dma_wait3A_442 : memref<10000x128xf32, #tpu.memory_space<vmem_shared>>)
      %dma_start3A_443 = arith.constant 2 : i32
      %dma_start3A_444 = arith.constant 1 : i32
      %dma_start3A_445 = arith.constant 0 : i32
      %dma_start3A_446 = tpu.memref_slice %arg8[%dma_start3A_443, %dma_start3A_444, %dma_start3A_445] : memref<3x2x128xi32, #tpu.memory_space<vmem>> -> memref<1x1x128xi32, #tpu.memory_space<vmem>>
      %dma_start3A_447 = tpu.memref_squeeze %dma_start3A_446 : memref<1x1x128xi32, #tpu.memory_space<vmem>> -> memref<128xi32, #tpu.memory_space<vmem>>
      %dma_start3A_448 = arith.constant 0 : i32
      %dma_start3A_449 = arith.constant 0 : i32
      %dma_start3A_450 = tpu.memref_slice %arg13[%dma_start3A_448, %dma_start3A_449] : memref<10000x128xf32, #tpu.memory_space<vmem_shared>> -> memref<10000x128xf32, #tpu.memory_space<vmem_shared>>
      tpu.enqueue_indirect_dma source(%arg10 : memref<128x128xf32, #tpu.memory_space<vmem>>) target(%dma_start3A_450 : memref<10000x128xf32, #tpu.memory_space<vmem_shared>>) offsets(%dma_start3A_447 : memref<128xi32, #tpu.memory_space<vmem>>) semaphore(%arg19 : memref<!tpu.dma_semaphore, #tpu.memory_space<semaphore_mem>>) {add = true}
      "tpu.region"() ({
        %run_scoped3A = tpu.sem_alloc : memref<!tpu.dma_semaphore, #tpu.memory_space<semaphore_mem>>
        %dma_start3A_451 = arith.constant 0 : i32
        %dma_start3A_452 = arith.constant 0 : i32
        %dma_start3A_453 = tpu.memref_slice %arg3[%add3A_402, %dma_start3A_451, %dma_start3A_452] : memref<2512x2x128xi32, #tpu.memory_space<hbm>> -> memref<3x2x128xi32, #tpu.memory_space<hbm>>
        %dma_start3A_454 = arith.constant 0 : i32
        %dma_start3A_455 = arith.constant 0 : i32
        %dma_start3A_456 = tpu.memref_slice %arg3[%add3A_402, %dma_start3A_454, %dma_start3A_455] : memref<2512x2x128xi32, #tpu.memory_space<hbm>> -> memref<3x2x128xi32, #tpu.memory_space<hbm>>
        tpu.enqueue_dma source(%dma_start3A_456 : memref<3x2x128xi32, #tpu.memory_space<hbm>>) target(%arg9 : memref<3x2x128xi32, #tpu.memory_space<vmem>>) target_semaphore(%run_scoped3A : memref<!tpu.dma_semaphore, #tpu.memory_space<semaphore_mem>>)
        %dma_wait3A_457 = arith.constant 0 : i32
        %dma_wait3A_458 = arith.constant 0 : i32
        %dma_wait3A_459 = tpu.memref_slice %arg3[%add3A_402, %dma_wait3A_457, %dma_wait3A_458] : memref<2512x2x128xi32, #tpu.memory_space<hbm>> -> memref<3x2x128xi32, #tpu.memory_space<hbm>>
        %dma_wait3A_460 = arith.constant 0 : i32
        %dma_wait3A_461 = arith.constant 0 : i32
        %dma_wait3A_462 = tpu.memref_slice %arg3[%add3A_402, %dma_wait3A_460, %dma_wait3A_461] : memref<2512x2x128xi32, #tpu.memory_space<hbm>> -> memref<3x2x128xi32, #tpu.memory_space<hbm>>
        tpu.wait_dma2 semaphore(%run_scoped3A : memref<!tpu.dma_semaphore, #tpu.memory_space<semaphore_mem>>) src(%dma_wait3A_462 : memref<3x2x128xi32, #tpu.memory_space<hbm>>) dst(%arg9 : memref<3x2x128xi32, #tpu.memory_space<vmem>>)
        tpu.yield
      }) : () -> ()
    }
    %scan3A_259 = arith.constant 12 : i32
    %add3A_260 = arith.constant 78 : i32
    %add3A_261 = arith.addi %add3A_4, %add3A_260 : i32
    %dma_wait3A_262 = arith.constant 0 : i32
    %dma_wait3A_263 = arith.constant 1 : i32
    %dma_wait3A_264 = arith.constant 0 : i32
    %dma_wait3A_265 = tpu.memref_slice %arg8[%dma_wait3A_262, %dma_wait3A_263, %dma_wait3A_264] : memref<3x2x128xi32, #tpu.memory_space<vmem>> -> memref<1x1x128xi32, #tpu.memory_space<vmem>>
    %dma_wait3A_266 = tpu.memref_squeeze %dma_wait3A_265 : memref<1x1x128xi32, #tpu.memory_space<vmem>> -> memref<128xi32, #tpu.memory_space<vmem>>
    %dma_wait3A_267 = arith.constant 0 : i32
    %dma_wait3A_268 = arith.constant 0 : i32
    %dma_wait3A_269 = tpu.memref_slice %arg13[%dma_wait3A_267, %dma_wait3A_268] : memref<10000x128xf32, #tpu.memory_space<vmem_shared>> -> memref<10000x128xf32, #tpu.memory_space<vmem_shared>>
    tpu.wait_indirect_dma semaphore(%arg17 : memref<!tpu.dma_semaphore, #tpu.memory_space<semaphore_mem>>) src(%arg10 : memref<128x128xf32, #tpu.memory_space<vmem>>) dst(%dma_wait3A_269 : memref<10000x128xf32, #tpu.memory_space<vmem_shared>>)
    %dma_start3A_270 = arith.constant 0 : i32
    %dma_start3A_271 = arith.constant 1 : i32
    %dma_start3A_272 = arith.constant 0 : i32
    %dma_start3A_273 = tpu.memref_slice %arg9[%dma_start3A_270, %dma_start3A_271, %dma_start3A_272] : memref<3x2x128xi32, #tpu.memory_space<vmem>> -> memref<1x1x128xi32, #tpu.memory_space<vmem>>
    %dma_start3A_274 = tpu.memref_squeeze %dma_start3A_273 : memref<1x1x128xi32, #tpu.memory_space<vmem>> -> memref<128xi32, #tpu.memory_space<vmem>>
    %dma_start3A_275 = arith.constant 0 : i32
    %dma_start3A_276 = arith.constant 0 : i32
    %dma_start3A_277 = tpu.memref_slice %arg13[%dma_start3A_275, %dma_start3A_276] : memref<10000x128xf32, #tpu.memory_space<vmem_shared>> -> memref<10000x128xf32, #tpu.memory_space<vmem_shared>>
    tpu.enqueue_indirect_dma source(%arg10 : memref<128x128xf32, #tpu.memory_space<vmem>>) target(%dma_start3A_277 : memref<10000x128xf32, #tpu.memory_space<vmem_shared>>) offsets(%dma_start3A_274 : memref<128xi32, #tpu.memory_space<vmem>>) semaphore(%arg17 : memref<!tpu.dma_semaphore, #tpu.memory_space<semaphore_mem>>) {add = true}
    %dma_wait3A_278 = arith.constant 0 : i32
    %dma_wait3A_279 = arith.constant 1 : i32
    %dma_wait3A_280 = arith.constant 0 : i32
    %dma_wait3A_281 = tpu.memref_slice %arg8[%dma_wait3A_278, %dma_wait3A_279, %dma_wait3A_280] : memref<3x2x128xi32, #tpu.memory_space<vmem>> -> memref<1x1x128xi32, #tpu.memory_space<vmem>>
    %dma_wait3A_282 = tpu.memref_squeeze %dma_wait3A_281 : memref<1x1x128xi32, #tpu.memory_space<vmem>> -> memref<128xi32, #tpu.memory_space<vmem>>
    %dma_wait3A_283 = arith.constant 0 : i32
    %dma_wait3A_284 = arith.constant 0 : i32
    %dma_wait3A_285 = tpu.memref_slice %arg13[%dma_wait3A_283, %dma_wait3A_284] : memref<10000x128xf32, #tpu.memory_space<vmem_shared>> -> memref<10000x128xf32, #tpu.memory_space<vmem_shared>>
    tpu.wait_indirect_dma semaphore(%arg18 : memref<!tpu.dma_semaphore, #tpu.memory_space<semaphore_mem>>) src(%arg10 : memref<128x128xf32, #tpu.memory_space<vmem>>) dst(%dma_wait3A_285 : memref<10000x128xf32, #tpu.memory_space<vmem_shared>>)
    %dma_start3A_286 = arith.constant 1 : i32
    %dma_start3A_287 = arith.constant 1 : i32
    %dma_start3A_288 = arith.constant 0 : i32
    %dma_start3A_289 = tpu.memref_slice %arg9[%dma_start3A_286, %dma_start3A_287, %dma_start3A_288] : memref<3x2x128xi32, #tpu.memory_space<vmem>> -> memref<1x1x128xi32, #tpu.memory_space<vmem>>
    %dma_start3A_290 = tpu.memref_squeeze %dma_start3A_289 : memref<1x1x128xi32, #tpu.memory_space<vmem>> -> memref<128xi32, #tpu.memory_space<vmem>>
    %dma_start3A_291 = arith.constant 0 : i32
    %dma_start3A_292 = arith.constant 0 : i32
    %dma_start3A_293 = tpu.memref_slice %arg13[%dma_start3A_291, %dma_start3A_292] : memref<10000x128xf32, #tpu.memory_space<vmem_shared>> -> memref<10000x128xf32, #tpu.memory_space<vmem_shared>>
    tpu.enqueue_indirect_dma source(%arg10 : memref<128x128xf32, #tpu.memory_space<vmem>>) target(%dma_start3A_293 : memref<10000x128xf32, #tpu.memory_space<vmem_shared>>) offsets(%dma_start3A_290 : memref<128xi32, #tpu.memory_space<vmem>>) semaphore(%arg18 : memref<!tpu.dma_semaphore, #tpu.memory_space<semaphore_mem>>) {add = true}
    %dma_wait3A_294 = arith.constant 0 : i32
    %dma_wait3A_295 = arith.constant 1 : i32
    %dma_wait3A_296 = arith.constant 0 : i32
    %dma_wait3A_297 = tpu.memref_slice %arg8[%dma_wait3A_294, %dma_wait3A_295, %dma_wait3A_296] : memref<3x2x128xi32, #tpu.memory_space<vmem>> -> memref<1x1x128xi32, #tpu.memory_space<vmem>>
    %dma_wait3A_298 = tpu.memref_squeeze %dma_wait3A_297 : memref<1x1x128xi32, #tpu.memory_space<vmem>> -> memref<128xi32, #tpu.memory_space<vmem>>
    %dma_wait3A_299 = arith.constant 0 : i32
    %dma_wait3A_300 = arith.constant 0 : i32
    %dma_wait3A_301 = tpu.memref_slice %arg13[%dma_wait3A_299, %dma_wait3A_300] : memref<10000x128xf32, #tpu.memory_space<vmem_shared>> -> memref<10000x128xf32, #tpu.memory_space<vmem_shared>>
    tpu.wait_indirect_dma semaphore(%arg19 : memref<!tpu.dma_semaphore, #tpu.memory_space<semaphore_mem>>) src(%arg10 : memref<128x128xf32, #tpu.memory_space<vmem>>) dst(%dma_wait3A_301 : memref<10000x128xf32, #tpu.memory_space<vmem_shared>>)
    %dma_start3A_302 = arith.constant 2 : i32
    %dma_start3A_303 = arith.constant 1 : i32
    %dma_start3A_304 = arith.constant 0 : i32
    %dma_start3A_305 = tpu.memref_slice %arg9[%dma_start3A_302, %dma_start3A_303, %dma_start3A_304] : memref<3x2x128xi32, #tpu.memory_space<vmem>> -> memref<1x1x128xi32, #tpu.memory_space<vmem>>
    %dma_start3A_306 = tpu.memref_squeeze %dma_start3A_305 : memref<1x1x128xi32, #tpu.memory_space<vmem>> -> memref<128xi32, #tpu.memory_space<vmem>>
    %dma_start3A_307 = arith.constant 0 : i32
    %dma_start3A_308 = arith.constant 0 : i32
    %dma_start3A_309 = tpu.memref_slice %arg13[%dma_start3A_307, %dma_start3A_308] : memref<10000x128xf32, #tpu.memory_space<vmem_shared>> -> memref<10000x128xf32, #tpu.memory_space<vmem_shared>>
    tpu.enqueue_indirect_dma source(%arg10 : memref<128x128xf32, #tpu.memory_space<vmem>>) target(%dma_start3A_309 : memref<10000x128xf32, #tpu.memory_space<vmem_shared>>) offsets(%dma_start3A_306 : memref<128xi32, #tpu.memory_space<vmem>>) semaphore(%arg19 : memref<!tpu.dma_semaphore, #tpu.memory_space<semaphore_mem>>) {add = true}
    "tpu.region"() ({
      %run_scoped3A = tpu.sem_alloc : memref<!tpu.dma_semaphore, #tpu.memory_space<semaphore_mem>>
      %dma_start3A_347 = arith.constant 0 : i32
      %dma_start3A_348 = arith.constant 0 : i32
      %dma_start3A_349 = tpu.memref_slice %arg3[%add3A_261, %dma_start3A_347, %dma_start3A_348] : memref<2512x2x128xi32, #tpu.memory_space<hbm>> -> memref<3x2x128xi32, #tpu.memory_space<hbm>>
      %dma_start3A_350 = arith.constant 0 : i32
      %dma_start3A_351 = arith.constant 0 : i32
      %dma_start3A_352 = tpu.memref_slice %arg3[%add3A_261, %dma_start3A_350, %dma_start3A_351] : memref<2512x2x128xi32, #tpu.memory_space<hbm>> -> memref<3x2x128xi32, #tpu.memory_space<hbm>>
      tpu.enqueue_dma source(%dma_start3A_352 : memref<3x2x128xi32, #tpu.memory_space<hbm>>) target(%arg8 : memref<3x2x128xi32, #tpu.memory_space<vmem>>) target_semaphore(%run_scoped3A : memref<!tpu.dma_semaphore, #tpu.memory_space<semaphore_mem>>)
      %dma_wait3A_353 = arith.constant 0 : i32
      %dma_wait3A_354 = arith.constant 0 : i32
      %dma_wait3A_355 = tpu.memref_slice %arg3[%add3A_261, %dma_wait3A_353, %dma_wait3A_354] : memref<2512x2x128xi32, #tpu.memory_space<hbm>> -> memref<3x2x128xi32, #tpu.memory_space<hbm>>
      %dma_wait3A_356 = arith.constant 0 : i32
      %dma_wait3A_357 = arith.constant 0 : i32
      %dma_wait3A_358 = tpu.memref_slice %arg3[%add3A_261, %dma_wait3A_356, %dma_wait3A_357] : memref<2512x2x128xi32, #tpu.memory_space<hbm>> -> memref<3x2x128xi32, #tpu.memory_space<hbm>>
      tpu.wait_dma2 semaphore(%run_scoped3A : memref<!tpu.dma_semaphore, #tpu.memory_space<semaphore_mem>>) src(%dma_wait3A_358 : memref<3x2x128xi32, #tpu.memory_space<hbm>>) dst(%arg8 : memref<3x2x128xi32, #tpu.memory_space<vmem>>)
      tpu.yield
    }) : () -> ()
    %dma_wait3A_310 = arith.constant 0 : i32
    %dma_wait3A_311 = arith.constant 1 : i32
    %dma_wait3A_312 = arith.constant 0 : i32
    %dma_wait3A_313 = tpu.memref_slice %arg8[%dma_wait3A_310, %dma_wait3A_311, %dma_wait3A_312] : memref<3x2x128xi32, #tpu.memory_space<vmem>> -> memref<1x1x128xi32, #tpu.memory_space<vmem>>
    %dma_wait3A_314 = tpu.memref_squeeze %dma_wait3A_313 : memref<1x1x128xi32, #tpu.memory_space<vmem>> -> memref<128xi32, #tpu.memory_space<vmem>>
    %dma_wait3A_315 = arith.constant 0 : i32
    %dma_wait3A_316 = arith.constant 0 : i32
    %dma_wait3A_317 = tpu.memref_slice %arg13[%dma_wait3A_315, %dma_wait3A_316] : memref<10000x128xf32, #tpu.memory_space<vmem_shared>> -> memref<10000x128xf32, #tpu.memory_space<vmem_shared>>
    tpu.wait_indirect_dma semaphore(%arg17 : memref<!tpu.dma_semaphore, #tpu.memory_space<semaphore_mem>>) src(%arg10 : memref<128x128xf32, #tpu.memory_space<vmem>>) dst(%dma_wait3A_317 : memref<10000x128xf32, #tpu.memory_space<vmem_shared>>)
    %dma_wait3A_318 = arith.constant 0 : i32
    %dma_wait3A_319 = arith.constant 1 : i32
    %dma_wait3A_320 = arith.constant 0 : i32
    %dma_wait3A_321 = tpu.memref_slice %arg8[%dma_wait3A_318, %dma_wait3A_319, %dma_wait3A_320] : memref<3x2x128xi32, #tpu.memory_space<vmem>> -> memref<1x1x128xi32, #tpu.memory_space<vmem>>
    %dma_wait3A_322 = tpu.memref_squeeze %dma_wait3A_321 : memref<1x1x128xi32, #tpu.memory_space<vmem>> -> memref<128xi32, #tpu.memory_space<vmem>>
    %dma_wait3A_323 = arith.constant 0 : i32
    %dma_wait3A_324 = arith.constant 0 : i32
    %dma_wait3A_325 = tpu.memref_slice %arg13[%dma_wait3A_323, %dma_wait3A_324] : memref<10000x128xf32, #tpu.memory_space<vmem_shared>> -> memref<10000x128xf32, #tpu.memory_space<vmem_shared>>
    tpu.wait_indirect_dma semaphore(%arg18 : memref<!tpu.dma_semaphore, #tpu.memory_space<semaphore_mem>>) src(%arg10 : memref<128x128xf32, #tpu.memory_space<vmem>>) dst(%dma_wait3A_325 : memref<10000x128xf32, #tpu.memory_space<vmem_shared>>)
    %dma_wait3A_326 = arith.constant 0 : i32
    %dma_wait3A_327 = arith.constant 1 : i32
    %dma_wait3A_328 = arith.constant 0 : i32
    %dma_wait3A_329 = tpu.memref_slice %arg8[%dma_wait3A_326, %dma_wait3A_327, %dma_wait3A_328] : memref<3x2x128xi32, #tpu.memory_space<vmem>> -> memref<1x1x128xi32, #tpu.memory_space<vmem>>
    %dma_wait3A_330 = tpu.memref_squeeze %dma_wait3A_329 : memref<1x1x128xi32, #tpu.memory_space<vmem>> -> memref<128xi32, #tpu.memory_space<vmem>>
    %dma_wait3A_331 = arith.constant 0 : i32
    %dma_wait3A_332 = arith.constant 0 : i32
    %dma_wait3A_333 = tpu.memref_slice %arg13[%dma_wait3A_331, %dma_wait3A_332] : memref<10000x128xf32, #tpu.memory_space<vmem_shared>> -> memref<10000x128xf32, #tpu.memory_space<vmem_shared>>
    tpu.wait_indirect_dma semaphore(%arg19 : memref<!tpu.dma_semaphore, #tpu.memory_space<semaphore_mem>>) src(%arg10 : memref<128x128xf32, #tpu.memory_space<vmem>>) dst(%dma_wait3A_333 : memref<10000x128xf32, #tpu.memory_space<vmem_shared>>)
    %lt3A_334 = arith.constant 4 : i32
    %lt3A_335 = arith.cmpi slt, %add3A, %lt3A_334 : i32
    %convert_element_type3A_336 = arith.extui %lt3A_335 : i1 to i32
    %cond3A_337 = arith.constant 0 : i32
    %cond3A_338 = arith.cmpi ne, %convert_element_type3A_336, %cond3A_337 : i32
    scf.if %cond3A_338 {
      %run_scoped3A = arith.constant 0 : i32
      %run_scoped3A_347 = arith.constant 1 : i32
      "tpu.region"() ({
        %run_scoped3A_348 = tpu.sem_alloc : memref<!tpu.dma_semaphore, #tpu.memory_space<semaphore_mem>>
        %dma_start3A_349 = arith.constant 0 : i32
        %dma_start3A_350 = tpu.memref_slice %arg8[%run_scoped3A, %run_scoped3A_347, %dma_start3A_349] : memref<3x2x128xi32, #tpu.memory_space<vmem>> -> memref<1x1x128xi32, #tpu.memory_space<vmem>>
        %dma_start3A_351 = tpu.memref_squeeze %dma_start3A_350 : memref<1x1x128xi32, #tpu.memory_space<vmem>> -> memref<128xi32, #tpu.memory_space<vmem>>
        %dma_start3A_352 = arith.constant 0 : i32
        %dma_start3A_353 = arith.constant 0 : i32
        %dma_start3A_354 = tpu.memref_slice %arg13[%dma_start3A_352, %dma_start3A_353] : memref<10000x128xf32, #tpu.memory_space<vmem_shared>> -> memref<10000x128xf32, #tpu.memory_space<vmem_shared>>
        tpu.enqueue_indirect_dma source(%arg10 : memref<128x128xf32, #tpu.memory_space<vmem>>) target(%dma_start3A_354 : memref<10000x128xf32, #tpu.memory_space<vmem_shared>>) offsets(%dma_start3A_351 : memref<128xi32, #tpu.memory_space<vmem>>) semaphore(%run_scoped3A_348 : memref<!tpu.dma_semaphore, #tpu.memory_space<semaphore_mem>>) {add = true}
        %dma_wait3A_355 = arith.constant 0 : i32
        %dma_wait3A_356 = tpu.memref_slice %arg8[%run_scoped3A, %run_scoped3A_347, %dma_wait3A_355] : memref<3x2x128xi32, #tpu.memory_space<vmem>> -> memref<1x1x128xi32, #tpu.memory_space<vmem>>
        %dma_wait3A_357 = tpu.memref_squeeze %dma_wait3A_356 : memref<1x1x128xi32, #tpu.memory_space<vmem>> -> memref<128xi32, #tpu.memory_space<vmem>>
        %dma_wait3A_358 = arith.constant 0 : i32
        %dma_wait3A_359 = arith.constant 0 : i32
        %dma_wait3A_360 = tpu.memref_slice %arg13[%dma_wait3A_358, %dma_wait3A_359] : memref<10000x128xf32, #tpu.memory_space<vmem_shared>> -> memref<10000x128xf32, #tpu.memory_space<vmem_shared>>
        tpu.wait_indirect_dma semaphore(%run_scoped3A_348 : memref<!tpu.dma_semaphore, #tpu.memory_space<semaphore_mem>>) src(%arg10 : memref<128x128xf32, #tpu.memory_space<vmem>>) dst(%dma_wait3A_360 : memref<10000x128xf32, #tpu.memory_space<vmem_shared>>)
        tpu.yield
      }) : () -> ()
    } else {
    }
    %barrier3A_339 = arith.constant 0 : index
    tpu.barrier barrier_id(%barrier3A_339)
    %mul3A_340 = arith.constant 624 : i32
    %mul3A_341 = arith.muli %arg1, %mul3A_340 : i32
    "tpu.region"() ({
      %run_scoped3A = tpu.sem_alloc : memref<!tpu.dma_semaphore, #tpu.memory_space<semaphore_mem>>
      %dma_start3A_347 = arith.constant 0 : i32
      %dma_start3A_348 = tpu.memref_slice %arg7[%arg0, %mul3A_341, %dma_start3A_347] : memref<2x10000x128xf32, #tpu.memory_space<hbm>> -> memref<1x624x128xf32, #tpu.memory_space<hbm>>
      %dma_start3A_349 = tpu.memref_squeeze %dma_start3A_348 : memref<1x624x128xf32, #tpu.memory_space<hbm>> -> memref<624x128xf32, #tpu.memory_space<hbm>>
      %dma_start3A_350 = arith.constant 0 : i32
      %dma_start3A_351 = tpu.memref_slice %arg13[%mul3A_341, %dma_start3A_350] : memref<10000x128xf32, #tpu.memory_space<vmem_shared>> -> memref<624x128xf32, #tpu.memory_space<vmem_shared>>
      tpu.enqueue_dma source(%dma_start3A_351 : memref<624x128xf32, #tpu.memory_space<vmem_shared>>) target(%dma_start3A_349 : memref<624x128xf32, #tpu.memory_space<hbm>>) target_semaphore(%run_scoped3A : memref<!tpu.dma_semaphore, #tpu.memory_space<semaphore_mem>>)
      %dma_wait3A_352 = arith.constant 0 : i32
      %dma_wait3A_353 = tpu.memref_slice %arg7[%arg0, %mul3A_341, %dma_wait3A_352] : memref<2x10000x128xf32, #tpu.memory_space<hbm>> -> memref<1x624x128xf32, #tpu.memory_space<hbm>>
      %dma_wait3A_354 = tpu.memref_squeeze %dma_wait3A_353 : memref<1x624x128xf32, #tpu.memory_space<hbm>> -> memref<624x128xf32, #tpu.memory_space<hbm>>
      %dma_wait3A_355 = arith.constant 0 : i32
      %dma_wait3A_356 = tpu.memref_slice %arg13[%mul3A_341, %dma_wait3A_355] : memref<10000x128xf32, #tpu.memory_space<vmem_shared>> -> memref<624x128xf32, #tpu.memory_space<vmem_shared>>
      tpu.wait_dma2 semaphore(%run_scoped3A : memref<!tpu.dma_semaphore, #tpu.memory_space<semaphore_mem>>) src(%dma_wait3A_356 : memref<624x128xf32, #tpu.memory_space<vmem_shared>>) dst(%dma_wait3A_354 : memref<624x128xf32, #tpu.memory_space<hbm>>)
      tpu.yield
    }) : () -> ()
    %eq3A_342 = arith.constant 0 : i32
    %eq3A_343 = arith.cmpi eq, %arg1, %eq3A_342 : i32
    %convert_element_type3A_344 = arith.extui %eq3A_343 : i1 to i32
    %cond3A_345 = arith.constant 0 : i32
    %cond3A_346 = arith.cmpi ne, %convert_element_type3A_344, %cond3A_345 : i32
    scf.if %cond3A_346 {
      "tpu.region"() ({
        %run_scoped3A = tpu.sem_alloc : memref<!tpu.dma_semaphore, #tpu.memory_space<semaphore_mem>>
        %dma_start3A_347 = arith.constant 9984 : i32
        %dma_start3A_348 = arith.constant 0 : i32
        %dma_start3A_349 = tpu.memref_slice %arg7[%arg0, %dma_start3A_347, %dma_start3A_348] : memref<2x10000x128xf32, #tpu.memory_space<hbm>> -> memref<1x16x128xf32, #tpu.memory_space<hbm>>
        %dma_start3A_350 = tpu.memref_squeeze %dma_start3A_349 : memref<1x16x128xf32, #tpu.memory_space<hbm>> -> memref<16x128xf32, #tpu.memory_space<hbm>>
        %dma_start3A_351 = arith.constant 9984 : i32
        %dma_start3A_352 = arith.constant 0 : i32
        %dma_start3A_353 = tpu.memref_slice %arg13[%dma_start3A_351, %dma_start3A_352] : memref<10000x128xf32, #tpu.memory_space<vmem_shared>> -> memref<16x128xf32, #tpu.memory_space<vmem_shared>>
        tpu.enqueue_dma source(%dma_start3A_353 : memref<16x128xf32, #tpu.memory_space<vmem_shared>>) target(%dma_start3A_350 : memref<16x128xf32, #tpu.memory_space<hbm>>) target_semaphore(%run_scoped3A : memref<!tpu.dma_semaphore, #tpu.memory_space<semaphore_mem>>)
        %dma_wait3A_354 = arith.constant 9984 : i32
        %dma_wait3A_355 = arith.constant 0 : i32
        %dma_wait3A_356 = tpu.memref_slice %arg7[%arg0, %dma_wait3A_354, %dma_wait3A_355] : memref<2x10000x128xf32, #tpu.memory_space<hbm>> -> memref<1x16x128xf32, #tpu.memory_space<hbm>>
        %dma_wait3A_357 = tpu.memref_squeeze %dma_wait3A_356 : memref<1x16x128xf32, #tpu.memory_space<hbm>> -> memref<16x128xf32, #tpu.memory_space<hbm>>
        %dma_wait3A_358 = arith.constant 9984 : i32
        %dma_wait3A_359 = arith.constant 0 : i32
        %dma_wait3A_360 = tpu.memref_slice %arg13[%dma_wait3A_358, %dma_wait3A_359] : memref<10000x128xf32, #tpu.memory_space<vmem_shared>> -> memref<16x128xf32, #tpu.memory_space<vmem_shared>>
        tpu.wait_dma2 semaphore(%run_scoped3A : memref<!tpu.dma_semaphore, #tpu.memory_space<semaphore_mem>>) src(%dma_wait3A_360 : memref<16x128xf32, #tpu.memory_space<vmem_shared>>) dst(%dma_wait3A_357 : memref<16x128xf32, #tpu.memory_space<hbm>>)
        tpu.yield
      }) : () -> ()
    } else {
    }
    return
  }
}

#map = affine_map<(d0, d1) -> (0, 0)>
#map1 = affine_map<(d0, d1) -> (0, 0, 0)>
module attributes {stable_mosaic.version = 14 : i64} {
  func.func @seg_sum(%arg0: i32, %arg1: i32, %arg2: memref<10000x128xf32, #tpu.memory_space<hbm>>, %arg3: memref<2512x2x128xi32, #tpu.memory_space<hbm>>, %arg4: memref<624x128xf32, #tpu.memory_space<hbm>>, %arg5: memref<2x10000x128xf32, #tpu.memory_space<hbm>>, %arg6: memref<3x2x128xi32, #tpu.memory_space<vmem>>, %arg7: memref<3x2x128xi32, #tpu.memory_space<vmem>>, %arg8: memref<128x128xf32, #tpu.memory_space<vmem>>, %arg9: memref<128x128xf32, #tpu.memory_space<vmem>>, %arg10: memref<128x128xf32, #tpu.memory_space<vmem>>, %arg11: memref<10000x128xf32, #tpu.memory_space<vmem_shared>>, %arg12: memref<!tpu.dma_semaphore, #tpu.memory_space<semaphore_mem>>, %arg13: memref<!tpu.dma_semaphore, #tpu.memory_space<semaphore_mem>>, %arg14: memref<!tpu.dma_semaphore, #tpu.memory_space<semaphore_mem>>, %arg15: memref<!tpu.dma_semaphore, #tpu.memory_space<semaphore_mem>>, %arg16: memref<!tpu.dma_semaphore, #tpu.memory_space<semaphore_mem>>, %arg17: memref<!tpu.dma_semaphore, #tpu.memory_space<semaphore_mem>>, %arg18: memref<!tpu.dma_semaphore, #tpu.memory_space<semaphore_mem>>, %arg19: memref<!tpu.dma_semaphore, #tpu.memory_space<semaphore_mem>>, %arg20: memref<!tpu.dma_semaphore, #tpu.memory_space<semaphore_mem>>) attributes {dimension_semantics = [#tpu.dimension_semantics<core_parallel>, #tpu.dimension_semantics<subcore_parallel>], iteration_bounds = array<i64: 2, 16>, scalar_prefetch = 0 : i64, scratch_operands = 15 : i64, tpu.core_type = #tpu.core_type<sc_vector_subcore>, window_params = [{transform_indices = #map}, {transform_indices = #map1}, {transform_indices = #map}, {transform_indices = #map1}]} {
    %mul3A = arith.constant 16 : i32
    %mul3A_0 = arith.muli %arg0, %mul3A : i32
    %add3A = arith.addi %mul3A_0, %arg1 : i32
    %mul3A_1 = arith.constant 78 : i32
    %mul3A_2 = arith.muli %mul3A_1, %add3A : i32
    %min3A = arith.constant 4 : i32
    %min3A_3 = arith.minsi %add3A, %min3A : i32
    %add3A_4 = arith.addi %mul3A_2, %min3A_3 : i32
    %mul3A_5 = arith.constant 624 : i32
    %mul3A_6 = arith.muli %arg1, %mul3A_5 : i32
    "tpu.region"() ({
      %run_scoped3A = tpu.sem_alloc : memref<!tpu.dma_semaphore, #tpu.memory_space<semaphore_mem>>
      %dma_start3A_220 = arith.constant 0 : i32
      %dma_start3A_221 = tpu.memref_slice %arg11[%mul3A_6, %dma_start3A_220] : memref<10000x128xf32, #tpu.memory_space<vmem_shared>> -> memref<624x128xf32, #tpu.memory_space<vmem_shared>>
      tpu.enqueue_dma source(%arg4 : memref<624x128xf32, #tpu.memory_space<hbm>>) target(%dma_start3A_221 : memref<624x128xf32, #tpu.memory_space<vmem_shared>>) target_semaphore(%run_scoped3A : memref<!tpu.dma_semaphore, #tpu.memory_space<semaphore_mem>>)
      %dma_wait3A_222 = arith.constant 0 : i32
      %dma_wait3A_223 = tpu.memref_slice %arg11[%mul3A_6, %dma_wait3A_222] : memref<10000x128xf32, #tpu.memory_space<vmem_shared>> -> memref<624x128xf32, #tpu.memory_space<vmem_shared>>
      tpu.wait_dma2 semaphore(%run_scoped3A : memref<!tpu.dma_semaphore, #tpu.memory_space<semaphore_mem>>) src(%arg4 : memref<624x128xf32, #tpu.memory_space<hbm>>) dst(%dma_wait3A_223 : memref<624x128xf32, #tpu.memory_space<vmem_shared>>)
      tpu.yield
    }) : () -> ()
    %eq3A = arith.constant 0 : i32
    %eq3A_7 = arith.cmpi eq, %arg1, %eq3A : i32
    %convert_element_type3A = arith.extui %eq3A_7 : i1 to i32
    %cond3A = arith.constant 0 : i32
    %cond3A_8 = arith.cmpi ne, %convert_element_type3A, %cond3A : i32
    scf.if %cond3A_8 {
      "tpu.region"() ({
        %run_scoped3A = tpu.sem_alloc : memref<!tpu.dma_semaphore, #tpu.memory_space<semaphore_mem>>
        %dma_start3A_220 = arith.constant 9984 : i32
        %dma_start3A_221 = arith.constant 0 : i32
        %dma_start3A_222 = tpu.memref_slice %arg11[%dma_start3A_220, %dma_start3A_221] : memref<10000x128xf32, #tpu.memory_space<vmem_shared>> -> memref<16x128xf32, #tpu.memory_space<vmem_shared>>
        %dma_start3A_223 = arith.constant 0 : i32
        %dma_start3A_224 = arith.constant 0 : i32
        %dma_start3A_225 = tpu.memref_slice %arg4[%dma_start3A_223, %dma_start3A_224] : memref<624x128xf32, #tpu.memory_space<hbm>> -> memref<16x128xf32, #tpu.memory_space<hbm>>
        tpu.enqueue_dma source(%dma_start3A_225 : memref<16x128xf32, #tpu.memory_space<hbm>>) target(%dma_start3A_222 : memref<16x128xf32, #tpu.memory_space<vmem_shared>>) target_semaphore(%run_scoped3A : memref<!tpu.dma_semaphore, #tpu.memory_space<semaphore_mem>>)
        %dma_wait3A_226 = arith.constant 9984 : i32
        %dma_wait3A_227 = arith.constant 0 : i32
        %dma_wait3A_228 = tpu.memref_slice %arg11[%dma_wait3A_226, %dma_wait3A_227] : memref<10000x128xf32, #tpu.memory_space<vmem_shared>> -> memref<16x128xf32, #tpu.memory_space<vmem_shared>>
        %dma_wait3A_229 = arith.constant 0 : i32
        %dma_wait3A_230 = arith.constant 0 : i32
        %dma_wait3A_231 = tpu.memref_slice %arg4[%dma_wait3A_229, %dma_wait3A_230] : memref<624x128xf32, #tpu.memory_space<hbm>> -> memref<16x128xf32, #tpu.memory_space<hbm>>
        tpu.wait_dma2 semaphore(%run_scoped3A : memref<!tpu.dma_semaphore, #tpu.memory_space<semaphore_mem>>) src(%dma_wait3A_231 : memref<16x128xf32, #tpu.memory_space<hbm>>) dst(%dma_wait3A_228 : memref<16x128xf32, #tpu.memory_space<vmem_shared>>)
        tpu.yield
      }) : () -> ()
    } else {
    }
    %barrier3A = arith.constant 0 : index
    tpu.barrier barrier_id(%barrier3A)
    "tpu.region"() ({
      %run_scoped3A = tpu.sem_alloc : memref<!tpu.dma_semaphore, #tpu.memory_space<semaphore_mem>>
      %dma_start3A_220 = arith.constant 0 : i32
      %dma_start3A_221 = arith.constant 0 : i32
      %dma_start3A_222 = tpu.memref_slice %arg3[%add3A_4, %dma_start3A_220, %dma_start3A_221] : memref<2512x2x128xi32, #tpu.memory_space<hbm>> -> memref<3x2x128xi32, #tpu.memory_space<hbm>>
      %dma_start3A_223 = arith.constant 0 : i32
      %dma_start3A_224 = arith.constant 0 : i32
      %dma_start3A_225 = tpu.memref_slice %arg3[%add3A_4, %dma_start3A_223, %dma_start3A_224] : memref<2512x2x128xi32, #tpu.memory_space<hbm>> -> memref<3x2x128xi32, #tpu.memory_space<hbm>>
      tpu.enqueue_dma source(%dma_start3A_225 : memref<3x2x128xi32, #tpu.memory_space<hbm>>) target(%arg6 : memref<3x2x128xi32, #tpu.memory_space<vmem>>) target_semaphore(%run_scoped3A : memref<!tpu.dma_semaphore, #tpu.memory_space<semaphore_mem>>)
      %dma_wait3A_226 = arith.constant 0 : i32
      %dma_wait3A_227 = arith.constant 0 : i32
      %dma_wait3A_228 = tpu.memref_slice %arg3[%add3A_4, %dma_wait3A_226, %dma_wait3A_227] : memref<2512x2x128xi32, #tpu.memory_space<hbm>> -> memref<3x2x128xi32, #tpu.memory_space<hbm>>
      %dma_wait3A_229 = arith.constant 0 : i32
      %dma_wait3A_230 = arith.constant 0 : i32
      %dma_wait3A_231 = tpu.memref_slice %arg3[%add3A_4, %dma_wait3A_229, %dma_wait3A_230] : memref<2512x2x128xi32, #tpu.memory_space<hbm>> -> memref<3x2x128xi32, #tpu.memory_space<hbm>>
      tpu.wait_dma2 semaphore(%run_scoped3A : memref<!tpu.dma_semaphore, #tpu.memory_space<semaphore_mem>>) src(%dma_wait3A_231 : memref<3x2x128xi32, #tpu.memory_space<hbm>>) dst(%arg6 : memref<3x2x128xi32, #tpu.memory_space<vmem>>)
      tpu.yield
    }) : () -> ()
    %dma_start3A = arith.constant 0 : i32
    %dma_start3A_9 = arith.constant 0 : i32
    %dma_start3A_10 = arith.constant 0 : i32
    %dma_start3A_11 = tpu.memref_slice %arg6[%dma_start3A, %dma_start3A_9, %dma_start3A_10] : memref<3x2x128xi32, #tpu.memory_space<vmem>> -> memref<1x1x128xi32, #tpu.memory_space<vmem>>
    %dma_start3A_12 = tpu.memref_squeeze %dma_start3A_11 : memref<1x1x128xi32, #tpu.memory_space<vmem>> -> memref<128xi32, #tpu.memory_space<vmem>>
    %dma_start3A_13 = arith.constant 0 : i32
    %dma_start3A_14 = arith.constant 0 : i32
    %dma_start3A_15 = tpu.memref_slice %arg2[%dma_start3A_13, %dma_start3A_14] : memref<10000x128xf32, #tpu.memory_space<hbm>> -> memref<10000x128xf32, #tpu.memory_space<hbm>>
    tpu.enqueue_indirect_dma source(%dma_start3A_15 : memref<10000x128xf32, #tpu.memory_space<hbm>>) target(%arg8 : memref<128x128xf32, #tpu.memory_space<vmem>>) offsets(%dma_start3A_12 : memref<128xi32, #tpu.memory_space<vmem>>) semaphore(%arg12 : memref<!tpu.dma_semaphore, #tpu.memory_space<semaphore_mem>>)
    %dma_start3A_16 = arith.constant 1 : i32
    %dma_start3A_17 = arith.constant 0 : i32
    %dma_start3A_18 = arith.constant 0 : i32
    %dma_start3A_19 = tpu.memref_slice %arg6[%dma_start3A_16, %dma_start3A_17, %dma_start3A_18] : memref<3x2x128xi32, #tpu.memory_space<vmem>> -> memref<1x1x128xi32, #tpu.memory_space<vmem>>
    %dma_start3A_20 = tpu.memref_squeeze %dma_start3A_19 : memref<1x1x128xi32, #tpu.memory_space<vmem>> -> memref<128xi32, #tpu.memory_space<vmem>>
    %dma_start3A_21 = arith.constant 0 : i32
    %dma_start3A_22 = arith.constant 0 : i32
    %dma_start3A_23 = tpu.memref_slice %arg2[%dma_start3A_21, %dma_start3A_22] : memref<10000x128xf32, #tpu.memory_space<hbm>> -> memref<10000x128xf32, #tpu.memory_space<hbm>>
    tpu.enqueue_indirect_dma source(%dma_start3A_23 : memref<10000x128xf32, #tpu.memory_space<hbm>>) target(%arg9 : memref<128x128xf32, #tpu.memory_space<vmem>>) offsets(%dma_start3A_20 : memref<128xi32, #tpu.memory_space<vmem>>) semaphore(%arg13 : memref<!tpu.dma_semaphore, #tpu.memory_space<semaphore_mem>>)
    %dma_start3A_24 = arith.constant 2 : i32
    %dma_start3A_25 = arith.constant 0 : i32
    %dma_start3A_26 = arith.constant 0 : i32
    %dma_start3A_27 = tpu.memref_slice %arg6[%dma_start3A_24, %dma_start3A_25, %dma_start3A_26] : memref<3x2x128xi32, #tpu.memory_space<vmem>> -> memref<1x1x128xi32, #tpu.memory_space<vmem>>
    %dma_start3A_28 = tpu.memref_squeeze %dma_start3A_27 : memref<1x1x128xi32, #tpu.memory_space<vmem>> -> memref<128xi32, #tpu.memory_space<vmem>>
    %dma_start3A_29 = arith.constant 0 : i32
    %dma_start3A_30 = arith.constant 0 : i32
    %dma_start3A_31 = tpu.memref_slice %arg2[%dma_start3A_29, %dma_start3A_30] : memref<10000x128xf32, #tpu.memory_space<hbm>> -> memref<10000x128xf32, #tpu.memory_space<hbm>>
    tpu.enqueue_indirect_dma source(%dma_start3A_31 : memref<10000x128xf32, #tpu.memory_space<hbm>>) target(%arg10 : memref<128x128xf32, #tpu.memory_space<vmem>>) offsets(%dma_start3A_28 : memref<128xi32, #tpu.memory_space<vmem>>) semaphore(%arg14 : memref<!tpu.dma_semaphore, #tpu.memory_space<semaphore_mem>>)
    %add3A_32 = arith.constant 3 : i32
    %add3A_33 = arith.addi %add3A_4, %add3A_32 : i32
    "tpu.region"() ({
      %run_scoped3A = tpu.sem_alloc : memref<!tpu.dma_semaphore, #tpu.memory_space<semaphore_mem>>
      %dma_start3A_220 = arith.constant 0 : i32
      %dma_start3A_221 = arith.constant 0 : i32
      %dma_start3A_222 = tpu.memref_slice %arg3[%add3A_33, %dma_start3A_220, %dma_start3A_221] : memref<2512x2x128xi32, #tpu.memory_space<hbm>> -> memref<3x2x128xi32, #tpu.memory_space<hbm>>
      %dma_start3A_223 = arith.constant 0 : i32
      %dma_start3A_224 = arith.constant 0 : i32
      %dma_start3A_225 = tpu.memref_slice %arg3[%add3A_33, %dma_start3A_223, %dma_start3A_224] : memref<2512x2x128xi32, #tpu.memory_space<hbm>> -> memref<3x2x128xi32, #tpu.memory_space<hbm>>
      tpu.enqueue_dma source(%dma_start3A_225 : memref<3x2x128xi32, #tpu.memory_space<hbm>>) target(%arg7 : memref<3x2x128xi32, #tpu.memory_space<vmem>>) target_semaphore(%run_scoped3A : memref<!tpu.dma_semaphore, #tpu.memory_space<semaphore_mem>>)
      %dma_wait3A_226 = arith.constant 0 : i32
      %dma_wait3A_227 = arith.constant 0 : i32
      %dma_wait3A_228 = tpu.memref_slice %arg3[%add3A_33, %dma_wait3A_226, %dma_wait3A_227] : memref<2512x2x128xi32, #tpu.memory_space<hbm>> -> memref<3x2x128xi32, #tpu.memory_space<hbm>>
      %dma_wait3A_229 = arith.constant 0 : i32
      %dma_wait3A_230 = arith.constant 0 : i32
      %dma_wait3A_231 = tpu.memref_slice %arg3[%add3A_33, %dma_wait3A_229, %dma_wait3A_230] : memref<2512x2x128xi32, #tpu.memory_space<hbm>> -> memref<3x2x128xi32, #tpu.memory_space<hbm>>
      tpu.wait_dma2 semaphore(%run_scoped3A : memref<!tpu.dma_semaphore, #tpu.memory_space<semaphore_mem>>) src(%dma_wait3A_231 : memref<3x2x128xi32, #tpu.memory_space<hbm>>) dst(%arg7 : memref<3x2x128xi32, #tpu.memory_space<vmem>>)
      tpu.yield
    }) : () -> ()
    %dma_wait3A = arith.constant 0 : i32
    %dma_wait3A_34 = arith.constant 0 : i32
    %dma_wait3A_35 = arith.constant 0 : i32
    %dma_wait3A_36 = tpu.memref_slice %arg6[%dma_wait3A, %dma_wait3A_34, %dma_wait3A_35] : memref<3x2x128xi32, #tpu.memory_space<vmem>> -> memref<1x1x128xi32, #tpu.memory_space<vmem>>
    %dma_wait3A_37 = tpu.memref_squeeze %dma_wait3A_36 : memref<1x1x128xi32, #tpu.memory_space<vmem>> -> memref<128xi32, #tpu.memory_space<vmem>>
    %dma_wait3A_38 = arith.constant 0 : i32
    %dma_wait3A_39 = arith.constant 0 : i32
    %dma_wait3A_40 = tpu.memref_slice %arg2[%dma_wait3A_38, %dma_wait3A_39] : memref<10000x128xf32, #tpu.memory_space<hbm>> -> memref<10000x128xf32, #tpu.memory_space<hbm>>
    tpu.wait_indirect_dma semaphore(%arg12 : memref<!tpu.dma_semaphore, #tpu.memory_space<semaphore_mem>>) src(%dma_wait3A_40 : memref<10000x128xf32, #tpu.memory_space<hbm>>) dst(%arg8 : memref<128x128xf32, #tpu.memory_space<vmem>>)
    %dma_start3A_41 = arith.constant 0 : i32
    %dma_start3A_42 = arith.constant 1 : i32
    %dma_start3A_43 = arith.constant 0 : i32
    %dma_start3A_44 = tpu.memref_slice %arg6[%dma_start3A_41, %dma_start3A_42, %dma_start3A_43] : memref<3x2x128xi32, #tpu.memory_space<vmem>> -> memref<1x1x128xi32, #tpu.memory_space<vmem>>
    %dma_start3A_45 = tpu.memref_squeeze %dma_start3A_44 : memref<1x1x128xi32, #tpu.memory_space<vmem>> -> memref<128xi32, #tpu.memory_space<vmem>>
    %dma_start3A_46 = arith.constant 0 : i32
    %dma_start3A_47 = arith.constant 0 : i32
    %dma_start3A_48 = tpu.memref_slice %arg11[%dma_start3A_46, %dma_start3A_47] : memref<10000x128xf32, #tpu.memory_space<vmem_shared>> -> memref<10000x128xf32, #tpu.memory_space<vmem_shared>>
    tpu.enqueue_indirect_dma source(%arg8 : memref<128x128xf32, #tpu.memory_space<vmem>>) target(%dma_start3A_48 : memref<10000x128xf32, #tpu.memory_space<vmem_shared>>) offsets(%dma_start3A_45 : memref<128xi32, #tpu.memory_space<vmem>>) semaphore(%arg15 : memref<!tpu.dma_semaphore, #tpu.memory_space<semaphore_mem>>) {add = true}
    %dma_wait3A_49 = arith.constant 1 : i32
    %dma_wait3A_50 = arith.constant 0 : i32
    %dma_wait3A_51 = arith.constant 0 : i32
    %dma_wait3A_52 = tpu.memref_slice %arg6[%dma_wait3A_49, %dma_wait3A_50, %dma_wait3A_51] : memref<3x2x128xi32, #tpu.memory_space<vmem>> -> memref<1x1x128xi32, #tpu.memory_space<vmem>>
    %dma_wait3A_53 = tpu.memref_squeeze %dma_wait3A_52 : memref<1x1x128xi32, #tpu.memory_space<vmem>> -> memref<128xi32, #tpu.memory_space<vmem>>
    %dma_wait3A_54 = arith.constant 0 : i32
    %dma_wait3A_55 = arith.constant 0 : i32
    %dma_wait3A_56 = tpu.memref_slice %arg2[%dma_wait3A_54, %dma_wait3A_55] : memref<10000x128xf32, #tpu.memory_space<hbm>> -> memref<10000x128xf32, #tpu.memory_space<hbm>>
    tpu.wait_indirect_dma semaphore(%arg13 : memref<!tpu.dma_semaphore, #tpu.memory_space<semaphore_mem>>) src(%dma_wait3A_56 : memref<10000x128xf32, #tpu.memory_space<hbm>>) dst(%arg9 : memref<128x128xf32, #tpu.memory_space<vmem>>)
    %dma_start3A_57 = arith.constant 1 : i32
    %dma_start3A_58 = arith.constant 1 : i32
    %dma_start3A_59 = arith.constant 0 : i32
    %dma_start3A_60 = tpu.memref_slice %arg6[%dma_start3A_57, %dma_start3A_58, %dma_start3A_59] : memref<3x2x128xi32, #tpu.memory_space<vmem>> -> memref<1x1x128xi32, #tpu.memory_space<vmem>>
    %dma_start3A_61 = tpu.memref_squeeze %dma_start3A_60 : memref<1x1x128xi32, #tpu.memory_space<vmem>> -> memref<128xi32, #tpu.memory_space<vmem>>
    %dma_start3A_62 = arith.constant 0 : i32
    %dma_start3A_63 = arith.constant 0 : i32
    %dma_start3A_64 = tpu.memref_slice %arg11[%dma_start3A_62, %dma_start3A_63] : memref<10000x128xf32, #tpu.memory_space<vmem_shared>> -> memref<10000x128xf32, #tpu.memory_space<vmem_shared>>
    tpu.enqueue_indirect_dma source(%arg9 : memref<128x128xf32, #tpu.memory_space<vmem>>) target(%dma_start3A_64 : memref<10000x128xf32, #tpu.memory_space<vmem_shared>>) offsets(%dma_start3A_61 : memref<128xi32, #tpu.memory_space<vmem>>) semaphore(%arg16 : memref<!tpu.dma_semaphore, #tpu.memory_space<semaphore_mem>>) {add = true}
    %dma_wait3A_65 = arith.constant 2 : i32
    %dma_wait3A_66 = arith.constant 0 : i32
    %dma_wait3A_67 = arith.constant 0 : i32
    %dma_wait3A_68 = tpu.memref_slice %arg6[%dma_wait3A_65, %dma_wait3A_66, %dma_wait3A_67] : memref<3x2x128xi32, #tpu.memory_space<vmem>> -> memref<1x1x128xi32, #tpu.memory_space<vmem>>
    %dma_wait3A_69 = tpu.memref_squeeze %dma_wait3A_68 : memref<1x1x128xi32, #tpu.memory_space<vmem>> -> memref<128xi32, #tpu.memory_space<vmem>>
    %dma_wait3A_70 = arith.constant 0 : i32
    %dma_wait3A_71 = arith.constant 0 : i32
    %dma_wait3A_72 = tpu.memref_slice %arg2[%dma_wait3A_70, %dma_wait3A_71] : memref<10000x128xf32, #tpu.memory_space<hbm>> -> memref<10000x128xf32, #tpu.memory_space<hbm>>
    tpu.wait_indirect_dma semaphore(%arg14 : memref<!tpu.dma_semaphore, #tpu.memory_space<semaphore_mem>>) src(%dma_wait3A_72 : memref<10000x128xf32, #tpu.memory_space<hbm>>) dst(%arg10 : memref<128x128xf32, #tpu.memory_space<vmem>>)
    %dma_start3A_73 = arith.constant 2 : i32
    %dma_start3A_74 = arith.constant 1 : i32
    %dma_start3A_75 = arith.constant 0 : i32
    %dma_start3A_76 = tpu.memref_slice %arg6[%dma_start3A_73, %dma_start3A_74, %dma_start3A_75] : memref<3x2x128xi32, #tpu.memory_space<vmem>> -> memref<1x1x128xi32, #tpu.memory_space<vmem>>
    %dma_start3A_77 = tpu.memref_squeeze %dma_start3A_76 : memref<1x1x128xi32, #tpu.memory_space<vmem>> -> memref<128xi32, #tpu.memory_space<vmem>>
    %dma_start3A_78 = arith.constant 0 : i32
    %dma_start3A_79 = arith.constant 0 : i32
    %dma_start3A_80 = tpu.memref_slice %arg11[%dma_start3A_78, %dma_start3A_79] : memref<10000x128xf32, #tpu.memory_space<vmem_shared>> -> memref<10000x128xf32, #tpu.memory_space<vmem_shared>>
    tpu.enqueue_indirect_dma source(%arg10 : memref<128x128xf32, #tpu.memory_space<vmem>>) target(%dma_start3A_80 : memref<10000x128xf32, #tpu.memory_space<vmem_shared>>) offsets(%dma_start3A_77 : memref<128xi32, #tpu.memory_space<vmem>>) semaphore(%arg17 : memref<!tpu.dma_semaphore, #tpu.memory_space<semaphore_mem>>) {add = true}
    %dma_wait3A_81 = arith.constant 0 : i32
    %dma_wait3A_82 = arith.constant 1 : i32
    %dma_wait3A_83 = arith.constant 0 : i32
    %dma_wait3A_84 = tpu.memref_slice %arg6[%dma_wait3A_81, %dma_wait3A_82, %dma_wait3A_83] : memref<3x2x128xi32, #tpu.memory_space<vmem>> -> memref<1x1x128xi32, #tpu.memory_space<vmem>>
    %dma_wait3A_85 = tpu.memref_squeeze %dma_wait3A_84 : memref<1x1x128xi32, #tpu.memory_space<vmem>> -> memref<128xi32, #tpu.memory_space<vmem>>
    %dma_wait3A_86 = arith.constant 0 : i32
    %dma_wait3A_87 = arith.constant 0 : i32
    %dma_wait3A_88 = tpu.memref_slice %arg11[%dma_wait3A_86, %dma_wait3A_87] : memref<10000x128xf32, #tpu.memory_space<vmem_shared>> -> memref<10000x128xf32, #tpu.memory_space<vmem_shared>>
    tpu.wait_indirect_dma semaphore(%arg15 : memref<!tpu.dma_semaphore, #tpu.memory_space<semaphore_mem>>) src(%arg8 : memref<128x128xf32, #tpu.memory_space<vmem>>) dst(%dma_wait3A_88 : memref<10000x128xf32, #tpu.memory_space<vmem_shared>>)
    %dma_start3A_89 = arith.constant 0 : i32
    %dma_start3A_90 = arith.constant 0 : i32
    %dma_start3A_91 = arith.constant 0 : i32
    %dma_start3A_92 = tpu.memref_slice %arg7[%dma_start3A_89, %dma_start3A_90, %dma_start3A_91] : memref<3x2x128xi32, #tpu.memory_space<vmem>> -> memref<1x1x128xi32, #tpu.memory_space<vmem>>
    %dma_start3A_93 = tpu.memref_squeeze %dma_start3A_92 : memref<1x1x128xi32, #tpu.memory_space<vmem>> -> memref<128xi32, #tpu.memory_space<vmem>>
    %dma_start3A_94 = arith.constant 0 : i32
    %dma_start3A_95 = arith.constant 0 : i32
    %dma_start3A_96 = tpu.memref_slice %arg2[%dma_start3A_94, %dma_start3A_95] : memref<10000x128xf32, #tpu.memory_space<hbm>> -> memref<10000x128xf32, #tpu.memory_space<hbm>>
    tpu.enqueue_indirect_dma source(%dma_start3A_96 : memref<10000x128xf32, #tpu.memory_space<hbm>>) target(%arg8 : memref<128x128xf32, #tpu.memory_space<vmem>>) offsets(%dma_start3A_93 : memref<128xi32, #tpu.memory_space<vmem>>) semaphore(%arg12 : memref<!tpu.dma_semaphore, #tpu.memory_space<semaphore_mem>>)
    %dma_wait3A_97 = arith.constant 1 : i32
    %dma_wait3A_98 = arith.constant 1 : i32
    %dma_wait3A_99 = arith.constant 0 : i32
    %dma_wait3A_100 = tpu.memref_slice %arg6[%dma_wait3A_97, %dma_wait3A_98, %dma_wait3A_99] : memref<3x2x128xi32, #tpu.memory_space<vmem>> -> memref<1x1x128xi32, #tpu.memory_space<vmem>>
    %dma_wait3A_101 = tpu.memref_squeeze %dma_wait3A_100 : memref<1x1x128xi32, #tpu.memory_space<vmem>> -> memref<128xi32, #tpu.memory_space<vmem>>
    %dma_wait3A_102 = arith.constant 0 : i32
    %dma_wait3A_103 = arith.constant 0 : i32
    %dma_wait3A_104 = tpu.memref_slice %arg11[%dma_wait3A_102, %dma_wait3A_103] : memref<10000x128xf32, #tpu.memory_space<vmem_shared>> -> memref<10000x128xf32, #tpu.memory_space<vmem_shared>>
    tpu.wait_indirect_dma semaphore(%arg16 : memref<!tpu.dma_semaphore, #tpu.memory_space<semaphore_mem>>) src(%arg9 : memref<128x128xf32, #tpu.memory_space<vmem>>) dst(%dma_wait3A_104 : memref<10000x128xf32, #tpu.memory_space<vmem_shared>>)
    %dma_start3A_105 = arith.constant 1 : i32
    %dma_start3A_106 = arith.constant 0 : i32
    %dma_start3A_107 = arith.constant 0 : i32
    %dma_start3A_108 = tpu.memref_slice %arg7[%dma_start3A_105, %dma_start3A_106, %dma_start3A_107] : memref<3x2x128xi32, #tpu.memory_space<vmem>> -> memref<1x1x128xi32, #tpu.memory_space<vmem>>
    %dma_start3A_109 = tpu.memref_squeeze %dma_start3A_108 : memref<1x1x128xi32, #tpu.memory_space<vmem>> -> memref<128xi32, #tpu.memory_space<vmem>>
    %dma_start3A_110 = arith.constant 0 : i32
    %dma_start3A_111 = arith.constant 0 : i32
    %dma_start3A_112 = tpu.memref_slice %arg2[%dma_start3A_110, %dma_start3A_111] : memref<10000x128xf32, #tpu.memory_space<hbm>> -> memref<10000x128xf32, #tpu.memory_space<hbm>>
    tpu.enqueue_indirect_dma source(%dma_start3A_112 : memref<10000x128xf32, #tpu.memory_space<hbm>>) target(%arg9 : memref<128x128xf32, #tpu.memory_space<vmem>>) offsets(%dma_start3A_109 : memref<128xi32, #tpu.memory_space<vmem>>) semaphore(%arg13 : memref<!tpu.dma_semaphore, #tpu.memory_space<semaphore_mem>>)
    %dma_wait3A_113 = arith.constant 2 : i32
    %dma_wait3A_114 = arith.constant 1 : i32
    %dma_wait3A_115 = arith.constant 0 : i32
    %dma_wait3A_116 = tpu.memref_slice %arg6[%dma_wait3A_113, %dma_wait3A_114, %dma_wait3A_115] : memref<3x2x128xi32, #tpu.memory_space<vmem>> -> memref<1x1x128xi32, #tpu.memory_space<vmem>>
    %dma_wait3A_117 = tpu.memref_squeeze %dma_wait3A_116 : memref<1x1x128xi32, #tpu.memory_space<vmem>> -> memref<128xi32, #tpu.memory_space<vmem>>
    %dma_wait3A_118 = arith.constant 0 : i32
    %dma_wait3A_119 = arith.constant 0 : i32
    %dma_wait3A_120 = tpu.memref_slice %arg11[%dma_wait3A_118, %dma_wait3A_119] : memref<10000x128xf32, #tpu.memory_space<vmem_shared>> -> memref<10000x128xf32, #tpu.memory_space<vmem_shared>>
    tpu.wait_indirect_dma semaphore(%arg17 : memref<!tpu.dma_semaphore, #tpu.memory_space<semaphore_mem>>) src(%arg10 : memref<128x128xf32, #tpu.memory_space<vmem>>) dst(%dma_wait3A_120 : memref<10000x128xf32, #tpu.memory_space<vmem_shared>>)
    %dma_start3A_121 = arith.constant 2 : i32
    %dma_start3A_122 = arith.constant 0 : i32
    %dma_start3A_123 = arith.constant 0 : i32
    %dma_start3A_124 = tpu.memref_slice %arg7[%dma_start3A_121, %dma_start3A_122, %dma_start3A_123] : memref<3x2x128xi32, #tpu.memory_space<vmem>> -> memref<1x1x128xi32, #tpu.memory_space<vmem>>
    %dma_start3A_125 = tpu.memref_squeeze %dma_start3A_124 : memref<1x1x128xi32, #tpu.memory_space<vmem>> -> memref<128xi32, #tpu.memory_space<vmem>>
    %dma_start3A_126 = arith.constant 0 : i32
    %dma_start3A_127 = arith.constant 0 : i32
    %dma_start3A_128 = tpu.memref_slice %arg2[%dma_start3A_126, %dma_start3A_127] : memref<10000x128xf32, #tpu.memory_space<hbm>> -> memref<10000x128xf32, #tpu.memory_space<hbm>>
    tpu.enqueue_indirect_dma source(%dma_start3A_128 : memref<10000x128xf32, #tpu.memory_space<hbm>>) target(%arg10 : memref<128x128xf32, #tpu.memory_space<vmem>>) offsets(%dma_start3A_125 : memref<128xi32, #tpu.memory_space<vmem>>) semaphore(%arg14 : memref<!tpu.dma_semaphore, #tpu.memory_space<semaphore_mem>>)
    %add3A_129 = arith.constant 6 : i32
    %add3A_130 = arith.addi %add3A_4, %add3A_129 : i32
    "tpu.region"() ({
      %run_scoped3A = tpu.sem_alloc : memref<!tpu.dma_semaphore, #tpu.memory_space<semaphore_mem>>
      %dma_start3A_220 = arith.constant 0 : i32
      %dma_start3A_221 = arith.constant 0 : i32
      %dma_start3A_222 = tpu.memref_slice %arg3[%add3A_130, %dma_start3A_220, %dma_start3A_221] : memref<2512x2x128xi32, #tpu.memory_space<hbm>> -> memref<3x2x128xi32, #tpu.memory_space<hbm>>
      %dma_start3A_223 = arith.constant 0 : i32
      %dma_start3A_224 = arith.constant 0 : i32
      %dma_start3A_225 = tpu.memref_slice %arg3[%add3A_130, %dma_start3A_223, %dma_start3A_224] : memref<2512x2x128xi32, #tpu.memory_space<hbm>> -> memref<3x2x128xi32, #tpu.memory_space<hbm>>
      tpu.enqueue_dma source(%dma_start3A_225 : memref<3x2x128xi32, #tpu.memory_space<hbm>>) target(%arg6 : memref<3x2x128xi32, #tpu.memory_space<vmem>>) target_semaphore(%run_scoped3A : memref<!tpu.dma_semaphore, #tpu.memory_space<semaphore_mem>>)
      %dma_wait3A_226 = arith.constant 0 : i32
      %dma_wait3A_227 = arith.constant 0 : i32
      %dma_wait3A_228 = tpu.memref_slice %arg3[%add3A_130, %dma_wait3A_226, %dma_wait3A_227] : memref<2512x2x128xi32, #tpu.memory_space<hbm>> -> memref<3x2x128xi32, #tpu.memory_space<hbm>>
      %dma_wait3A_229 = arith.constant 0 : i32
      %dma_wait3A_230 = arith.constant 0 : i32
      %dma_wait3A_231 = tpu.memref_slice %arg3[%add3A_130, %dma_wait3A_229, %dma_wait3A_230] : memref<2512x2x128xi32, #tpu.memory_space<hbm>> -> memref<3x2x128xi32, #tpu.memory_space<hbm>>
      tpu.wait_dma2 semaphore(%run_scoped3A : memref<!tpu.dma_semaphore, #tpu.memory_space<semaphore_mem>>) src(%dma_wait3A_231 : memref<3x2x128xi32, #tpu.memory_space<hbm>>) dst(%arg6 : memref<3x2x128xi32, #tpu.memory_space<vmem>>)
      tpu.yield
    }) : () -> ()
    %dma_wait3A_131 = arith.constant 0 : i32
    %dma_wait3A_132 = arith.constant 0 : i32
    %dma_wait3A_133 = arith.constant 0 : i32
    %dma_wait3A_134 = tpu.memref_slice %arg7[%dma_wait3A_131, %dma_wait3A_132, %dma_wait3A_133] : memref<3x2x128xi32, #tpu.memory_space<vmem>> -> memref<1x1x128xi32, #tpu.memory_space<vmem>>
    %dma_wait3A_135 = tpu.memref_squeeze %dma_wait3A_134 : memref<1x1x128xi32, #tpu.memory_space<vmem>> -> memref<128xi32, #tpu.memory_space<vmem>>
    %dma_wait3A_136 = arith.constant 0 : i32
    %dma_wait3A_137 = arith.constant 0 : i32
    %dma_wait3A_138 = tpu.memref_slice %arg2[%dma_wait3A_136, %dma_wait3A_137] : memref<10000x128xf32, #tpu.memory_space<hbm>> -> memref<10000x128xf32, #tpu.memory_space<hbm>>
    tpu.wait_indirect_dma semaphore(%arg12 : memref<!tpu.dma_semaphore, #tpu.memory_space<semaphore_mem>>) src(%dma_wait3A_138 : memref<10000x128xf32, #tpu.memory_space<hbm>>) dst(%arg8 : memref<128x128xf32, #tpu.memory_space<vmem>>)
    %dma_start3A_139 = arith.constant 0 : i32
    %dma_start3A_140 = arith.constant 1 : i32
    %dma_start3A_141 = arith.constant 0 : i32
    %dma_start3A_142 = tpu.memref_slice %arg7[%dma_start3A_139, %dma_start3A_140, %dma_start3A_141] : memref<3x2x128xi32, #tpu.memory_space<vmem>> -> memref<1x1x128xi32, #tpu.memory_space<vmem>>
    %dma_start3A_143 = tpu.memref_squeeze %dma_start3A_142 : memref<1x1x128xi32, #tpu.memory_space<vmem>> -> memref<128xi32, #tpu.memory_space<vmem>>
    %dma_start3A_144 = arith.constant 0 : i32
    %dma_start3A_145 = arith.constant 0 : i32
    %dma_start3A_146 = tpu.memref_slice %arg11[%dma_start3A_144, %dma_start3A_145] : memref<10000x128xf32, #tpu.memory_space<vmem_shared>> -> memref<10000x128xf32, #tpu.memory_space<vmem_shared>>
    tpu.enqueue_indirect_dma source(%arg8 : memref<128x128xf32, #tpu.memory_space<vmem>>) target(%dma_start3A_146 : memref<10000x128xf32, #tpu.memory_space<vmem_shared>>) offsets(%dma_start3A_143 : memref<128xi32, #tpu.memory_space<vmem>>) semaphore(%arg18 : memref<!tpu.dma_semaphore, #tpu.memory_space<semaphore_mem>>) {add = true}
    %dma_wait3A_147 = arith.constant 1 : i32
    %dma_wait3A_148 = arith.constant 0 : i32
    %dma_wait3A_149 = arith.constant 0 : i32
    %dma_wait3A_150 = tpu.memref_slice %arg7[%dma_wait3A_147, %dma_wait3A_148, %dma_wait3A_149] : memref<3x2x128xi32, #tpu.memory_space<vmem>> -> memref<1x1x128xi32, #tpu.memory_space<vmem>>
    %dma_wait3A_151 = tpu.memref_squeeze %dma_wait3A_150 : memref<1x1x128xi32, #tpu.memory_space<vmem>> -> memref<128xi32, #tpu.memory_space<vmem>>
    %dma_wait3A_152 = arith.constant 0 : i32
    %dma_wait3A_153 = arith.constant 0 : i32
    %dma_wait3A_154 = tpu.memref_slice %arg2[%dma_wait3A_152, %dma_wait3A_153] : memref<10000x128xf32, #tpu.memory_space<hbm>> -> memref<10000x128xf32, #tpu.memory_space<hbm>>
    tpu.wait_indirect_dma semaphore(%arg13 : memref<!tpu.dma_semaphore, #tpu.memory_space<semaphore_mem>>) src(%dma_wait3A_154 : memref<10000x128xf32, #tpu.memory_space<hbm>>) dst(%arg9 : memref<128x128xf32, #tpu.memory_space<vmem>>)
    %dma_start3A_155 = arith.constant 1 : i32
    %dma_start3A_156 = arith.constant 1 : i32
    %dma_start3A_157 = arith.constant 0 : i32
    %dma_start3A_158 = tpu.memref_slice %arg7[%dma_start3A_155, %dma_start3A_156, %dma_start3A_157] : memref<3x2x128xi32, #tpu.memory_space<vmem>> -> memref<1x1x128xi32, #tpu.memory_space<vmem>>
    %dma_start3A_159 = tpu.memref_squeeze %dma_start3A_158 : memref<1x1x128xi32, #tpu.memory_space<vmem>> -> memref<128xi32, #tpu.memory_space<vmem>>
    %dma_start3A_160 = arith.constant 0 : i32
    %dma_start3A_161 = arith.constant 0 : i32
    %dma_start3A_162 = tpu.memref_slice %arg11[%dma_start3A_160, %dma_start3A_161] : memref<10000x128xf32, #tpu.memory_space<vmem_shared>> -> memref<10000x128xf32, #tpu.memory_space<vmem_shared>>
    tpu.enqueue_indirect_dma source(%arg9 : memref<128x128xf32, #tpu.memory_space<vmem>>) target(%dma_start3A_162 : memref<10000x128xf32, #tpu.memory_space<vmem_shared>>) offsets(%dma_start3A_159 : memref<128xi32, #tpu.memory_space<vmem>>) semaphore(%arg19 : memref<!tpu.dma_semaphore, #tpu.memory_space<semaphore_mem>>) {add = true}
    %dma_wait3A_163 = arith.constant 2 : i32
    %dma_wait3A_164 = arith.constant 0 : i32
    %dma_wait3A_165 = arith.constant 0 : i32
    %dma_wait3A_166 = tpu.memref_slice %arg7[%dma_wait3A_163, %dma_wait3A_164, %dma_wait3A_165] : memref<3x2x128xi32, #tpu.memory_space<vmem>> -> memref<1x1x128xi32, #tpu.memory_space<vmem>>
    %dma_wait3A_167 = tpu.memref_squeeze %dma_wait3A_166 : memref<1x1x128xi32, #tpu.memory_space<vmem>> -> memref<128xi32, #tpu.memory_space<vmem>>
    %dma_wait3A_168 = arith.constant 0 : i32
    %dma_wait3A_169 = arith.constant 0 : i32
    %dma_wait3A_170 = tpu.memref_slice %arg2[%dma_wait3A_168, %dma_wait3A_169] : memref<10000x128xf32, #tpu.memory_space<hbm>> -> memref<10000x128xf32, #tpu.memory_space<hbm>>
    tpu.wait_indirect_dma semaphore(%arg14 : memref<!tpu.dma_semaphore, #tpu.memory_space<semaphore_mem>>) src(%dma_wait3A_170 : memref<10000x128xf32, #tpu.memory_space<hbm>>) dst(%arg10 : memref<128x128xf32, #tpu.memory_space<vmem>>)
    %dma_start3A_171 = arith.constant 2 : i32
    %dma_start3A_172 = arith.constant 1 : i32
    %dma_start3A_173 = arith.constant 0 : i32
    %dma_start3A_174 = tpu.memref_slice %arg7[%dma_start3A_171, %dma_start3A_172, %dma_start3A_173] : memref<3x2x128xi32, #tpu.memory_space<vmem>> -> memref<1x1x128xi32, #tpu.memory_space<vmem>>
    %dma_start3A_175 = tpu.memref_squeeze %dma_start3A_174 : memref<1x1x128xi32, #tpu.memory_space<vmem>> -> memref<128xi32, #tpu.memory_space<vmem>>
    %dma_start3A_176 = arith.constant 0 : i32
    %dma_start3A_177 = arith.constant 0 : i32
    %dma_start3A_178 = tpu.memref_slice %arg11[%dma_start3A_176, %dma_start3A_177] : memref<10000x128xf32, #tpu.memory_space<vmem_shared>> -> memref<10000x128xf32, #tpu.memory_space<vmem_shared>>
    tpu.enqueue_indirect_dma source(%arg10 : memref<128x128xf32, #tpu.memory_space<vmem>>) target(%dma_start3A_178 : memref<10000x128xf32, #tpu.memory_space<vmem_shared>>) offsets(%dma_start3A_175 : memref<128xi32, #tpu.memory_space<vmem>>) semaphore(%arg20 : memref<!tpu.dma_semaphore, #tpu.memory_space<semaphore_mem>>) {add = true}
    %scan3A = arith.constant 0 : i32
    %scan3A_179 = arith.constant 1 : i32
    %scan3A_180 = arith.constant 12 : i32
    %scan3A_181 = arith.addi %scan3A_179, %scan3A_180 : i32
    %scan3A_182 = arith.constant 1 : i32
    scf.for %scan3A_220 = %scan3A_179 to %scan3A_181 step %scan3A_182  : i32 {
      %mul3A_221 = arith.constant 6 : i32
      %mul3A_222 = arith.muli %mul3A_221, %scan3A_220 : i32
      %add3A_223 = arith.addi %add3A_4, %mul3A_222 : i32
      %dma_wait3A_224 = arith.constant 0 : i32
      %dma_wait3A_225 = arith.constant 1 : i32
      %dma_wait3A_226 = arith.constant 0 : i32
      %dma_wait3A_227 = tpu.memref_slice %arg6[%dma_wait3A_224, %dma_wait3A_225, %dma_wait3A_226] : memref<3x2x128xi32, #tpu.memory_space<vmem>> -> memref<1x1x128xi32, #tpu.memory_space<vmem>>
      %dma_wait3A_228 = tpu.memref_squeeze %dma_wait3A_227 : memref<1x1x128xi32, #tpu.memory_space<vmem>> -> memref<128xi32, #tpu.memory_space<vmem>>
      %dma_wait3A_229 = arith.constant 0 : i32
      %dma_wait3A_230 = arith.constant 0 : i32
      %dma_wait3A_231 = tpu.memref_slice %arg11[%dma_wait3A_229, %dma_wait3A_230] : memref<10000x128xf32, #tpu.memory_space<vmem_shared>> -> memref<10000x128xf32, #tpu.memory_space<vmem_shared>>
      tpu.wait_indirect_dma semaphore(%arg18 : memref<!tpu.dma_semaphore, #tpu.memory_space<semaphore_mem>>) src(%arg8 : memref<128x128xf32, #tpu.memory_space<vmem>>) dst(%dma_wait3A_231 : memref<10000x128xf32, #tpu.memory_space<vmem_shared>>)
      %dma_start3A_232 = arith.constant 0 : i32
      %dma_start3A_233 = arith.constant 0 : i32
      %dma_start3A_234 = arith.constant 0 : i32
      %dma_start3A_235 = tpu.memref_slice %arg6[%dma_start3A_232, %dma_start3A_233, %dma_start3A_234] : memref<3x2x128xi32, #tpu.memory_space<vmem>> -> memref<1x1x128xi32, #tpu.memory_space<vmem>>
      %dma_start3A_236 = tpu.memref_squeeze %dma_start3A_235 : memref<1x1x128xi32, #tpu.memory_space<vmem>> -> memref<128xi32, #tpu.memory_space<vmem>>
      %dma_start3A_237 = arith.constant 0 : i32
      %dma_start3A_238 = arith.constant 0 : i32
      %dma_start3A_239 = tpu.memref_slice %arg2[%dma_start3A_237, %dma_start3A_238] : memref<10000x128xf32, #tpu.memory_space<hbm>> -> memref<10000x128xf32, #tpu.memory_space<hbm>>
      tpu.enqueue_indirect_dma source(%dma_start3A_239 : memref<10000x128xf32, #tpu.memory_space<hbm>>) target(%arg8 : memref<128x128xf32, #tpu.memory_space<vmem>>) offsets(%dma_start3A_236 : memref<128xi32, #tpu.memory_space<vmem>>) semaphore(%arg12 : memref<!tpu.dma_semaphore, #tpu.memory_space<semaphore_mem>>)
      %dma_wait3A_240 = arith.constant 0 : i32
      %dma_wait3A_241 = arith.constant 1 : i32
      %dma_wait3A_242 = arith.constant 0 : i32
      %dma_wait3A_243 = tpu.memref_slice %arg6[%dma_wait3A_240, %dma_wait3A_241, %dma_wait3A_242] : memref<3x2x128xi32, #tpu.memory_space<vmem>> -> memref<1x1x128xi32, #tpu.memory_space<vmem>>
      %dma_wait3A_244 = tpu.memref_squeeze %dma_wait3A_243 : memref<1x1x128xi32, #tpu.memory_space<vmem>> -> memref<128xi32, #tpu.memory_space<vmem>>
      %dma_wait3A_245 = arith.constant 0 : i32
      %dma_wait3A_246 = arith.constant 0 : i32
      %dma_wait3A_247 = tpu.memref_slice %arg11[%dma_wait3A_245, %dma_wait3A_246] : memref<10000x128xf32, #tpu.memory_space<vmem_shared>> -> memref<10000x128xf32, #tpu.memory_space<vmem_shared>>
      tpu.wait_indirect_dma semaphore(%arg19 : memref<!tpu.dma_semaphore, #tpu.memory_space<semaphore_mem>>) src(%arg9 : memref<128x128xf32, #tpu.memory_space<vmem>>) dst(%dma_wait3A_247 : memref<10000x128xf32, #tpu.memory_space<vmem_shared>>)
      %dma_start3A_248 = arith.constant 1 : i32
      %dma_start3A_249 = arith.constant 0 : i32
      %dma_start3A_250 = arith.constant 0 : i32
      %dma_start3A_251 = tpu.memref_slice %arg6[%dma_start3A_248, %dma_start3A_249, %dma_start3A_250] : memref<3x2x128xi32, #tpu.memory_space<vmem>> -> memref<1x1x128xi32, #tpu.memory_space<vmem>>
      %dma_start3A_252 = tpu.memref_squeeze %dma_start3A_251 : memref<1x1x128xi32, #tpu.memory_space<vmem>> -> memref<128xi32, #tpu.memory_space<vmem>>
      %dma_start3A_253 = arith.constant 0 : i32
      %dma_start3A_254 = arith.constant 0 : i32
      %dma_start3A_255 = tpu.memref_slice %arg2[%dma_start3A_253, %dma_start3A_254] : memref<10000x128xf32, #tpu.memory_space<hbm>> -> memref<10000x128xf32, #tpu.memory_space<hbm>>
      tpu.enqueue_indirect_dma source(%dma_start3A_255 : memref<10000x128xf32, #tpu.memory_space<hbm>>) target(%arg9 : memref<128x128xf32, #tpu.memory_space<vmem>>) offsets(%dma_start3A_252 : memref<128xi32, #tpu.memory_space<vmem>>) semaphore(%arg13 : memref<!tpu.dma_semaphore, #tpu.memory_space<semaphore_mem>>)
      %dma_wait3A_256 = arith.constant 0 : i32
      %dma_wait3A_257 = arith.constant 1 : i32
      %dma_wait3A_258 = arith.constant 0 : i32
      %dma_wait3A_259 = tpu.memref_slice %arg6[%dma_wait3A_256, %dma_wait3A_257, %dma_wait3A_258] : memref<3x2x128xi32, #tpu.memory_space<vmem>> -> memref<1x1x128xi32, #tpu.memory_space<vmem>>
      %dma_wait3A_260 = tpu.memref_squeeze %dma_wait3A_259 : memref<1x1x128xi32, #tpu.memory_space<vmem>> -> memref<128xi32, #tpu.memory_space<vmem>>
      %dma_wait3A_261 = arith.constant 0 : i32
      %dma_wait3A_262 = arith.constant 0 : i32
      %dma_wait3A_263 = tpu.memref_slice %arg11[%dma_wait3A_261, %dma_wait3A_262] : memref<10000x128xf32, #tpu.memory_space<vmem_shared>> -> memref<10000x128xf32, #tpu.memory_space<vmem_shared>>
      tpu.wait_indirect_dma semaphore(%arg20 : memref<!tpu.dma_semaphore, #tpu.memory_space<semaphore_mem>>) src(%arg10 : memref<128x128xf32, #tpu.memory_space<vmem>>) dst(%dma_wait3A_263 : memref<10000x128xf32, #tpu.memory_space<vmem_shared>>)
      %dma_start3A_264 = arith.constant 2 : i32
      %dma_start3A_265 = arith.constant 0 : i32
      %dma_start3A_266 = arith.constant 0 : i32
      %dma_start3A_267 = tpu.memref_slice %arg6[%dma_start3A_264, %dma_start3A_265, %dma_start3A_266] : memref<3x2x128xi32, #tpu.memory_space<vmem>> -> memref<1x1x128xi32, #tpu.memory_space<vmem>>
      %dma_start3A_268 = tpu.memref_squeeze %dma_start3A_267 : memref<1x1x128xi32, #tpu.memory_space<vmem>> -> memref<128xi32, #tpu.memory_space<vmem>>
      %dma_start3A_269 = arith.constant 0 : i32
      %dma_start3A_270 = arith.constant 0 : i32
      %dma_start3A_271 = tpu.memref_slice %arg2[%dma_start3A_269, %dma_start3A_270] : memref<10000x128xf32, #tpu.memory_space<hbm>> -> memref<10000x128xf32, #tpu.memory_space<hbm>>
      tpu.enqueue_indirect_dma source(%dma_start3A_271 : memref<10000x128xf32, #tpu.memory_space<hbm>>) target(%arg10 : memref<128x128xf32, #tpu.memory_space<vmem>>) offsets(%dma_start3A_268 : memref<128xi32, #tpu.memory_space<vmem>>) semaphore(%arg14 : memref<!tpu.dma_semaphore, #tpu.memory_space<semaphore_mem>>)
      %add3A_272 = arith.constant 3 : i32
      %add3A_273 = arith.addi %add3A_223, %add3A_272 : i32
      "tpu.region"() ({
        %run_scoped3A = tpu.sem_alloc : memref<!tpu.dma_semaphore, #tpu.memory_space<semaphore_mem>>
        %dma_start3A_420 = arith.constant 0 : i32
        %dma_start3A_421 = arith.constant 0 : i32
        %dma_start3A_422 = tpu.memref_slice %arg3[%add3A_273, %dma_start3A_420, %dma_start3A_421] : memref<2512x2x128xi32, #tpu.memory_space<hbm>> -> memref<3x2x128xi32, #tpu.memory_space<hbm>>
        %dma_start3A_423 = arith.constant 0 : i32
        %dma_start3A_424 = arith.constant 0 : i32
        %dma_start3A_425 = tpu.memref_slice %arg3[%add3A_273, %dma_start3A_423, %dma_start3A_424] : memref<2512x2x128xi32, #tpu.memory_space<hbm>> -> memref<3x2x128xi32, #tpu.memory_space<hbm>>
        tpu.enqueue_dma source(%dma_start3A_425 : memref<3x2x128xi32, #tpu.memory_space<hbm>>) target(%arg7 : memref<3x2x128xi32, #tpu.memory_space<vmem>>) target_semaphore(%run_scoped3A : memref<!tpu.dma_semaphore, #tpu.memory_space<semaphore_mem>>)
        %dma_wait3A_426 = arith.constant 0 : i32
        %dma_wait3A_427 = arith.constant 0 : i32
        %dma_wait3A_428 = tpu.memref_slice %arg3[%add3A_273, %dma_wait3A_426, %dma_wait3A_427] : memref<2512x2x128xi32, #tpu.memory_space<hbm>> -> memref<3x2x128xi32, #tpu.memory_space<hbm>>
        %dma_wait3A_429 = arith.constant 0 : i32
        %dma_wait3A_430 = arith.constant 0 : i32
        %dma_wait3A_431 = tpu.memref_slice %arg3[%add3A_273, %dma_wait3A_429, %dma_wait3A_430] : memref<2512x2x128xi32, #tpu.memory_space<hbm>> -> memref<3x2x128xi32, #tpu.memory_space<hbm>>
        tpu.wait_dma2 semaphore(%run_scoped3A : memref<!tpu.dma_semaphore, #tpu.memory_space<semaphore_mem>>) src(%dma_wait3A_431 : memref<3x2x128xi32, #tpu.memory_space<hbm>>) dst(%arg7 : memref<3x2x128xi32, #tpu.memory_space<vmem>>)
        tpu.yield
      }) : () -> ()
      %dma_wait3A_274 = arith.constant 0 : i32
      %dma_wait3A_275 = arith.constant 0 : i32
      %dma_wait3A_276 = arith.constant 0 : i32
      %dma_wait3A_277 = tpu.memref_slice %arg6[%dma_wait3A_274, %dma_wait3A_275, %dma_wait3A_276] : memref<3x2x128xi32, #tpu.memory_space<vmem>> -> memref<1x1x128xi32, #tpu.memory_space<vmem>>
      %dma_wait3A_278 = tpu.memref_squeeze %dma_wait3A_277 : memref<1x1x128xi32, #tpu.memory_space<vmem>> -> memref<128xi32, #tpu.memory_space<vmem>>
      %dma_wait3A_279 = arith.constant 0 : i32
      %dma_wait3A_280 = arith.constant 0 : i32
      %dma_wait3A_281 = tpu.memref_slice %arg2[%dma_wait3A_279, %dma_wait3A_280] : memref<10000x128xf32, #tpu.memory_space<hbm>> -> memref<10000x128xf32, #tpu.memory_space<hbm>>
      tpu.wait_indirect_dma semaphore(%arg12 : memref<!tpu.dma_semaphore, #tpu.memory_space<semaphore_mem>>) src(%dma_wait3A_281 : memref<10000x128xf32, #tpu.memory_space<hbm>>) dst(%arg8 : memref<128x128xf32, #tpu.memory_space<vmem>>)
      %dma_start3A_282 = arith.constant 0 : i32
      %dma_start3A_283 = arith.constant 1 : i32
      %dma_start3A_284 = arith.constant 0 : i32
      %dma_start3A_285 = tpu.memref_slice %arg6[%dma_start3A_282, %dma_start3A_283, %dma_start3A_284] : memref<3x2x128xi32, #tpu.memory_space<vmem>> -> memref<1x1x128xi32, #tpu.memory_space<vmem>>
      %dma_start3A_286 = tpu.memref_squeeze %dma_start3A_285 : memref<1x1x128xi32, #tpu.memory_space<vmem>> -> memref<128xi32, #tpu.memory_space<vmem>>
      %dma_start3A_287 = arith.constant 0 : i32
      %dma_start3A_288 = arith.constant 0 : i32
      %dma_start3A_289 = tpu.memref_slice %arg11[%dma_start3A_287, %dma_start3A_288] : memref<10000x128xf32, #tpu.memory_space<vmem_shared>> -> memref<10000x128xf32, #tpu.memory_space<vmem_shared>>
      tpu.enqueue_indirect_dma source(%arg8 : memref<128x128xf32, #tpu.memory_space<vmem>>) target(%dma_start3A_289 : memref<10000x128xf32, #tpu.memory_space<vmem_shared>>) offsets(%dma_start3A_286 : memref<128xi32, #tpu.memory_space<vmem>>) semaphore(%arg15 : memref<!tpu.dma_semaphore, #tpu.memory_space<semaphore_mem>>) {add = true}
      %dma_wait3A_290 = arith.constant 1 : i32
      %dma_wait3A_291 = arith.constant 0 : i32
      %dma_wait3A_292 = arith.constant 0 : i32
      %dma_wait3A_293 = tpu.memref_slice %arg6[%dma_wait3A_290, %dma_wait3A_291, %dma_wait3A_292] : memref<3x2x128xi32, #tpu.memory_space<vmem>> -> memref<1x1x128xi32, #tpu.memory_space<vmem>>
      %dma_wait3A_294 = tpu.memref_squeeze %dma_wait3A_293 : memref<1x1x128xi32, #tpu.memory_space<vmem>> -> memref<128xi32, #tpu.memory_space<vmem>>
      %dma_wait3A_295 = arith.constant 0 : i32
      %dma_wait3A_296 = arith.constant 0 : i32
      %dma_wait3A_297 = tpu.memref_slice %arg2[%dma_wait3A_295, %dma_wait3A_296] : memref<10000x128xf32, #tpu.memory_space<hbm>> -> memref<10000x128xf32, #tpu.memory_space<hbm>>
      tpu.wait_indirect_dma semaphore(%arg13 : memref<!tpu.dma_semaphore, #tpu.memory_space<semaphore_mem>>) src(%dma_wait3A_297 : memref<10000x128xf32, #tpu.memory_space<hbm>>) dst(%arg9 : memref<128x128xf32, #tpu.memory_space<vmem>>)
      %dma_start3A_298 = arith.constant 1 : i32
      %dma_start3A_299 = arith.constant 1 : i32
      %dma_start3A_300 = arith.constant 0 : i32
      %dma_start3A_301 = tpu.memref_slice %arg6[%dma_start3A_298, %dma_start3A_299, %dma_start3A_300] : memref<3x2x128xi32, #tpu.memory_space<vmem>> -> memref<1x1x128xi32, #tpu.memory_space<vmem>>
      %dma_start3A_302 = tpu.memref_squeeze %dma_start3A_301 : memref<1x1x128xi32, #tpu.memory_space<vmem>> -> memref<128xi32, #tpu.memory_space<vmem>>
      %dma_start3A_303 = arith.constant 0 : i32
      %dma_start3A_304 = arith.constant 0 : i32
      %dma_start3A_305 = tpu.memref_slice %arg11[%dma_start3A_303, %dma_start3A_304] : memref<10000x128xf32, #tpu.memory_space<vmem_shared>> -> memref<10000x128xf32, #tpu.memory_space<vmem_shared>>
      tpu.enqueue_indirect_dma source(%arg9 : memref<128x128xf32, #tpu.memory_space<vmem>>) target(%dma_start3A_305 : memref<10000x128xf32, #tpu.memory_space<vmem_shared>>) offsets(%dma_start3A_302 : memref<128xi32, #tpu.memory_space<vmem>>) semaphore(%arg16 : memref<!tpu.dma_semaphore, #tpu.memory_space<semaphore_mem>>) {add = true}
      %dma_wait3A_306 = arith.constant 2 : i32
      %dma_wait3A_307 = arith.constant 0 : i32
      %dma_wait3A_308 = arith.constant 0 : i32
      %dma_wait3A_309 = tpu.memref_slice %arg6[%dma_wait3A_306, %dma_wait3A_307, %dma_wait3A_308] : memref<3x2x128xi32, #tpu.memory_space<vmem>> -> memref<1x1x128xi32, #tpu.memory_space<vmem>>
      %dma_wait3A_310 = tpu.memref_squeeze %dma_wait3A_309 : memref<1x1x128xi32, #tpu.memory_space<vmem>> -> memref<128xi32, #tpu.memory_space<vmem>>
      %dma_wait3A_311 = arith.constant 0 : i32
      %dma_wait3A_312 = arith.constant 0 : i32
      %dma_wait3A_313 = tpu.memref_slice %arg2[%dma_wait3A_311, %dma_wait3A_312] : memref<10000x128xf32, #tpu.memory_space<hbm>> -> memref<10000x128xf32, #tpu.memory_space<hbm>>
      tpu.wait_indirect_dma semaphore(%arg14 : memref<!tpu.dma_semaphore, #tpu.memory_space<semaphore_mem>>) src(%dma_wait3A_313 : memref<10000x128xf32, #tpu.memory_space<hbm>>) dst(%arg10 : memref<128x128xf32, #tpu.memory_space<vmem>>)
      %dma_start3A_314 = arith.constant 2 : i32
      %dma_start3A_315 = arith.constant 1 : i32
      %dma_start3A_316 = arith.constant 0 : i32
      %dma_start3A_317 = tpu.memref_slice %arg6[%dma_start3A_314, %dma_start3A_315, %dma_start3A_316] : memref<3x2x128xi32, #tpu.memory_space<vmem>> -> memref<1x1x128xi32, #tpu.memory_space<vmem>>
      %dma_start3A_318 = tpu.memref_squeeze %dma_start3A_317 : memref<1x1x128xi32, #tpu.memory_space<vmem>> -> memref<128xi32, #tpu.memory_space<vmem>>
      %dma_start3A_319 = arith.constant 0 : i32
      %dma_start3A_320 = arith.constant 0 : i32
      %dma_start3A_321 = tpu.memref_slice %arg11[%dma_start3A_319, %dma_start3A_320] : memref<10000x128xf32, #tpu.memory_space<vmem_shared>> -> memref<10000x128xf32, #tpu.memory_space<vmem_shared>>
      tpu.enqueue_indirect_dma source(%arg10 : memref<128x128xf32, #tpu.memory_space<vmem>>) target(%dma_start3A_321 : memref<10000x128xf32, #tpu.memory_space<vmem_shared>>) offsets(%dma_start3A_318 : memref<128xi32, #tpu.memory_space<vmem>>) semaphore(%arg17 : memref<!tpu.dma_semaphore, #tpu.memory_space<semaphore_mem>>) {add = true}
      %dma_wait3A_322 = arith.constant 0 : i32
      %dma_wait3A_323 = arith.constant 1 : i32
      %dma_wait3A_324 = arith.constant 0 : i32
      %dma_wait3A_325 = tpu.memref_slice %arg6[%dma_wait3A_322, %dma_wait3A_323, %dma_wait3A_324] : memref<3x2x128xi32, #tpu.memory_space<vmem>> -> memref<1x1x128xi32, #tpu.memory_space<vmem>>
      %dma_wait3A_326 = tpu.memref_squeeze %dma_wait3A_325 : memref<1x1x128xi32, #tpu.memory_space<vmem>> -> memref<128xi32, #tpu.memory_space<vmem>>
      %dma_wait3A_327 = arith.constant 0 : i32
      %dma_wait3A_328 = arith.constant 0 : i32
      %dma_wait3A_329 = tpu.memref_slice %arg11[%dma_wait3A_327, %dma_wait3A_328] : memref<10000x128xf32, #tpu.memory_space<vmem_shared>> -> memref<10000x128xf32, #tpu.memory_space<vmem_shared>>
      tpu.wait_indirect_dma semaphore(%arg15 : memref<!tpu.dma_semaphore, #tpu.memory_space<semaphore_mem>>) src(%arg8 : memref<128x128xf32, #tpu.memory_space<vmem>>) dst(%dma_wait3A_329 : memref<10000x128xf32, #tpu.memory_space<vmem_shared>>)
      %dma_start3A_330 = arith.constant 0 : i32
      %dma_start3A_331 = arith.constant 0 : i32
      %dma_start3A_332 = arith.constant 0 : i32
      %dma_start3A_333 = tpu.memref_slice %arg7[%dma_start3A_330, %dma_start3A_331, %dma_start3A_332] : memref<3x2x128xi32, #tpu.memory_space<vmem>> -> memref<1x1x128xi32, #tpu.memory_space<vmem>>
      %dma_start3A_334 = tpu.memref_squeeze %dma_start3A_333 : memref<1x1x128xi32, #tpu.memory_space<vmem>> -> memref<128xi32, #tpu.memory_space<vmem>>
      %dma_start3A_335 = arith.constant 0 : i32
      %dma_start3A_336 = arith.constant 0 : i32
      %dma_start3A_337 = tpu.memref_slice %arg2[%dma_start3A_335, %dma_start3A_336] : memref<10000x128xf32, #tpu.memory_space<hbm>> -> memref<10000x128xf32, #tpu.memory_space<hbm>>
      tpu.enqueue_indirect_dma source(%dma_start3A_337 : memref<10000x128xf32, #tpu.memory_space<hbm>>) target(%arg8 : memref<128x128xf32, #tpu.memory_space<vmem>>) offsets(%dma_start3A_334 : memref<128xi32, #tpu.memory_space<vmem>>) semaphore(%arg12 : memref<!tpu.dma_semaphore, #tpu.memory_space<semaphore_mem>>)
      %dma_wait3A_338 = arith.constant 1 : i32
      %dma_wait3A_339 = arith.constant 1 : i32
      %dma_wait3A_340 = arith.constant 0 : i32
      %dma_wait3A_341 = tpu.memref_slice %arg6[%dma_wait3A_338, %dma_wait3A_339, %dma_wait3A_340] : memref<3x2x128xi32, #tpu.memory_space<vmem>> -> memref<1x1x128xi32, #tpu.memory_space<vmem>>
      %dma_wait3A_342 = tpu.memref_squeeze %dma_wait3A_341 : memref<1x1x128xi32, #tpu.memory_space<vmem>> -> memref<128xi32, #tpu.memory_space<vmem>>
      %dma_wait3A_343 = arith.constant 0 : i32
      %dma_wait3A_344 = arith.constant 0 : i32
      %dma_wait3A_345 = tpu.memref_slice %arg11[%dma_wait3A_343, %dma_wait3A_344] : memref<10000x128xf32, #tpu.memory_space<vmem_shared>> -> memref<10000x128xf32, #tpu.memory_space<vmem_shared>>
      tpu.wait_indirect_dma semaphore(%arg16 : memref<!tpu.dma_semaphore, #tpu.memory_space<semaphore_mem>>) src(%arg9 : memref<128x128xf32, #tpu.memory_space<vmem>>) dst(%dma_wait3A_345 : memref<10000x128xf32, #tpu.memory_space<vmem_shared>>)
      %dma_start3A_346 = arith.constant 1 : i32
      %dma_start3A_347 = arith.constant 0 : i32
      %dma_start3A_348 = arith.constant 0 : i32
      %dma_start3A_349 = tpu.memref_slice %arg7[%dma_start3A_346, %dma_start3A_347, %dma_start3A_348] : memref<3x2x128xi32, #tpu.memory_space<vmem>> -> memref<1x1x128xi32, #tpu.memory_space<vmem>>
      %dma_start3A_350 = tpu.memref_squeeze %dma_start3A_349 : memref<1x1x128xi32, #tpu.memory_space<vmem>> -> memref<128xi32, #tpu.memory_space<vmem>>
      %dma_start3A_351 = arith.constant 0 : i32
      %dma_start3A_352 = arith.constant 0 : i32
      %dma_start3A_353 = tpu.memref_slice %arg2[%dma_start3A_351, %dma_start3A_352] : memref<10000x128xf32, #tpu.memory_space<hbm>> -> memref<10000x128xf32, #tpu.memory_space<hbm>>
      tpu.enqueue_indirect_dma source(%dma_start3A_353 : memref<10000x128xf32, #tpu.memory_space<hbm>>) target(%arg9 : memref<128x128xf32, #tpu.memory_space<vmem>>) offsets(%dma_start3A_350 : memref<128xi32, #tpu.memory_space<vmem>>) semaphore(%arg13 : memref<!tpu.dma_semaphore, #tpu.memory_space<semaphore_mem>>)
      %dma_wait3A_354 = arith.constant 2 : i32
      %dma_wait3A_355 = arith.constant 1 : i32
      %dma_wait3A_356 = arith.constant 0 : i32
      %dma_wait3A_357 = tpu.memref_slice %arg6[%dma_wait3A_354, %dma_wait3A_355, %dma_wait3A_356] : memref<3x2x128xi32, #tpu.memory_space<vmem>> -> memref<1x1x128xi32, #tpu.memory_space<vmem>>
      %dma_wait3A_358 = tpu.memref_squeeze %dma_wait3A_357 : memref<1x1x128xi32, #tpu.memory_space<vmem>> -> memref<128xi32, #tpu.memory_space<vmem>>
      %dma_wait3A_359 = arith.constant 0 : i32
      %dma_wait3A_360 = arith.constant 0 : i32
      %dma_wait3A_361 = tpu.memref_slice %arg11[%dma_wait3A_359, %dma_wait3A_360] : memref<10000x128xf32, #tpu.memory_space<vmem_shared>> -> memref<10000x128xf32, #tpu.memory_space<vmem_shared>>
      tpu.wait_indirect_dma semaphore(%arg17 : memref<!tpu.dma_semaphore, #tpu.memory_space<semaphore_mem>>) src(%arg10 : memref<128x128xf32, #tpu.memory_space<vmem>>) dst(%dma_wait3A_361 : memref<10000x128xf32, #tpu.memory_space<vmem_shared>>)
      %dma_start3A_362 = arith.constant 2 : i32
      %dma_start3A_363 = arith.constant 0 : i32
      %dma_start3A_364 = arith.constant 0 : i32
      %dma_start3A_365 = tpu.memref_slice %arg7[%dma_start3A_362, %dma_start3A_363, %dma_start3A_364] : memref<3x2x128xi32, #tpu.memory_space<vmem>> -> memref<1x1x128xi32, #tpu.memory_space<vmem>>
      %dma_start3A_366 = tpu.memref_squeeze %dma_start3A_365 : memref<1x1x128xi32, #tpu.memory_space<vmem>> -> memref<128xi32, #tpu.memory_space<vmem>>
      %dma_start3A_367 = arith.constant 0 : i32
      %dma_start3A_368 = arith.constant 0 : i32
      %dma_start3A_369 = tpu.memref_slice %arg2[%dma_start3A_367, %dma_start3A_368] : memref<10000x128xf32, #tpu.memory_space<hbm>> -> memref<10000x128xf32, #tpu.memory_space<hbm>>
      tpu.enqueue_indirect_dma source(%dma_start3A_369 : memref<10000x128xf32, #tpu.memory_space<hbm>>) target(%arg10 : memref<128x128xf32, #tpu.memory_space<vmem>>) offsets(%dma_start3A_366 : memref<128xi32, #tpu.memory_space<vmem>>) semaphore(%arg14 : memref<!tpu.dma_semaphore, #tpu.memory_space<semaphore_mem>>)
      %add3A_370 = arith.constant 6 : i32
      %add3A_371 = arith.addi %add3A_223, %add3A_370 : i32
      "tpu.region"() ({
        %run_scoped3A = tpu.sem_alloc : memref<!tpu.dma_semaphore, #tpu.memory_space<semaphore_mem>>
        %dma_start3A_420 = arith.constant 0 : i32
        %dma_start3A_421 = arith.constant 0 : i32
        %dma_start3A_422 = tpu.memref_slice %arg3[%add3A_371, %dma_start3A_420, %dma_start3A_421] : memref<2512x2x128xi32, #tpu.memory_space<hbm>> -> memref<3x2x128xi32, #tpu.memory_space<hbm>>
        %dma_start3A_423 = arith.constant 0 : i32
        %dma_start3A_424 = arith.constant 0 : i32
        %dma_start3A_425 = tpu.memref_slice %arg3[%add3A_371, %dma_start3A_423, %dma_start3A_424] : memref<2512x2x128xi32, #tpu.memory_space<hbm>> -> memref<3x2x128xi32, #tpu.memory_space<hbm>>
        tpu.enqueue_dma source(%dma_start3A_425 : memref<3x2x128xi32, #tpu.memory_space<hbm>>) target(%arg6 : memref<3x2x128xi32, #tpu.memory_space<vmem>>) target_semaphore(%run_scoped3A : memref<!tpu.dma_semaphore, #tpu.memory_space<semaphore_mem>>)
        %dma_wait3A_426 = arith.constant 0 : i32
        %dma_wait3A_427 = arith.constant 0 : i32
        %dma_wait3A_428 = tpu.memref_slice %arg3[%add3A_371, %dma_wait3A_426, %dma_wait3A_427] : memref<2512x2x128xi32, #tpu.memory_space<hbm>> -> memref<3x2x128xi32, #tpu.memory_space<hbm>>
        %dma_wait3A_429 = arith.constant 0 : i32
        %dma_wait3A_430 = arith.constant 0 : i32
        %dma_wait3A_431 = tpu.memref_slice %arg3[%add3A_371, %dma_wait3A_429, %dma_wait3A_430] : memref<2512x2x128xi32, #tpu.memory_space<hbm>> -> memref<3x2x128xi32, #tpu.memory_space<hbm>>
        tpu.wait_dma2 semaphore(%run_scoped3A : memref<!tpu.dma_semaphore, #tpu.memory_space<semaphore_mem>>) src(%dma_wait3A_431 : memref<3x2x128xi32, #tpu.memory_space<hbm>>) dst(%arg6 : memref<3x2x128xi32, #tpu.memory_space<vmem>>)
        tpu.yield
      }) : () -> ()
      %dma_wait3A_372 = arith.constant 0 : i32
      %dma_wait3A_373 = arith.constant 0 : i32
      %dma_wait3A_374 = arith.constant 0 : i32
      %dma_wait3A_375 = tpu.memref_slice %arg7[%dma_wait3A_372, %dma_wait3A_373, %dma_wait3A_374] : memref<3x2x128xi32, #tpu.memory_space<vmem>> -> memref<1x1x128xi32, #tpu.memory_space<vmem>>
      %dma_wait3A_376 = tpu.memref_squeeze %dma_wait3A_375 : memref<1x1x128xi32, #tpu.memory_space<vmem>> -> memref<128xi32, #tpu.memory_space<vmem>>
      %dma_wait3A_377 = arith.constant 0 : i32
      %dma_wait3A_378 = arith.constant 0 : i32
      %dma_wait3A_379 = tpu.memref_slice %arg2[%dma_wait3A_377, %dma_wait3A_378] : memref<10000x128xf32, #tpu.memory_space<hbm>> -> memref<10000x128xf32, #tpu.memory_space<hbm>>
      tpu.wait_indirect_dma semaphore(%arg12 : memref<!tpu.dma_semaphore, #tpu.memory_space<semaphore_mem>>) src(%dma_wait3A_379 : memref<10000x128xf32, #tpu.memory_space<hbm>>) dst(%arg8 : memref<128x128xf32, #tpu.memory_space<vmem>>)
      %dma_start3A_380 = arith.constant 0 : i32
      %dma_start3A_381 = arith.constant 1 : i32
      %dma_start3A_382 = arith.constant 0 : i32
      %dma_start3A_383 = tpu.memref_slice %arg7[%dma_start3A_380, %dma_start3A_381, %dma_start3A_382] : memref<3x2x128xi32, #tpu.memory_space<vmem>> -> memref<1x1x128xi32, #tpu.memory_space<vmem>>
      %dma_start3A_384 = tpu.memref_squeeze %dma_start3A_383 : memref<1x1x128xi32, #tpu.memory_space<vmem>> -> memref<128xi32, #tpu.memory_space<vmem>>
      %dma_start3A_385 = arith.constant 0 : i32
      %dma_start3A_386 = arith.constant 0 : i32
      %dma_start3A_387 = tpu.memref_slice %arg11[%dma_start3A_385, %dma_start3A_386] : memref<10000x128xf32, #tpu.memory_space<vmem_shared>> -> memref<10000x128xf32, #tpu.memory_space<vmem_shared>>
      tpu.enqueue_indirect_dma source(%arg8 : memref<128x128xf32, #tpu.memory_space<vmem>>) target(%dma_start3A_387 : memref<10000x128xf32, #tpu.memory_space<vmem_shared>>) offsets(%dma_start3A_384 : memref<128xi32, #tpu.memory_space<vmem>>) semaphore(%arg18 : memref<!tpu.dma_semaphore, #tpu.memory_space<semaphore_mem>>) {add = true}
      %dma_wait3A_388 = arith.constant 1 : i32
      %dma_wait3A_389 = arith.constant 0 : i32
      %dma_wait3A_390 = arith.constant 0 : i32
      %dma_wait3A_391 = tpu.memref_slice %arg7[%dma_wait3A_388, %dma_wait3A_389, %dma_wait3A_390] : memref<3x2x128xi32, #tpu.memory_space<vmem>> -> memref<1x1x128xi32, #tpu.memory_space<vmem>>
      %dma_wait3A_392 = tpu.memref_squeeze %dma_wait3A_391 : memref<1x1x128xi32, #tpu.memory_space<vmem>> -> memref<128xi32, #tpu.memory_space<vmem>>
      %dma_wait3A_393 = arith.constant 0 : i32
      %dma_wait3A_394 = arith.constant 0 : i32
      %dma_wait3A_395 = tpu.memref_slice %arg2[%dma_wait3A_393, %dma_wait3A_394] : memref<10000x128xf32, #tpu.memory_space<hbm>> -> memref<10000x128xf32, #tpu.memory_space<hbm>>
      tpu.wait_indirect_dma semaphore(%arg13 : memref<!tpu.dma_semaphore, #tpu.memory_space<semaphore_mem>>) src(%dma_wait3A_395 : memref<10000x128xf32, #tpu.memory_space<hbm>>) dst(%arg9 : memref<128x128xf32, #tpu.memory_space<vmem>>)
      %dma_start3A_396 = arith.constant 1 : i32
      %dma_start3A_397 = arith.constant 1 : i32
      %dma_start3A_398 = arith.constant 0 : i32
      %dma_start3A_399 = tpu.memref_slice %arg7[%dma_start3A_396, %dma_start3A_397, %dma_start3A_398] : memref<3x2x128xi32, #tpu.memory_space<vmem>> -> memref<1x1x128xi32, #tpu.memory_space<vmem>>
      %dma_start3A_400 = tpu.memref_squeeze %dma_start3A_399 : memref<1x1x128xi32, #tpu.memory_space<vmem>> -> memref<128xi32, #tpu.memory_space<vmem>>
      %dma_start3A_401 = arith.constant 0 : i32
      %dma_start3A_402 = arith.constant 0 : i32
      %dma_start3A_403 = tpu.memref_slice %arg11[%dma_start3A_401, %dma_start3A_402] : memref<10000x128xf32, #tpu.memory_space<vmem_shared>> -> memref<10000x128xf32, #tpu.memory_space<vmem_shared>>
      tpu.enqueue_indirect_dma source(%arg9 : memref<128x128xf32, #tpu.memory_space<vmem>>) target(%dma_start3A_403 : memref<10000x128xf32, #tpu.memory_space<vmem_shared>>) offsets(%dma_start3A_400 : memref<128xi32, #tpu.memory_space<vmem>>) semaphore(%arg19 : memref<!tpu.dma_semaphore, #tpu.memory_space<semaphore_mem>>) {add = true}
      %dma_wait3A_404 = arith.constant 2 : i32
      %dma_wait3A_405 = arith.constant 0 : i32
      %dma_wait3A_406 = arith.constant 0 : i32
      %dma_wait3A_407 = tpu.memref_slice %arg7[%dma_wait3A_404, %dma_wait3A_405, %dma_wait3A_406] : memref<3x2x128xi32, #tpu.memory_space<vmem>> -> memref<1x1x128xi32, #tpu.memory_space<vmem>>
      %dma_wait3A_408 = tpu.memref_squeeze %dma_wait3A_407 : memref<1x1x128xi32, #tpu.memory_space<vmem>> -> memref<128xi32, #tpu.memory_space<vmem>>
      %dma_wait3A_409 = arith.constant 0 : i32
      %dma_wait3A_410 = arith.constant 0 : i32
      %dma_wait3A_411 = tpu.memref_slice %arg2[%dma_wait3A_409, %dma_wait3A_410] : memref<10000x128xf32, #tpu.memory_space<hbm>> -> memref<10000x128xf32, #tpu.memory_space<hbm>>
      tpu.wait_indirect_dma semaphore(%arg14 : memref<!tpu.dma_semaphore, #tpu.memory_space<semaphore_mem>>) src(%dma_wait3A_411 : memref<10000x128xf32, #tpu.memory_space<hbm>>) dst(%arg10 : memref<128x128xf32, #tpu.memory_space<vmem>>)
      %dma_start3A_412 = arith.constant 2 : i32
      %dma_start3A_413 = arith.constant 1 : i32
      %dma_start3A_414 = arith.constant 0 : i32
      %dma_start3A_415 = tpu.memref_slice %arg7[%dma_start3A_412, %dma_start3A_413, %dma_start3A_414] : memref<3x2x128xi32, #tpu.memory_space<vmem>> -> memref<1x1x128xi32, #tpu.memory_space<vmem>>
      %dma_start3A_416 = tpu.memref_squeeze %dma_start3A_415 : memref<1x1x128xi32, #tpu.memory_space<vmem>> -> memref<128xi32, #tpu.memory_space<vmem>>
      %dma_start3A_417 = arith.constant 0 : i32
      %dma_start3A_418 = arith.constant 0 : i32
      %dma_start3A_419 = tpu.memref_slice %arg11[%dma_start3A_417, %dma_start3A_418] : memref<10000x128xf32, #tpu.memory_space<vmem_shared>> -> memref<10000x128xf32, #tpu.memory_space<vmem_shared>>
      tpu.enqueue_indirect_dma source(%arg10 : memref<128x128xf32, #tpu.memory_space<vmem>>) target(%dma_start3A_419 : memref<10000x128xf32, #tpu.memory_space<vmem_shared>>) offsets(%dma_start3A_416 : memref<128xi32, #tpu.memory_space<vmem>>) semaphore(%arg20 : memref<!tpu.dma_semaphore, #tpu.memory_space<semaphore_mem>>) {add = true}
    }
    %scan3A_183 = arith.constant 12 : i32
    %dma_wait3A_184 = arith.constant 0 : i32
    %dma_wait3A_185 = arith.constant 1 : i32
    %dma_wait3A_186 = arith.constant 0 : i32
    %dma_wait3A_187 = tpu.memref_slice %arg6[%dma_wait3A_184, %dma_wait3A_185, %dma_wait3A_186] : memref<3x2x128xi32, #tpu.memory_space<vmem>> -> memref<1x1x128xi32, #tpu.memory_space<vmem>>
    %dma_wait3A_188 = tpu.memref_squeeze %dma_wait3A_187 : memref<1x1x128xi32, #tpu.memory_space<vmem>> -> memref<128xi32, #tpu.memory_space<vmem>>
    %dma_wait3A_189 = arith.constant 0 : i32
    %dma_wait3A_190 = arith.constant 0 : i32
    %dma_wait3A_191 = tpu.memref_slice %arg11[%dma_wait3A_189, %dma_wait3A_190] : memref<10000x128xf32, #tpu.memory_space<vmem_shared>> -> memref<10000x128xf32, #tpu.memory_space<vmem_shared>>
    tpu.wait_indirect_dma semaphore(%arg18 : memref<!tpu.dma_semaphore, #tpu.memory_space<semaphore_mem>>) src(%arg8 : memref<128x128xf32, #tpu.memory_space<vmem>>) dst(%dma_wait3A_191 : memref<10000x128xf32, #tpu.memory_space<vmem_shared>>)
    %dma_wait3A_192 = arith.constant 0 : i32
    %dma_wait3A_193 = arith.constant 1 : i32
    %dma_wait3A_194 = arith.constant 0 : i32
    %dma_wait3A_195 = tpu.memref_slice %arg6[%dma_wait3A_192, %dma_wait3A_193, %dma_wait3A_194] : memref<3x2x128xi32, #tpu.memory_space<vmem>> -> memref<1x1x128xi32, #tpu.memory_space<vmem>>
    %dma_wait3A_196 = tpu.memref_squeeze %dma_wait3A_195 : memref<1x1x128xi32, #tpu.memory_space<vmem>> -> memref<128xi32, #tpu.memory_space<vmem>>
    %dma_wait3A_197 = arith.constant 0 : i32
    %dma_wait3A_198 = arith.constant 0 : i32
    %dma_wait3A_199 = tpu.memref_slice %arg11[%dma_wait3A_197, %dma_wait3A_198] : memref<10000x128xf32, #tpu.memory_space<vmem_shared>> -> memref<10000x128xf32, #tpu.memory_space<vmem_shared>>
    tpu.wait_indirect_dma semaphore(%arg19 : memref<!tpu.dma_semaphore, #tpu.memory_space<semaphore_mem>>) src(%arg9 : memref<128x128xf32, #tpu.memory_space<vmem>>) dst(%dma_wait3A_199 : memref<10000x128xf32, #tpu.memory_space<vmem_shared>>)
    %dma_wait3A_200 = arith.constant 0 : i32
    %dma_wait3A_201 = arith.constant 1 : i32
    %dma_wait3A_202 = arith.constant 0 : i32
    %dma_wait3A_203 = tpu.memref_slice %arg6[%dma_wait3A_200, %dma_wait3A_201, %dma_wait3A_202] : memref<3x2x128xi32, #tpu.memory_space<vmem>> -> memref<1x1x128xi32, #tpu.memory_space<vmem>>
    %dma_wait3A_204 = tpu.memref_squeeze %dma_wait3A_203 : memref<1x1x128xi32, #tpu.memory_space<vmem>> -> memref<128xi32, #tpu.memory_space<vmem>>
    %dma_wait3A_205 = arith.constant 0 : i32
    %dma_wait3A_206 = arith.constant 0 : i32
    %dma_wait3A_207 = tpu.memref_slice %arg11[%dma_wait3A_205, %dma_wait3A_206] : memref<10000x128xf32, #tpu.memory_space<vmem_shared>> -> memref<10000x128xf32, #tpu.memory_space<vmem_shared>>
    tpu.wait_indirect_dma semaphore(%arg20 : memref<!tpu.dma_semaphore, #tpu.memory_space<semaphore_mem>>) src(%arg10 : memref<128x128xf32, #tpu.memory_space<vmem>>) dst(%dma_wait3A_207 : memref<10000x128xf32, #tpu.memory_space<vmem_shared>>)
    %lt3A = arith.constant 4 : i32
    %lt3A_208 = arith.cmpi slt, %add3A, %lt3A : i32
    %convert_element_type3A_209 = arith.extui %lt3A_208 : i1 to i32
    %cond3A_210 = arith.constant 0 : i32
    %cond3A_211 = arith.cmpi ne, %convert_element_type3A_209, %cond3A_210 : i32
    scf.if %cond3A_211 {
      %dma_start3A_220 = arith.constant 0 : i32
      %dma_start3A_221 = arith.constant 0 : i32
      %dma_start3A_222 = arith.constant 0 : i32
      %dma_start3A_223 = tpu.memref_slice %arg6[%dma_start3A_220, %dma_start3A_221, %dma_start3A_222] : memref<3x2x128xi32, #tpu.memory_space<vmem>> -> memref<1x1x128xi32, #tpu.memory_space<vmem>>
      %dma_start3A_224 = tpu.memref_squeeze %dma_start3A_223 : memref<1x1x128xi32, #tpu.memory_space<vmem>> -> memref<128xi32, #tpu.memory_space<vmem>>
      %dma_start3A_225 = arith.constant 0 : i32
      %dma_start3A_226 = arith.constant 0 : i32
      %dma_start3A_227 = tpu.memref_slice %arg2[%dma_start3A_225, %dma_start3A_226] : memref<10000x128xf32, #tpu.memory_space<hbm>> -> memref<10000x128xf32, #tpu.memory_space<hbm>>
      tpu.enqueue_indirect_dma source(%dma_start3A_227 : memref<10000x128xf32, #tpu.memory_space<hbm>>) target(%arg8 : memref<128x128xf32, #tpu.memory_space<vmem>>) offsets(%dma_start3A_224 : memref<128xi32, #tpu.memory_space<vmem>>) semaphore(%arg12 : memref<!tpu.dma_semaphore, #tpu.memory_space<semaphore_mem>>)
      %dma_wait3A_228 = arith.constant 0 : i32
      %dma_wait3A_229 = arith.constant 0 : i32
      %dma_wait3A_230 = arith.constant 0 : i32
      %dma_wait3A_231 = tpu.memref_slice %arg6[%dma_wait3A_228, %dma_wait3A_229, %dma_wait3A_230] : memref<3x2x128xi32, #tpu.memory_space<vmem>> -> memref<1x1x128xi32, #tpu.memory_space<vmem>>
      %dma_wait3A_232 = tpu.memref_squeeze %dma_wait3A_231 : memref<1x1x128xi32, #tpu.memory_space<vmem>> -> memref<128xi32, #tpu.memory_space<vmem>>
      %dma_wait3A_233 = arith.constant 0 : i32
      %dma_wait3A_234 = arith.constant 0 : i32
      %dma_wait3A_235 = tpu.memref_slice %arg2[%dma_wait3A_233, %dma_wait3A_234] : memref<10000x128xf32, #tpu.memory_space<hbm>> -> memref<10000x128xf32, #tpu.memory_space<hbm>>
      tpu.wait_indirect_dma semaphore(%arg12 : memref<!tpu.dma_semaphore, #tpu.memory_space<semaphore_mem>>) src(%dma_wait3A_235 : memref<10000x128xf32, #tpu.memory_space<hbm>>) dst(%arg8 : memref<128x128xf32, #tpu.memory_space<vmem>>)
      %run_scoped3A = arith.constant 0 : i32
      %run_scoped3A_236 = arith.constant 1 : i32
      "tpu.region"() ({
        %run_scoped3A_237 = tpu.sem_alloc : memref<!tpu.dma_semaphore, #tpu.memory_space<semaphore_mem>>
        %dma_start3A_238 = arith.constant 0 : i32
        %dma_start3A_239 = tpu.memref_slice %arg6[%run_scoped3A, %run_scoped3A_236, %dma_start3A_238] : memref<3x2x128xi32, #tpu.memory_space<vmem>> -> memref<1x1x128xi32, #tpu.memory_space<vmem>>
        %dma_start3A_240 = tpu.memref_squeeze %dma_start3A_239 : memref<1x1x128xi32, #tpu.memory_space<vmem>> -> memref<128xi32, #tpu.memory_space<vmem>>
        %dma_start3A_241 = arith.constant 0 : i32
        %dma_start3A_242 = arith.constant 0 : i32
        %dma_start3A_243 = tpu.memref_slice %arg11[%dma_start3A_241, %dma_start3A_242] : memref<10000x128xf32, #tpu.memory_space<vmem_shared>> -> memref<10000x128xf32, #tpu.memory_space<vmem_shared>>
        tpu.enqueue_indirect_dma source(%arg8 : memref<128x128xf32, #tpu.memory_space<vmem>>) target(%dma_start3A_243 : memref<10000x128xf32, #tpu.memory_space<vmem_shared>>) offsets(%dma_start3A_240 : memref<128xi32, #tpu.memory_space<vmem>>) semaphore(%run_scoped3A_237 : memref<!tpu.dma_semaphore, #tpu.memory_space<semaphore_mem>>) {add = true}
        %dma_wait3A_244 = arith.constant 0 : i32
        %dma_wait3A_245 = tpu.memref_slice %arg6[%run_scoped3A, %run_scoped3A_236, %dma_wait3A_244] : memref<3x2x128xi32, #tpu.memory_space<vmem>> -> memref<1x1x128xi32, #tpu.memory_space<vmem>>
        %dma_wait3A_246 = tpu.memref_squeeze %dma_wait3A_245 : memref<1x1x128xi32, #tpu.memory_space<vmem>> -> memref<128xi32, #tpu.memory_space<vmem>>
        %dma_wait3A_247 = arith.constant 0 : i32
        %dma_wait3A_248 = arith.constant 0 : i32
        %dma_wait3A_249 = tpu.memref_slice %arg11[%dma_wait3A_247, %dma_wait3A_248] : memref<10000x128xf32, #tpu.memory_space<vmem_shared>> -> memref<10000x128xf32, #tpu.memory_space<vmem_shared>>
        tpu.wait_indirect_dma semaphore(%run_scoped3A_237 : memref<!tpu.dma_semaphore, #tpu.memory_space<semaphore_mem>>) src(%arg8 : memref<128x128xf32, #tpu.memory_space<vmem>>) dst(%dma_wait3A_249 : memref<10000x128xf32, #tpu.memory_space<vmem_shared>>)
        tpu.yield
      }) : () -> ()
    } else {
    }
    %barrier3A_212 = arith.constant 0 : index
    tpu.barrier barrier_id(%barrier3A_212)
    %mul3A_213 = arith.constant 624 : i32
    %mul3A_214 = arith.muli %arg1, %mul3A_213 : i32
    "tpu.region"() ({
      %run_scoped3A = tpu.sem_alloc : memref<!tpu.dma_semaphore, #tpu.memory_space<semaphore_mem>>
      %dma_start3A_220 = arith.constant 0 : i32
      %dma_start3A_221 = tpu.memref_slice %arg5[%arg0, %mul3A_214, %dma_start3A_220] : memref<2x10000x128xf32, #tpu.memory_space<hbm>> -> memref<1x624x128xf32, #tpu.memory_space<hbm>>
      %dma_start3A_222 = tpu.memref_squeeze %dma_start3A_221 : memref<1x624x128xf32, #tpu.memory_space<hbm>> -> memref<624x128xf32, #tpu.memory_space<hbm>>
      %dma_start3A_223 = arith.constant 0 : i32
      %dma_start3A_224 = tpu.memref_slice %arg11[%mul3A_214, %dma_start3A_223] : memref<10000x128xf32, #tpu.memory_space<vmem_shared>> -> memref<624x128xf32, #tpu.memory_space<vmem_shared>>
      tpu.enqueue_dma source(%dma_start3A_224 : memref<624x128xf32, #tpu.memory_space<vmem_shared>>) target(%dma_start3A_222 : memref<624x128xf32, #tpu.memory_space<hbm>>) target_semaphore(%run_scoped3A : memref<!tpu.dma_semaphore, #tpu.memory_space<semaphore_mem>>)
      %dma_wait3A_225 = arith.constant 0 : i32
      %dma_wait3A_226 = tpu.memref_slice %arg5[%arg0, %mul3A_214, %dma_wait3A_225] : memref<2x10000x128xf32, #tpu.memory_space<hbm>> -> memref<1x624x128xf32, #tpu.memory_space<hbm>>
      %dma_wait3A_227 = tpu.memref_squeeze %dma_wait3A_226 : memref<1x624x128xf32, #tpu.memory_space<hbm>> -> memref<624x128xf32, #tpu.memory_space<hbm>>
      %dma_wait3A_228 = arith.constant 0 : i32
      %dma_wait3A_229 = tpu.memref_slice %arg11[%mul3A_214, %dma_wait3A_228] : memref<10000x128xf32, #tpu.memory_space<vmem_shared>> -> memref<624x128xf32, #tpu.memory_space<vmem_shared>>
      tpu.wait_dma2 semaphore(%run_scoped3A : memref<!tpu.dma_semaphore, #tpu.memory_space<semaphore_mem>>) src(%dma_wait3A_229 : memref<624x128xf32, #tpu.memory_space<vmem_shared>>) dst(%dma_wait3A_227 : memref<624x128xf32, #tpu.memory_space<hbm>>)
      tpu.yield
    }) : () -> ()
    %eq3A_215 = arith.constant 0 : i32
    %eq3A_216 = arith.cmpi eq, %arg1, %eq3A_215 : i32
    %convert_element_type3A_217 = arith.extui %eq3A_216 : i1 to i32
    %cond3A_218 = arith.constant 0 : i32
    %cond3A_219 = arith.cmpi ne, %convert_element_type3A_217, %cond3A_218 : i32
    scf.if %cond3A_219 {
      "tpu.region"() ({
        %run_scoped3A = tpu.sem_alloc : memref<!tpu.dma_semaphore, #tpu.memory_space<semaphore_mem>>
        %dma_start3A_220 = arith.constant 9984 : i32
        %dma_start3A_221 = arith.constant 0 : i32
        %dma_start3A_222 = tpu.memref_slice %arg5[%arg0, %dma_start3A_220, %dma_start3A_221] : memref<2x10000x128xf32, #tpu.memory_space<hbm>> -> memref<1x16x128xf32, #tpu.memory_space<hbm>>
        %dma_start3A_223 = tpu.memref_squeeze %dma_start3A_222 : memref<1x16x128xf32, #tpu.memory_space<hbm>> -> memref<16x128xf32, #tpu.memory_space<hbm>>
        %dma_start3A_224 = arith.constant 9984 : i32
        %dma_start3A_225 = arith.constant 0 : i32
        %dma_start3A_226 = tpu.memref_slice %arg11[%dma_start3A_224, %dma_start3A_225] : memref<10000x128xf32, #tpu.memory_space<vmem_shared>> -> memref<16x128xf32, #tpu.memory_space<vmem_shared>>
        tpu.enqueue_dma source(%dma_start3A_226 : memref<16x128xf32, #tpu.memory_space<vmem_shared>>) target(%dma_start3A_223 : memref<16x128xf32, #tpu.memory_space<hbm>>) target_semaphore(%run_scoped3A : memref<!tpu.dma_semaphore, #tpu.memory_space<semaphore_mem>>)
        %dma_wait3A_227 = arith.constant 9984 : i32
        %dma_wait3A_228 = arith.constant 0 : i32
        %dma_wait3A_229 = tpu.memref_slice %arg5[%arg0, %dma_wait3A_227, %dma_wait3A_228] : memref<2x10000x128xf32, #tpu.memory_space<hbm>> -> memref<1x16x128xf32, #tpu.memory_space<hbm>>
        %dma_wait3A_230 = tpu.memref_squeeze %dma_wait3A_229 : memref<1x16x128xf32, #tpu.memory_space<hbm>> -> memref<16x128xf32, #tpu.memory_space<hbm>>
        %dma_wait3A_231 = arith.constant 9984 : i32
        %dma_wait3A_232 = arith.constant 0 : i32
        %dma_wait3A_233 = tpu.memref_slice %arg11[%dma_wait3A_231, %dma_wait3A_232] : memref<10000x128xf32, #tpu.memory_space<vmem_shared>> -> memref<16x128xf32, #tpu.memory_space<vmem_shared>>
        tpu.wait_dma2 semaphore(%run_scoped3A : memref<!tpu.dma_semaphore, #tpu.memory_space<semaphore_mem>>) src(%dma_wait3A_233 : memref<16x128xf32, #tpu.memory_space<vmem_shared>>) dst(%dma_wait3A_230 : memref<16x128xf32, #tpu.memory_space<hbm>>)
        tpu.yield
      }) : () -> ()
    } else {
    }
    return
  }
}

module attributes {stable_mosaic.version = 14 : i64} {
  func.func @_dense1_body(%arg0: memref<2x10000x128xf32, #tpu.memory_space<vmem>>, %arg1: memref<2x10000x128xf32, #tpu.memory_space<vmem>>, %arg2: memref<10000x128xf32, #tpu.memory_space<vmem>>, %arg3: memref<128x128xf32, #tpu.memory_space<vmem>>, %arg4: memref<128xf32, #tpu.memory_space<vmem>>, %arg5: memref<128x128xf32, #tpu.memory_space<vmem>>, %arg6: memref<128xf32, #tpu.memory_space<vmem>>, %arg7: memref<128xf32, #tpu.memory_space<vmem>>, %arg8: memref<10000x128xf32, #tpu.memory_space<vmem>>, %arg9: memref<10000x16xf32, #tpu.memory_space<vmem>>) attributes {dimension_semantics = [], scalar_prefetch = 0 : i64, scratch_operands = 0 : i64, tpu.core_type = #tpu.core_type<tc>} {
    %get3A = arith.constant 0 : index
    %get3A_0 = arith.constant 0 : index
    %get3A_1 = arith.constant 0 : index
    %get3A_2 = vector.load %arg1[%get3A, %get3A_0, %get3A_1] : memref<2x10000x128xf32, #tpu.memory_space<vmem>>, vector<1x10000x16xf32>
    %get3A_3 = vector.shape_cast %get3A_2 : vector<1x10000x16xf32> to vector<10000x16xf32>
    %get3A_4 = arith.constant 1 : index
    %get3A_5 = arith.constant 0 : index
    %get3A_6 = arith.constant 0 : index
    %get3A_7 = vector.load %arg1[%get3A_4, %get3A_5, %get3A_6] : memref<2x10000x128xf32, #tpu.memory_space<vmem>>, vector<1x10000x16xf32>
    %get3A_8 = vector.shape_cast %get3A_7 : vector<1x10000x16xf32> to vector<10000x16xf32>
    %add3A = arith.addf %get3A_3, %get3A_8 : vector<10000x16xf32>
    %max3A = arith.constant 1.000000e+00 : f32
    %max3A_9 = vector.broadcast %max3A : f32 to vector<10000x16xf32>
    %max3A_10 = arith.maximumf %add3A, %max3A_9 : vector<10000x16xf32>
    %div3A = arith.constant 1.000000e+00 : f32
    %div3A_11 = vector.broadcast %div3A : f32 to vector<10000x16xf32>
    %div3A_12 = arith.divf %div3A_11, %max3A_10 : vector<10000x16xf32>
    %swap3A = arith.constant 0 : index
    %swap3A_13 = arith.constant 0 : index
    %swap3A_14 = vector.load %arg9[%swap3A, %swap3A_13] : memref<10000x16xf32, #tpu.memory_space<vmem>>, vector<10000x16xf32>
    tpu.vector_store %arg9[%swap3A, %swap3A_13], %div3A_12 {strides = array<i32>} : memref<10000x16xf32, #tpu.memory_space<vmem>>, vector<10000x16xf32>,
    %get3A_15 = arith.constant 0 : index
    %get3A_16 = arith.constant 0 : index
    %get3A_17 = arith.constant 0 : index
    %get3A_18 = vector.load %arg0[%get3A_15, %get3A_16, %get3A_17] : memref<2x10000x128xf32, #tpu.memory_space<vmem>>, vector<1x10000x128xf32>
    %get3A_19 = vector.shape_cast %get3A_18 : vector<1x10000x128xf32> to vector<10000x128xf32>
    %get3A_20 = arith.constant 1 : index
    %get3A_21 = arith.constant 0 : index
    %get3A_22 = arith.constant 0 : index
    %get3A_23 = vector.load %arg0[%get3A_20, %get3A_21, %get3A_22] : memref<2x10000x128xf32, #tpu.memory_space<vmem>>, vector<1x10000x128xf32>
    %get3A_24 = vector.shape_cast %get3A_23 : vector<1x10000x128xf32> to vector<10000x128xf32>
    %add3A_25 = arith.addf %get3A_19, %get3A_24 : vector<10000x128xf32>
    %slice3A = vector.extract_strided_slice %div3A_12 {offsets = [0, 0], sizes = [10000, 1], strides = [1, 1]} : vector<10000x16xf32> to vector<10000x1xf32>
    %mul3A = vector.broadcast %slice3A : vector<10000x1xf32> to vector<10000x128xf32>
    %mul3A_26 = arith.mulf %add3A_25, %mul3A : vector<10000x128xf32>
    %get3A_27 = arith.constant 0 : index
    %get3A_28 = arith.constant 0 : index
    %get3A_29 = vector.load %arg3[%get3A_27, %get3A_28] : memref<128x128xf32, #tpu.memory_space<vmem>>, vector<128x128xf32>
    %dot_general3A = arith.constant dense<0.000000e+00> : vector<10000x128xf32>
    %dot_general3A_30 = tpu.matmul %mul3A_26, %get3A_29, %dot_general3A {dimension_numbers = #tpu.dot_dimension_numbers<[1], [1], [0], [0], [0, 0, 1, 0], [], []>, transpose_lhs_hint = false} : vector<10000x128xf32>, vector<128x128xf32>, vector<10000x128xf32> -> vector<10000x128xf32>
    %get3A_31 = arith.constant 0 : index
    %get3A_32 = vector.load %arg4[%get3A_31] : memref<128xf32, #tpu.memory_space<vmem>>, vector<128xf32>
    %broadcast_in_dim3A = vector.shape_cast %get3A_32 : vector<128xf32> to vector<1x128xf32>
    %add3A_33 = vector.broadcast %broadcast_in_dim3A : vector<1x128xf32> to vector<10000x128xf32>
    %add3A_34 = arith.addf %dot_general3A_30, %add3A_33 : vector<10000x128xf32>
    %get3A_35 = arith.constant 0 : index
    %get3A_36 = arith.constant 0 : index
    %get3A_37 = vector.load %arg2[%get3A_35, %get3A_36] : memref<10000x128xf32, #tpu.memory_space<vmem>>, vector<10000x128xf32>
    %get3A_38 = arith.constant 0 : index
    %get3A_39 = arith.constant 0 : index
    %get3A_40 = vector.load %arg5[%get3A_38, %get3A_39] : memref<128x128xf32, #tpu.memory_space<vmem>>, vector<128x128xf32>
    %dot_general3A_41 = arith.constant dense<0.000000e+00> : vector<10000x128xf32>
    %dot_general3A_42 = tpu.matmul %get3A_37, %get3A_40, %dot_general3A_41 {dimension_numbers = #tpu.dot_dimension_numbers<[1], [1], [0], [0], [0, 0, 1, 0], [], []>, transpose_lhs_hint = false} : vector<10000x128xf32>, vector<128x128xf32>, vector<10000x128xf32> -> vector<10000x128xf32>
    %add3A_43 = arith.addf %add3A_34, %dot_general3A_42 : vector<10000x128xf32>
    %get3A_44 = arith.constant 0 : index
    %get3A_45 = vector.load %arg6[%get3A_44] : memref<128xf32, #tpu.memory_space<vmem>>, vector<128xf32>
    %get3A_46 = arith.constant 0 : index
    %get3A_47 = vector.load %arg7[%get3A_46] : memref<128xf32, #tpu.memory_space<vmem>>, vector<128xf32>
    %reduce_sum3A = arith.constant dense<0.000000e+00> : vector<128xf32>
    %reduce_sum3A_48 = vector.multi_reduction <add>, %add3A_43, %reduce_sum3A [0] : vector<10000x128xf32> to vector<128xf32>
    %div3A_49 = arith.constant 1.000000e+04 : f32
    %div3A_50 = vector.broadcast %div3A_49 : f32 to vector<128xf32>
    %div3A_51 = arith.divf %reduce_sum3A_48, %div3A_50 : vector<128xf32>
    %broadcast_in_dim3A_52 = vector.shape_cast %div3A_51 : vector<128xf32> to vector<1x128xf32>
    %sub3A = vector.broadcast %broadcast_in_dim3A_52 : vector<1x128xf32> to vector<10000x128xf32>
    %sub3A_53 = arith.subf %add3A_43, %sub3A : vector<10000x128xf32>
    %mul3A_54 = arith.mulf %sub3A_53, %sub3A_53 : vector<10000x128xf32>
    %reduce_sum3A_55 = arith.constant dense<0.000000e+00> : vector<128xf32>
    %reduce_sum3A_56 = vector.multi_reduction <add>, %mul3A_54, %reduce_sum3A_55 [0] : vector<10000x128xf32> to vector<128xf32>
    %div3A_57 = arith.constant 1.000000e+04 : f32
    %div3A_58 = vector.broadcast %div3A_57 : f32 to vector<128xf32>
    %div3A_59 = arith.divf %reduce_sum3A_56, %div3A_58 : vector<128xf32>
    %add3A_60 = arith.constant 9.99999974E-6 : f32
    %add3A_61 = vector.broadcast %add3A_60 : f32 to vector<128xf32>
    %add3A_62 = arith.addf %div3A_59, %add3A_61 : vector<128xf32>
    %rsqrt3A = math.rsqrt %add3A_62 : vector<128xf32>
    %broadcast_in_dim3A_63 = vector.shape_cast %rsqrt3A : vector<128xf32> to vector<1x128xf32>
    %mul3A_64 = vector.broadcast %broadcast_in_dim3A_63 : vector<1x128xf32> to vector<10000x128xf32>
    %mul3A_65 = arith.mulf %sub3A_53, %mul3A_64 : vector<10000x128xf32>
    %broadcast_in_dim3A_66 = vector.shape_cast %get3A_45 : vector<128xf32> to vector<1x128xf32>
    %mul3A_67 = vector.broadcast %broadcast_in_dim3A_66 : vector<1x128xf32> to vector<10000x128xf32>
    %mul3A_68 = arith.mulf %mul3A_65, %mul3A_67 : vector<10000x128xf32>
    %broadcast_in_dim3A_69 = vector.shape_cast %get3A_47 : vector<128xf32> to vector<1x128xf32>
    %add3A_70 = vector.broadcast %broadcast_in_dim3A_69 : vector<1x128xf32> to vector<10000x128xf32>
    %add3A_71 = arith.addf %mul3A_68, %add3A_70 : vector<10000x128xf32>
    %max3A_72 = arith.constant 0.000000e+00 : f32
    %max3A_73 = vector.broadcast %max3A_72 : f32 to vector<10000x128xf32>
    %max3A_74 = arith.maximumf %add3A_71, %max3A_73 : vector<10000x128xf32>
    %swap3A_75 = arith.constant 0 : index
    %swap3A_76 = arith.constant 0 : index
    %swap3A_77 = vector.load %arg8[%swap3A_75, %swap3A_76] : memref<10000x128xf32, #tpu.memory_space<vmem>>, vector<10000x128xf32>
    tpu.vector_store %arg8[%swap3A_75, %swap3A_76], %max3A_74 {strides = array<i32>} : memref<10000x128xf32, #tpu.memory_space<vmem>>, vector<10000x128xf32>,
    return
  }
}

module attributes {stable_mosaic.version = 14 : i64} {
  func.func @_dense2_body(%arg0: memref<2x10000x128xf32, #tpu.memory_space<vmem>>, %arg1: memref<10000x128xf32, #tpu.memory_space<vmem>>, %arg2: memref<10000x16xf32, #tpu.memory_space<vmem>>, %arg3: memref<128x128xf32, #tpu.memory_space<vmem>>, %arg4: memref<128xf32, #tpu.memory_space<vmem>>, %arg5: memref<128x128xf32, #tpu.memory_space<vmem>>, %arg6: memref<128xf32, #tpu.memory_space<vmem>>, %arg7: memref<128xf32, #tpu.memory_space<vmem>>, %arg8: memref<64x128xf32, #tpu.memory_space<vmem>>, %arg9: memref<10000x128xf32, #tpu.memory_space<vmem>>, %arg10: memref<10000x64xf32, #tpu.memory_space<vmem>>) attributes {dimension_semantics = [], scalar_prefetch = 0 : i64, scratch_operands = 0 : i64, tpu.core_type = #tpu.core_type<tc>} {
    %get3A = arith.constant 0 : index
    %get3A_0 = arith.constant 0 : index
    %get3A_1 = arith.constant 0 : index
    %get3A_2 = vector.load %arg0[%get3A, %get3A_0, %get3A_1] : memref<2x10000x128xf32, #tpu.memory_space<vmem>>, vector<1x10000x128xf32>
    %get3A_3 = vector.shape_cast %get3A_2 : vector<1x10000x128xf32> to vector<10000x128xf32>
    %get3A_4 = arith.constant 1 : index
    %get3A_5 = arith.constant 0 : index
    %get3A_6 = arith.constant 0 : index
    %get3A_7 = vector.load %arg0[%get3A_4, %get3A_5, %get3A_6] : memref<2x10000x128xf32, #tpu.memory_space<vmem>>, vector<1x10000x128xf32>
    %get3A_8 = vector.shape_cast %get3A_7 : vector<1x10000x128xf32> to vector<10000x128xf32>
    %add3A = arith.addf %get3A_3, %get3A_8 : vector<10000x128xf32>
    %get3A_9 = arith.constant 0 : index
    %get3A_10 = arith.constant 0 : index
    %get3A_11 = vector.load %arg2[%get3A_9, %get3A_10] : memref<10000x16xf32, #tpu.memory_space<vmem>>, vector<10000x16xf32>
    %slice3A = vector.extract_strided_slice %get3A_11 {offsets = [0, 0], sizes = [10000, 1], strides = [1, 1]} : vector<10000x16xf32> to vector<10000x1xf32>
    %mul3A = vector.broadcast %slice3A : vector<10000x1xf32> to vector<10000x128xf32>
    %mul3A_12 = arith.mulf %add3A, %mul3A : vector<10000x128xf32>
    %get3A_13 = arith.constant 0 : index
    %get3A_14 = arith.constant 0 : index
    %get3A_15 = vector.load %arg3[%get3A_13, %get3A_14] : memref<128x128xf32, #tpu.memory_space<vmem>>, vector<128x128xf32>
    %dot_general3A = arith.constant dense<0.000000e+00> : vector<10000x128xf32>
    %dot_general3A_16 = tpu.matmul %mul3A_12, %get3A_15, %dot_general3A {dimension_numbers = #tpu.dot_dimension_numbers<[1], [1], [0], [0], [0, 0, 1, 0], [], []>, transpose_lhs_hint = false} : vector<10000x128xf32>, vector<128x128xf32>, vector<10000x128xf32> -> vector<10000x128xf32>
    %get3A_17 = arith.constant 0 : index
    %get3A_18 = vector.load %arg4[%get3A_17] : memref<128xf32, #tpu.memory_space<vmem>>, vector<128xf32>
    %broadcast_in_dim3A = vector.shape_cast %get3A_18 : vector<128xf32> to vector<1x128xf32>
    %add3A_19 = vector.broadcast %broadcast_in_dim3A : vector<1x128xf32> to vector<10000x128xf32>
    %add3A_20 = arith.addf %dot_general3A_16, %add3A_19 : vector<10000x128xf32>
    %get3A_21 = arith.constant 0 : index
    %get3A_22 = arith.constant 0 : index
    %get3A_23 = vector.load %arg1[%get3A_21, %get3A_22] : memref<10000x128xf32, #tpu.memory_space<vmem>>, vector<10000x128xf32>
    %get3A_24 = arith.constant 0 : index
    %get3A_25 = arith.constant 0 : index
    %get3A_26 = vector.load %arg5[%get3A_24, %get3A_25] : memref<128x128xf32, #tpu.memory_space<vmem>>, vector<128x128xf32>
    %dot_general3A_27 = arith.constant dense<0.000000e+00> : vector<10000x128xf32>
    %dot_general3A_28 = tpu.matmul %get3A_23, %get3A_26, %dot_general3A_27 {dimension_numbers = #tpu.dot_dimension_numbers<[1], [1], [0], [0], [0, 0, 1, 0], [], []>, transpose_lhs_hint = false} : vector<10000x128xf32>, vector<128x128xf32>, vector<10000x128xf32> -> vector<10000x128xf32>
    %add3A_29 = arith.addf %add3A_20, %dot_general3A_28 : vector<10000x128xf32>
    %get3A_30 = arith.constant 0 : index
    %get3A_31 = vector.load %arg6[%get3A_30] : memref<128xf32, #tpu.memory_space<vmem>>, vector<128xf32>
    %get3A_32 = arith.constant 0 : index
    %get3A_33 = vector.load %arg7[%get3A_32] : memref<128xf32, #tpu.memory_space<vmem>>, vector<128xf32>
    %reduce_sum3A = arith.constant dense<0.000000e+00> : vector<128xf32>
    %reduce_sum3A_34 = vector.multi_reduction <add>, %add3A_29, %reduce_sum3A [0] : vector<10000x128xf32> to vector<128xf32>
    %div3A = arith.constant 1.000000e+04 : f32
    %div3A_35 = vector.broadcast %div3A : f32 to vector<128xf32>
    %div3A_36 = arith.divf %reduce_sum3A_34, %div3A_35 : vector<128xf32>
    %broadcast_in_dim3A_37 = vector.shape_cast %div3A_36 : vector<128xf32> to vector<1x128xf32>
    %sub3A = vector.broadcast %broadcast_in_dim3A_37 : vector<1x128xf32> to vector<10000x128xf32>
    %sub3A_38 = arith.subf %add3A_29, %sub3A : vector<10000x128xf32>
    %mul3A_39 = arith.mulf %sub3A_38, %sub3A_38 : vector<10000x128xf32>
    %reduce_sum3A_40 = arith.constant dense<0.000000e+00> : vector<128xf32>
    %reduce_sum3A_41 = vector.multi_reduction <add>, %mul3A_39, %reduce_sum3A_40 [0] : vector<10000x128xf32> to vector<128xf32>
    %div3A_42 = arith.constant 1.000000e+04 : f32
    %div3A_43 = vector.broadcast %div3A_42 : f32 to vector<128xf32>
    %div3A_44 = arith.divf %reduce_sum3A_41, %div3A_43 : vector<128xf32>
    %add3A_45 = arith.constant 9.99999974E-6 : f32
    %add3A_46 = vector.broadcast %add3A_45 : f32 to vector<128xf32>
    %add3A_47 = arith.addf %div3A_44, %add3A_46 : vector<128xf32>
    %rsqrt3A = math.rsqrt %add3A_47 : vector<128xf32>
    %broadcast_in_dim3A_48 = vector.shape_cast %rsqrt3A : vector<128xf32> to vector<1x128xf32>
    %mul3A_49 = vector.broadcast %broadcast_in_dim3A_48 : vector<1x128xf32> to vector<10000x128xf32>
    %mul3A_50 = arith.mulf %sub3A_38, %mul3A_49 : vector<10000x128xf32>
    %broadcast_in_dim3A_51 = vector.shape_cast %get3A_31 : vector<128xf32> to vector<1x128xf32>
    %mul3A_52 = vector.broadcast %broadcast_in_dim3A_51 : vector<1x128xf32> to vector<10000x128xf32>
    %mul3A_53 = arith.mulf %mul3A_50, %mul3A_52 : vector<10000x128xf32>
    %broadcast_in_dim3A_54 = vector.shape_cast %get3A_33 : vector<128xf32> to vector<1x128xf32>
    %add3A_55 = vector.broadcast %broadcast_in_dim3A_54 : vector<1x128xf32> to vector<10000x128xf32>
    %add3A_56 = arith.addf %mul3A_53, %add3A_55 : vector<10000x128xf32>
    %max3A = arith.constant 0.000000e+00 : f32
    %max3A_57 = vector.broadcast %max3A : f32 to vector<10000x128xf32>
    %max3A_58 = arith.maximumf %add3A_56, %max3A_57 : vector<10000x128xf32>
    %swap3A = arith.constant 0 : index
    %swap3A_59 = arith.constant 0 : index
    %swap3A_60 = vector.load %arg9[%swap3A, %swap3A_59] : memref<10000x128xf32, #tpu.memory_space<vmem>>, vector<10000x128xf32>
    tpu.vector_store %arg9[%swap3A, %swap3A_59], %max3A_58 {strides = array<i32>} : memref<10000x128xf32, #tpu.memory_space<vmem>>, vector<10000x128xf32>,
    %get3A_61 = arith.constant 0 : index
    %get3A_62 = arith.constant 0 : index
    %get3A_63 = vector.load %arg8[%get3A_61, %get3A_62] : memref<64x128xf32, #tpu.memory_space<vmem>>, vector<64x128xf32>
    %dot_general3A_64 = arith.constant dense<0.000000e+00> : vector<10000x64xf32>
    %dot_general3A_65 = tpu.matmul %max3A_58, %get3A_63, %dot_general3A_64 {dimension_numbers = #tpu.dot_dimension_numbers<[1], [1], [0], [0], [0, 0, 1, 0], [], []>, transpose_lhs_hint = false} : vector<10000x128xf32>, vector<64x128xf32>, vector<10000x64xf32> -> vector<10000x64xf32>
    %swap3A_66 = arith.constant 0 : index
    %swap3A_67 = arith.constant 0 : index
    %swap3A_68 = vector.load %arg10[%swap3A_66, %swap3A_67] : memref<10000x64xf32, #tpu.memory_space<vmem>>, vector<10000x64xf32>
    tpu.vector_store %arg10[%swap3A_66, %swap3A_67], %dot_general3A_65 {strides = array<i32>} : memref<10000x64xf32, #tpu.memory_space<vmem>>, vector<10000x64xf32>,
    return
  }
}

module attributes {stable_mosaic.version = 14 : i64} {
  func.func @_dense3_body(%arg0: memref<2x10000x128xf32, #tpu.memory_space<vmem>>, %arg1: memref<10000x64xf32, #tpu.memory_space<vmem>>, %arg2: memref<10000x16xf32, #tpu.memory_space<vmem>>, %arg3: memref<64x128xf32, #tpu.memory_space<vmem>>, %arg4: memref<64xf32, #tpu.memory_space<vmem>>, %arg5: memref<10000x64xf32, #tpu.memory_space<vmem>>) attributes {dimension_semantics = [], scalar_prefetch = 0 : i64, scratch_operands = 0 : i64, tpu.core_type = #tpu.core_type<tc>} {
    %get3A = arith.constant 0 : index
    %get3A_0 = arith.constant 0 : index
    %get3A_1 = arith.constant 0 : index
    %get3A_2 = vector.load %arg0[%get3A, %get3A_0, %get3A_1] : memref<2x10000x128xf32, #tpu.memory_space<vmem>>, vector<1x10000x128xf32>
    %get3A_3 = vector.shape_cast %get3A_2 : vector<1x10000x128xf32> to vector<10000x128xf32>
    %get3A_4 = arith.constant 1 : index
    %get3A_5 = arith.constant 0 : index
    %get3A_6 = arith.constant 0 : index
    %get3A_7 = vector.load %arg0[%get3A_4, %get3A_5, %get3A_6] : memref<2x10000x128xf32, #tpu.memory_space<vmem>>, vector<1x10000x128xf32>
    %get3A_8 = vector.shape_cast %get3A_7 : vector<1x10000x128xf32> to vector<10000x128xf32>
    %add3A = arith.addf %get3A_3, %get3A_8 : vector<10000x128xf32>
    %get3A_9 = arith.constant 0 : index
    %get3A_10 = arith.constant 0 : index
    %get3A_11 = vector.load %arg2[%get3A_9, %get3A_10] : memref<10000x16xf32, #tpu.memory_space<vmem>>, vector<10000x16xf32>
    %slice3A = vector.extract_strided_slice %get3A_11 {offsets = [0, 0], sizes = [10000, 1], strides = [1, 1]} : vector<10000x16xf32> to vector<10000x1xf32>
    %mul3A = vector.broadcast %slice3A : vector<10000x1xf32> to vector<10000x128xf32>
    %mul3A_12 = arith.mulf %add3A, %mul3A : vector<10000x128xf32>
    %get3A_13 = arith.constant 0 : index
    %get3A_14 = arith.constant 0 : index
    %get3A_15 = vector.load %arg3[%get3A_13, %get3A_14] : memref<64x128xf32, #tpu.memory_space<vmem>>, vector<64x128xf32>
    %dot_general3A = arith.constant dense<0.000000e+00> : vector<10000x64xf32>
    %dot_general3A_16 = tpu.matmul %mul3A_12, %get3A_15, %dot_general3A {dimension_numbers = #tpu.dot_dimension_numbers<[1], [1], [0], [0], [0, 0, 1, 0], [], []>, transpose_lhs_hint = false} : vector<10000x128xf32>, vector<64x128xf32>, vector<10000x64xf32> -> vector<10000x64xf32>
    %get3A_17 = arith.constant 0 : index
    %get3A_18 = vector.load %arg4[%get3A_17] : memref<64xf32, #tpu.memory_space<vmem>>, vector<64xf32>
    %broadcast_in_dim3A = vector.shape_cast %get3A_18 : vector<64xf32> to vector<1x64xf32>
    %add3A_19 = vector.broadcast %broadcast_in_dim3A : vector<1x64xf32> to vector<10000x64xf32>
    %add3A_20 = arith.addf %dot_general3A_16, %add3A_19 : vector<10000x64xf32>
    %get3A_21 = arith.constant 0 : index
    %get3A_22 = arith.constant 0 : index
    %get3A_23 = vector.load %arg1[%get3A_21, %get3A_22] : memref<10000x64xf32, #tpu.memory_space<vmem>>, vector<10000x64xf32>
    %add3A_24 = arith.addf %add3A_20, %get3A_23 : vector<10000x64xf32>
    %reduce_max3A = arith.constant dense<0xFF800000> : vector<10000xf32>
    %reduce_max3A_25 = vector.multi_reduction <maximumf>, %add3A_24, %reduce_max3A [1] : vector<10000x64xf32> to vector<10000xf32>
    %broadcast_in_dim3A_26 = vector.shape_cast %reduce_max3A_25 : vector<10000xf32> to vector<10000x1xf32>
    %sub3A = vector.broadcast %broadcast_in_dim3A_26 : vector<10000x1xf32> to vector<10000x64xf32>
    %sub3A_27 = arith.subf %add3A_24, %sub3A : vector<10000x64xf32>
    %exp3A = math.exp %sub3A_27 : vector<10000x64xf32>
    %reduce_sum3A = arith.constant dense<0.000000e+00> : vector<10000xf32>
    %reduce_sum3A_28 = vector.multi_reduction <add>, %exp3A, %reduce_sum3A [1] : vector<10000x64xf32> to vector<10000xf32>
    %broadcast_in_dim3A_29 = vector.shape_cast %reduce_sum3A_28 : vector<10000xf32> to vector<10000x1xf32>
    %div3A = vector.broadcast %broadcast_in_dim3A_29 : vector<10000x1xf32> to vector<10000x64xf32>
    %div3A_30 = arith.divf %exp3A, %div3A : vector<10000x64xf32>
    %swap3A = arith.constant 0 : index
    %swap3A_31 = arith.constant 0 : index
    %swap3A_32 = vector.load %arg5[%swap3A, %swap3A_31] : memref<10000x64xf32, #tpu.memory_space<vmem>>, vector<10000x64xf32>
    tpu.vector_store %arg5[%swap3A, %swap3A_31], %div3A_30 {strides = array<i32>} : memref<10000x64xf32, #tpu.memory_space<vmem>>, vector<10000x64xf32>,
    return
  }
}

</mosaic_0001>

<sc_bundles>
// kernel: kernel.11.cloned.1.call-start
scs
__scs_entry_jumppad:
0x0: {  	(pc) =	sbr.rel $0x88, $3  }
0x1: {  	(tag) =	ssettag $0x0;
	lr =	simm.s32 $0x1  }
0x2: {  	[smem:$0x3F92] =	sst lr;
	_ =	strace $0xD0000000  }
0x3: {  	_ = 	snop  }
0x4: {  	_ = 	snop  }
0x5: {  	_ = 	snop  }
0x6: {  	_ = 	snop  }
0x7: {  	_ = 	snop  }
__scs_overlays_trampoline_lowered:
0x8: {  	[smem:$0x3FA1] =	sst s0  }
0x9: {  	[smem:$0x3FA2] =	sst s1  }
0xa: {  	[smem:$0x3FA3] =	sst s2  }
0xb: {  	[smem:$0x3FA4] =	sst s3  }
0xc: {  	[smem:$0x3FA5] =	sst s4  }
0xd: {  	[smem:$0x3FA6] =	sst s5  }
0xe: {  	[smem:$0x3FA7] =	sst s6  }
0xf: {  	[smem:$0x3FA8] =	sst s7  }
0x10: {  	[smem:$0x3FA9] =	sst s8  }
0x11: {  	[smem:$0x3FAA] =	sst s9;
	s0 =	simm.s32 @!p0 $0x0  }
0x12: {  	s1 =	sld [smem:$0x3F90];
	s0 =	simm.s32 @p0 $0x1  }
0x13: {  	[smem:$0x3FAB] =	sst s0;
	s0 =	simm.s32 @!p1 $0x0  }
0x14: {  	s2 =	sld [smem:$0x3F8F];
	s0 =	simm.s32 @p1 $0x1  }
0x15: {  	[smem:$0x3FAC] =	sst s0;
	s0 =	simm.s32 @!p2 $0x0  }
0x16: {  	s3 =	sld [smem:$0x3FDB];
	s0 =	simm.s32 @p2 $0x1  }
0x17: {  	s4 =	simm.s32 $0x1BF5;
	[smem:$0x3FAE] =	sst s0  }
0x18: {  	s0 =	sld [smem:$0x3F91];
	_ =	swait.ge [sflag:s4], $0x0  }
0x19: {  	s7 =	sld [smem:$0x3F92]  }
0x1a: {  	s8 =	sadd.s32 $0xFFFFE003, lr  }
0x1b: {  	s9 =	sadd.s32 $0xFFFFFEF7, lr;
	s5 =	simm.s32 $0xFFFFFFFF;
	p2 =	slt.u32 s8, $0xFFFFF086  }
0x1c: {  	p1 =	slt.u32 s9, $0xF7A;
	s5 =	simm.s32 @!p2 $0x0  }
0x1d: {  	s5 =	simm.s32 @p1 $0x1;
	p0 =	seq.s32 s7, s2  }
0x1e: {  	s7 =	smul.u32 @!p0 $0xF7A, s2;
	p2 =	seq.s32 @!p0 s5, $0x0  }
0x1f: {  	s9 =	smul.u32 $0xF7A, s1;
	s8 =	simm.s32 @!p0 $0x1BF5;
	p2 =	por !p2, p0  }
0x20: {  	[sflag:s8] =	ssyncset.s32 @!p0 $0xFFFFF086;
	s6 =	sadd.s32 @!p0 s3, s7;
	s7 =	simm.s32 @!p0 $0x108  }
0x21: {  	s3 =	sadd.s32 s3, s9;
	s6 =	sadd.s32 @!p0 $0x88, s6;
	s7 =	simm.s32 @p2 $0x1082  }
0x22: {  	[simem:s7], [sflag:s8] =	dma.local @!p0 [hbm:s6], $0xF7A  }
0x23: {  	s9 =	sor.u32 $0xD0000000, s2;
	s6 =	simm.s32 $0x108;
	_ =	swait.ge @!p0 [sflag:s8], $0x0  }
0x24: {  	s3 =	sadd.s32 $0x88, s3;
	s6 =	simm.s32 @!p1 $0x1082;
	[sflag:s4] =	ssyncset.s32 $0xFFFFF086  }
0x25: {  	[simem:s6], [sflag:s4] =	dma.local [hbm:s3], $0xF7A  }
0x26: {  	[smem:$0x3F92] =	sst s1;
	(tag) =	ssettag s2;
	_ =	strace s9  }
0x27: {  	s1 =	sld [smem:$0x3FA2]  }
0x28: {  	s2 =	sld [smem:$0x3FA3]  }
0x29: {  	s4 =	sld [smem:$0x3FA5]  }
0x2a: {  	p0 =	seq.s32 s5, $0x0;
	s5 =	sld [smem:$0x3FA6]  }
0x2b: {  	s6 =	sld [smem:$0x3FA7]  }
0x2c: {  	s7 =	sld [smem:$0x3FA8]  }
0x2d: {  	s3 =	simm.s32 $0x108;
	s8 =	sld [smem:$0x3FA9]  }
0x2e: {  	s3 =	simm.s32 @!p0 $0x1082;
	s9 =	sld [smem:$0x3FAA]  }
0x2f: {  	lr =	sadd.s32 s0, s3;
	s0 =	sld [smem:$0x3FA1]  }
0x30: {  	s3 =	sld [smem:$0x3FA4]  }
0x31: {  	[smem:$0x3FAD] =	sst s10  }
0x32: {  	s10 =	sld [smem:$0x3FAB];
	_ =	sdelay $0x3  }
0x33: {  	p0 =	seq.s32 s10, $0x1;
	s10 =	sld [smem:$0x3FAD];
	_ =	sdelay $0x3  }
0x34: {  	[smem:$0x3FAD] =	sst s10  }
0x35: {  	s10 =	sld [smem:$0x3FAC];
	_ =	sdelay $0x3  }
0x36: {  	p1 =	seq.s32 s10, $0x1;
	s10 =	sld [smem:$0x3FAD];
	_ =	sdelay $0x3  }
0x37: {  	[smem:$0x3FAD] =	sst s10  }
0x38: {  	s10 =	sld [smem:$0x3FAE]  }
0x39: {  	_ = 	snop;
	(pc) =	sbr.ind lr, $3  }
0x3a: {  	_ = 	snop  }
0x3b: {  	_ = 	snop  }
0x3c: {  	p2 =	seq.s32 s10, $0x1;
	s10 =	sld [smem:$0x3FAD]  }
0x3d: {  	_ =	shalt  }
0x3e: {  	_ =	shalt  }
0x3f: {  	_ =	shalt  }
0x40: {  	_ =	shalt  }
0x41: {  	_ =	shalt  }
0x42: {  	_ =	shalt  }
0x43: {  	_ =	shalt  }
0x44: {  	_ =	shalt  }
0x45: {  	_ =	shalt  }
0x46: {  	_ =	shalt  }
0x47: {  	_ =	shalt  }
0x48: {  	_ =	shalt  }
0x49: {  	_ =	shalt  }
0x4a: {  	_ =	shalt  }
0x4b: {  	_ =	shalt  }
0x4c: {  	_ =	shalt  }
0x4d: {  	_ =	shalt  }
0x4e: {  	_ =	shalt  }
0x4f: {  	_ =	shalt  }
0x50: {  	_ =	shalt  }
0x51: {  	_ =	shalt  }
0x52: {  	_ =	shalt  }
0x53: {  	_ =	shalt  }
0x54: {  	_ =	shalt  }
0x55: {  	_ =	shalt  }
0x56: {  	_ =	shalt  }
0x57: {  	_ =	shalt  }
0x58: {  	_ =	shalt  }
0x59: {  	_ =	shalt  }
0x5a: {  	_ =	shalt  }
0x5b: {  	_ =	shalt  }
0x5c: {  	_ =	shalt  }
0x5d: {  	_ =	shalt  }
0x5e: {  	_ =	shalt  }
0x5f: {  	_ =	shalt  }
0x60: {  	_ =	shalt  }
0x61: {  	_ =	shalt  }
0x62: {  	_ =	shalt  }
0x63: {  	_ =	shalt  }
0x64: {  	_ =	shalt  }
0x65: {  	_ =	shalt  }
0x66: {  	_ =	shalt  }
0x67: {  	_ =	shalt  }
0x68: {  	_ =	shalt  }
0x69: {  	_ =	shalt  }
0x6a: {  	_ =	shalt  }
0x6b: {  	_ =	shalt  }
0x6c: {  	_ =	shalt  }
0x6d: {  	_ =	shalt  }
0x6e: {  	_ =	shalt  }
0x6f: {  	_ =	shalt  }
0x70: {  	_ =	shalt  }
0x71: {  	_ =	shalt  }
0x72: {  	_ =	shalt  }
0x73: {  	_ =	shalt  }
0x74: {  	_ =	shalt  }
0x75: {  	_ =	shalt  }
0x76: {  	_ =	shalt  }
0x77: {  	_ =	shalt  }
0x78: {  	_ =	shalt  }
0x79: {  	_ =	shalt  }
0x7a: {  	_ =	shalt  }
0x7b: {  	_ =	shalt  }
0x7c: {  	_ =	shalt  }
0x7d: {  	_ =	shalt  }
0x7e: {  	_ =	shalt  }
0x7f: {  	_ =	shalt  }
0x80: {  	_ =	shalt  }
0x81: {  	_ =	shalt  }
0x82: {  	_ =	shalt  }
0x83: {  	_ =	shalt  }
0x84: {  	_ =	shalt  }
0x85: {  	_ =	shalt  }
0x86: {  	_ =	shalt  }
0x87: {  	_ =	shalt  }
.Lfunc_end0:
.L_simem_size_0:
called_computation.1_lowered:
.L_overlay_start_0:
0x88: {  	s2 =	sld [smem:$0x3FD9]  }
0x89: {  	s3 =	sld [smem:$0x3FFE];
	_ =	sdelay $0x1  }
0x8a: {  	s1 =	srdreg.scid  }
0x8b: {  	s0 =	sand.u32 $0x1, s1  }
0x8c: {  	s17 =	sshll.u32 s0, $0xA;
	s2 =	sadd.s32 s3, s2  }
0x8d: {  	s2 =	sadd.s32 s2, s17  }
0x8e: {  	[smem:$0x3FB9] =	sst s2  }
0x8f: {  	_ = 	snop  }
0x90: {  	s2 =	sld [smem:$0x3FD0];
	(tm) =	ssettm $0x1  }
0x91: {  	s18 =	sld [smem:$0x3FFB];
	_ =	sdelay $0x3  }
0x92: {  	_ =	strace s18  }
0x93: {  	s3 =	sld [smem:$0x3FFC];
	_ =	sdelay $0x3  }
0x94: {  	_ =	strace s3  }
0x95: {  	s3 =	sld [smem:$0x3FFD];
	_ =	sdelay $0x3  }
0x96: {  	_ =	strace s3  }
0x97: {  	_ =	strace $0x8FFFFFFF  }
0x98: {  	s19 =	sld [smem:$0x3FDB];
	_ =	sdelay $0x1  }
0x99: {  	s4 =	simm.s32 $_scs_section_size  }
0x9a: {  	s5 =	simm.s32 $_size__tile_overlayer_lowered;
	s6 =	simm.s32 $_tile_overlayer_lowered  }
0x9b: {  	s22 =	simm.s32 $0x1BFF;
	s21 =	sshll.u32 s6, $0x1;
	s3 =	sadd.s32 s4, s19  }
0x9c: {  	s7 =	simm.s32 $0x0;
	s20 =	sshll.u32 s5, $0x1;
	s5 =	sadd.s32 s21, s3  }
0x9d: {  	[timem:s7], [sflag:s22] =	dma.local [hbm:s5], s20  }
0x9e: {  	_ =	swait.ge [sflag:s22], s20  }
0x9f: {  	s4 =	ssub.s32 $0x0, s20;
	[sflag:s22] =	ssyncset.done $0x0  }
0xa0: {  	[sflag:s22] =	ssyncadd.s32 s4;
	_ =	sdelay $0x1  }
0xa1: {  	s23 =	simm.s32 $0x1B8B  }
0xa2: {  	_ =	swait.ge [sflag:s23], $0x1  }
0xa3: {  	[sflag:s23] =	ssyncset.done $0x0  }
0xa4: {  	s25 =	simm.s32 $0x1B8E;
	s24 =	sld [smem:$0x3FFE];
	[sflag:s23] =	ssyncadd.s32 $0xFFFFFFFF  }
0xa5: {  	s26 =	simm.s32 $execute0_lowered;
	[smem:$0x3FD2] =	sst s25  }
0xa6: {  	s5 =	sshll.u32 s26, $0x1;
	_ =	strace $0x80000049;
	[dreg:$0x1] =	wrdreg $0xFFFFFFFF  }
0xa7: {  	s28 =	simm.s32 $_size_execute0_lowered;
	s3 =	sadd.s32 s3, s5;
	[dreg:$0x0] =	wrdreg $0x0  }
0xa8: {  	s5 =	sshll.u32 s28, $0x1;
	[dreg:$0x2] =	wrdreg s3  }
0xa9: {  	[dreg:$0x3] =	wrdreg s5  }
0xaa: {  	[dreg:$0x4] =	wrdreg $0xC0  }
0xab: {  	_ =	task [dreg:s7], $0x5FFFF  }
0xac: {  	[dreg:$0x1] =	wrdreg $0xFFFFFFFF  }
0xad: {  	[dreg:$0x0] =	wrdreg $0x60  }
0xae: {  	[dreg:$0x2] =	wrdreg s24  }
0xaf: {  	[dreg:$0x3] =	wrdreg s2  }
0xb0: {  	[dreg:$0x4] =	wrdreg $0xC6000  }
0xb1: {  	[dreg:$0x5] =	wrdreg $0x9  }
0xb2: {  	_ =	task.clear_ibuf [dreg:s7], $0x6FFFF;
	_ =	strace $0x90000049  }
0xb3: {  	s29 =	simm.s32 $0x9;
	_ =	strace $0x8000004B  }
0xb4: {  	_ =	swait.ge [sflag:s29], $0x1  }
0xb5: {  	[sflag:s29] =	ssyncadd.s32 $0xFFFFFFFF  }
0xb6: {  	_ =	strace $0x9000004B  }
0xb7: {  	_ =	sfence  }
0xb8: {  	s30 =	sld [smem:$0x0];
	_ =	sdelay $0x2  }
0xb9: {  	s31 =	sshll.u32 s1, $0xD;
	s1 =	sshrl.u32 s1, $0x2  }
0xba: {  	s3 =	sand.u32 $0x4000, s31;
	s1 =	sadd.s32 s1, s30  }
0xbb: {  	s0 =	sor.u32 s3, s0;
	s1 =	sshll.u32 s1, $0x11  }
0xbc: {  	s0 =	sor.u32 s1, s0  }
0xbd: {  	s0 =	sadd.s32 $0x8F2B, s0  }
0xbe: {  	[sflag:s0] =	ssyncadd.remote.s32 $0x1  }
0xbf: {  	_ =	sfence.sel $0xFFFF  }
0xc0: {  	[dreg:$0x0] =	wrdreg $0xFFFFFFFF;
	(pc) =	sbr.abs _section_cstart, $3  }
0xc1: {  	[dreg:$0x1] =	wrdreg $0xFFFFFFFF  }
0xc2: {  	_ =	task.clear_ibuf [dreg:s7], $0x2FFFF;
	_ =	strace $0x9FFFFFFF  }
0xc3: {  	(tm) =	ssettm $0x7FFFFFFF  }
tec
execute0_lowered:
.L_overlay_start_1:
0x0: {  	(tag) =	ssettag $0x1  }
0x1: {  	s0 =	rddreg [dreg:$0x0]  }
0x2: {  	s4 =	rddreg [dreg:$0x1]  }
0x3: {  	s1 =	rddreg [dreg:$0x2]  }
0x4: {  	s2 =	simm.s32 $0x0;
	s5 =	srdreg.scid;
	s7 =	stileid.u32  }
0x5: {  	s28 =	simm.s32 $0x4;
	s29 =	simm.s32 $0x5;
	s30 =	simm.s32 $0x400  }
0x6: {  	s31 =	simm.s32 $0x6;
	[smem:$0x7FF] =	sst s2;
	s3 =	sadd.s32 $0x6C00, s0  }
0x7: {  	s6 =	sand.u32 $0x1, s5;
	s15 =	sadd.s32 $0x4400, s0;
	s17 =	smul.u32 $0x4E000, s7  }
0x8: {  	s0 =	sadd.s32 $0x2DE00, s0;
	s19 =	sshll.u32 s7, $0x6;
	s14 =	smul.u32 $0x13800, s7  }
0x9: {  	s22 =	smul.u32 $0x9C0, s7;
	p0 =	sne.s32 s7, $0x0;
	_ =	strace $0x8000004A  }
0xa: {  	[dreg:$0x5] =	wrdreg s15;
	s16 =	sshll.u32 s6, $0x4;
	s13 =	smul.u32 $0x138800, s6  }
0xb: {  	s8 =	ssub.s32 $0x2, s6;
	s15 =	sadd.s32 $0x138000, s1;
	s6 =	smul.u32 $0x9C00, s6  }
0xc: {  	s9 =	sor.u32 s7, s16;
	s10 =	sshrl.u32 s8, $0x1;
	s5 =	sshrl.u32 s17, $0x2  }
0xd: {  	s17 =	simm.s32 $0x100;
	s7 =	simm.s32 $0x380;
	s11 =	smul.u32 $0x4E, s9  }
0xe: {  	s8 =	ssub.s32 s8, s10;
	s18 =	smin.u32 s9, $0x4;
	s12 =	sadd.s32 s5, s1  }
0xf: {  	s5 =	sor.u32 $0x1C0A, s19;
	s20 =	sadd.s32 s14, s13;
	s23 =	sshrl.u32 s13, $0x3  }
0x10: {  	s13 =	simm.s32 $0xA;
	s19 =	simm.s32 $0x200;
	p1 =	sgt.u32 s9, $0x3  }
0x11: {  	s9 =	simm.s32 $0x580;
	s10 =	simm.s32 $0x7;
	s24 =	sshll.u32 s18, $0x5  }
0x12: {  	s25 =	smax.u32 s8, $0x1;
	s14 =	sshrl.u32 s12, $0x3;
	s12 =	smov.u32 s5  }
0x13: {  	s8 =	simm.s32 $0x480;
	s5 =	simm.s32 $0x0;
	[dreg:$0xc] =	wrdreg s25  }
0x14: {  	s11 =	sadd.s32 s18, s11;
	s18 =	simm.s32 $0x4600;
	[dreg:$0xf] =	wrdreg s5  }
0x15: {  	s25 =	simm.s32 $0x3;
	[dreg:$0x6] =	wrdreg s12;
	s11 =	sshll.u32 s11, $0x5  }
0x16: {  	[dreg:$0xd] =	wrdreg s14;
	s16 =	sadd.s32 s4, s11;
	s4 =	sadd.s32 s6, s4  }
0x17: {  	s6 =	simm.s32 $0x9;
	s11 =	sadd.s32 $0x60, s16;
	[dreg:$0x7] =	wrdreg s16  }
0x18: {  	s21 =	sadd.s32 $0xC0, s16;
	s4 =	sadd.s32 s22, s4;
	[dreg:$0x8] =	wrdreg s11  }
0x19: {  	s16 =	simm.s32 $0x600;
	s22 =	simm.s32 $0x1;
	[dreg:$0x9] =	wrdreg s21  }
0x1a: {  	s11 =	sshrl.u32 s20, $0x3;
	s26 =	sadd.s32 s24, s4;
	s4 =	sshrl.u32 @!p0 s15, $0x3  }
0x1b: {  	s15 =	simm.s32 $0x80;
	s20 =	simm.s32 $0x8600;
	s21 =	simm.s32 $0x300  }
0x1c: {  	s24 =	simm.s32 $0x180;
	s11 =	sadd.s32 s0, s11;
	[dreg:$0x4] =	wrdreg s26  }
0x1d: {  	s0 =	sadd.s32 s0, s23;
	s23 =	simm.s32 $0x2;
	[dreg:$0xe] =	wrdreg s4  }
0x1e: {  	s26 =	simm.s32 $0x280;
	[dreg:$0xa] =	wrdreg s11;
	s0 =	sadd.s32 $0x27000, s0  }
0x1f: {  	s11 =	simm.s32 $0x8;
	[dreg:$0xb] =	wrdreg s0;
	s0 =	simm.s32 $0x500  }
.LBB2_1:
0x20: {  	s5 =	rddreg [dreg:$0x5]  }
0x21: {  	[spmem:s14], [sflag:s12] =	dma.local [hbm:s5], $0x2700  }
0x22: {  	_ =	swait.ge [sflag:s13], $0x2700  }
0x23: {  	[sflag:s13] =	ssyncset.done $0x0  }
0x24: {  	[sflag:s13] =	ssyncadd.s32 $0xFFFFD900  }
0x25: {  	[spmem:s4], [sflag:s12] =	dma.local @!p0 [hbm:s5], $0x100  }
0x26: {  	s12 =	simm.s32 @!p0 $0xA  }
0x27: {  	_ =	swait.ge @!p0 [sflag:s12], $0x100  }
0x28: {  	[sflag:s12] =	ssyncset.done @!p0 $0x0  }
0x29: {  	[sflag:s12] =	ssyncadd.s32 @!p0 $0xFFFFFF00  }
0x2a: {  	[bflag:$0x0] =	sbarrier.arrive $0xFFFF  }
0x2b: {  	s4 =	rddreg [dreg:$0x7]  }
0x2c: {  	[tilespmem:s2], [sflag:$0xA] =	stream.linear.gather [hbm4b:s4+s2], $0x300, $0x38;
	[tilespmem:$0x1FE80] =	vst v63  }
0x2d: {  	_ =	swait.ge [sflag:s13], $0x300  }
0x2e: {  	[sflag:s13] =	ssyncset.done $0x0  }
0x2f: {  	[sflag:s13] =	ssyncadd.s32 $0xFFFFFD00  }
0x30: {  	[tilespmem:s16], [sflag:$0x1] =	stream.indirect.gather [hbm4b:s3+s15], $0x80, s2, s15, $0xb8;
	[tilespmem:$0x1FE80] =	vst v63  }
0x31: {  	_ = 	snop  }
0x32: {  	[tilespmem:s18], [sflag:$0x2] =	stream.indirect.gather [hbm4b:s3+s15], $0x80, s17, s15, $0xb8;
	[tilespmem:$0x1FE80] =	vst v63  }
0x33: {  	_ = 	snop  }
0x34: {  	[tilespmem:s20], [sflag:$0x3] =	stream.indirect.gather [hbm4b:s3+s15], $0x80, s19, s15, $0xb8;
	[tilespmem:$0x1FE80] =	vst v63  }
0x35: {  	s12 =	rddreg [dreg:$0x8]  }
0x36: {  	[tilespmem:s21], [sflag:$0xA] =	stream.linear.gather [hbm4b:s12+s2], $0x300, $0x38;
	[tilespmem:$0x1FE80] =	vst v63  }
0x37: {  	_ =	swait.ge [sflag:s13], $0x300  }
0x38: {  	[sflag:s13] =	ssyncset.done $0x0  }
0x39: {  	[sflag:s13] =	ssyncadd.s32 $0xFFFFFD00  }
0x3a: {  	_ =	swait.ge [sflag:s22], $0x4000  }
0x3b: {  	[sflag:s22] =	ssyncset.done $0x0  }
0x3c: {  	[sflag:s22] =	ssyncadd.s32 $0xFFFFC000  }
0x3d: {  	[spmem:s1] =	stream.indirect.scatter.add.f32 [tilespmem:s16], [sflag:$0x4], $0x80, s15, s15, $0xb8;
	[tilespmem:$0x1FE80] =	vst v63  }
0x3e: {  	_ =	swait.ge [sflag:s23], $0x4000  }
0x3f: {  	[sflag:s23] =	ssyncset.done $0x0  }
0x40: {  	[sflag:s23] =	ssyncadd.s32 $0xFFFFC000  }
0x41: {  	[spmem:s1] =	stream.indirect.scatter.add.f32 [tilespmem:s18], [sflag:$0x5], $0x80, s24, s15, $0xb8;
	[tilespmem:$0x1FE80] =	vst v63  }
0x42: {  	_ =	swait.ge [sflag:s25], $0x4000  }
0x43: {  	[sflag:s25] =	ssyncset.done $0x0  }
0x44: {  	[sflag:s25] =	ssyncadd.s32 $0xFFFFC000  }
0x45: {  	[spmem:s1] =	stream.indirect.scatter.add.f32 [tilespmem:s20], [sflag:$0x6], $0x80, s26, s15, $0xb8;
	[tilespmem:$0x1FE80] =	vst v63  }
0x46: {  	_ =	swait.ge [sflag:s28], $0x4000  }
0x47: {  	[sflag:s28] =	ssyncset.done $0x0  }
0x48: {  	[sflag:s28] =	ssyncadd.s32 $0xFFFFC000  }
0x49: {  	[tilespmem:s16], [sflag:$0x1] =	stream.indirect.gather [hbm4b:s3+s15], $0x80, s21, s15, $0xb8;
	[tilespmem:$0x1FE80] =	vst v63  }
0x4a: {  	_ =	swait.ge [sflag:s29], $0x4000  }
0x4b: {  	[sflag:s29] =	ssyncset.done $0x0  }
0x4c: {  	[sflag:s29] =	ssyncadd.s32 $0xFFFFC000  }
0x4d: {  	[tilespmem:s18], [sflag:$0x2] =	stream.indirect.gather [hbm4b:s3+s15], $0x80, s30, s15, $0xb8;
	[tilespmem:$0x1FE80] =	vst v63  }
0x4e: {  	_ =	swait.ge [sflag:s31], $0x4000  }
0x4f: {  	[sflag:s31] =	ssyncset.done $0x0  }
0x50: {  	[sflag:s31] =	ssyncadd.s32 $0xFFFFC000  }
0x51: {  	[tilespmem:s20], [sflag:$0x3] =	stream.indirect.gather [hbm4b:s3+s15], $0x80, s0, s15, $0xb8;
	[tilespmem:$0x1FE80] =	vst v63  }
0x52: {  	s14 =	rddreg [dreg:$0x9]  }
0x53: {  	[tilespmem:s2], [sflag:$0xA] =	stream.linear.gather [hbm4b:s14+s2], $0x300, $0x38;
	[tilespmem:$0x1FE80] =	vst v63  }
0x54: {  	_ =	swait.ge [sflag:s13], $0x300  }
0x55: {  	[sflag:s13] =	ssyncset.done $0x0  }
0x56: {  	[sflag:s13] =	ssyncadd.s32 $0xFFFFFD00  }
0x57: {  	_ =	swait.ge [sflag:s22], $0x4000  }
0x58: {  	[sflag:s22] =	ssyncset.done $0x0  }
0x59: {  	[sflag:s22] =	ssyncadd.s32 $0xFFFFC000  }
0x5a: {  	[spmem:s1] =	stream.indirect.scatter.add.f32 [tilespmem:s16], [sflag:$0x7], $0x80, s7, s15, $0xb8;
	[tilespmem:$0x1FE80] =	vst v63  }
0x5b: {  	_ =	swait.ge [sflag:s23], $0x4000  }
0x5c: {  	[sflag:s23] =	ssyncset.done $0x0  }
0x5d: {  	[sflag:s23] =	ssyncadd.s32 $0xFFFFC000  }
0x5e: {  	[spmem:s1] =	stream.indirect.scatter.add.f32 [tilespmem:s18], [sflag:$0x8], $0x80, s8, s15, $0xb8;
	[tilespmem:$0x1FE80] =	vst v63  }
0x5f: {  	_ =	swait.ge [sflag:s25], $0x4000  }
0x60: {  	[sflag:s25] =	ssyncset.done $0x0  }
0x61: {  	[sflag:s25] =	ssyncadd.s32 $0xFFFFC000  }
0x62: {  	[spmem:s1] =	stream.indirect.scatter.add.f32 [tilespmem:s20], [sflag:$0x9], $0x80, s9, s15, $0xb8;
	[tilespmem:$0x1FE80] =	vst v63  }
0x63: {  	_ =	swait.ge [sflag:s10], $0x4000  }
0x64: {  	[sflag:s10] =	ssyncset.done $0x0  }
0x65: {  	[sflag:s10] =	ssyncadd.s32 $0xFFFFC000  }
0x66: {  	[tilespmem:s16], [sflag:$0x1] =	stream.indirect.gather [hbm4b:s3+s15], $0x80, s2, s15, $0xb8;
	[tilespmem:$0x1FE80] =	vst v63  }
0x67: {  	_ =	swait.ge [sflag:s11], $0x4000  }
0x68: {  	[sflag:s11] =	ssyncset.done $0x0  }
0x69: {  	[sflag:s11] =	ssyncadd.s32 $0xFFFFC000  }
0x6a: {  	[tilespmem:s18], [sflag:$0x2] =	stream.indirect.gather [hbm4b:s3+s15], $0x80, s17, s15, $0xb8;
	[tilespmem:$0x1FE80] =	vst v63  }
0x6b: {  	_ =	swait.ge [sflag:s6], $0x4000  }
0x6c: {  	[sflag:s6] =	ssyncset.done $0x0;
	s4 =	rddreg [dreg:$0x4]  }
0x6d: {  	[sflag:s6] =	ssyncadd.s32 $0xFFFFC000;
	s12 =	sadd.s32 $0xFFFFF700, s4  }
0x6e: {  	[tilespmem:s20], [sflag:$0x3] =	stream.indirect.gather [hbm4b:s3+s15], $0x80, s19, s15, $0xb8;
	[tilespmem:$0x1FE80] =	vst v63  }
0x6f: {  	s5 =	sadd.s32 $0xA20, s12  }
0x70: {  	[tilespmem:s21], [sflag:$0xA] =	stream.linear.gather [hbm4b:s5+s2], $0x300, $0x38;
	[tilespmem:$0x1FE80] =	vst v63  }
0x71: {  	_ =	swait.ge [sflag:s13], $0x300  }
0x72: {  	[sflag:s13] =	ssyncset.done $0x0  }
0x73: {  	[sflag:s13] =	ssyncadd.s32 $0xFFFFFD00  }
0x74: {  	_ =	swait.ge [sflag:s22], $0x4000  }
0x75: {  	[sflag:s22] =	ssyncset.done $0x0  }
0x76: {  	[sflag:s22] =	ssyncadd.s32 $0xFFFFC000  }
0x77: {  	[spmem:s1] =	stream.indirect.scatter.add.f32 [tilespmem:s16], [sflag:$0x4], $0x80, s15, s15, $0xb8;
	[tilespmem:$0x1FE80] =	vst v63  }
0x78: {  	_ =	swait.ge [sflag:s23], $0x4000  }
0x79: {  	[sflag:s23] =	ssyncset.done $0x0  }
0x7a: {  	[sflag:s23] =	ssyncadd.s32 $0xFFFFC000  }
0x7b: {  	[spmem:s1] =	stream.indirect.scatter.add.f32 [tilespmem:s18], [sflag:$0x5], $0x80, s24, s15, $0xb8;
	[tilespmem:$0x1FE80] =	vst v63  }
0x7c: {  	_ =	swait.ge [sflag:s25], $0x4000  }
0x7d: {  	[sflag:s25] =	ssyncset.done $0x0  }
0x7e: {  	[sflag:s25] =	ssyncadd.s32 $0xFFFFC000  }
0x7f: {  	[spmem:s1] =	stream.indirect.scatter.add.f32 [tilespmem:s20], [sflag:$0x6], $0x80, s26, s15, $0xb8;
	[tilespmem:$0x1FE80] =	vst v63  }
0x80: {  	_ =	swait.ge [sflag:s28], $0x4000  }
0x81: {  	[sflag:s28] =	ssyncset.done $0x0  }
0x82: {  	[sflag:s28] =	ssyncadd.s32 $0xFFFFC000  }
0x83: {  	[tilespmem:s16], [sflag:$0x1] =	stream.indirect.gather [hbm4b:s3+s15], $0x80, s21, s15, $0xb8;
	[tilespmem:$0x1FE80] =	vst v63  }
0x84: {  	_ =	swait.ge [sflag:s29], $0x4000  }
0x85: {  	[sflag:s29] =	ssyncset.done $0x0  }
0x86: {  	[sflag:s29] =	ssyncadd.s32 $0xFFFFC000  }
0x87: {  	[tilespmem:s18], [sflag:$0x2] =	stream.indirect.gather [hbm4b:s3+s15], $0x80, s30, s15, $0xb8;
	[tilespmem:$0x1FE80] =	vst v63  }
0x88: {  	_ =	swait.ge [sflag:s31], $0x4000  }
0x89: {  	[sflag:s31] =	ssyncset.done $0x0  }
0x8a: {  	[sflag:s31] =	ssyncadd.s32 $0xFFFFC000  }
0x8b: {  	[tilespmem:s20], [sflag:$0x3] =	stream.indirect.gather [hbm4b:s3+s15], $0x80, s0, s15, $0xb8;
	[tilespmem:$0x1FE80] =	vst v63  }
0x8c: {  	s12 =	sadd.s32 $0xA80, s12  }
0x8d: {  	[tilespmem:s2], [sflag:$0xA] =	stream.linear.gather [hbm4b:s12+s2], $0x300, $0x38;
	[tilespmem:$0x1FE80] =	vst v63  }
0x8e: {  	_ =	swait.ge [sflag:s13], $0x300  }
0x8f: {  	[sflag:s13] =	ssyncset.done $0x0  }
0x90: {  	[sflag:s13] =	ssyncadd.s32 $0xFFFFFD00  }
0x91: {  	_ =	swait.ge [sflag:s22], $0x4000  }
0x92: {  	[sflag:s22] =	ssyncset.done $0x0  }
0x93: {  	[sflag:s22] =	ssyncadd.s32 $0xFFFFC000  }
0x94: {  	[spmem:s1] =	stream.indirect.scatter.add.f32 [tilespmem:s16], [sflag:$0x7], $0x80, s7, s15, $0xb8;
	[tilespmem:$0x1FE80] =	vst v63  }
0x95: {  	_ =	swait.ge [sflag:s23], $0x4000  }
0x96: {  	[sflag:s23] =	ssyncset.done $0x0  }
0x97: {  	[sflag:s23] =	ssyncadd.s32 $0xFFFFC000  }
0x98: {  	[spmem:s1] =	stream.indirect.scatter.add.f32 [tilespmem:s18], [sflag:$0x8], $0x80, s8, s15, $0xb8;
	[tilespmem:$0x1FE80] =	vst v63  }
0x99: {  	_ =	swait.ge [sflag:s25], $0x4000  }
0x9a: {  	s12 =	simm.s32 $0xFFFFF7C0;
	[sflag:s25] =	ssyncset.done $0x0  }
.LBB2_2:
0x9b: {  	[sflag:s25] =	ssyncadd.s32 $0xFFFFC000  }
0x9c: {  	[spmem:s1] =	stream.indirect.scatter.add.f32 [tilespmem:s20], [sflag:$0x9], $0x80, s9, s15, $0xb8;
	[tilespmem:$0x1FE80] =	vst v63  }
0x9d: {  	_ =	swait.ge [sflag:s10], $0x4000  }
0x9e: {  	[sflag:s10] =	ssyncset.done $0x0  }
0x9f: {  	[sflag:s10] =	ssyncadd.s32 $0xFFFFC000  }
0xa0: {  	[tilespmem:s16], [sflag:$0x1] =	stream.indirect.gather [hbm4b:s3+s15], $0x80, s2, s15, $0xb8;
	[tilespmem:$0x1FE80] =	vst v63  }
0xa1: {  	_ =	swait.ge [sflag:s11], $0x4000  }
0xa2: {  	[sflag:s11] =	ssyncset.done $0x0  }
0xa3: {  	[sflag:s11] =	ssyncadd.s32 $0xFFFFC000  }
0xa4: {  	[tilespmem:s18], [sflag:$0x2] =	stream.indirect.gather [hbm4b:s3+s15], $0x80, s17, s15, $0xb8;
	[tilespmem:$0x1FE80] =	vst v63  }
0xa5: {  	_ =	swait.ge [sflag:s6], $0x4000  }
0xa6: {  	s14 =	smov.u32 s12;
	[sflag:s6] =	ssyncset.done $0x0;
	s5 =	rddreg [dreg:$0x4]  }
0xa7: {  	[sflag:s6] =	ssyncadd.s32 $0xFFFFC000;
	s5 =	sadd.s32 s14, s5  }
0xa8: {  	[tilespmem:s20], [sflag:$0x3] =	stream.indirect.gather [hbm4b:s3+s15], $0x80, s19, s15, $0xb8;
	[tilespmem:$0x1FE80] =	vst v63  }
0xa9: {  	s14 =	sadd.s32 $0xA20, s5  }
0xaa: {  	[tilespmem:s21], [sflag:$0xA] =	stream.linear.gather [hbm4b:s14+s2], $0x300, $0x38;
	[tilespmem:$0x1FE80] =	vst v63  }
0xab: {  	_ =	swait.ge [sflag:s13], $0x300  }
0xac: {  	[sflag:s13] =	ssyncset.done $0x0  }
0xad: {  	[sflag:s13] =	ssyncadd.s32 $0xFFFFFD00  }
0xae: {  	_ =	swait.ge [sflag:s22], $0x4000  }
0xaf: {  	[sflag:s22] =	ssyncset.done $0x0  }
0xb0: {  	[sflag:s22] =	ssyncadd.s32 $0xFFFFC000  }
0xb1: {  	[spmem:s1] =	stream.indirect.scatter.add.f32 [tilespmem:s16], [sflag:$0x4], $0x80, s15, s15, $0xb8;
	[tilespmem:$0x1FE80] =	vst v63  }
0xb2: {  	_ =	swait.ge [sflag:s23], $0x4000  }
0xb3: {  	[sflag:s23] =	ssyncset.done $0x0  }
0xb4: {  	[sflag:s23] =	ssyncadd.s32 $0xFFFFC000  }
0xb5: {  	[spmem:s1] =	stream.indirect.scatter.add.f32 [tilespmem:s18], [sflag:$0x5], $0x80, s24, s15, $0xb8;
	[tilespmem:$0x1FE80] =	vst v63  }
0xb6: {  	_ =	swait.ge [sflag:s25], $0x4000  }
0xb7: {  	[sflag:s25] =	ssyncset.done $0x0  }
0xb8: {  	[sflag:s25] =	ssyncadd.s32 $0xFFFFC000  }
0xb9: {  	[spmem:s1] =	stream.indirect.scatter.add.f32 [tilespmem:s20], [sflag:$0x6], $0x80, s26, s15, $0xb8;
	[tilespmem:$0x1FE80] =	vst v63  }
0xba: {  	_ =	swait.ge [sflag:s28], $0x4000  }
0xbb: {  	[sflag:s28] =	ssyncset.done $0x0  }
0xbc: {  	[sflag:s28] =	ssyncadd.s32 $0xFFFFC000  }
0xbd: {  	[tilespmem:s16], [sflag:$0x1] =	stream.indirect.gather [hbm4b:s3+s15], $0x80, s21, s15, $0xb8;
	[tilespmem:$0x1FE80] =	vst v63  }
0xbe: {  	_ =	swait.ge [sflag:s29], $0x4000  }
0xbf: {  	[sflag:s29] =	ssyncset.done $0x0  }
0xc0: {  	[sflag:s29] =	ssyncadd.s32 $0xFFFFC000  }
0xc1: {  	[tilespmem:s18], [sflag:$0x2] =	stream.indirect.gather [hbm4b:s3+s15], $0x80, s30, s15, $0xb8;
	[tilespmem:$0x1FE80] =	vst v63  }
0xc2: {  	_ =	swait.ge [sflag:s31], $0x4000  }
0xc3: {  	[sflag:s31] =	ssyncset.done $0x0  }
0xc4: {  	[sflag:s31] =	ssyncadd.s32 $0xFFFFC000  }
0xc5: {  	[tilespmem:s20], [sflag:$0x3] =	stream.indirect.gather [hbm4b:s3+s15], $0x80, s0, s15, $0xb8;
	[tilespmem:$0x1FE80] =	vst v63  }
0xc6: {  	s5 =	sadd.s32 $0xA80, s5  }
0xc7: {  	[tilespmem:s2], [sflag:$0xA] =	stream.linear.gather [hbm4b:s5+s2], $0x300, $0x38;
	[tilespmem:$0x1FE80] =	vst v63  }
0xc8: {  	_ =	swait.ge [sflag:s13], $0x300  }
0xc9: {  	[sflag:s13] =	ssyncset.done $0x0  }
0xca: {  	[sflag:s13] =	ssyncadd.s32 $0xFFFFFD00  }
0xcb: {  	_ =	swait.ge [sflag:s22], $0x4000  }
0xcc: {  	[sflag:s22] =	ssyncset.done $0x0  }
0xcd: {  	[sflag:s22] =	ssyncadd.s32 $0xFFFFC000  }
0xce: {  	[spmem:s1] =	stream.indirect.scatter.add.f32 [tilespmem:s16], [sflag:$0x7], $0x80, s7, s15, $0xb8;
	[tilespmem:$0x1FE80] =	vst v63  }
0xcf: {  	p2 =	sne.s32 s12, $0xFFFFFF40;
	_ =	swait.ge [sflag:s23], $0x4000  }
.Ltmp0:
0xd0: {  	[sflag:s23] =	ssyncset.done $0x0;
	(pc) =	sbr.rel @p2 .LBB2_2-.Ltmp0, $4  }
0xd1: {  	[sflag:s23] =	ssyncadd.s32 $0xFFFFC000  }
0xd2: {  	[spmem:s1] =	stream.indirect.scatter.add.f32 [tilespmem:s18], [sflag:$0x8], $0x80, s8, s15, $0xb8;
	[tilespmem:$0x1FE80] =	vst v63  }
0xd3: {  	_ =	swait.ge [sflag:s25], $0x4000  }
0xd4: {  	s12 =	sadd.s32 $0xC0, s12;
	[sflag:s25] =	ssyncset.done $0x0  }
0xd5: {  	[sflag:s25] =	ssyncadd.s32 $0xFFFFC000  }
0xd6: {  	[spmem:s1] =	stream.indirect.scatter.add.f32 [tilespmem:s20], [sflag:$0x9], $0x80, s9, s15, $0xb8;
	[tilespmem:$0x1FE80] =	vst v63  }
0xd7: {  	_ =	swait.ge [sflag:s10], $0x4000  }
0xd8: {  	[sflag:s10] =	ssyncset.done $0x0  }
0xd9: {  	[sflag:s10] =	ssyncadd.s32 $0xFFFFC000  }
0xda: {  	_ =	swait.ge [sflag:s11], $0x4000  }
0xdb: {  	[sflag:s11] =	ssyncset.done $0x0  }
0xdc: {  	[sflag:s11] =	ssyncadd.s32 $0xFFFFC000  }
0xdd: {  	_ =	swait.ge [sflag:s6], $0x4000  }
0xde: {  	s5 =	simm.s32 @!p1 $0x80;
	[sflag:s6] =	ssyncset.done $0x0  }
0xdf: {  	s12 =	simm.s32 @!p1 $0x0;
	s14 =	simm.s32 @!p1 $0x600;
	[sflag:s6] =	ssyncadd.s32 $0xFFFFC000  }
0xe0: {  	[tilespmem:s14], [sflag:$0x1] =	stream.indirect.gather @!p1 [hbm4b:s3+s5], $0x80, s12, s5, $0xb8;
	[tilespmem:$0x1FE80] =	vst v63  }
0xe1: {  	s12 =	simm.s32 @!p1 $0x1  }
0xe2: {  	_ =	swait.ge @!p1 [sflag:s12], $0x4000  }
0xe3: {  	[sflag:s12] =	ssyncset.done @!p1 $0x0  }
0xe4: {  	[sflag:s12] =	ssyncadd.s32 @!p1 $0xFFFFC000  }
0xe5: {  	[spmem:s1] =	stream.indirect.scatter.add.f32 @!p1 [tilespmem:s14], [sflag:$0xA], $0x80, s5, s5, $0xb8;
	[tilespmem:$0x1FE80] =	vst v63  }
0xe6: {  	s5 =	simm.s32 @!p1 $0xA  }
0xe7: {  	_ =	swait.ge @!p1 [sflag:s5], $0x4000  }
0xe8: {  	[sflag:s5] =	ssyncset.done @!p1 $0x0  }
0xe9: {  	[sflag:s5] =	ssyncadd.s32 @!p1 $0xFFFFC000  }
0xea: {  	[bflag:$0x0] =	sbarrier.arrive $0xFFFF  }
0xeb: {  	s12 =	rddreg [dreg:$0x6]  }
0xec: {  	s14 =	rddreg [dreg:$0xa]  }
0xed: {  	s4 =	rddreg [dreg:$0xd]  }
0xee: {  	[hbm:s14], [sflag:s12] =	dma.local [spmem:s4], $0x2700  }
0xef: {  	_ =	swait.ge [sflag:s13], $0x2700  }
0xf0: {  	[sflag:s13] =	ssyncset.done $0x0;
	s5 =	rddreg [dreg:$0xb]  }
0xf1: {  	s14 =	simm.s32 @!p0 $0xA;
	s4 =	rddreg [dreg:$0xe];
	[sflag:s13] =	ssyncadd.s32 $0xFFFFD900  }
0xf2: {  	[hbm:s5], [sflag:s12] =	dma.local @!p0 [spmem:s4], $0x100  }
0xf3: {  	_ =	swait.ge @!p0 [sflag:s14], $0x100  }
0xf4: {  	s5 =	smov.u32 s4;
	s4 =	rddreg [dreg:$0xf]  }
0xf5: {  	[sflag:s14] =	ssyncset.done @!p0 $0x0;
	s14 =	rddreg [dreg:$0xc];
	s4 =	sadd.s32 $0x1, s4  }
0xf6: {  	p2 =	sne.s32 s4, s14  }
.Ltmp1:
0xf7: {  	_ = 	snop;
	(pc) =	sbr.rel @p2 .LBB2_1-.Ltmp1, $3  }
0xf8: {  	_ =	sdelay $0x1  }
0xf9: {  	[dreg:$0xf] =	wrdreg s4;
	s4 =	smov.u32 s5;
	s5 =	simm.s32 @!p0 $0xA  }
0xfa: {  	s14 =	rddreg [dreg:$0xd];
	[sflag:s5] =	ssyncadd.s32 @!p0 $0xFFFFFF00  }
0xfb: {  	_ =	sfence.sel $0x180000  }
0xfc: {  	[bflag:$0x0] =	sbarrier.arrive $0xFFFF  }
0xfd: {  	_ =	strace $0x9000004A  }
0xfe: {  	[bflag:$0x2] =	sbarrier.arrive $0xFFFF  }
0xff: {  	s0 =	rddreg [dreg:$0x3]  }
0x100: {  	s0 =	sadd.s32 @!p0 $0x100000, s0  }
0x101: {  	[sflag:s0] =	ssyncadd.tile.s32 @!p0 $0x1;
	_ =	shalt  }
.Lfunc_end2:
_tile_overlayer_lowered:
.L_overlay_start_2:
0x102: {  	(tag) =	ssettag $0x2  }
0x103: {  	s0 =	rddreg [dreg:$0x0];
	s2 =	stileid.u32  }
0x104: {  	s1 =	rddreg [dreg:$0x1];
	p0 =	sne.s32 s2, $0x0  }
0x105: {  	s3 =	rddreg [dreg:$0x2];
	[bflag:$0x3] =	sbarrier.arrive $0xFFFF;
	s2 =	simm.s32 @!p0 $0x1C0A  }
0x106: {  	[timem:s3], [sflag:s2] =	dma.local @!p0 [hbm:s0], s1  }
0x107: {  	s0 =	simm.s32 @!p0 $0xA  }
0x108: {  	_ =	swait.ge @!p0 [sflag:s0], s1  }
0x109: {  	s1 =	ssub.s32 @!p0 $0x0, s1;
	[sflag:s0] =	ssyncset.done @!p0 $0x0  }
0x10a: {  	[sflag:s0] =	ssyncadd.s32 @!p0 s1  }
0x10b: {  	[bflag:$0x3] =	sbarrier.arrive $0xFFFF  }
0x10c: {  	_ =	shalt  }

// kernel: kernel.14.cloned.1.call-start
scs
__scs_entry_jumppad:
0x0: {  	(pc) =	sbr.rel $0x88, $3  }
0x1: {  	(tag) =	ssettag $0x0;
	lr =	simm.s32 $0x1  }
0x2: {  	[smem:$0x3F92] =	sst lr;
	_ =	strace $0xD0000000  }
0x3: {  	_ = 	snop  }
0x4: {  	_ = 	snop  }
0x5: {  	_ = 	snop  }
0x6: {  	_ = 	snop  }
0x7: {  	_ = 	snop  }
__scs_overlays_trampoline_lowered:
0x8: {  	[smem:$0x3FA1] =	sst s0  }
0x9: {  	[smem:$0x3FA2] =	sst s1  }
0xa: {  	[smem:$0x3FA3] =	sst s2  }
0xb: {  	[smem:$0x3FA4] =	sst s3  }
0xc: {  	[smem:$0x3FA5] =	sst s4  }
0xd: {  	[smem:$0x3FA6] =	sst s5  }
0xe: {  	[smem:$0x3FA7] =	sst s6  }
0xf: {  	[smem:$0x3FA8] =	sst s7  }
0x10: {  	[smem:$0x3FA9] =	sst s8  }
0x11: {  	[smem:$0x3FAA] =	sst s9;
	s0 =	simm.s32 @!p0 $0x0  }
0x12: {  	s1 =	sld [smem:$0x3F90];
	s0 =	simm.s32 @p0 $0x1  }
0x13: {  	[smem:$0x3FAB] =	sst s0;
	s0 =	simm.s32 @!p1 $0x0  }
0x14: {  	s2 =	sld [smem:$0x3F8F];
	s0 =	simm.s32 @p1 $0x1  }
0x15: {  	[smem:$0x3FAC] =	sst s0;
	s0 =	simm.s32 @!p2 $0x0  }
0x16: {  	s3 =	sld [smem:$0x3FDB];
	s0 =	simm.s32 @p2 $0x1  }
0x17: {  	s4 =	simm.s32 $0x1BF5;
	[smem:$0x3FAE] =	sst s0  }
0x18: {  	s0 =	sld [smem:$0x3F91];
	_ =	swait.ge [sflag:s4], $0x0  }
0x19: {  	s7 =	sld [smem:$0x3F92]  }
0x1a: {  	s8 =	sadd.s32 $0xFFFFE003, lr  }
0x1b: {  	s9 =	sadd.s32 $0xFFFFFEF7, lr;
	s5 =	simm.s32 $0xFFFFFFFF;
	p2 =	slt.u32 s8, $0xFFFFF086  }
0x1c: {  	p1 =	slt.u32 s9, $0xF7A;
	s5 =	simm.s32 @!p2 $0x0  }
0x1d: {  	s5 =	simm.s32 @p1 $0x1;
	p0 =	seq.s32 s7, s2  }
0x1e: {  	s7 =	smul.u32 @!p0 $0xF7A, s2;
	p2 =	seq.s32 @!p0 s5, $0x0  }
0x1f: {  	s9 =	smul.u32 $0xF7A, s1;
	s8 =	simm.s32 @!p0 $0x1BF5;
	p2 =	por !p2, p0  }
0x20: {  	[sflag:s8] =	ssyncset.s32 @!p0 $0xFFFFF086;
	s6 =	sadd.s32 @!p0 s3, s7;
	s7 =	simm.s32 @!p0 $0x108  }
0x21: {  	s3 =	sadd.s32 s3, s9;
	s6 =	sadd.s32 @!p0 $0x88, s6;
	s7 =	simm.s32 @p2 $0x1082  }
0x22: {  	[simem:s7], [sflag:s8] =	dma.local @!p0 [hbm:s6], $0xF7A  }
0x23: {  	s9 =	sor.u32 $0xD0000000, s2;
	s6 =	simm.s32 $0x108;
	_ =	swait.ge @!p0 [sflag:s8], $0x0  }
0x24: {  	s3 =	sadd.s32 $0x88, s3;
	s6 =	simm.s32 @!p1 $0x1082;
	[sflag:s4] =	ssyncset.s32 $0xFFFFF086  }
0x25: {  	[simem:s6], [sflag:s4] =	dma.local [hbm:s3], $0xF7A  }
0x26: {  	[smem:$0x3F92] =	sst s1;
	(tag) =	ssettag s2;
	_ =	strace s9  }
0x27: {  	s1 =	sld [smem:$0x3FA2]  }
0x28: {  	s2 =	sld [smem:$0x3FA3]  }
0x29: {  	s4 =	sld [smem:$0x3FA5]  }
0x2a: {  	p0 =	seq.s32 s5, $0x0;
	s5 =	sld [smem:$0x3FA6]  }
0x2b: {  	s6 =	sld [smem:$0x3FA7]  }
0x2c: {  	s7 =	sld [smem:$0x3FA8]  }
0x2d: {  	s3 =	simm.s32 $0x108;
	s8 =	sld [smem:$0x3FA9]  }
0x2e: {  	s3 =	simm.s32 @!p0 $0x1082;
	s9 =	sld [smem:$0x3FAA]  }
0x2f: {  	lr =	sadd.s32 s0, s3;
	s0 =	sld [smem:$0x3FA1]  }
0x30: {  	s3 =	sld [smem:$0x3FA4]  }
0x31: {  	[smem:$0x3FAD] =	sst s10  }
0x32: {  	s10 =	sld [smem:$0x3FAB];
	_ =	sdelay $0x3  }
0x33: {  	p0 =	seq.s32 s10, $0x1;
	s10 =	sld [smem:$0x3FAD];
	_ =	sdelay $0x3  }
0x34: {  	[smem:$0x3FAD] =	sst s10  }
0x35: {  	s10 =	sld [smem:$0x3FAC];
	_ =	sdelay $0x3  }
0x36: {  	p1 =	seq.s32 s10, $0x1;
	s10 =	sld [smem:$0x3FAD];
	_ =	sdelay $0x3  }
0x37: {  	[smem:$0x3FAD] =	sst s10  }
0x38: {  	s10 =	sld [smem:$0x3FAE]  }
0x39: {  	_ = 	snop;
	(pc) =	sbr.ind lr, $3  }
0x3a: {  	_ = 	snop  }
0x3b: {  	_ = 	snop  }
0x3c: {  	p2 =	seq.s32 s10, $0x1;
	s10 =	sld [smem:$0x3FAD]  }
0x3d: {  	_ =	shalt  }
0x3e: {  	_ =	shalt  }
0x3f: {  	_ =	shalt  }
0x40: {  	_ =	shalt  }
0x41: {  	_ =	shalt  }
0x42: {  	_ =	shalt  }
0x43: {  	_ =	shalt  }
0x44: {  	_ =	shalt  }
0x45: {  	_ =	shalt  }
0x46: {  	_ =	shalt  }
0x47: {  	_ =	shalt  }
0x48: {  	_ =	shalt  }
0x49: {  	_ =	shalt  }
0x4a: {  	_ =	shalt  }
0x4b: {  	_ =	shalt  }
0x4c: {  	_ =	shalt  }
0x4d: {  	_ =	shalt  }
0x4e: {  	_ =	shalt  }
0x4f: {  	_ =	shalt  }
0x50: {  	_ =	shalt  }
0x51: {  	_ =	shalt  }
0x52: {  	_ =	shalt  }
0x53: {  	_ =	shalt  }
0x54: {  	_ =	shalt  }
0x55: {  	_ =	shalt  }
0x56: {  	_ =	shalt  }
0x57: {  	_ =	shalt  }
0x58: {  	_ =	shalt  }
0x59: {  	_ =	shalt  }
0x5a: {  	_ =	shalt  }
0x5b: {  	_ =	shalt  }
0x5c: {  	_ =	shalt  }
0x5d: {  	_ =	shalt  }
0x5e: {  	_ =	shalt  }
0x5f: {  	_ =	shalt  }
0x60: {  	_ =	shalt  }
0x61: {  	_ =	shalt  }
0x62: {  	_ =	shalt  }
0x63: {  	_ =	shalt  }
0x64: {  	_ =	shalt  }
0x65: {  	_ =	shalt  }
0x66: {  	_ =	shalt  }
0x67: {  	_ =	shalt  }
0x68: {  	_ =	shalt  }
0x69: {  	_ =	shalt  }
0x6a: {  	_ =	shalt  }
0x6b: {  	_ =	shalt  }
0x6c: {  	_ =	shalt  }
0x6d: {  	_ =	shalt  }
0x6e: {  	_ =	shalt  }
0x6f: {  	_ =	shalt  }
0x70: {  	_ =	shalt  }
0x71: {  	_ =	shalt  }
0x72: {  	_ =	shalt  }
0x73: {  	_ =	shalt  }
0x74: {  	_ =	shalt  }
0x75: {  	_ =	shalt  }
0x76: {  	_ =	shalt  }
0x77: {  	_ =	shalt  }
0x78: {  	_ =	shalt  }
0x79: {  	_ =	shalt  }
0x7a: {  	_ =	shalt  }
0x7b: {  	_ =	shalt  }
0x7c: {  	_ =	shalt  }
0x7d: {  	_ =	shalt  }
0x7e: {  	_ =	shalt  }
0x7f: {  	_ =	shalt  }
0x80: {  	_ =	shalt  }
0x81: {  	_ =	shalt  }
0x82: {  	_ =	shalt  }
0x83: {  	_ =	shalt  }
0x84: {  	_ =	shalt  }
0x85: {  	_ =	shalt  }
0x86: {  	_ =	shalt  }
0x87: {  	_ =	shalt  }
.Lfunc_end0:
.L_simem_size_0:
called_computation.2_lowered:
.L_overlay_start_0:
0x88: {  	s2 =	sld [smem:$0x3FD9]  }
0x89: {  	s3 =	sld [smem:$0x3FFE];
	_ =	sdelay $0x1  }
0x8a: {  	s1 =	srdreg.scid  }
0x8b: {  	s0 =	sand.u32 $0x1, s1  }
0x8c: {  	s17 =	sshll.u32 s0, $0xA;
	s2 =	sadd.s32 s3, s2  }
0x8d: {  	s2 =	sadd.s32 s2, s17  }
0x8e: {  	[smem:$0x3FB9] =	sst s2  }
0x8f: {  	_ = 	snop  }
0x90: {  	s2 =	sld [smem:$0x3FD0];
	(tm) =	ssettm $0x1  }
0x91: {  	s18 =	sld [smem:$0x3FFB];
	_ =	sdelay $0x3  }
0x92: {  	_ =	strace s18  }
0x93: {  	s3 =	sld [smem:$0x3FFC];
	_ =	sdelay $0x3  }
0x94: {  	_ =	strace s3  }
0x95: {  	s3 =	sld [smem:$0x3FFD];
	_ =	sdelay $0x3  }
0x96: {  	_ =	strace s3  }
0x97: {  	_ =	strace $0x8FFFFFFF  }
0x98: {  	s19 =	sld [smem:$0x3FDB];
	_ =	sdelay $0x1  }
0x99: {  	s4 =	simm.s32 $_scs_section_size  }
0x9a: {  	s5 =	simm.s32 $_size__tile_overlayer_lowered;
	s6 =	simm.s32 $_tile_overlayer_lowered  }
0x9b: {  	s22 =	simm.s32 $0x1BFF;
	s21 =	sshll.u32 s6, $0x1;
	s3 =	sadd.s32 s4, s19  }
0x9c: {  	s7 =	simm.s32 $0x0;
	s20 =	sshll.u32 s5, $0x1;
	s5 =	sadd.s32 s21, s3  }
0x9d: {  	[timem:s7], [sflag:s22] =	dma.local [hbm:s5], s20  }
0x9e: {  	_ =	swait.ge [sflag:s22], s20  }
0x9f: {  	s4 =	ssub.s32 $0x0, s20;
	[sflag:s22] =	ssyncset.done $0x0  }
0xa0: {  	[sflag:s22] =	ssyncadd.s32 s4;
	_ =	sdelay $0x1  }
0xa1: {  	s23 =	simm.s32 $0x1B8B  }
0xa2: {  	_ =	swait.ge [sflag:s23], $0x1  }
0xa3: {  	[sflag:s23] =	ssyncset.done $0x0  }
0xa4: {  	s25 =	simm.s32 $0x1B8E;
	s24 =	sld [smem:$0x3FFE];
	[sflag:s23] =	ssyncadd.s32 $0xFFFFFFFF  }
0xa5: {  	s26 =	simm.s32 $execute0_lowered;
	[smem:$0x3FD2] =	sst s25  }
0xa6: {  	s5 =	sshll.u32 s26, $0x1;
	_ =	strace $0x8000004C;
	[dreg:$0x1] =	wrdreg $0xFFFFFFFF  }
0xa7: {  	s28 =	simm.s32 $_size_execute0_lowered;
	s3 =	sadd.s32 s3, s5;
	[dreg:$0x0] =	wrdreg $0x0  }
0xa8: {  	s5 =	sshll.u32 s28, $0x1;
	[dreg:$0x2] =	wrdreg s3  }
0xa9: {  	[dreg:$0x3] =	wrdreg s5  }
0xaa: {  	[dreg:$0x4] =	wrdreg $0xC0  }
0xab: {  	_ =	task [dreg:s7], $0x5FFFF  }
0xac: {  	[dreg:$0x1] =	wrdreg $0xFFFFFFFF  }
0xad: {  	[dreg:$0x0] =	wrdreg $0x60  }
0xae: {  	[dreg:$0x2] =	wrdreg s24  }
0xaf: {  	[dreg:$0x3] =	wrdreg s2  }
0xb0: {  	[dreg:$0x4] =	wrdreg $0xC6000  }
0xb1: {  	[dreg:$0x5] =	wrdreg $0x9  }
0xb2: {  	_ =	task.clear_ibuf [dreg:s7], $0x6FFFF;
	_ =	strace $0x9000004C  }
0xb3: {  	s29 =	simm.s32 $0x9;
	_ =	strace $0x8000004E  }
0xb4: {  	_ =	swait.ge [sflag:s29], $0x1  }
0xb5: {  	[sflag:s29] =	ssyncadd.s32 $0xFFFFFFFF  }
0xb6: {  	_ =	strace $0x9000004E  }
0xb7: {  	_ =	sfence  }
0xb8: {  	s30 =	sld [smem:$0x0];
	_ =	sdelay $0x2  }
0xb9: {  	s31 =	sshll.u32 s1, $0xD;
	s1 =	sshrl.u32 s1, $0x2  }
0xba: {  	s3 =	sand.u32 $0x4000, s31;
	s1 =	sadd.s32 s1, s30  }
0xbb: {  	s0 =	sor.u32 s3, s0;
	s1 =	sshll.u32 s1, $0x11  }
0xbc: {  	s0 =	sor.u32 s1, s0  }
0xbd: {  	s0 =	sadd.s32 $0x8F2B, s0  }
0xbe: {  	[sflag:s0] =	ssyncadd.remote.s32 $0x1  }
0xbf: {  	_ =	sfence.sel $0xFFFF  }
0xc0: {  	[dreg:$0x0] =	wrdreg $0xFFFFFFFF;
	(pc) =	sbr.abs _section_cstart, $3  }
0xc1: {  	[dreg:$0x1] =	wrdreg $0xFFFFFFFF  }
0xc2: {  	_ =	task.clear_ibuf [dreg:s7], $0x2FFFF;
	_ =	strace $0x9FFFFFFF  }
0xc3: {  	(tm) =	ssettm $0x7FFFFFFF  }
tec
execute0_lowered:
.L_overlay_start_1:
0x0: {  	(tag) =	ssettag $0x1  }
0x1: {  	s0 =	rddreg [dreg:$0x0]  }
0x2: {  	s4 =	rddreg [dreg:$0x1]  }
0x3: {  	s1 =	rddreg [dreg:$0x2]  }
0x4: {  	s2 =	simm.s32 $0x0;
	s5 =	srdreg.scid;
	s7 =	stileid.u32  }
0x5: {  	s28 =	simm.s32 $0x4;
	s29 =	simm.s32 $0x5;
	s30 =	simm.s32 $0x400  }
0x6: {  	s31 =	simm.s32 $0x6;
	[smem:$0x7FF] =	sst s2;
	s3 =	sadd.s32 $0x6C00, s0  }
0x7: {  	s6 =	sand.u32 $0x1, s5;
	s15 =	sadd.s32 $0x4400, s0;
	s17 =	smul.u32 $0x4E000, s7  }
0x8: {  	s0 =	sadd.s32 $0x2DE00, s0;
	s19 =	sshll.u32 s7, $0x6;
	s14 =	smul.u32 $0x13800, s7  }
0x9: {  	s22 =	smul.u32 $0x9C0, s7;
	p0 =	sne.s32 s7, $0x0;
	_ =	strace $0x8000004D  }
0xa: {  	[dreg:$0x5] =	wrdreg s15;
	s16 =	sshll.u32 s6, $0x4;
	s13 =	smul.u32 $0x138800, s6  }
0xb: {  	s8 =	ssub.s32 $0x2, s6;
	s15 =	sadd.s32 $0x138000, s1;
	s6 =	smul.u32 $0x9C00, s6  }
0xc: {  	s9 =	sor.u32 s7, s16;
	s10 =	sshrl.u32 s8, $0x1;
	s5 =	sshrl.u32 s17, $0x2  }
0xd: {  	s17 =	simm.s32 $0x100;
	s7 =	simm.s32 $0x380;
	s11 =	smul.u32 $0x4E, s9  }
0xe: {  	s8 =	ssub.s32 s8, s10;
	s18 =	smin.u32 s9, $0x4;
	s12 =	sadd.s32 s5, s1  }
0xf: {  	s5 =	sor.u32 $0x1C0A, s19;
	s20 =	sadd.s32 s14, s13;
	s23 =	sshrl.u32 s13, $0x3  }
0x10: {  	s13 =	simm.s32 $0xA;
	s19 =	simm.s32 $0x200;
	p1 =	sgt.u32 s9, $0x3  }
0x11: {  	s9 =	simm.s32 $0x580;
	s10 =	simm.s32 $0x7;
	s24 =	sshll.u32 s18, $0x5  }
0x12: {  	s25 =	smax.u32 s8, $0x1;
	s14 =	sshrl.u32 s12, $0x3;
	s12 =	smov.u32 s5  }
0x13: {  	s8 =	simm.s32 $0x480;
	s5 =	simm.s32 $0x0;
	[dreg:$0xc] =	wrdreg s25  }
0x14: {  	s11 =	sadd.s32 s18, s11;
	s18 =	simm.s32 $0x4600;
	[dreg:$0xf] =	wrdreg s5  }
0x15: {  	s25 =	simm.s32 $0x3;
	[dreg:$0x6] =	wrdreg s12;
	s11 =	sshll.u32 s11, $0x5  }
0x16: {  	[dreg:$0xd] =	wrdreg s14;
	s16 =	sadd.s32 s4, s11;
	s4 =	sadd.s32 s6, s4  }
0x17: {  	s6 =	simm.s32 $0x9;
	s11 =	sadd.s32 $0x60, s16;
	[dreg:$0x7] =	wrdreg s16  }
0x18: {  	s21 =	sadd.s32 $0xC0, s16;
	s4 =	sadd.s32 s22, s4;
	[dreg:$0x8] =	wrdreg s11  }
0x19: {  	s16 =	simm.s32 $0x600;
	s22 =	simm.s32 $0x1;
	[dreg:$0x9] =	wrdreg s21  }
0x1a: {  	s11 =	sshrl.u32 s20, $0x3;
	s26 =	sadd.s32 s24, s4;
	s4 =	sshrl.u32 @!p0 s15, $0x3  }
0x1b: {  	s15 =	simm.s32 $0x80;
	s20 =	simm.s32 $0x8600;
	s21 =	simm.s32 $0x300  }
0x1c: {  	s24 =	simm.s32 $0x180;
	s11 =	sadd.s32 s0, s11;
	[dreg:$0x4] =	wrdreg s26  }
0x1d: {  	s0 =	sadd.s32 s0, s23;
	s23 =	simm.s32 $0x2;
	[dreg:$0xe] =	wrdreg s4  }
0x1e: {  	s26 =	simm.s32 $0x280;
	[dreg:$0xa] =	wrdreg s11;
	s0 =	sadd.s32 $0x27000, s0  }
0x1f: {  	s11 =	simm.s32 $0x8;
	[dreg:$0xb] =	wrdreg s0;
	s0 =	simm.s32 $0x500  }
.LBB2_1:
0x20: {  	s5 =	rddreg [dreg:$0x5]  }
0x21: {  	[spmem:s14], [sflag:s12] =	dma.local [hbm:s5], $0x2700  }
0x22: {  	_ =	swait.ge [sflag:s13], $0x2700  }
0x23: {  	[sflag:s13] =	ssyncset.done $0x0  }
0x24: {  	[sflag:s13] =	ssyncadd.s32 $0xFFFFD900  }
0x25: {  	[spmem:s4], [sflag:s12] =	dma.local @!p0 [hbm:s5], $0x100  }
0x26: {  	s12 =	simm.s32 @!p0 $0xA  }
0x27: {  	_ =	swait.ge @!p0 [sflag:s12], $0x100  }
0x28: {  	[sflag:s12] =	ssyncset.done @!p0 $0x0  }
0x29: {  	[sflag:s12] =	ssyncadd.s32 @!p0 $0xFFFFFF00  }
0x2a: {  	[bflag:$0x0] =	sbarrier.arrive $0xFFFF  }
0x2b: {  	s4 =	rddreg [dreg:$0x7]  }
0x2c: {  	[tilespmem:s2], [sflag:$0xA] =	stream.linear.gather [hbm4b:s4+s2], $0x300, $0x38;
	[tilespmem:$0x1FE80] =	vst v63  }
0x2d: {  	_ =	swait.ge [sflag:s13], $0x300  }
0x2e: {  	[sflag:s13] =	ssyncset.done $0x0  }
0x2f: {  	[sflag:s13] =	ssyncadd.s32 $0xFFFFFD00  }
0x30: {  	[tilespmem:s16], [sflag:$0x1] =	stream.indirect.gather [hbm4b:s3+s15], $0x80, s2, s15, $0xb8;
	[tilespmem:$0x1FE80] =	vst v63  }
0x31: {  	_ = 	snop  }
0x32: {  	[tilespmem:s18], [sflag:$0x2] =	stream.indirect.gather [hbm4b:s3+s15], $0x80, s17, s15, $0xb8;
	[tilespmem:$0x1FE80] =	vst v63  }
0x33: {  	_ = 	snop  }
0x34: {  	[tilespmem:s20], [sflag:$0x3] =	stream.indirect.gather [hbm4b:s3+s15], $0x80, s19, s15, $0xb8;
	[tilespmem:$0x1FE80] =	vst v63  }
0x35: {  	s12 =	rddreg [dreg:$0x8]  }
0x36: {  	[tilespmem:s21], [sflag:$0xA] =	stream.linear.gather [hbm4b:s12+s2], $0x300, $0x38;
	[tilespmem:$0x1FE80] =	vst v63  }
0x37: {  	_ =	swait.ge [sflag:s13], $0x300  }
0x38: {  	[sflag:s13] =	ssyncset.done $0x0  }
0x39: {  	[sflag:s13] =	ssyncadd.s32 $0xFFFFFD00  }
0x3a: {  	_ =	swait.ge [sflag:s22], $0x4000  }
0x3b: {  	[sflag:s22] =	ssyncset.done $0x0  }
0x3c: {  	[sflag:s22] =	ssyncadd.s32 $0xFFFFC000  }
0x3d: {  	[spmem:s1] =	stream.indirect.scatter.add.f32 [tilespmem:s16], [sflag:$0x4], $0x80, s15, s15, $0xb8;
	[tilespmem:$0x1FE80] =	vst v63  }
0x3e: {  	_ =	swait.ge [sflag:s23], $0x4000  }
0x3f: {  	[sflag:s23] =	ssyncset.done $0x0  }
0x40: {  	[sflag:s23] =	ssyncadd.s32 $0xFFFFC000  }
0x41: {  	[spmem:s1] =	stream.indirect.scatter.add.f32 [tilespmem:s18], [sflag:$0x5], $0x80, s24, s15, $0xb8;
	[tilespmem:$0x1FE80] =	vst v63  }
0x42: {  	_ =	swait.ge [sflag:s25], $0x4000  }
0x43: {  	[sflag:s25] =	ssyncset.done $0x0  }
0x44: {  	[sflag:s25] =	ssyncadd.s32 $0xFFFFC000  }
0x45: {  	[spmem:s1] =	stream.indirect.scatter.add.f32 [tilespmem:s20], [sflag:$0x6], $0x80, s26, s15, $0xb8;
	[tilespmem:$0x1FE80] =	vst v63  }
0x46: {  	_ =	swait.ge [sflag:s28], $0x4000  }
0x47: {  	[sflag:s28] =	ssyncset.done $0x0  }
0x48: {  	[sflag:s28] =	ssyncadd.s32 $0xFFFFC000  }
0x49: {  	[tilespmem:s16], [sflag:$0x1] =	stream.indirect.gather [hbm4b:s3+s15], $0x80, s21, s15, $0xb8;
	[tilespmem:$0x1FE80] =	vst v63  }
0x4a: {  	_ =	swait.ge [sflag:s29], $0x4000  }
0x4b: {  	[sflag:s29] =	ssyncset.done $0x0  }
0x4c: {  	[sflag:s29] =	ssyncadd.s32 $0xFFFFC000  }
0x4d: {  	[tilespmem:s18], [sflag:$0x2] =	stream.indirect.gather [hbm4b:s3+s15], $0x80, s30, s15, $0xb8;
	[tilespmem:$0x1FE80] =	vst v63  }
0x4e: {  	_ =	swait.ge [sflag:s31], $0x4000  }
0x4f: {  	[sflag:s31] =	ssyncset.done $0x0  }
0x50: {  	[sflag:s31] =	ssyncadd.s32 $0xFFFFC000  }
0x51: {  	[tilespmem:s20], [sflag:$0x3] =	stream.indirect.gather [hbm4b:s3+s15], $0x80, s0, s15, $0xb8;
	[tilespmem:$0x1FE80] =	vst v63  }
0x52: {  	s14 =	rddreg [dreg:$0x9]  }
0x53: {  	[tilespmem:s2], [sflag:$0xA] =	stream.linear.gather [hbm4b:s14+s2], $0x300, $0x38;
	[tilespmem:$0x1FE80] =	vst v63  }
0x54: {  	_ =	swait.ge [sflag:s13], $0x300  }
0x55: {  	[sflag:s13] =	ssyncset.done $0x0  }
0x56: {  	[sflag:s13] =	ssyncadd.s32 $0xFFFFFD00  }
0x57: {  	_ =	swait.ge [sflag:s22], $0x4000  }
0x58: {  	[sflag:s22] =	ssyncset.done $0x0  }
0x59: {  	[sflag:s22] =	ssyncadd.s32 $0xFFFFC000  }
0x5a: {  	[spmem:s1] =	stream.indirect.scatter.add.f32 [tilespmem:s16], [sflag:$0x7], $0x80, s7, s15, $0xb8;
	[tilespmem:$0x1FE80] =	vst v63  }
0x5b: {  	_ =	swait.ge [sflag:s23], $0x4000  }
0x5c: {  	[sflag:s23] =	ssyncset.done $0x0  }
0x5d: {  	[sflag:s23] =	ssyncadd.s32 $0xFFFFC000  }
0x5e: {  	[spmem:s1] =	stream.indirect.scatter.add.f32 [tilespmem:s18], [sflag:$0x8], $0x80, s8, s15, $0xb8;
	[tilespmem:$0x1FE80] =	vst v63  }
0x5f: {  	_ =	swait.ge [sflag:s25], $0x4000  }
0x60: {  	[sflag:s25] =	ssyncset.done $0x0  }
0x61: {  	[sflag:s25] =	ssyncadd.s32 $0xFFFFC000  }
0x62: {  	[spmem:s1] =	stream.indirect.scatter.add.f32 [tilespmem:s20], [sflag:$0x9], $0x80, s9, s15, $0xb8;
	[tilespmem:$0x1FE80] =	vst v63  }
0x63: {  	_ =	swait.ge [sflag:s10], $0x4000  }
0x64: {  	[sflag:s10] =	ssyncset.done $0x0  }
0x65: {  	[sflag:s10] =	ssyncadd.s32 $0xFFFFC000  }
0x66: {  	[tilespmem:s16], [sflag:$0x1] =	stream.indirect.gather [hbm4b:s3+s15], $0x80, s2, s15, $0xb8;
	[tilespmem:$0x1FE80] =	vst v63  }
0x67: {  	_ =	swait.ge [sflag:s11], $0x4000  }
0x68: {  	[sflag:s11] =	ssyncset.done $0x0  }
0x69: {  	[sflag:s11] =	ssyncadd.s32 $0xFFFFC000  }
0x6a: {  	[tilespmem:s18], [sflag:$0x2] =	stream.indirect.gather [hbm4b:s3+s15], $0x80, s17, s15, $0xb8;
	[tilespmem:$0x1FE80] =	vst v63  }
0x6b: {  	_ =	swait.ge [sflag:s6], $0x4000  }
0x6c: {  	[sflag:s6] =	ssyncset.done $0x0;
	s4 =	rddreg [dreg:$0x4]  }
0x6d: {  	[sflag:s6] =	ssyncadd.s32 $0xFFFFC000;
	s12 =	sadd.s32 $0xFFFFF700, s4  }
0x6e: {  	[tilespmem:s20], [sflag:$0x3] =	stream.indirect.gather [hbm4b:s3+s15], $0x80, s19, s15, $0xb8;
	[tilespmem:$0x1FE80] =	vst v63  }
0x6f: {  	s5 =	sadd.s32 $0xA20, s12  }
0x70: {  	[tilespmem:s21], [sflag:$0xA] =	stream.linear.gather [hbm4b:s5+s2], $0x300, $0x38;
	[tilespmem:$0x1FE80] =	vst v63  }
0x71: {  	_ =	swait.ge [sflag:s13], $0x300  }
0x72: {  	[sflag:s13] =	ssyncset.done $0x0  }
0x73: {  	[sflag:s13] =	ssyncadd.s32 $0xFFFFFD00  }
0x74: {  	_ =	swait.ge [sflag:s22], $0x4000  }
0x75: {  	[sflag:s22] =	ssyncset.done $0x0  }
0x76: {  	[sflag:s22] =	ssyncadd.s32 $0xFFFFC000  }
0x77: {  	[spmem:s1] =	stream.indirect.scatter.add.f32 [tilespmem:s16], [sflag:$0x4], $0x80, s15, s15, $0xb8;
	[tilespmem:$0x1FE80] =	vst v63  }
0x78: {  	_ =	swait.ge [sflag:s23], $0x4000  }
0x79: {  	[sflag:s23] =	ssyncset.done $0x0  }
0x7a: {  	[sflag:s23] =	ssyncadd.s32 $0xFFFFC000  }
0x7b: {  	[spmem:s1] =	stream.indirect.scatter.add.f32 [tilespmem:s18], [sflag:$0x5], $0x80, s24, s15, $0xb8;
	[tilespmem:$0x1FE80] =	vst v63  }
0x7c: {  	_ =	swait.ge [sflag:s25], $0x4000  }
0x7d: {  	[sflag:s25] =	ssyncset.done $0x0  }
0x7e: {  	[sflag:s25] =	ssyncadd.s32 $0xFFFFC000  }
0x7f: {  	[spmem:s1] =	stream.indirect.scatter.add.f32 [tilespmem:s20], [sflag:$0x6], $0x80, s26, s15, $0xb8;
	[tilespmem:$0x1FE80] =	vst v63  }
0x80: {  	_ =	swait.ge [sflag:s28], $0x4000  }
0x81: {  	[sflag:s28] =	ssyncset.done $0x0  }
0x82: {  	[sflag:s28] =	ssyncadd.s32 $0xFFFFC000  }
0x83: {  	[tilespmem:s16], [sflag:$0x1] =	stream.indirect.gather [hbm4b:s3+s15], $0x80, s21, s15, $0xb8;
	[tilespmem:$0x1FE80] =	vst v63  }
0x84: {  	_ =	swait.ge [sflag:s29], $0x4000  }
0x85: {  	[sflag:s29] =	ssyncset.done $0x0  }
0x86: {  	[sflag:s29] =	ssyncadd.s32 $0xFFFFC000  }
0x87: {  	[tilespmem:s18], [sflag:$0x2] =	stream.indirect.gather [hbm4b:s3+s15], $0x80, s30, s15, $0xb8;
	[tilespmem:$0x1FE80] =	vst v63  }
0x88: {  	_ =	swait.ge [sflag:s31], $0x4000  }
0x89: {  	[sflag:s31] =	ssyncset.done $0x0  }
0x8a: {  	[sflag:s31] =	ssyncadd.s32 $0xFFFFC000  }
0x8b: {  	[tilespmem:s20], [sflag:$0x3] =	stream.indirect.gather [hbm4b:s3+s15], $0x80, s0, s15, $0xb8;
	[tilespmem:$0x1FE80] =	vst v63  }
0x8c: {  	s12 =	sadd.s32 $0xA80, s12  }
0x8d: {  	[tilespmem:s2], [sflag:$0xA] =	stream.linear.gather [hbm4b:s12+s2], $0x300, $0x38;
	[tilespmem:$0x1FE80] =	vst v63  }
0x8e: {  	_ =	swait.ge [sflag:s13], $0x300  }
0x8f: {  	[sflag:s13] =	ssyncset.done $0x0  }
0x90: {  	[sflag:s13] =	ssyncadd.s32 $0xFFFFFD00  }
0x91: {  	_ =	swait.ge [sflag:s22], $0x4000  }
0x92: {  	[sflag:s22] =	ssyncset.done $0x0  }
0x93: {  	[sflag:s22] =	ssyncadd.s32 $0xFFFFC000  }
0x94: {  	[spmem:s1] =	stream.indirect.scatter.add.f32 [tilespmem:s16], [sflag:$0x7], $0x80, s7, s15, $0xb8;
	[tilespmem:$0x1FE80] =	vst v63  }
0x95: {  	_ =	swait.ge [sflag:s23], $0x4000  }
0x96: {  	[sflag:s23] =	ssyncset.done $0x0  }
0x97: {  	[sflag:s23] =	ssyncadd.s32 $0xFFFFC000  }
0x98: {  	[spmem:s1] =	stream.indirect.scatter.add.f32 [tilespmem:s18], [sflag:$0x8], $0x80, s8, s15, $0xb8;
	[tilespmem:$0x1FE80] =	vst v63  }
0x99: {  	_ =	swait.ge [sflag:s25], $0x4000  }
0x9a: {  	s12 =	simm.s32 $0xFFFFF7C0;
	[sflag:s25] =	ssyncset.done $0x0  }
.LBB2_2:
0x9b: {  	[sflag:s25] =	ssyncadd.s32 $0xFFFFC000  }
0x9c: {  	[spmem:s1] =	stream.indirect.scatter.add.f32 [tilespmem:s20], [sflag:$0x9], $0x80, s9, s15, $0xb8;
	[tilespmem:$0x1FE80] =	vst v63  }
0x9d: {  	_ =	swait.ge [sflag:s10], $0x4000  }
0x9e: {  	[sflag:s10] =	ssyncset.done $0x0  }
0x9f: {  	[sflag:s10] =	ssyncadd.s32 $0xFFFFC000  }
0xa0: {  	[tilespmem:s16], [sflag:$0x1] =	stream.indirect.gather [hbm4b:s3+s15], $0x80, s2, s15, $0xb8;
	[tilespmem:$0x1FE80] =	vst v63  }
0xa1: {  	_ =	swait.ge [sflag:s11], $0x4000  }
0xa2: {  	[sflag:s11] =	ssyncset.done $0x0  }
0xa3: {  	[sflag:s11] =	ssyncadd.s32 $0xFFFFC000  }
0xa4: {  	[tilespmem:s18], [sflag:$0x2] =	stream.indirect.gather [hbm4b:s3+s15], $0x80, s17, s15, $0xb8;
	[tilespmem:$0x1FE80] =	vst v63  }
0xa5: {  	_ =	swait.ge [sflag:s6], $0x4000  }
0xa6: {  	s14 =	smov.u32 s12;
	[sflag:s6] =	ssyncset.done $0x0;
	s5 =	rddreg [dreg:$0x4]  }
0xa7: {  	[sflag:s6] =	ssyncadd.s32 $0xFFFFC000;
	s5 =	sadd.s32 s14, s5  }
0xa8: {  	[tilespmem:s20], [sflag:$0x3] =	stream.indirect.gather [hbm4b:s3+s15], $0x80, s19, s15, $0xb8;
	[tilespmem:$0x1FE80] =	vst v63  }
0xa9: {  	s14 =	sadd.s32 $0xA20, s5  }
0xaa: {  	[tilespmem:s21], [sflag:$0xA] =	stream.linear.gather [hbm4b:s14+s2], $0x300, $0x38;
	[tilespmem:$0x1FE80] =	vst v63  }
0xab: {  	_ =	swait.ge [sflag:s13], $0x300  }
0xac: {  	[sflag:s13] =	ssyncset.done $0x0  }
0xad: {  	[sflag:s13] =	ssyncadd.s32 $0xFFFFFD00  }
0xae: {  	_ =	swait.ge [sflag:s22], $0x4000  }
0xaf: {  	[sflag:s22] =	ssyncset.done $0x0  }
0xb0: {  	[sflag:s22] =	ssyncadd.s32 $0xFFFFC000  }
0xb1: {  	[spmem:s1] =	stream.indirect.scatter.add.f32 [tilespmem:s16], [sflag:$0x4], $0x80, s15, s15, $0xb8;
	[tilespmem:$0x1FE80] =	vst v63  }
0xb2: {  	_ =	swait.ge [sflag:s23], $0x4000  }
0xb3: {  	[sflag:s23] =	ssyncset.done $0x0  }
0xb4: {  	[sflag:s23] =	ssyncadd.s32 $0xFFFFC000  }
0xb5: {  	[spmem:s1] =	stream.indirect.scatter.add.f32 [tilespmem:s18], [sflag:$0x5], $0x80, s24, s15, $0xb8;
	[tilespmem:$0x1FE80] =	vst v63  }
0xb6: {  	_ =	swait.ge [sflag:s25], $0x4000  }
0xb7: {  	[sflag:s25] =	ssyncset.done $0x0  }
0xb8: {  	[sflag:s25] =	ssyncadd.s32 $0xFFFFC000  }
0xb9: {  	[spmem:s1] =	stream.indirect.scatter.add.f32 [tilespmem:s20], [sflag:$0x6], $0x80, s26, s15, $0xb8;
	[tilespmem:$0x1FE80] =	vst v63  }
0xba: {  	_ =	swait.ge [sflag:s28], $0x4000  }
0xbb: {  	[sflag:s28] =	ssyncset.done $0x0  }
0xbc: {  	[sflag:s28] =	ssyncadd.s32 $0xFFFFC000  }
0xbd: {  	[tilespmem:s16], [sflag:$0x1] =	stream.indirect.gather [hbm4b:s3+s15], $0x80, s21, s15, $0xb8;
	[tilespmem:$0x1FE80] =	vst v63  }
0xbe: {  	_ =	swait.ge [sflag:s29], $0x4000  }
0xbf: {  	[sflag:s29] =	ssyncset.done $0x0  }
0xc0: {  	[sflag:s29] =	ssyncadd.s32 $0xFFFFC000  }
0xc1: {  	[tilespmem:s18], [sflag:$0x2] =	stream.indirect.gather [hbm4b:s3+s15], $0x80, s30, s15, $0xb8;
	[tilespmem:$0x1FE80] =	vst v63  }
0xc2: {  	_ =	swait.ge [sflag:s31], $0x4000  }
0xc3: {  	[sflag:s31] =	ssyncset.done $0x0  }
0xc4: {  	[sflag:s31] =	ssyncadd.s32 $0xFFFFC000  }
0xc5: {  	[tilespmem:s20], [sflag:$0x3] =	stream.indirect.gather [hbm4b:s3+s15], $0x80, s0, s15, $0xb8;
	[tilespmem:$0x1FE80] =	vst v63  }
0xc6: {  	s5 =	sadd.s32 $0xA80, s5  }
0xc7: {  	[tilespmem:s2], [sflag:$0xA] =	stream.linear.gather [hbm4b:s5+s2], $0x300, $0x38;
	[tilespmem:$0x1FE80] =	vst v63  }
0xc8: {  	_ =	swait.ge [sflag:s13], $0x300  }
0xc9: {  	[sflag:s13] =	ssyncset.done $0x0  }
0xca: {  	[sflag:s13] =	ssyncadd.s32 $0xFFFFFD00  }
0xcb: {  	_ =	swait.ge [sflag:s22], $0x4000  }
0xcc: {  	[sflag:s22] =	ssyncset.done $0x0  }
0xcd: {  	[sflag:s22] =	ssyncadd.s32 $0xFFFFC000  }
0xce: {  	[spmem:s1] =	stream.indirect.scatter.add.f32 [tilespmem:s16], [sflag:$0x7], $0x80, s7, s15, $0xb8;
	[tilespmem:$0x1FE80] =	vst v63  }
0xcf: {  	p2 =	sne.s32 s12, $0xFFFFFF40;
	_ =	swait.ge [sflag:s23], $0x4000  }
.Ltmp0:
0xd0: {  	[sflag:s23] =	ssyncset.done $0x0;
	(pc) =	sbr.rel @p2 .LBB2_2-.Ltmp0, $4  }
0xd1: {  	[sflag:s23] =	ssyncadd.s32 $0xFFFFC000  }
0xd2: {  	[spmem:s1] =	stream.indirect.scatter.add.f32 [tilespmem:s18], [sflag:$0x8], $0x80, s8, s15, $0xb8;
	[tilespmem:$0x1FE80] =	vst v63  }
0xd3: {  	_ =	swait.ge [sflag:s25], $0x4000  }
0xd4: {  	s12 =	sadd.s32 $0xC0, s12;
	[sflag:s25] =	ssyncset.done $0x0  }
0xd5: {  	[sflag:s25] =	ssyncadd.s32 $0xFFFFC000  }
0xd6: {  	[spmem:s1] =	stream.indirect.scatter.add.f32 [tilespmem:s20], [sflag:$0x9], $0x80, s9, s15, $0xb8;
	[tilespmem:$0x1FE80] =	vst v63  }
0xd7: {  	_ =	swait.ge [sflag:s10], $0x4000  }
0xd8: {  	[sflag:s10] =	ssyncset.done $0x0  }
0xd9: {  	[sflag:s10] =	ssyncadd.s32 $0xFFFFC000  }
0xda: {  	_ =	swait.ge [sflag:s11], $0x4000  }
0xdb: {  	[sflag:s11] =	ssyncset.done $0x0  }
0xdc: {  	[sflag:s11] =	ssyncadd.s32 $0xFFFFC000  }
0xdd: {  	_ =	swait.ge [sflag:s6], $0x4000  }
0xde: {  	s5 =	simm.s32 @!p1 $0x80;
	[sflag:s6] =	ssyncset.done $0x0  }
0xdf: {  	s12 =	simm.s32 @!p1 $0x0;
	s14 =	simm.s32 @!p1 $0x600;
	[sflag:s6] =	ssyncadd.s32 $0xFFFFC000  }
0xe0: {  	[tilespmem:s14], [sflag:$0x1] =	stream.indirect.gather @!p1 [hbm4b:s3+s5], $0x80, s12, s5, $0xb8;
	[tilespmem:$0x1FE80] =	vst v63  }
0xe1: {  	s12 =	simm.s32 @!p1 $0x1  }
0xe2: {  	_ =	swait.ge @!p1 [sflag:s12], $0x4000  }
0xe3: {  	[sflag:s12] =	ssyncset.done @!p1 $0x0  }
0xe4: {  	[sflag:s12] =	ssyncadd.s32 @!p1 $0xFFFFC000  }
0xe5: {  	[spmem:s1] =	stream.indirect.scatter.add.f32 @!p1 [tilespmem:s14], [sflag:$0xA], $0x80, s5, s5, $0xb8;
	[tilespmem:$0x1FE80] =	vst v63  }
0xe6: {  	s5 =	simm.s32 @!p1 $0xA  }
0xe7: {  	_ =	swait.ge @!p1 [sflag:s5], $0x4000  }
0xe8: {  	[sflag:s5] =	ssyncset.done @!p1 $0x0  }
0xe9: {  	[sflag:s5] =	ssyncadd.s32 @!p1 $0xFFFFC000  }
0xea: {  	[bflag:$0x0] =	sbarrier.arrive $0xFFFF  }
0xeb: {  	s12 =	rddreg [dreg:$0x6]  }
0xec: {  	s14 =	rddreg [dreg:$0xa]  }
0xed: {  	s4 =	rddreg [dreg:$0xd]  }
0xee: {  	[hbm:s14], [sflag:s12] =	dma.local [spmem:s4], $0x2700  }
0xef: {  	_ =	swait.ge [sflag:s13], $0x2700  }
0xf0: {  	[sflag:s13] =	ssyncset.done $0x0;
	s5 =	rddreg [dreg:$0xb]  }
0xf1: {  	s14 =	simm.s32 @!p0 $0xA;
	s4 =	rddreg [dreg:$0xe];
	[sflag:s13] =	ssyncadd.s32 $0xFFFFD900  }
0xf2: {  	[hbm:s5], [sflag:s12] =	dma.local @!p0 [spmem:s4], $0x100  }
0xf3: {  	_ =	swait.ge @!p0 [sflag:s14], $0x100  }
0xf4: {  	s5 =	smov.u32 s4;
	s4 =	rddreg [dreg:$0xf]  }
0xf5: {  	[sflag:s14] =	ssyncset.done @!p0 $0x0;
	s14 =	rddreg [dreg:$0xc];
	s4 =	sadd.s32 $0x1, s4  }
0xf6: {  	p2 =	sne.s32 s4, s14  }
.Ltmp1:
0xf7: {  	_ = 	snop;
	(pc) =	sbr.rel @p2 .LBB2_1-.Ltmp1, $3  }
0xf8: {  	_ =	sdelay $0x1  }
0xf9: {  	[dreg:$0xf] =	wrdreg s4;
	s4 =	smov.u32 s5;
	s5 =	simm.s32 @!p0 $0xA  }
0xfa: {  	s14 =	rddreg [dreg:$0xd];
	[sflag:s5] =	ssyncadd.s32 @!p0 $0xFFFFFF00  }
0xfb: {  	_ =	sfence.sel $0x180000  }
0xfc: {  	[bflag:$0x0] =	sbarrier.arrive $0xFFFF  }
0xfd: {  	_ =	strace $0x9000004D  }
0xfe: {  	[bflag:$0x2] =	sbarrier.arrive $0xFFFF  }
0xff: {  	s0 =	rddreg [dreg:$0x3]  }
0x100: {  	s0 =	sadd.s32 @!p0 $0x100000, s0  }
0x101: {  	[sflag:s0] =	ssyncadd.tile.s32 @!p0 $0x1;
	_ =	shalt  }
.Lfunc_end2:
_tile_overlayer_lowered:
.L_overlay_start_2:
0x102: {  	(tag) =	ssettag $0x2  }
0x103: {  	s0 =	rddreg [dreg:$0x0];
	s2 =	stileid.u32  }
0x104: {  	s1 =	rddreg [dreg:$0x1];
	p0 =	sne.s32 s2, $0x0  }
0x105: {  	s3 =	rddreg [dreg:$0x2];
	[bflag:$0x3] =	sbarrier.arrive $0xFFFF;
	s2 =	simm.s32 @!p0 $0x1C0A  }
0x106: {  	[timem:s3], [sflag:s2] =	dma.local @!p0 [hbm:s0], s1  }
0x107: {  	s0 =	simm.s32 @!p0 $0xA  }
0x108: {  	_ =	swait.ge @!p0 [sflag:s0], s1  }
0x109: {  	s1 =	ssub.s32 @!p0 $0x0, s1;
	[sflag:s0] =	ssyncset.done @!p0 $0x0  }
0x10a: {  	[sflag:s0] =	ssyncadd.s32 @!p0 s1  }
0x10b: {  	[bflag:$0x3] =	sbarrier.arrive $0xFFFF  }
0x10c: {  	_ =	shalt  }

// kernel: kernel.8.cloned.1.call-start
scs
__scs_entry_jumppad:
0x0: {  	(pc) =	sbr.rel $0x88, $3  }
0x1: {  	(tag) =	ssettag $0x0;
	lr =	simm.s32 $0x1  }
0x2: {  	[smem:$0x3F92] =	sst lr;
	_ =	strace $0xD0000000  }
0x3: {  	_ = 	snop  }
0x4: {  	_ = 	snop  }
0x5: {  	_ = 	snop  }
0x6: {  	_ = 	snop  }
0x7: {  	_ = 	snop  }
__scs_overlays_trampoline_lowered:
0x8: {  	[smem:$0x3FA1] =	sst s0  }
0x9: {  	[smem:$0x3FA2] =	sst s1  }
0xa: {  	[smem:$0x3FA3] =	sst s2  }
0xb: {  	[smem:$0x3FA4] =	sst s3  }
0xc: {  	[smem:$0x3FA5] =	sst s4  }
0xd: {  	[smem:$0x3FA6] =	sst s5  }
0xe: {  	[smem:$0x3FA7] =	sst s6  }
0xf: {  	[smem:$0x3FA8] =	sst s7  }
0x10: {  	[smem:$0x3FA9] =	sst s8  }
0x11: {  	[smem:$0x3FAA] =	sst s9;
	s0 =	simm.s32 @!p0 $0x0  }
0x12: {  	s1 =	sld [smem:$0x3F90];
	s0 =	simm.s32 @p0 $0x1  }
0x13: {  	[smem:$0x3FAB] =	sst s0;
	s0 =	simm.s32 @!p1 $0x0  }
0x14: {  	s2 =	sld [smem:$0x3F8F];
	s0 =	simm.s32 @p1 $0x1  }
0x15: {  	[smem:$0x3FAC] =	sst s0;
	s0 =	simm.s32 @!p2 $0x0  }
0x16: {  	s3 =	sld [smem:$0x3FDB];
	s0 =	simm.s32 @p2 $0x1  }
0x17: {  	s4 =	simm.s32 $0x1BF5;
	[smem:$0x3FAE] =	sst s0  }
0x18: {  	s0 =	sld [smem:$0x3F91];
	_ =	swait.ge [sflag:s4], $0x0  }
0x19: {  	s7 =	sld [smem:$0x3F92]  }
0x1a: {  	s8 =	sadd.s32 $0xFFFFE003, lr  }
0x1b: {  	s9 =	sadd.s32 $0xFFFFFEF7, lr;
	s5 =	simm.s32 $0xFFFFFFFF;
	p2 =	slt.u32 s8, $0xFFFFF086  }
0x1c: {  	p1 =	slt.u32 s9, $0xF7A;
	s5 =	simm.s32 @!p2 $0x0  }
0x1d: {  	s5 =	simm.s32 @p1 $0x1;
	p0 =	seq.s32 s7, s2  }
0x1e: {  	s7 =	smul.u32 @!p0 $0xF7A, s2;
	p2 =	seq.s32 @!p0 s5, $0x0  }
0x1f: {  	s9 =	smul.u32 $0xF7A, s1;
	s8 =	simm.s32 @!p0 $0x1BF5;
	p2 =	por !p2, p0  }
0x20: {  	[sflag:s8] =	ssyncset.s32 @!p0 $0xFFFFF086;
	s6 =	sadd.s32 @!p0 s3, s7;
	s7 =	simm.s32 @!p0 $0x108  }
0x21: {  	s3 =	sadd.s32 s3, s9;
	s6 =	sadd.s32 @!p0 $0x88, s6;
	s7 =	simm.s32 @p2 $0x1082  }
0x22: {  	[simem:s7], [sflag:s8] =	dma.local @!p0 [hbm:s6], $0xF7A  }
0x23: {  	s9 =	sor.u32 $0xD0000000, s2;
	s6 =	simm.s32 $0x108;
	_ =	swait.ge @!p0 [sflag:s8], $0x0  }
0x24: {  	s3 =	sadd.s32 $0x88, s3;
	s6 =	simm.s32 @!p1 $0x1082;
	[sflag:s4] =	ssyncset.s32 $0xFFFFF086  }
0x25: {  	[simem:s6], [sflag:s4] =	dma.local [hbm:s3], $0xF7A  }
0x26: {  	[smem:$0x3F92] =	sst s1;
	(tag) =	ssettag s2;
	_ =	strace s9  }
0x27: {  	s1 =	sld [smem:$0x3FA2]  }
0x28: {  	s2 =	sld [smem:$0x3FA3]  }
0x29: {  	s4 =	sld [smem:$0x3FA5]  }
0x2a: {  	p0 =	seq.s32 s5, $0x0;
	s5 =	sld [smem:$0x3FA6]  }
0x2b: {  	s6 =	sld [smem:$0x3FA7]  }
0x2c: {  	s7 =	sld [smem:$0x3FA8]  }
0x2d: {  	s3 =	simm.s32 $0x108;
	s8 =	sld [smem:$0x3FA9]  }
0x2e: {  	s3 =	simm.s32 @!p0 $0x1082;
	s9 =	sld [smem:$0x3FAA]  }
0x2f: {  	lr =	sadd.s32 s0, s3;
	s0 =	sld [smem:$0x3FA1]  }
0x30: {  	s3 =	sld [smem:$0x3FA4]  }
0x31: {  	[smem:$0x3FAD] =	sst s10  }
0x32: {  	s10 =	sld [smem:$0x3FAB];
	_ =	sdelay $0x3  }
0x33: {  	p0 =	seq.s32 s10, $0x1;
	s10 =	sld [smem:$0x3FAD];
	_ =	sdelay $0x3  }
0x34: {  	[smem:$0x3FAD] =	sst s10  }
0x35: {  	s10 =	sld [smem:$0x3FAC];
	_ =	sdelay $0x3  }
0x36: {  	p1 =	seq.s32 s10, $0x1;
	s10 =	sld [smem:$0x3FAD];
	_ =	sdelay $0x3  }
0x37: {  	[smem:$0x3FAD] =	sst s10  }
0x38: {  	s10 =	sld [smem:$0x3FAE]  }
0x39: {  	_ = 	snop;
	(pc) =	sbr.ind lr, $3  }
0x3a: {  	_ = 	snop  }
0x3b: {  	_ = 	snop  }
0x3c: {  	p2 =	seq.s32 s10, $0x1;
	s10 =	sld [smem:$0x3FAD]  }
0x3d: {  	_ =	shalt  }
0x3e: {  	_ =	shalt  }
0x3f: {  	_ =	shalt  }
0x40: {  	_ =	shalt  }
0x41: {  	_ =	shalt  }
0x42: {  	_ =	shalt  }
0x43: {  	_ =	shalt  }
0x44: {  	_ =	shalt  }
0x45: {  	_ =	shalt  }
0x46: {  	_ =	shalt  }
0x47: {  	_ =	shalt  }
0x48: {  	_ =	shalt  }
0x49: {  	_ =	shalt  }
0x4a: {  	_ =	shalt  }
0x4b: {  	_ =	shalt  }
0x4c: {  	_ =	shalt  }
0x4d: {  	_ =	shalt  }
0x4e: {  	_ =	shalt  }
0x4f: {  	_ =	shalt  }
0x50: {  	_ =	shalt  }
0x51: {  	_ =	shalt  }
0x52: {  	_ =	shalt  }
0x53: {  	_ =	shalt  }
0x54: {  	_ =	shalt  }
0x55: {  	_ =	shalt  }
0x56: {  	_ =	shalt  }
0x57: {  	_ =	shalt  }
0x58: {  	_ =	shalt  }
0x59: {  	_ =	shalt  }
0x5a: {  	_ =	shalt  }
0x5b: {  	_ =	shalt  }
0x5c: {  	_ =	shalt  }
0x5d: {  	_ =	shalt  }
0x5e: {  	_ =	shalt  }
0x5f: {  	_ =	shalt  }
0x60: {  	_ =	shalt  }
0x61: {  	_ =	shalt  }
0x62: {  	_ =	shalt  }
0x63: {  	_ =	shalt  }
0x64: {  	_ =	shalt  }
0x65: {  	_ =	shalt  }
0x66: {  	_ =	shalt  }
0x67: {  	_ =	shalt  }
0x68: {  	_ =	shalt  }
0x69: {  	_ =	shalt  }
0x6a: {  	_ =	shalt  }
0x6b: {  	_ =	shalt  }
0x6c: {  	_ =	shalt  }
0x6d: {  	_ =	shalt  }
0x6e: {  	_ =	shalt  }
0x6f: {  	_ =	shalt  }
0x70: {  	_ =	shalt  }
0x71: {  	_ =	shalt  }
0x72: {  	_ =	shalt  }
0x73: {  	_ =	shalt  }
0x74: {  	_ =	shalt  }
0x75: {  	_ =	shalt  }
0x76: {  	_ =	shalt  }
0x77: {  	_ =	shalt  }
0x78: {  	_ =	shalt  }
0x79: {  	_ =	shalt  }
0x7a: {  	_ =	shalt  }
0x7b: {  	_ =	shalt  }
0x7c: {  	_ =	shalt  }
0x7d: {  	_ =	shalt  }
0x7e: {  	_ =	shalt  }
0x7f: {  	_ =	shalt  }
0x80: {  	_ =	shalt  }
0x81: {  	_ =	shalt  }
0x82: {  	_ =	shalt  }
0x83: {  	_ =	shalt  }
0x84: {  	_ =	shalt  }
0x85: {  	_ =	shalt  }
0x86: {  	_ =	shalt  }
0x87: {  	_ =	shalt  }
.Lfunc_end0:
.L_simem_size_0:
called_computation_lowered:
.L_overlay_start_0:
0x88: {  	s2 =	sld [smem:$0x3FD9]  }
0x89: {  	s3 =	sld [smem:$0x3FFE];
	_ =	sdelay $0x1  }
0x8a: {  	s1 =	srdreg.scid  }
0x8b: {  	s0 =	sand.u32 $0x1, s1  }
0x8c: {  	s17 =	sshll.u32 s0, $0xA;
	s2 =	sadd.s32 s3, s2  }
0x8d: {  	s2 =	sadd.s32 s2, s17  }
0x8e: {  	[smem:$0x3FB9] =	sst s2  }
0x8f: {  	_ = 	snop  }
0x90: {  	s2 =	sld [smem:$0x3FC9]  }
0x91: {  	s18 =	sld [smem:$0x3FD0];
	(tm) =	ssettm $0x1  }
0x92: {  	s4 =	sld [smem:$0x3FFB];
	_ =	sdelay $0x3  }
0x93: {  	_ =	strace s4  }
0x94: {  	s4 =	sld [smem:$0x3FFC];
	_ =	sdelay $0x3  }
0x95: {  	_ =	strace s4  }
0x96: {  	s4 =	sld [smem:$0x3FFD];
	_ =	sdelay $0x3  }
0x97: {  	_ =	strace s4  }
0x98: {  	_ =	strace $0x8FFFFFFF  }
0x99: {  	s19 =	sld [smem:$0x3FDB];
	_ =	sdelay $0x1  }
0x9a: {  	s5 =	simm.s32 $_scs_section_size  }
0x9b: {  	s6 =	simm.s32 $_size__tile_overlayer_lowered;
	s7 =	simm.s32 $_tile_overlayer_lowered  }
0x9c: {  	s22 =	simm.s32 $0x1BFF;
	s21 =	sshll.u32 s7, $0x1;
	s4 =	sadd.s32 s5, s19  }
0x9d: {  	s8 =	simm.s32 $0x0;
	s20 =	sshll.u32 s6, $0x1;
	s6 =	sadd.s32 s21, s4  }
0x9e: {  	[timem:s8], [sflag:s22] =	dma.local [hbm:s6], s20  }
0x9f: {  	_ =	swait.ge [sflag:s22], s20  }
0xa0: {  	s5 =	ssub.s32 $0x0, s20;
	[sflag:s22] =	ssyncset.done $0x0  }
0xa1: {  	[sflag:s22] =	ssyncadd.s32 s5;
	_ =	sdelay $0x1  }
0xa2: {  	s23 =	simm.s32 $0x1B8B  }
0xa3: {  	_ =	swait.ge [sflag:s23], $0x1  }
0xa4: {  	[sflag:s23] =	ssyncset.done $0x0  }
0xa5: {  	s25 =	simm.s32 $0x1B8E;
	s24 =	sld [smem:$0x3FFE];
	[sflag:s23] =	ssyncadd.s32 $0xFFFFFFFF  }
0xa6: {  	s26 =	simm.s32 $execute0_lowered;
	[smem:$0x3FD2] =	sst s25  }
0xa7: {  	s6 =	sshll.u32 s26, $0x1;
	_ =	strace $0x80000046;
	[dreg:$0x1] =	wrdreg $0xFFFFFFFF  }
0xa8: {  	s28 =	simm.s32 $_size_execute0_lowered;
	s4 =	sadd.s32 s4, s6;
	[dreg:$0x0] =	wrdreg $0x0  }
0xa9: {  	s6 =	sshll.u32 s28, $0x1;
	[dreg:$0x2] =	wrdreg s4  }
0xaa: {  	[dreg:$0x3] =	wrdreg s6  }
0xab: {  	[dreg:$0x4] =	wrdreg $0xC0  }
0xac: {  	_ =	task [dreg:s8], $0x5FFFF  }
0xad: {  	[dreg:$0x1] =	wrdreg $0xFFFFFFFF  }
0xae: {  	[dreg:$0x0] =	wrdreg $0x60  }
0xaf: {  	[dreg:$0x2] =	wrdreg s2  }
0xb0: {  	[dreg:$0x3] =	wrdreg s18  }
0xb1: {  	[dreg:$0x4] =	wrdreg s24  }
0xb2: {  	[dreg:$0x5] =	wrdreg $0xC6000  }
0xb3: {  	[dreg:$0x6] =	wrdreg $0x9  }
0xb4: {  	_ =	task.clear_ibuf [dreg:s8], $0x7FFFF;
	_ =	strace $0x90000046  }
0xb5: {  	s29 =	simm.s32 $0x9;
	_ =	strace $0x80000048  }
0xb6: {  	_ =	swait.ge [sflag:s29], $0x1  }
0xb7: {  	[sflag:s29] =	ssyncadd.s32 $0xFFFFFFFF  }
0xb8: {  	_ =	strace $0x90000048  }
0xb9: {  	_ =	sfence  }
0xba: {  	s30 =	sld [smem:$0x0];
	_ =	sdelay $0x2  }
0xbb: {  	s31 =	sshll.u32 s1, $0xD;
	s1 =	sshrl.u32 s1, $0x2  }
0xbc: {  	s3 =	sand.u32 $0x4000, s31;
	s1 =	sadd.s32 s1, s30  }
0xbd: {  	s0 =	sor.u32 s3, s0;
	s1 =	sshll.u32 s1, $0x11  }
0xbe: {  	s0 =	sor.u32 s1, s0  }
0xbf: {  	s0 =	sadd.s32 $0x8F2B, s0  }
0xc0: {  	[sflag:s0] =	ssyncadd.remote.s32 $0x1  }
0xc1: {  	_ =	sfence.sel $0xFFFF  }
0xc2: {  	[dreg:$0x0] =	wrdreg $0xFFFFFFFF;
	(pc) =	sbr.abs _section_cstart, $3  }
0xc3: {  	[dreg:$0x1] =	wrdreg $0xFFFFFFFF  }
0xc4: {  	_ =	task.clear_ibuf [dreg:s8], $0x2FFFF;
	_ =	strace $0x9FFFFFFF  }
0xc5: {  	(tm) =	ssettm $0x7FFFFFFF  }
tec
execute0_lowered:
.L_overlay_start_1:
0x0: {  	(tag) =	ssettag $0x1  }
0x1: {  	s1 =	rddreg [dreg:$0x0]  }
0x2: {  	s0 =	rddreg [dreg:$0x1]  }
0x3: {  	s4 =	rddreg [dreg:$0x2]  }
0x4: {  	s2 =	rddreg [dreg:$0x3]  }
0x5: {  	s5 =	srdreg.scid;
	s3 =	simm.s32 $0x0;
	s6 =	stileid.u32  }
0x6: {  	s28 =	simm.s32 $0x1;
	s29 =	simm.s32 $0x2;
	s30 =	simm.s32 $0x180  }
0x7: {  	s31 =	simm.s32 $0x3;
	s5 =	sand.u32 $0x1, s5;
	[smem:$0x7FF] =	sst s3  }
0x8: {  	s8 =	sadd.s32 $0x4400, s4;
	s23 =	sadd.s32 $0x3C00, s4;
	s11 =	smul.u32 $0x4E000, s6  }
0x9: {  	s9 =	sadd.s32 $0x6C00, s4;
	s4 =	sadd.s32 $0x54E00, s4;
	s14 =	smul.u32 $0x13800, s6  }
0xa: {  	s26 =	sshll.u32 s6, $0x6;
	s15 =	sadd.s32 $0x138000, s2;
	s22 =	smul.u32 $0x4E, s6  }
0xb: {  	_ =	strace $0x80000047;
	[dreg:$0x6] =	wrdreg s8;
	s25 =	smul.u32 $0x138800, s5  }
0xc: {  	p0 =	sne.s32 s6, $0x0;
	[dreg:$0x7] =	wrdreg s23;
	s20 =	smul.u32 $0x9C00, s5  }
0xd: {  	s7 =	sshll.u32 s5, $0x4;
	[dreg:$0xb] =	wrdreg s15;
	s15 =	smul.u32 $0x9C0, s6  }
0xe: {  	s10 =	ssub.s32 $0x2, s5;
	s16 =	sor.u32 $0x1C0A, s26;
	s5 =	smul.u32 $0x4E0, s5  }
0xf: {  	s7 =	sor.u32 s6, s7;
	s12 =	sshrl.u32 s10, $0x1;
	s11 =	sshrl.u32 s11, $0x2  }
0x10: {  	s6 =	smov.u32 s16;
	s16 =	simm.s32 $0x580;
	s24 =	smul.u32 $0x4E, s7  }
0x11: {  	s13 =	smin.u32 s7, $0x4;
	s10 =	ssub.s32 s10, s12;
	s11 =	sadd.s32 s11, s2  }
0x12: {  	s19 =	sadd.s32 s14, s25;
	s21 =	sadd.s32 s20, s0;
	s20 =	simm.s32 $0x80  }
0x13: {  	p1 =	sgt.u32 s7, $0x3;
	s14 =	simm.s32 $0x380;
	[dreg:$0xa] =	wrdreg s6  }
0x14: {  	s7 =	simm.s32 $0x9;
	[dreg:$0x8] =	wrdreg s11;
	s12 =	sshrl.u32 s19, $0x3  }
0x15: {  	s11 =	sshrl.u32 s25, $0x3;
	s5 =	sor.u32 s5, s13;
	s26 =	smax.u32 s10, $0x1  }
0x16: {  	s19 =	simm.s32 $0xA;
	s10 =	simm.s32 $0x8;
	s8 =	sadd.s32 s13, s24  }
0x17: {  	s11 =	sadd.s32 $0x27000, s11;
	s23 =	sadd.s32 s4, s12;
	s24 =	sshll.u32 s13, $0x5  }
0x18: {  	s5 =	sadd.s32 s22, s5;
	[dreg:$0x13] =	wrdreg s26;
	s22 =	simm.s32 $0x100  }
0x19: {  	s8 =	sshll.u32 s8, $0x5;
	[dreg:$0x11] =	wrdreg s23;
	s4 =	sadd.s32 s4, s11  }
0x1a: {  	s26 =	simm.s32 $0x300;
	s8 =	sadd.s32 s0, s8;
	[dreg:$0x12] =	wrdreg s4  }
0x1b: {  	s13 =	simm.s32 $0x500;
	s17 =	sadd.s32 $0x60, s8;
	[dreg:$0x9] =	wrdreg s8  }
0x1c: {  	s5 =	sshll.u32 s5, $0x5;
	s18 =	sadd.s32 $0xC0, s8;
	[dreg:$0xc] =	wrdreg s17  }
0x1d: {  	s23 =	simm.s32 $0x4600;
	s8 =	sadd.s32 $0x9C0, s8;
	[dreg:$0xd] =	wrdreg s18  }
0x1e: {  	s17 =	sadd.s32 s9, s12;
	s9 =	sadd.s32 s9, s11;
	[dreg:$0x10] =	wrdreg s8  }
0x1f: {  	s18 =	sadd.s32 s5, s0;
	s0 =	simm.s32 $0x280;
	s5 =	simm.s32 $0x4  }
0x20: {  	s11 =	simm.s32 $0x400;
	s12 =	simm.s32 $0x6;
	[dreg:$0xe] =	wrdreg s17  }
0x21: {  	s8 =	simm.s32 $0x0;
	[dreg:$0xf] =	wrdreg s9;
	s9 =	sadd.s32 s15, s21  }
0x22: {  	s21 =	simm.s32 $0x600;
	s15 =	simm.s32 $0x480;
	s17 =	simm.s32 $0x7  }
0x23: {  	[dreg:$0x14] =	wrdreg s8;
	s25 =	sadd.s32 s24, s9;
	s24 =	simm.s32 $0x200  }
0x24: {  	s9 =	simm.s32 $0x5;
	[dreg:$0x5] =	wrdreg s25;
	s25 =	simm.s32 $0x8600  }
.LBB2_1:
0x25: {  	s4 =	rddreg [dreg:$0x8]  }
0x26: {  	s8 =	sshrl.u32 s4, $0x3;
	s4 =	rddreg [dreg:$0x6]  }
0x27: {  	[dreg:$0x15] =	wrdreg s8  }
0x28: {  	[spmem:s8], [sflag:s6] =	dma.local [hbm:s4], $0x2700  }
0x29: {  	_ =	swait.ge [sflag:s19], $0x2700  }
0x2a: {  	s8 =	rddreg [dreg:$0xb]  }
0x2b: {  	[sflag:s19] =	ssyncset.done $0x0;
	s8 =	sshrl.u32 @!p0 s8, $0x3  }
0x2c: {  	[sflag:s19] =	ssyncadd.s32 $0xFFFFD900;
	[dreg:$0x16] =	wrdreg s8  }
0x2d: {  	[spmem:s8], [sflag:s6] =	dma.local @!p0 [hbm:s4], $0x100  }
0x2e: {  	s4 =	simm.s32 @!p0 $0xA  }
0x2f: {  	_ =	swait.ge @!p0 [sflag:s4], $0x100  }
0x30: {  	[sflag:s4] =	ssyncset.done @!p0 $0x0  }
0x31: {  	[sflag:s4] =	ssyncadd.s32 @!p0 $0xFFFFFF00  }
0x32: {  	[bflag:$0x0] =	sbarrier.arrive $0xFFFF  }
0x33: {  	s8 =	rddreg [dreg:$0x9]  }
0x34: {  	[tilespmem:s3], [sflag:$0xA] =	stream.linear.gather [hbm4b:s8+s3], $0x300, $0x38;
	[tilespmem:$0x1FE80] =	vst v63  }
0x35: {  	_ =	swait.ge [sflag:s19], $0x300  }
0x36: {  	[sflag:s19] =	ssyncset.done $0x0  }
0x37: {  	[sflag:s19] =	ssyncadd.s32 $0xFFFFFD00  }
0x38: {  	[tilespmem:s21], [sflag:$0x1] =	stream.indirect.gather [hbm4b:s1+s20], $0x80, s3, s20, $0xb8;
	[tilespmem:$0x1FE80] =	vst v63  }
0x39: {  	_ = 	snop  }
0x3a: {  	[tilespmem:s23], [sflag:$0x2] =	stream.indirect.gather [hbm4b:s1+s20], $0x80, s22, s20, $0xb8;
	[tilespmem:$0x1FE80] =	vst v63  }
0x3b: {  	_ = 	snop  }
0x3c: {  	[tilespmem:s25], [sflag:$0x3] =	stream.indirect.gather [hbm4b:s1+s20], $0x80, s24, s20, $0xb8;
	[tilespmem:$0x1FE80] =	vst v63  }
0x3d: {  	s6 =	rddreg [dreg:$0xc]  }
0x3e: {  	[tilespmem:s26], [sflag:$0xA] =	stream.linear.gather [hbm4b:s6+s3], $0x300, $0x38;
	[tilespmem:$0x1FE80] =	vst v63  }
0x3f: {  	_ =	swait.ge [sflag:s19], $0x300  }
0x40: {  	[sflag:s19] =	ssyncset.done $0x0  }
0x41: {  	[sflag:s19] =	ssyncadd.s32 $0xFFFFFD00  }
0x42: {  	_ =	swait.ge [sflag:s28], $0x4000  }
0x43: {  	[sflag:s28] =	ssyncset.done $0x0  }
0x44: {  	[sflag:s28] =	ssyncadd.s32 $0xFFFFC000  }
0x45: {  	[spmem:s2] =	stream.indirect.scatter.add.f32 [tilespmem:s21], [sflag:$0x4], $0x80, s20, s20, $0xb8;
	[tilespmem:$0x1FE80] =	vst v63  }
0x46: {  	_ =	swait.ge [sflag:s29], $0x4000  }
0x47: {  	[sflag:s29] =	ssyncset.done $0x0  }
0x48: {  	[sflag:s29] =	ssyncadd.s32 $0xFFFFC000  }
0x49: {  	[spmem:s2] =	stream.indirect.scatter.add.f32 [tilespmem:s23], [sflag:$0x5], $0x80, s30, s20, $0xb8;
	[tilespmem:$0x1FE80] =	vst v63  }
0x4a: {  	_ =	swait.ge [sflag:s31], $0x4000  }
0x4b: {  	[sflag:s31] =	ssyncset.done $0x0  }
0x4c: {  	[sflag:s31] =	ssyncadd.s32 $0xFFFFC000  }
0x4d: {  	[spmem:s2] =	stream.indirect.scatter.add.f32 [tilespmem:s25], [sflag:$0x6], $0x80, s0, s20, $0xb8;
	[tilespmem:$0x1FE80] =	vst v63  }
0x4e: {  	_ =	swait.ge [sflag:s5], $0x4000  }
0x4f: {  	[sflag:s5] =	ssyncset.done $0x0  }
0x50: {  	[sflag:s5] =	ssyncadd.s32 $0xFFFFC000  }
0x51: {  	[tilespmem:s21], [sflag:$0x1] =	stream.indirect.gather [hbm4b:s1+s20], $0x80, s26, s20, $0xb8;
	[tilespmem:$0x1FE80] =	vst v63  }
0x52: {  	_ =	swait.ge [sflag:s9], $0x4000  }
0x53: {  	[sflag:s9] =	ssyncset.done $0x0  }
0x54: {  	[sflag:s9] =	ssyncadd.s32 $0xFFFFC000  }
0x55: {  	[tilespmem:s23], [sflag:$0x2] =	stream.indirect.gather [hbm4b:s1+s20], $0x80, s11, s20, $0xb8;
	[tilespmem:$0x1FE80] =	vst v63  }
0x56: {  	_ =	swait.ge [sflag:s12], $0x4000  }
0x57: {  	[sflag:s12] =	ssyncset.done $0x0  }
0x58: {  	[sflag:s12] =	ssyncadd.s32 $0xFFFFC000  }
0x59: {  	[tilespmem:s25], [sflag:$0x3] =	stream.indirect.gather [hbm4b:s1+s20], $0x80, s13, s20, $0xb8;
	[tilespmem:$0x1FE80] =	vst v63  }
0x5a: {  	s8 =	rddreg [dreg:$0xd]  }
0x5b: {  	[tilespmem:s3], [sflag:$0xA] =	stream.linear.gather [hbm4b:s8+s3], $0x300, $0x38;
	[tilespmem:$0x1FE80] =	vst v63  }
0x5c: {  	_ =	swait.ge [sflag:s19], $0x300  }
0x5d: {  	[sflag:s19] =	ssyncset.done $0x0  }
0x5e: {  	[sflag:s19] =	ssyncadd.s32 $0xFFFFFD00  }
0x5f: {  	_ =	swait.ge [sflag:s28], $0x4000  }
0x60: {  	[sflag:s28] =	ssyncset.done $0x0  }
0x61: {  	[sflag:s28] =	ssyncadd.s32 $0xFFFFC000  }
0x62: {  	[spmem:s2] =	stream.indirect.scatter.add.f32 [tilespmem:s21], [sflag:$0x7], $0x80, s14, s20, $0xb8;
	[tilespmem:$0x1FE80] =	vst v63  }
0x63: {  	_ =	swait.ge [sflag:s29], $0x4000  }
0x64: {  	[sflag:s29] =	ssyncset.done $0x0  }
0x65: {  	[sflag:s29] =	ssyncadd.s32 $0xFFFFC000  }
0x66: {  	[spmem:s2] =	stream.indirect.scatter.add.f32 [tilespmem:s23], [sflag:$0x8], $0x80, s15, s20, $0xb8;
	[tilespmem:$0x1FE80] =	vst v63  }
0x67: {  	_ =	swait.ge [sflag:s31], $0x4000  }
0x68: {  	[sflag:s31] =	ssyncset.done $0x0  }
0x69: {  	[sflag:s31] =	ssyncadd.s32 $0xFFFFC000  }
0x6a: {  	[spmem:s2] =	stream.indirect.scatter.add.f32 [tilespmem:s25], [sflag:$0x9], $0x80, s16, s20, $0xb8;
	[tilespmem:$0x1FE80] =	vst v63  }
0x6b: {  	_ =	swait.ge [sflag:s17], $0x4000  }
0x6c: {  	[sflag:s17] =	ssyncset.done $0x0  }
0x6d: {  	[sflag:s17] =	ssyncadd.s32 $0xFFFFC000  }
0x6e: {  	[tilespmem:s21], [sflag:$0x1] =	stream.indirect.gather [hbm4b:s1+s20], $0x80, s3, s20, $0xb8;
	[tilespmem:$0x1FE80] =	vst v63  }
0x6f: {  	_ =	swait.ge [sflag:s10], $0x4000  }
0x70: {  	[sflag:s10] =	ssyncset.done $0x0  }
0x71: {  	[sflag:s10] =	ssyncadd.s32 $0xFFFFC000  }
0x72: {  	[tilespmem:s23], [sflag:$0x2] =	stream.indirect.gather [hbm4b:s1+s20], $0x80, s22, s20, $0xb8;
	[tilespmem:$0x1FE80] =	vst v63  }
0x73: {  	_ =	swait.ge [sflag:s7], $0x4000  }
0x74: {  	[sflag:s7] =	ssyncset.done $0x0;
	s6 =	rddreg [dreg:$0x5]  }
0x75: {  	[sflag:s7] =	ssyncadd.s32 $0xFFFFC000;
	s4 =	sadd.s32 $0xFFFFF700, s6  }
0x76: {  	[tilespmem:s25], [sflag:$0x3] =	stream.indirect.gather [hbm4b:s1+s20], $0x80, s24, s20, $0xb8;
	[tilespmem:$0x1FE80] =	vst v63  }
0x77: {  	s8 =	sadd.s32 $0xA20, s4  }
0x78: {  	[tilespmem:s26], [sflag:$0xA] =	stream.linear.gather [hbm4b:s8+s3], $0x300, $0x38;
	[tilespmem:$0x1FE80] =	vst v63  }
0x79: {  	_ =	swait.ge [sflag:s19], $0x300  }
0x7a: {  	[sflag:s19] =	ssyncset.done $0x0  }
0x7b: {  	[sflag:s19] =	ssyncadd.s32 $0xFFFFFD00  }
0x7c: {  	_ =	swait.ge [sflag:s28], $0x4000  }
0x7d: {  	[sflag:s28] =	ssyncset.done $0x0  }
0x7e: {  	[sflag:s28] =	ssyncadd.s32 $0xFFFFC000  }
0x7f: {  	[spmem:s2] =	stream.indirect.scatter.add.f32 [tilespmem:s21], [sflag:$0x4], $0x80, s20, s20, $0xb8;
	[tilespmem:$0x1FE80] =	vst v63  }
0x80: {  	_ =	swait.ge [sflag:s29], $0x4000  }
0x81: {  	[sflag:s29] =	ssyncset.done $0x0  }
0x82: {  	[sflag:s29] =	ssyncadd.s32 $0xFFFFC000  }
0x83: {  	[spmem:s2] =	stream.indirect.scatter.add.f32 [tilespmem:s23], [sflag:$0x5], $0x80, s30, s20, $0xb8;
	[tilespmem:$0x1FE80] =	vst v63  }
0x84: {  	_ =	swait.ge [sflag:s31], $0x4000  }
0x85: {  	[sflag:s31] =	ssyncset.done $0x0  }
0x86: {  	[sflag:s31] =	ssyncadd.s32 $0xFFFFC000  }
0x87: {  	[spmem:s2] =	stream.indirect.scatter.add.f32 [tilespmem:s25], [sflag:$0x6], $0x80, s0, s20, $0xb8;
	[tilespmem:$0x1FE80] =	vst v63  }
0x88: {  	_ =	swait.ge [sflag:s5], $0x4000  }
0x89: {  	[sflag:s5] =	ssyncset.done $0x0  }
0x8a: {  	[sflag:s5] =	ssyncadd.s32 $0xFFFFC000  }
0x8b: {  	[tilespmem:s21], [sflag:$0x1] =	stream.indirect.gather [hbm4b:s1+s20], $0x80, s26, s20, $0xb8;
	[tilespmem:$0x1FE80] =	vst v63  }
0x8c: {  	_ =	swait.ge [sflag:s9], $0x4000  }
0x8d: {  	[sflag:s9] =	ssyncset.done $0x0  }
0x8e: {  	[sflag:s9] =	ssyncadd.s32 $0xFFFFC000  }
0x8f: {  	[tilespmem:s23], [sflag:$0x2] =	stream.indirect.gather [hbm4b:s1+s20], $0x80, s11, s20, $0xb8;
	[tilespmem:$0x1FE80] =	vst v63  }
0x90: {  	_ =	swait.ge [sflag:s12], $0x4000  }
0x91: {  	[sflag:s12] =	ssyncset.done $0x0  }
0x92: {  	[sflag:s12] =	ssyncadd.s32 $0xFFFFC000  }
0x93: {  	[tilespmem:s25], [sflag:$0x3] =	stream.indirect.gather [hbm4b:s1+s20], $0x80, s13, s20, $0xb8;
	[tilespmem:$0x1FE80] =	vst v63  }
0x94: {  	s4 =	sadd.s32 $0xA80, s4  }
0x95: {  	[tilespmem:s3], [sflag:$0xA] =	stream.linear.gather [hbm4b:s4+s3], $0x300, $0x38;
	[tilespmem:$0x1FE80] =	vst v63  }
0x96: {  	_ =	swait.ge [sflag:s19], $0x300  }
0x97: {  	[sflag:s19] =	ssyncset.done $0x0  }
0x98: {  	[sflag:s19] =	ssyncadd.s32 $0xFFFFFD00  }
0x99: {  	_ =	swait.ge [sflag:s28], $0x4000  }
0x9a: {  	[sflag:s28] =	ssyncset.done $0x0  }
0x9b: {  	[sflag:s28] =	ssyncadd.s32 $0xFFFFC000  }
0x9c: {  	[spmem:s2] =	stream.indirect.scatter.add.f32 [tilespmem:s21], [sflag:$0x7], $0x80, s14, s20, $0xb8;
	[tilespmem:$0x1FE80] =	vst v63  }
0x9d: {  	_ =	swait.ge [sflag:s29], $0x4000  }
0x9e: {  	[sflag:s29] =	ssyncset.done $0x0  }
0x9f: {  	[sflag:s29] =	ssyncadd.s32 $0xFFFFC000  }
0xa0: {  	[spmem:s2] =	stream.indirect.scatter.add.f32 [tilespmem:s23], [sflag:$0x8], $0x80, s15, s20, $0xb8;
	[tilespmem:$0x1FE80] =	vst v63  }
0xa1: {  	_ =	swait.ge [sflag:s31], $0x4000  }
0xa2: {  	s4 =	simm.s32 $0xFFFFF7C0;
	[sflag:s31] =	ssyncset.done $0x0  }
.LBB2_2:
0xa3: {  	[sflag:s31] =	ssyncadd.s32 $0xFFFFC000  }
0xa4: {  	[spmem:s2] =	stream.indirect.scatter.add.f32 [tilespmem:s25], [sflag:$0x9], $0x80, s16, s20, $0xb8;
	[tilespmem:$0x1FE80] =	vst v63  }
0xa5: {  	_ =	swait.ge [sflag:s17], $0x4000  }
0xa6: {  	[sflag:s17] =	ssyncset.done $0x0  }
0xa7: {  	[sflag:s17] =	ssyncadd.s32 $0xFFFFC000  }
0xa8: {  	[tilespmem:s21], [sflag:$0x1] =	stream.indirect.gather [hbm4b:s1+s20], $0x80, s3, s20, $0xb8;
	[tilespmem:$0x1FE80] =	vst v63  }
0xa9: {  	_ =	swait.ge [sflag:s10], $0x4000  }
0xaa: {  	[sflag:s10] =	ssyncset.done $0x0  }
0xab: {  	[sflag:s10] =	ssyncadd.s32 $0xFFFFC000  }
0xac: {  	[tilespmem:s23], [sflag:$0x2] =	stream.indirect.gather [hbm4b:s1+s20], $0x80, s22, s20, $0xb8;
	[tilespmem:$0x1FE80] =	vst v63  }
0xad: {  	_ =	swait.ge [sflag:s7], $0x4000  }
0xae: {  	s6 =	smov.u32 s4;
	[sflag:s7] =	ssyncset.done $0x0;
	s8 =	rddreg [dreg:$0x5]  }
0xaf: {  	[sflag:s7] =	ssyncadd.s32 $0xFFFFC000;
	s6 =	sadd.s32 s6, s8  }
0xb0: {  	[tilespmem:s25], [sflag:$0x3] =	stream.indirect.gather [hbm4b:s1+s20], $0x80, s24, s20, $0xb8;
	[tilespmem:$0x1FE80] =	vst v63  }
0xb1: {  	s8 =	sadd.s32 $0xA20, s6  }
0xb2: {  	[tilespmem:s26], [sflag:$0xA] =	stream.linear.gather [hbm4b:s8+s3], $0x300, $0x38;
	[tilespmem:$0x1FE80] =	vst v63  }
0xb3: {  	_ =	swait.ge [sflag:s19], $0x300  }
0xb4: {  	[sflag:s19] =	ssyncset.done $0x0  }
0xb5: {  	[sflag:s19] =	ssyncadd.s32 $0xFFFFFD00  }
0xb6: {  	_ =	swait.ge [sflag:s28], $0x4000  }
0xb7: {  	[sflag:s28] =	ssyncset.done $0x0  }
0xb8: {  	[sflag:s28] =	ssyncadd.s32 $0xFFFFC000  }
0xb9: {  	[spmem:s2] =	stream.indirect.scatter.add.f32 [tilespmem:s21], [sflag:$0x4], $0x80, s20, s20, $0xb8;
	[tilespmem:$0x1FE80] =	vst v63  }
0xba: {  	_ =	swait.ge [sflag:s29], $0x4000  }
0xbb: {  	[sflag:s29] =	ssyncset.done $0x0  }
0xbc: {  	[sflag:s29] =	ssyncadd.s32 $0xFFFFC000  }
0xbd: {  	[spmem:s2] =	stream.indirect.scatter.add.f32 [tilespmem:s23], [sflag:$0x5], $0x80, s30, s20, $0xb8;
	[tilespmem:$0x1FE80] =	vst v63  }
0xbe: {  	_ =	swait.ge [sflag:s31], $0x4000  }
0xbf: {  	[sflag:s31] =	ssyncset.done $0x0  }
0xc0: {  	[sflag:s31] =	ssyncadd.s32 $0xFFFFC000  }
0xc1: {  	[spmem:s2] =	stream.indirect.scatter.add.f32 [tilespmem:s25], [sflag:$0x6], $0x80, s0, s20, $0xb8;
	[tilespmem:$0x1FE80] =	vst v63  }
0xc2: {  	_ =	swait.ge [sflag:s5], $0x4000  }
0xc3: {  	[sflag:s5] =	ssyncset.done $0x0  }
0xc4: {  	[sflag:s5] =	ssyncadd.s32 $0xFFFFC000  }
0xc5: {  	[tilespmem:s21], [sflag:$0x1] =	stream.indirect.gather [hbm4b:s1+s20], $0x80, s26, s20, $0xb8;
	[tilespmem:$0x1FE80] =	vst v63  }
0xc6: {  	_ =	swait.ge [sflag:s9], $0x4000  }
0xc7: {  	[sflag:s9] =	ssyncset.done $0x0  }
0xc8: {  	[sflag:s9] =	ssyncadd.s32 $0xFFFFC000  }
0xc9: {  	[tilespmem:s23], [sflag:$0x2] =	stream.indirect.gather [hbm4b:s1+s20], $0x80, s11, s20, $0xb8;
	[tilespmem:$0x1FE80] =	vst v63  }
0xca: {  	_ =	swait.ge [sflag:s12], $0x4000  }
0xcb: {  	[sflag:s12] =	ssyncset.done $0x0  }
0xcc: {  	[sflag:s12] =	ssyncadd.s32 $0xFFFFC000  }
0xcd: {  	[tilespmem:s25], [sflag:$0x3] =	stream.indirect.gather [hbm4b:s1+s20], $0x80, s13, s20, $0xb8;
	[tilespmem:$0x1FE80] =	vst v63  }
0xce: {  	s6 =	sadd.s32 $0xA80, s6  }
0xcf: {  	[tilespmem:s3], [sflag:$0xA] =	stream.linear.gather [hbm4b:s6+s3], $0x300, $0x38;
	[tilespmem:$0x1FE80] =	vst v63  }
0xd0: {  	_ =	swait.ge [sflag:s19], $0x300  }
0xd1: {  	[sflag:s19] =	ssyncset.done $0x0  }
0xd2: {  	[sflag:s19] =	ssyncadd.s32 $0xFFFFFD00  }
0xd3: {  	_ =	swait.ge [sflag:s28], $0x4000  }
0xd4: {  	[sflag:s28] =	ssyncset.done $0x0  }
0xd5: {  	[sflag:s28] =	ssyncadd.s32 $0xFFFFC000  }
0xd6: {  	[spmem:s2] =	stream.indirect.scatter.add.f32 [tilespmem:s21], [sflag:$0x7], $0x80, s14, s20, $0xb8;
	[tilespmem:$0x1FE80] =	vst v63  }
0xd7: {  	p2 =	sne.s32 s4, $0xFFFFFF40;
	_ =	swait.ge [sflag:s29], $0x4000  }
.Ltmp0:
0xd8: {  	[sflag:s29] =	ssyncset.done $0x0;
	(pc) =	sbr.rel @p2 .LBB2_2-.Ltmp0, $4  }
0xd9: {  	[sflag:s29] =	ssyncadd.s32 $0xFFFFC000  }
0xda: {  	[spmem:s2] =	stream.indirect.scatter.add.f32 [tilespmem:s23], [sflag:$0x8], $0x80, s15, s20, $0xb8;
	[tilespmem:$0x1FE80] =	vst v63  }
0xdb: {  	_ =	swait.ge [sflag:s31], $0x4000  }
0xdc: {  	s4 =	sadd.s32 $0xC0, s4;
	[sflag:s31] =	ssyncset.done $0x0  }
0xdd: {  	[sflag:s31] =	ssyncadd.s32 $0xFFFFC000  }
0xde: {  	[spmem:s2] =	stream.indirect.scatter.add.f32 [tilespmem:s25], [sflag:$0x9], $0x80, s16, s20, $0xb8;
	[tilespmem:$0x1FE80] =	vst v63  }
0xdf: {  	_ =	swait.ge [sflag:s17], $0x4000  }
0xe0: {  	[sflag:s17] =	ssyncset.done $0x0  }
0xe1: {  	[sflag:s17] =	ssyncadd.s32 $0xFFFFC000  }
0xe2: {  	_ =	swait.ge [sflag:s10], $0x4000  }
0xe3: {  	[sflag:s10] =	ssyncset.done $0x0  }
0xe4: {  	[sflag:s10] =	ssyncadd.s32 $0xFFFFC000  }
0xe5: {  	_ =	swait.ge [sflag:s7], $0x4000  }
0xe6: {  	s4 =	simm.s32 @!p1 $0x80;
	[sflag:s7] =	ssyncset.done $0x0  }
0xe7: {  	s6 =	simm.s32 @!p1 $0x0;
	s8 =	simm.s32 @!p1 $0x600;
	[sflag:s7] =	ssyncadd.s32 $0xFFFFC000  }
0xe8: {  	[tilespmem:s8], [sflag:$0x1] =	stream.indirect.gather @!p1 [hbm4b:s1+s4], $0x80, s6, s4, $0xb8;
	[tilespmem:$0x1FE80] =	vst v63  }
0xe9: {  	s6 =	simm.s32 @!p1 $0x1  }
0xea: {  	_ =	swait.ge @!p1 [sflag:s6], $0x4000  }
0xeb: {  	[sflag:s6] =	ssyncset.done @!p1 $0x0  }
0xec: {  	[sflag:s6] =	ssyncadd.s32 @!p1 $0xFFFFC000  }
0xed: {  	[spmem:s2] =	stream.indirect.scatter.add.f32 @!p1 [tilespmem:s8], [sflag:$0xA], $0x80, s4, s4, $0xb8;
	[tilespmem:$0x1FE80] =	vst v63  }
0xee: {  	s4 =	simm.s32 @!p1 $0xA  }
0xef: {  	_ =	swait.ge @!p1 [sflag:s4], $0x4000  }
0xf0: {  	[sflag:s4] =	ssyncset.done @!p1 $0x0  }
0xf1: {  	[sflag:s4] =	ssyncadd.s32 @!p1 $0xFFFFC000  }
0xf2: {  	[bflag:$0x0] =	sbarrier.arrive $0xFFFF  }
0xf3: {  	s8 =	rddreg [dreg:$0xa]  }
0xf4: {  	s4 =	rddreg [dreg:$0xe]  }
0xf5: {  	s6 =	rddreg [dreg:$0x15]  }
0xf6: {  	[hbm:s4], [sflag:s8] =	dma.local [spmem:s6], $0x2700  }
0xf7: {  	_ =	swait.ge [sflag:s19], $0x2700  }
0xf8: {  	[sflag:s19] =	ssyncset.done $0x0;
	s4 =	rddreg [dreg:$0x8]  }
0xf9: {  	s6 =	rddreg [dreg:$0x6];
	[sflag:s19] =	ssyncadd.s32 $0xFFFFD900;
	s4 =	sshrl.u32 @p0 s4, $0x3  }
0xfa: {  	[spmem:s4], [sflag:s8] =	dma.local @p0 [hbm:s6], $0x2700  }
0xfb: {  	s4 =	simm.s32 @p0 $0xA  }
0xfc: {  	_ =	swait.ge @p0 [sflag:s4], $0x2700  }
0xfd: {  	[sflag:s4] =	ssyncset.done @p0 $0x0;
	s6 =	rddreg [dreg:$0x16]  }
0xfe: {  	[sflag:s4] =	ssyncadd.s32 @p0 $0xFFFFD900;
	s4 =	rddreg [dreg:$0xf]  }
0xff: {  	[hbm:s4], [sflag:s8] =	dma.local @!p0 [spmem:s6], $0x100  }
0x100: {  	s4 =	simm.s32 @!p0 $0xA  }
0x101: {  	_ =	swait.ge @!p0 [sflag:s4], $0x100  }
0x102: {  	s6 =	rddreg [dreg:$0x8]  }
0x103: {  	[sflag:s4] =	ssyncset.done @!p0 $0x0;
	s8 =	rddreg [dreg:$0x6]  }
0x104: {  	[sflag:s4] =	ssyncadd.s32 @!p0 $0xFFFFFF00;
	s6 =	sshrl.u32 @!p0 s6, $0x3;
	s4 =	rddreg [dreg:$0xa]  }
0x105: {  	[spmem:s6], [sflag:s4] =	dma.local @!p0 [hbm:s8], $0x2700  }
0x106: {  	s4 =	simm.s32 @!p0 $0xA  }
0x107: {  	_ =	swait.ge @!p0 [sflag:s4], $0x2700  }
0x108: {  	s6 =	rddreg [dreg:$0x6]  }
0x109: {  	[sflag:s4] =	ssyncset.done @!p0 $0x0;
	s8 =	rddreg [dreg:$0x16]  }
0x10a: {  	[sflag:s4] =	ssyncadd.s32 @!p0 $0xFFFFD900;
	s4 =	rddreg [dreg:$0xa]  }
0x10b: {  	[spmem:s8], [sflag:s4] =	dma.local @!p0 [hbm:s6], $0x100  }
0x10c: {  	s4 =	simm.s32 @!p0 $0xA  }
0x10d: {  	_ =	swait.ge @!p0 [sflag:s4], $0x100  }
0x10e: {  	[sflag:s4] =	ssyncset.done @!p0 $0x0  }
0x10f: {  	s6 =	rddreg [dreg:$0x7];
	[sflag:s4] =	ssyncadd.s32 @!p0 $0xFFFFFF00  }
0x110: {  	[tilespmem:s21], [sflag:$0xA] =	stream.linear.gather [hbm4b:s6+s3], $0x4000, $0x38;
	[tilespmem:$0x1FE80] =	vst v63  }
0x111: {  	_ =	swait.ge [sflag:s19], $0x4000  }
0x112: {  	[sflag:s19] =	ssyncset.done $0x0  }
0x113: {  	[sflag:s19] =	ssyncadd.s32 $0xFFFFC000  }
0x114: {  	[bflag:$0x0] =	sbarrier.arrive $0xFFFF  }
0x115: {  	s8 =	rddreg [dreg:$0x9]  }
0x116: {  	[tilespmem:s3], [sflag:$0xA] =	stream.linear.gather [hbm4b:s8+s3], $0x300, $0x38;
	[tilespmem:$0x1FE80] =	vst v63  }
0x117: {  	_ =	swait.ge [sflag:s19], $0x300  }
0x118: {  	[sflag:s19] =	ssyncset.done $0x0  }
0x119: {  	[sflag:s19] =	ssyncadd.s32 $0xFFFFFD00  }
0x11a: {  	[spmem:s2] =	stream.indirect.scatter.add.f32 [tilespmem:s21], [sflag:$0x4], $0x80, s20, s20, $0xb8;
	[tilespmem:$0x1FE80] =	vst v63  }
0x11b: {  	_ = 	snop  }
0x11c: {  	[spmem:s2] =	stream.indirect.scatter.add.f32 [tilespmem:s21], [sflag:$0x5], $0x80, s30, s20, $0xb8;
	[tilespmem:$0x1FE80] =	vst v63  }
0x11d: {  	_ = 	snop  }
0x11e: {  	[spmem:s2] =	stream.indirect.scatter.add.f32 [tilespmem:s21], [sflag:$0x6], $0x80, s0, s20, $0xb8;
	[tilespmem:$0x1FE80] =	vst v63  }
0x11f: {  	s6 =	rddreg [dreg:$0xc]  }
0x120: {  	[tilespmem:s26], [sflag:$0xA] =	stream.linear.gather [hbm4b:s6+s3], $0x300, $0x38;
	[tilespmem:$0x1FE80] =	vst v63  }
0x121: {  	_ =	swait.ge [sflag:s19], $0x300  }
0x122: {  	[sflag:s19] =	ssyncset.done $0x0  }
0x123: {  	[sflag:s19] =	ssyncadd.s32 $0xFFFFFD00  }
0x124: {  	_ =	swait.ge [sflag:s5], $0x4000  }
0x125: {  	[sflag:s5] =	ssyncset.done $0x0  }
0x126: {  	[sflag:s5] =	ssyncadd.s32 $0xFFFFC000  }
0x127: {  	[spmem:s2] =	stream.indirect.scatter.add.f32 [tilespmem:s21], [sflag:$0x4], $0x80, s14, s20, $0xb8;
	[tilespmem:$0x1FE80] =	vst v63  }
0x128: {  	_ =	swait.ge [sflag:s9], $0x4000  }
0x129: {  	[sflag:s9] =	ssyncset.done $0x0  }
0x12a: {  	[sflag:s9] =	ssyncadd.s32 $0xFFFFC000  }
0x12b: {  	[spmem:s2] =	stream.indirect.scatter.add.f32 [tilespmem:s21], [sflag:$0x5], $0x80, s15, s20, $0xb8;
	[tilespmem:$0x1FE80] =	vst v63  }
0x12c: {  	_ =	swait.ge [sflag:s12], $0x4000  }
0x12d: {  	[sflag:s12] =	ssyncset.done $0x0  }
0x12e: {  	s4 =	sadd.s32 $0xFFFFF700, s18;
	[sflag:s12] =	ssyncadd.s32 $0xFFFFC000  }
0x12f: {  	[spmem:s2] =	stream.indirect.scatter.add.f32 [tilespmem:s21], [sflag:$0x6], $0x80, s16, s20, $0xb8;
	[tilespmem:$0x1FE80] =	vst v63  }
0x130: {  	s8 =	sadd.s32 $0x9C0, s4  }
0x131: {  	[tilespmem:s3], [sflag:$0xA] =	stream.linear.gather [hbm4b:s8+s3], $0x300, $0x38;
	[tilespmem:$0x1FE80] =	vst v63  }
0x132: {  	_ =	swait.ge [sflag:s19], $0x300  }
0x133: {  	[sflag:s19] =	ssyncset.done $0x0  }
0x134: {  	[sflag:s19] =	ssyncadd.s32 $0xFFFFFD00  }
0x135: {  	_ =	swait.ge [sflag:s5], $0x4000  }
0x136: {  	[sflag:s5] =	ssyncset.done $0x0  }
0x137: {  	[sflag:s5] =	ssyncadd.s32 $0xFFFFC000  }
0x138: {  	[spmem:s2] =	stream.indirect.scatter.add.f32 [tilespmem:s21], [sflag:$0x4], $0x80, s20, s20, $0xb8;
	[tilespmem:$0x1FE80] =	vst v63  }
0x139: {  	_ =	swait.ge [sflag:s9], $0x4000  }
0x13a: {  	[sflag:s9] =	ssyncset.done $0x0  }
0x13b: {  	[sflag:s9] =	ssyncadd.s32 $0xFFFFC000  }
0x13c: {  	[spmem:s2] =	stream.indirect.scatter.add.f32 [tilespmem:s21], [sflag:$0x5], $0x80, s30, s20, $0xb8;
	[tilespmem:$0x1FE80] =	vst v63  }
0x13d: {  	_ =	swait.ge [sflag:s12], $0x4000  }
0x13e: {  	[sflag:s12] =	ssyncset.done $0x0  }
0x13f: {  	[sflag:s12] =	ssyncadd.s32 $0xFFFFC000  }
0x140: {  	[spmem:s2] =	stream.indirect.scatter.add.f32 [tilespmem:s21], [sflag:$0x6], $0x80, s0, s20, $0xb8;
	[tilespmem:$0x1FE80] =	vst v63  }
0x141: {  	s4 =	sadd.s32 $0xA20, s4  }
0x142: {  	[tilespmem:s26], [sflag:$0xA] =	stream.linear.gather [hbm4b:s4+s3], $0x300, $0x38;
	[tilespmem:$0x1FE80] =	vst v63  }
0x143: {  	_ =	swait.ge [sflag:s19], $0x300  }
0x144: {  	s4 =	simm.s32 $0xFFFFF7C0;
	[sflag:s19] =	ssyncset.done $0x0  }
.LBB2_4:
0x145: {  	p2 =	sne.s32 s4, $0xFFFFFF40  }
0x146: {  	[sflag:s19] =	ssyncadd.s32 $0xFFFFFD00;
	s6 =	smov.u32 s4;
	s4 =	sadd.s32 $0xC0, s4  }
0x147: {  	_ = 	snop  }
0x148: {  	_ =	swait.ge [sflag:s5], $0x4000  }
0x149: {  	[sflag:s5] =	ssyncset.done $0x0  }
0x14a: {  	[sflag:s5] =	ssyncadd.s32 $0xFFFFC000  }
0x14b: {  	[spmem:s2] =	stream.indirect.scatter.add.f32 [tilespmem:s21], [sflag:$0x4], $0x80, s14, s20, $0xb8;
	[tilespmem:$0x1FE80] =	vst v63  }
0x14c: {  	_ =	swait.ge [sflag:s9], $0x4000  }
0x14d: {  	[sflag:s9] =	ssyncset.done $0x0  }
0x14e: {  	[sflag:s9] =	ssyncadd.s32 $0xFFFFC000  }
0x14f: {  	[spmem:s2] =	stream.indirect.scatter.add.f32 [tilespmem:s21], [sflag:$0x5], $0x80, s15, s20, $0xb8;
	[tilespmem:$0x1FE80] =	vst v63  }
0x150: {  	_ =	swait.ge [sflag:s12], $0x4000  }
0x151: {  	[sflag:s12] =	ssyncset.done $0x0  }
0x152: {  	s6 =	sadd.s32 s6, s18;
	[sflag:s12] =	ssyncadd.s32 $0xFFFFC000  }
0x153: {  	[spmem:s2] =	stream.indirect.scatter.add.f32 [tilespmem:s21], [sflag:$0x6], $0x80, s16, s20, $0xb8;
	[tilespmem:$0x1FE80] =	vst v63  }
0x154: {  	s8 =	sadd.s32 $0x9C0, s6  }
0x155: {  	[tilespmem:s3], [sflag:$0xA] =	stream.linear.gather [hbm4b:s8+s3], $0x300, $0x38;
	[tilespmem:$0x1FE80] =	vst v63  }
0x156: {  	_ =	swait.ge [sflag:s19], $0x300  }
0x157: {  	[sflag:s19] =	ssyncset.done $0x0  }
0x158: {  	[sflag:s19] =	ssyncadd.s32 $0xFFFFFD00  }
0x159: {  	_ =	swait.ge [sflag:s5], $0x4000  }
0x15a: {  	[sflag:s5] =	ssyncset.done $0x0  }
0x15b: {  	[sflag:s5] =	ssyncadd.s32 $0xFFFFC000  }
0x15c: {  	[spmem:s2] =	stream.indirect.scatter.add.f32 [tilespmem:s21], [sflag:$0x4], $0x80, s20, s20, $0xb8;
	[tilespmem:$0x1FE80] =	vst v63  }
0x15d: {  	_ =	swait.ge [sflag:s9], $0x4000  }
0x15e: {  	[sflag:s9] =	ssyncset.done $0x0  }
0x15f: {  	[sflag:s9] =	ssyncadd.s32 $0xFFFFC000  }
0x160: {  	[spmem:s2] =	stream.indirect.scatter.add.f32 [tilespmem:s21], [sflag:$0x5], $0x80, s30, s20, $0xb8;
	[tilespmem:$0x1FE80] =	vst v63  }
0x161: {  	_ =	swait.ge [sflag:s12], $0x4000  }
0x162: {  	[sflag:s12] =	ssyncset.done $0x0  }
0x163: {  	[sflag:s12] =	ssyncadd.s32 $0xFFFFC000  }
0x164: {  	[spmem:s2] =	stream.indirect.scatter.add.f32 [tilespmem:s21], [sflag:$0x6], $0x80, s0, s20, $0xb8;
	[tilespmem:$0x1FE80] =	vst v63  }
.Ltmp1:
0x165: {  	_ = 	snop;
	(pc) =	sbr.rel @p2 .LBB2_4-.Ltmp1, $4  }
0x166: {  	s6 =	sadd.s32 $0xA20, s6  }
0x167: {  	[tilespmem:s26], [sflag:$0xA] =	stream.linear.gather [hbm4b:s6+s3], $0x300, $0x38;
	[tilespmem:$0x1FE80] =	vst v63  }
0x168: {  	_ =	swait.ge [sflag:s19], $0x300  }
0x169: {  	[sflag:s19] =	ssyncset.done $0x0  }
0x16a: {  	[sflag:s19] =	ssyncadd.s32 $0xFFFFFD00  }
0x16b: {  	_ =	swait.ge [sflag:s5], $0x4000  }
0x16c: {  	[sflag:s5] =	ssyncset.done $0x0  }
0x16d: {  	[sflag:s5] =	ssyncadd.s32 $0xFFFFC000  }
0x16e: {  	[spmem:s2] =	stream.indirect.scatter.add.f32 [tilespmem:s21], [sflag:$0x4], $0x80, s14, s20, $0xb8;
	[tilespmem:$0x1FE80] =	vst v63  }
0x16f: {  	_ =	swait.ge [sflag:s9], $0x4000  }
0x170: {  	[sflag:s9] =	ssyncset.done $0x0  }
0x171: {  	[sflag:s9] =	ssyncadd.s32 $0xFFFFC000  }
0x172: {  	[spmem:s2] =	stream.indirect.scatter.add.f32 [tilespmem:s21], [sflag:$0x5], $0x80, s15, s20, $0xb8;
	[tilespmem:$0x1FE80] =	vst v63  }
0x173: {  	_ =	swait.ge [sflag:s12], $0x4000  }
0x174: {  	[sflag:s12] =	ssyncset.done $0x0  }
0x175: {  	[sflag:s12] =	ssyncadd.s32 $0xFFFFC000  }
0x176: {  	[spmem:s2] =	stream.indirect.scatter.add.f32 [tilespmem:s21], [sflag:$0x6], $0x80, s16, s20, $0xb8;
	[tilespmem:$0x1FE80] =	vst v63  }
0x177: {  	s4 =	rddreg [dreg:$0x10]  }
0x178: {  	[tilespmem:s3], [sflag:$0xA] =	stream.linear.gather [hbm4b:s4+s3], $0x300, $0x38;
	[tilespmem:$0x1FE80] =	vst v63  }
0x179: {  	_ =	swait.ge [sflag:s19], $0x300  }
0x17a: {  	[sflag:s19] =	ssyncset.done $0x0  }
0x17b: {  	[sflag:s19] =	ssyncadd.s32 $0xFFFFFD00  }
0x17c: {  	_ =	swait.ge [sflag:s5], $0x4000  }
0x17d: {  	[sflag:s5] =	ssyncset.done $0x0  }
0x17e: {  	[sflag:s5] =	ssyncadd.s32 $0xFFFFC000  }
0x17f: {  	_ =	swait.ge [sflag:s9], $0x4000  }
0x180: {  	[sflag:s9] =	ssyncset.done $0x0  }
0x181: {  	[sflag:s9] =	ssyncadd.s32 $0xFFFFC000  }
0x182: {  	_ =	swait.ge [sflag:s12], $0x4000  }
0x183: {  	[sflag:s12] =	ssyncset.done $0x0  }
0x184: {  	s6 =	simm.s32 @!p1 $0x600;
	s4 =	simm.s32 @!p1 $0x80;
	[sflag:s12] =	ssyncadd.s32 $0xFFFFC000  }
0x185: {  	[spmem:s2] =	stream.indirect.scatter.add.f32 @!p1 [tilespmem:s6], [sflag:$0xA], $0x80, s4, s4, $0xb8;
	[tilespmem:$0x1FE80] =	vst v63  }
0x186: {  	s4 =	simm.s32 @!p1 $0xA  }
0x187: {  	_ =	swait.ge @!p1 [sflag:s4], $0x4000  }
0x188: {  	[sflag:s4] =	ssyncset.done @!p1 $0x0  }
0x189: {  	[sflag:s4] =	ssyncadd.s32 @!p1 $0xFFFFC000  }
0x18a: {  	[bflag:$0x0] =	sbarrier.arrive $0xFFFF  }
0x18b: {  	s6 =	rddreg [dreg:$0xa]  }
0x18c: {  	s4 =	rddreg [dreg:$0x11]  }
0x18d: {  	s8 =	rddreg [dreg:$0x15]  }
0x18e: {  	[hbm:s4], [sflag:s6] =	dma.local [spmem:s8], $0x2700  }
0x18f: {  	_ =	swait.ge [sflag:s19], $0x2700  }
0x190: {  	[sflag:s19] =	ssyncset.done $0x0;
	s4 =	rddreg [dreg:$0x12]  }
0x191: {  	s8 =	rddreg [dreg:$0x16];
	[sflag:s19] =	ssyncadd.s32 $0xFFFFD900  }
0x192: {  	[hbm:s4], [sflag:s6] =	dma.local @!p0 [spmem:s8], $0x100  }
0x193: {  	s8 =	simm.s32 @!p0 $0xA  }
0x194: {  	_ =	swait.ge @!p0 [sflag:s8], $0x100  }
0x195: {  	s4 =	rddreg [dreg:$0x14]  }
0x196: {  	[sflag:s8] =	ssyncset.done @!p0 $0x0;
	s8 =	rddreg [dreg:$0x13];
	s4 =	sadd.s32 $0x1, s4  }
0x197: {  	p2 =	sne.s32 s4, s8  }
.Ltmp2:
0x198: {  	_ = 	snop;
	(pc) =	sbr.rel @p2 .LBB2_1-.Ltmp2, $3  }
0x199: {  	_ =	sdelay $0x1  }
0x19a: {  	[dreg:$0x14] =	wrdreg s4;
	s4 =	simm.s32 @!p0 $0xA  }
0x19b: {  	[sflag:s4] =	ssyncadd.s32 @!p0 $0xFFFFFF00  }
0x19c: {  	_ =	sfence.sel $0x180000  }
0x19d: {  	[bflag:$0x0] =	sbarrier.arrive $0xFFFF  }
0x19e: {  	_ =	strace $0x90000047  }
0x19f: {  	[bflag:$0x2] =	sbarrier.arrive $0xFFFF  }
0x1a0: {  	s0 =	rddreg [dreg:$0x4]  }
0x1a1: {  	s0 =	sadd.s32 @!p0 $0x100000, s0  }
0x1a2: {  	[sflag:s0] =	ssyncadd.tile.s32 @!p0 $0x1;
	_ =	shalt  }
.Lfunc_end2:
_tile_overlayer_lowered:
.L_overlay_start_2:
0x1a3: {  	(tag) =	ssettag $0x2  }
0x1a4: {  	s0 =	rddreg [dreg:$0x0];
	s2 =	stileid.u32  }
0x1a5: {  	s1 =	rddreg [dreg:$0x1];
	p0 =	sne.s32 s2, $0x0  }
0x1a6: {  	s3 =	rddreg [dreg:$0x2];
	[bflag:$0x3] =	sbarrier.arrive $0xFFFF;
	s2 =	simm.s32 @!p0 $0x1C0A  }
0x1a7: {  	[timem:s3], [sflag:s2] =	dma.local @!p0 [hbm:s0], s1  }
0x1a8: {  	s0 =	simm.s32 @!p0 $0xA  }
0x1a9: {  	_ =	swait.ge @!p0 [sflag:s0], s1  }
0x1aa: {  	s1 =	ssub.s32 @!p0 $0x0, s1;
	[sflag:s0] =	ssyncset.done @!p0 $0x0  }
0x1ab: {  	[sflag:s0] =	ssyncadd.s32 @!p0 s1  }
0x1ac: {  	[bflag:$0x3] =	sbarrier.arrive $0xFFFF  }
0x1ad: {  	_ =	shalt  }

</sc_bundles>
